<compile_context>
chip_gen: v7x
topology: tpu7x:2x2x1
jax: 0.10.2.dev20260603
libtpu: 0.0.44.dev20260713+nightly
codegen_flags: <defaults>
</compile_context>

<pallas_src>
import dataclasses
import functools

import jax
import jax.numpy as jnp
from jax import lax
from jax.experimental import pallas as pl
from jax.experimental.pallas import tpu as pltpu
from jax.experimental.pallas import tpu_sc as plsc

N_NODES = 10000
N_EDGES = 5000
N_PAIRS = 320000
D = 128

NV_PAD = 10240
NE_PAD = 5120
P_PAD = 327680
NW = 32
CHUNKS = P_PAD // NW // 128
CORE_SPLIT = (150, 10)

def _wid():
    return lax.axis_index("s") * 2 + lax.axis_index("c")


@functools.cache
def _sc_mesh():
    return plsc.VectorSubcoreMesh(core_axis_name="c", subcore_axis_name="s")


@functools.cache
def _k1_degrees():
    @functools.partial(
        pl.kernel,
        out_type=[
            jax.ShapeDtypeStruct((NW, NV_PAD), jnp.float32),
            jax.ShapeDtypeStruct((NW, NE_PAD), jnp.float32),
        ],
        scratch_types=[
            pltpu.VMEM((CHUNKS, 128), jnp.int32),
            pltpu.VMEM((CHUNKS, 128), jnp.int32),
            pltpu.VMEM((NV_PAD,), jnp.float32),
            pltpu.VMEM((NE_PAD,), jnp.float32),
            pltpu.SemaphoreType.DMA,
        ],
        mesh=_sc_mesh(),
        compiler_params=dataclasses.replace(pltpu.CompilerParams(),
                                            needs_layout_passes=False),
    )
    def _k1(nidx_hbm, eidx_hbm, z_hbm, dv_hbm, de_hbm,
            idxn_v, idxe_v, hn_v, he_v, sem):
        wid = _wid()
        pltpu.sync_copy(nidx_hbm.at[pl.ds(wid * CHUNKS, CHUNKS)], idxn_v)
        pltpu.sync_copy(eidx_hbm.at[pl.ds(wid * CHUNKS, CHUNKS)], idxe_v)
        pltpu.sync_copy(z_hbm, hn_v)
        pltpu.sync_copy(z_hbm.at[pl.ds(0, NE_PAD)], he_v)
        ones16 = jnp.ones((16,), jnp.float32)

        @pl.loop(0, CHUNKS)
        def _(j):
            @pl.loop(0, 128, step=16)
            def _(k):
                plsc.addupdate_scatter(hn_v, [idxn_v[j, pl.ds(k, 16)]], ones16)
                plsc.addupdate_scatter(he_v, [idxe_v[j, pl.ds(k, 16)]], ones16)

        pltpu.sync_copy(hn_v, dv_hbm.at[wid])
        pltpu.sync_copy(he_v, de_hbm.at[wid])

    return _k1


@functools.cache
def _make_seg_pass(n_table, n_acc, nbuf):
    stripe = n_acc // 16

    @functools.partial(
        pl.kernel,
        out_type=jax.ShapeDtypeStruct((2, n_acc, D), jnp.float32),
        scratch_types=[
            pltpu.VMEM((nbuf, 128), jnp.int32),
            pltpu.VMEM((nbuf, 128), jnp.int32),
        ] + [pltpu.VMEM((128, D), jnp.float32) for _ in range(nbuf)] + [
            pltpu.VMEM_SHARED((n_acc, D), jnp.float32),
            pltpu.SemaphoreType.DMA((nbuf,)),
            pltpu.SemaphoreType.DMA((nbuf,)),
            pltpu.SemaphoreType.DMA((nbuf,)),
        ],
        mesh=_sc_mesh(),
    )
    def _pass(table_hbm, gidx_hbm, sidx_hbm, z_hbm, out_hbm,
              gi_v, si_v, *rest):
        rows = rest[:nbuf]
        acc, sem_i, sem_g, sem_s = rest[nbuf:nbuf + 4]
        cid = lax.axis_index("c")
        sid = lax.axis_index("s")
        wid = _wid()
        pltpu.sync_copy(z_hbm.at[pl.ds(0, stripe)],
                        acc.at[pl.ds(sid * stripe, stripe)])
        plsc.subcore_barrier()

        def _body(base, n_chunks):
            @pl.loop(0, n_chunks, step=nbuf)
            def _(j):
                hi = []
                for b in range(nbuf):
                    r = base + j + b
                    hi.append(pltpu.async_copy(gidx_hbm.at[r], gi_v.at[b],
                                               sem_i.at[b]))
                    hi.append(pltpu.async_copy(sidx_hbm.at[r], si_v.at[b],
                                               sem_i.at[b]))
                hg = []
                for b in range(nbuf):
                    hi[2 * b].wait()
                    hi[2 * b + 1].wait()
                    hg.append(pltpu.async_copy(table_hbm.at[gi_v.at[b]],
                                               rows[b], sem_g.at[b]))
                hs = []
                for b in range(nbuf):
                    hg[b].wait()
                    hs.append(pltpu.async_copy(rows[b], acc.at[si_v.at[b]],
                                               sem_s.at[b], add=True))
                for b in range(nbuf):
                    hs[b].wait()

        c0, c1 = CORE_SPLIT
        if c0 == c1:
            _body(wid * CHUNKS, CHUNKS)
        else:
            if c0:
                @pl.when(cid == 0)
                def _():
                    _body(sid * c0, c0)
            if c1:
                @pl.when(cid == 1)
                def _():
                    _body(16 * c0 + sid * c1, c1)

        plsc.subcore_barrier()
        pltpu.sync_copy(acc.at[pl.ds(sid * stripe, stripe)],
                        out_hbm.at[cid, pl.ds(sid * stripe, stripe)])

    return _pass


def _rowscale(dv_ref):
    return jnp.sum(dv_ref[...], axis=0)[:, None]


def _k2a_body(x_ref, w_ref, b_ref, o_ref):
    xl = lax.dot_general(x_ref[...], w_ref[...],
                         (((1,), (1,)), ((), ())),
                         preferred_element_type=jnp.float32)
    o_ref[...] = xl + b_ref[...]


def _k2b_body(xl_ref, dv_ref, o_ref):
    dv = _rowscale(dv_ref)
    s = jnp.where(dv > 0, lax.rsqrt(jnp.maximum(dv, 1e-12)), 0.0)
    o_ref[...] = xl_ref[...] * s


def _k4_body(p_ref, de_ref, o_ref):
    de = _rowscale(de_ref)
    s = jnp.where(de > 0, 1.0 / jnp.maximum(de, 1e-12), 0.0)
    o_ref[...] = (p_ref[0] + p_ref[1]) * s


def _k6_body(p_ref, dv_ref, o_ref):
    dv = _rowscale(dv_ref)
    s = jnp.where(dv > 0, lax.rsqrt(jnp.maximum(dv, 1e-12)), 0.0)
    o_ref[...] = jnp.maximum((p_ref[0] + p_ref[1]) * s, 0.0)


def _tc_combine(body, n_rows, blk):
    return pl.pallas_call(
        body,
        grid=(n_rows // blk,),
        in_specs=[
            pl.BlockSpec((2, blk, D), lambda i: (0, i, 0)),
            pl.BlockSpec((NW, blk), lambda i: (0, i)),
        ],
        out_specs=pl.BlockSpec((blk, D), lambda i: (i, 0)),
        out_shape=jax.ShapeDtypeStruct((n_rows, D), jnp.float32),
    )


def kernel(X, W, b, hyperedge_index):
    node_idx = hyperedge_index[0].astype(jnp.int32)
    edge_idx = hyperedge_index[1].astype(jnp.int32)
    pad = P_PAD - N_PAIRS
    nidx = jnp.concatenate(
        [node_idx, jnp.full((pad,), NV_PAD - 1, jnp.int32)]).reshape(-1, 128)
    eidx = jnp.concatenate(
        [edge_idx, jnp.full((pad,), NE_PAD - 1, jnp.int32)]).reshape(-1, 128)

    z1 = jnp.zeros((NV_PAD,), jnp.float32)
    z128 = jnp.zeros((NV_PAD // 16, D), jnp.float32)
    Xp = jnp.zeros((NV_PAD, D), jnp.float32).at[:N_NODES].set(
        X.astype(jnp.float32))

    dvp, dep = _k1_degrees()(nidx, eidx, z1)

    blk = 512
    Xl = pl.pallas_call(
        _k2a_body,
        grid=(NV_PAD // blk,),
        in_specs=[
            pl.BlockSpec((blk, D), lambda i: (i, 0)),
            pl.BlockSpec((D, D), lambda i: (0, 0)),
            pl.BlockSpec((1, D), lambda i: (0, 0)),
        ],
        out_specs=pl.BlockSpec((blk, D), lambda i: (i, 0)),
        out_shape=jax.ShapeDtypeStruct((NV_PAD, D), jnp.float32),
    )(Xp, W.astype(jnp.float32), b.astype(jnp.float32).reshape(1, D))
    Xs = pl.pallas_call(
        _k2b_body,
        grid=(NV_PAD // blk,),
        in_specs=[
            pl.BlockSpec((blk, D), lambda i: (i, 0)),
            pl.BlockSpec((NW, blk), lambda i: (0, i)),
        ],
        out_specs=pl.BlockSpec((blk, D), lambda i: (i, 0)),
        out_shape=jax.ShapeDtypeStruct((NV_PAD, D), jnp.float32),
    )(Xl, dvp)

    e_part = _make_seg_pass(NV_PAD, NE_PAD, 5)(Xs, nidx, eidx, z128)
    e_feat = _tc_combine(_k4_body, NE_PAD, blk)(e_part, dep)
    n_part = _make_seg_pass(NE_PAD, NV_PAD, 2)(e_feat, eidx, nidx, z128)
    out = _tc_combine(_k6_body, NV_PAD, blk)(n_part, dvp)
    return out[:N_NODES]

# --- scband reference (transcript-rebuilt; emitter-appended) ---
"""Pipeline reference for scband-hgnnconv-9216999817273 (READ-ONLY COPY).

The authoritative reference and input builder live on the scoring server;
editing this copy changes nothing except your own understanding.
"""

import jax, jax.numpy as jnp
import numpy as np

N_NODES = 10000
N_HYPEREDGES = 5000
N_PAIRS = 320000
D_IN = 128
D_OUT = 128

def setup_inputs(seed: int = 0) -> dict:
    key = jax.random.key(seed)
    k1, k2, k3, k4, k5 = jax.random.split(key, 5)
    X = jax.random.normal(k1, (N_NODES, D_IN), dtype=jnp.float32)
    node_idx = jax.random.randint(k2, (N_PAIRS,), 0, N_NODES, dtype=jnp.int64)
    edge_idx = jax.random.randint(k3, (N_PAIRS,), 0, N_HYPEREDGES, dtype=jnp.int64)
    hyperedge_index = jnp.stack([node_idx, edge_idx], axis=0)
    # nn.Linear(in_channels, out_channels) params, kaiming-uniform-ish init
    bound = 1.0 / np.sqrt(D_IN)
    W = jax.random.uniform(k4, (D_OUT, D_IN), minval=-bound, maxval=bound, dtype=jnp.float32)
    b = jax.random.uniform(k5, (D_OUT,), minval=-bound, maxval=bound, dtype=jnp.float32)
    return {"X": X, "W": W, "b": b, "hyperedge_index": hyperedge_index}

def reference(X, W, b, hyperedge_index):
    node_idx = hyperedge_index[0]
    edge_idx = hyperedge_index[1]
    # theta: linear layer
    Xl = X @ W.T + b
    # hypergraph degrees from incidence structure (edge weights = 1)
    ones = jnp.ones((node_idx.shape[0],), dtype=jnp.float32)
    dv = jax.ops.segment_sum(ones, node_idx, num_segments=N_NODES)
    de = jax.ops.segment_sum(ones, edge_idx, num_segments=N_HYPEREDGES)
    dv_inv_sqrt = jnp.where(dv > 0, jax.lax.rsqrt(jnp.maximum(dv, 1e-12)), 0.0)
    de_inv = jnp.where(de > 0, 1.0 / jnp.maximum(de, 1e-12), 0.0)
    # smoothing_with_HGNN: D_v^{-1/2} H W D_e^{-1} H^T D_v^{-1/2} X
    Xs = Xl * dv_inv_sqrt[:, None]
    # H^T Xs : aggregate node features into hyperedges (gather + scatter-add)
    e_feat = jax.ops.segment_sum(jnp.take(Xs, node_idx, axis=0), edge_idx, num_segments=N_HYPEREDGES)
    e_feat = e_feat * de_inv[:, None]
    # H e_feat : scatter hyperedge features back to nodes
    out = jnp.zeros((N_NODES, D_OUT), dtype=jnp.float32).at[node_idx].add(jnp.take(e_feat, edge_idx, axis=0))
    out = out * dv_inv_sqrt[:, None]
    # ReLU; dropout is identity in eval mode
    out = jax.nn.relu(out)
    return out

if __name__ == "__main__":
    import jax
    _d = setup_inputs()
    print(jax.jit(kernel)(*tuple(_d.values())))

</pallas_src>

<mosaic_0001>
#map = affine_map<(d0, d1) -> (0, 0)>
#map1 = affine_map<(d0, d1) -> (0)>
module attributes {stable_mosaic.version = 14 : i64} {
  func.func @_k1(%arg0: i32, %arg1: i32, %arg2: memref<2560x128xi32, #tpu.memory_space<hbm>>, %arg3: memref<2560x128xi32, #tpu.memory_space<hbm>>, %arg4: memref<10240xf32, #tpu.memory_space<hbm>>, %arg5: memref<32x10240xf32, #tpu.memory_space<hbm>>, %arg6: memref<32x5120xf32, #tpu.memory_space<hbm>>, %arg7: memref<80x128xi32, #tpu.memory_space<vmem>>, %arg8: memref<80x128xi32, #tpu.memory_space<vmem>>, %arg9: memref<10240xf32, #tpu.memory_space<vmem>>, %arg10: memref<5120xf32, #tpu.memory_space<vmem>>, %arg11: memref<!tpu.dma_semaphore, #tpu.memory_space<semaphore_mem>>) attributes {dimension_semantics = [#tpu.dimension_semantics<core_parallel>, #tpu.dimension_semantics<subcore_parallel>], iteration_bounds = array<i64: 2, 16>, scalar_prefetch = 0 : i64, scratch_operands = 5 : i64, tpu.core_type = #tpu.core_type<sc_vector_subcore>, window_params = [{transform_indices = #map}, {transform_indices = #map}, {transform_indices = #map1}, {transform_indices = #map}, {transform_indices = #map}]} {
    %mul3A = arith.constant 2 : i32
    %mul3A_0 = arith.muli %arg1, %mul3A : i32
    %add3A = arith.addi %mul3A_0, %arg0 : i32
    %mul3A_1 = arith.constant 80 : i32
    %mul3A_2 = arith.muli %add3A, %mul3A_1 : i32
    "tpu.region"() ({
      %run_scoped3A = tpu.sem_alloc : memref<!tpu.dma_semaphore, #tpu.memory_space<semaphore_mem>>
      %dma_start3A = arith.constant 0 : i32
      %dma_start3A_10 = tpu.memref_slice %arg2[%mul3A_2, %dma_start3A] : memref<2560x128xi32, #tpu.memory_space<hbm>> -> memref<80x128xi32, #tpu.memory_space<hbm>>
      %dma_start3A_11 = arith.constant 0 : i32
      %dma_start3A_12 = tpu.memref_slice %arg2[%mul3A_2, %dma_start3A_11] : memref<2560x128xi32, #tpu.memory_space<hbm>> -> memref<80x128xi32, #tpu.memory_space<hbm>>
      tpu.enqueue_dma source(%dma_start3A_12 : memref<80x128xi32, #tpu.memory_space<hbm>>) target(%arg7 : memref<80x128xi32, #tpu.memory_space<vmem>>) target_semaphore(%run_scoped3A : memref<!tpu.dma_semaphore, #tpu.memory_space<semaphore_mem>>)
      %dma_wait3A = arith.constant 0 : i32
      %dma_wait3A_13 = tpu.memref_slice %arg2[%mul3A_2, %dma_wait3A] : memref<2560x128xi32, #tpu.memory_space<hbm>> -> memref<80x128xi32, #tpu.memory_space<hbm>>
      %dma_wait3A_14 = arith.constant 0 : i32
      %dma_wait3A_15 = tpu.memref_slice %arg2[%mul3A_2, %dma_wait3A_14] : memref<2560x128xi32, #tpu.memory_space<hbm>> -> memref<80x128xi32, #tpu.memory_space<hbm>>
      tpu.wait_dma2 semaphore(%run_scoped3A : memref<!tpu.dma_semaphore, #tpu.memory_space<semaphore_mem>>) src(%dma_wait3A_15 : memref<80x128xi32, #tpu.memory_space<hbm>>) dst(%arg7 : memref<80x128xi32, #tpu.memory_space<vmem>>)
      tpu.yield
    }) : () -> ()
    %mul3A_3 = arith.constant 80 : i32
    %mul3A_4 = arith.muli %add3A, %mul3A_3 : i32
    "tpu.region"() ({
      %run_scoped3A = tpu.sem_alloc : memref<!tpu.dma_semaphore, #tpu.memory_space<semaphore_mem>>
      %dma_start3A = arith.constant 0 : i32
      %dma_start3A_10 = tpu.memref_slice %arg3[%mul3A_4, %dma_start3A] : memref<2560x128xi32, #tpu.memory_space<hbm>> -> memref<80x128xi32, #tpu.memory_space<hbm>>
      %dma_start3A_11 = arith.constant 0 : i32
      %dma_start3A_12 = tpu.memref_slice %arg3[%mul3A_4, %dma_start3A_11] : memref<2560x128xi32, #tpu.memory_space<hbm>> -> memref<80x128xi32, #tpu.memory_space<hbm>>
      tpu.enqueue_dma source(%dma_start3A_12 : memref<80x128xi32, #tpu.memory_space<hbm>>) target(%arg8 : memref<80x128xi32, #tpu.memory_space<vmem>>) target_semaphore(%run_scoped3A : memref<!tpu.dma_semaphore, #tpu.memory_space<semaphore_mem>>)
      %dma_wait3A = arith.constant 0 : i32
      %dma_wait3A_13 = tpu.memref_slice %arg3[%mul3A_4, %dma_wait3A] : memref<2560x128xi32, #tpu.memory_space<hbm>> -> memref<80x128xi32, #tpu.memory_space<hbm>>
      %dma_wait3A_14 = arith.constant 0 : i32
      %dma_wait3A_15 = tpu.memref_slice %arg3[%mul3A_4, %dma_wait3A_14] : memref<2560x128xi32, #tpu.memory_space<hbm>> -> memref<80x128xi32, #tpu.memory_space<hbm>>
      tpu.wait_dma2 semaphore(%run_scoped3A : memref<!tpu.dma_semaphore, #tpu.memory_space<semaphore_mem>>) src(%dma_wait3A_15 : memref<80x128xi32, #tpu.memory_space<hbm>>) dst(%arg8 : memref<80x128xi32, #tpu.memory_space<vmem>>)
      tpu.yield
    }) : () -> ()
    "tpu.region"() ({
      %run_scoped3A = tpu.sem_alloc : memref<!tpu.dma_semaphore, #tpu.memory_space<semaphore_mem>>
      tpu.enqueue_dma source(%arg4 : memref<10240xf32, #tpu.memory_space<hbm>>) target(%arg9 : memref<10240xf32, #tpu.memory_space<vmem>>) target_semaphore(%run_scoped3A : memref<!tpu.dma_semaphore, #tpu.memory_space<semaphore_mem>>)
      tpu.wait_dma2 semaphore(%run_scoped3A : memref<!tpu.dma_semaphore, #tpu.memory_space<semaphore_mem>>) src(%arg4 : memref<10240xf32, #tpu.memory_space<hbm>>) dst(%arg9 : memref<10240xf32, #tpu.memory_space<vmem>>)
      tpu.yield
    }) : () -> ()
    "tpu.region"() ({
      %run_scoped3A = tpu.sem_alloc : memref<!tpu.dma_semaphore, #tpu.memory_space<semaphore_mem>>
      %dma_start3A = arith.constant 0 : i32
      %dma_start3A_10 = tpu.memref_slice %arg4[%dma_start3A] : memref<10240xf32, #tpu.memory_space<hbm>> -> memref<5120xf32, #tpu.memory_space<hbm>>
      %dma_start3A_11 = arith.constant 0 : i32
      %dma_start3A_12 = tpu.memref_slice %arg4[%dma_start3A_11] : memref<10240xf32, #tpu.memory_space<hbm>> -> memref<5120xf32, #tpu.memory_space<hbm>>
      tpu.enqueue_dma source(%dma_start3A_12 : memref<5120xf32, #tpu.memory_space<hbm>>) target(%arg10 : memref<5120xf32, #tpu.memory_space<vmem>>) target_semaphore(%run_scoped3A : memref<!tpu.dma_semaphore, #tpu.memory_space<semaphore_mem>>)
      %dma_wait3A = arith.constant 0 : i32
      %dma_wait3A_13 = tpu.memref_slice %arg4[%dma_wait3A] : memref<10240xf32, #tpu.memory_space<hbm>> -> memref<5120xf32, #tpu.memory_space<hbm>>
      %dma_wait3A_14 = arith.constant 0 : i32
      %dma_wait3A_15 = tpu.memref_slice %arg4[%dma_wait3A_14] : memref<10240xf32, #tpu.memory_space<hbm>> -> memref<5120xf32, #tpu.memory_space<hbm>>
      tpu.wait_dma2 semaphore(%run_scoped3A : memref<!tpu.dma_semaphore, #tpu.memory_space<semaphore_mem>>) src(%dma_wait3A_15 : memref<5120xf32, #tpu.memory_space<hbm>>) dst(%arg10 : memref<5120xf32, #tpu.memory_space<vmem>>)
      tpu.yield
    }) : () -> ()
    %broadcast_in_dim3A = arith.constant 1.000000e+00 : f32
    %broadcast_in_dim3A_5 = vector.broadcast %broadcast_in_dim3A : f32 to vector<16xf32>
    %scan3A = arith.constant 0 : i32
    %scan3A_6 = arith.constant 80 : i32
    %scan3A_7 = arith.addi %scan3A, %scan3A_6 : i32
    %scan3A_8 = arith.constant 1 : i32
    scf.for %scan3A_10 = %scan3A to %scan3A_7 step %scan3A_8  : i32 {
      %mul3A_11 = arith.constant 1 : i32
      %mul3A_12 = arith.muli %scan3A_10, %mul3A_11 : i32
      %add3A_13 = arith.constant 0 : i32
      %add3A_14 = arith.addi %add3A_13, %mul3A_12 : i32
      %scan3A_15 = arith.constant 0 : i32
      %scan3A_16 = arith.constant 8 : i32
      %scan3A_17 = arith.addi %scan3A_15, %scan3A_16 : i32
      %scan3A_18 = arith.constant 1 : i32
      scf.for %scan3A_20 = %scan3A_15 to %scan3A_17 step %scan3A_18  : i32 {
        %mul3A_21 = arith.constant 16 : i32
        %mul3A_22 = arith.muli %scan3A_20, %mul3A_21 : i32
        %add3A_23 = arith.constant 0 : i32
        %add3A_24 = arith.addi %add3A_23, %mul3A_22 : i32
        %get3A = arith.index_cast %add3A_14 : i32 to index
        %get3A_25 = arith.index_cast %add3A_24 : i32 to index
        %get3A_26 = tpu.vector_load %arg7[%get3A, %get3A_25] {strides = array<i32>} : memref<80x128xi32, #tpu.memory_space<vmem>>, vector<16xi32>,
        tpu.vector_store_idx %arg9[%get3A_26], %broadcast_in_dim3A_5 {add = true} : memref<10240xf32, #tpu.memory_space<vmem>>[vector<16xi32>], vector<16xf32>,
        %get3A_27 = arith.index_cast %add3A_14 : i32 to index
        %get3A_28 = arith.index_cast %add3A_24 : i32 to index
        %get3A_29 = tpu.vector_load %arg8[%get3A_27, %get3A_28] {strides = array<i32>} : memref<80x128xi32, #tpu.memory_space<vmem>>, vector<16xi32>,
        tpu.vector_store_idx %arg10[%get3A_29], %broadcast_in_dim3A_5 {add = true} : memref<5120xf32, #tpu.memory_space<vmem>>[vector<16xi32>], vector<16xf32>,
      }
      %scan3A_19 = arith.constant 8 : i32
    }
    %scan3A_9 = arith.constant 80 : i32
    "tpu.region"() ({
      %run_scoped3A = tpu.sem_alloc : memref<!tpu.dma_semaphore, #tpu.memory_space<semaphore_mem>>
      %dma_start3A = arith.constant 0 : i32
      %dma_start3A_10 = tpu.memref_slice %arg5[%add3A, %dma_start3A] : memref<32x10240xf32, #tpu.memory_space<hbm>> -> memref<1x10240xf32, #tpu.memory_space<hbm>>
      %dma_start3A_11 = tpu.memref_squeeze %dma_start3A_10 : memref<1x10240xf32, #tpu.memory_space<hbm>> -> memref<10240xf32, #tpu.memory_space<hbm>>
      %dma_start3A_12 = arith.constant 0 : i32
      %dma_start3A_13 = tpu.memref_slice %arg5[%add3A, %dma_start3A_12] : memref<32x10240xf32, #tpu.memory_space<hbm>> -> memref<1x10240xf32, #tpu.memory_space<hbm>>
      %dma_start3A_14 = tpu.memref_squeeze %dma_start3A_13 : memref<1x10240xf32, #tpu.memory_space<hbm>> -> memref<10240xf32, #tpu.memory_space<hbm>>
      tpu.enqueue_dma source(%arg9 : memref<10240xf32, #tpu.memory_space<vmem>>) target(%dma_start3A_14 : memref<10240xf32, #tpu.memory_space<hbm>>) target_semaphore(%run_scoped3A : memref<!tpu.dma_semaphore, #tpu.memory_space<semaphore_mem>>)
      %dma_wait3A = arith.constant 0 : i32
      %dma_wait3A_15 = tpu.memref_slice %arg5[%add3A, %dma_wait3A] : memref<32x10240xf32, #tpu.memory_space<hbm>> -> memref<1x10240xf32, #tpu.memory_space<hbm>>
      %dma_wait3A_16 = tpu.memref_squeeze %dma_wait3A_15 : memref<1x10240xf32, #tpu.memory_space<hbm>> -> memref<10240xf32, #tpu.memory_space<hbm>>
      %dma_wait3A_17 = arith.constant 0 : i32
      %dma_wait3A_18 = tpu.memref_slice %arg5[%add3A, %dma_wait3A_17] : memref<32x10240xf32, #tpu.memory_space<hbm>> -> memref<1x10240xf32, #tpu.memory_space<hbm>>
      %dma_wait3A_19 = tpu.memref_squeeze %dma_wait3A_18 : memref<1x10240xf32, #tpu.memory_space<hbm>> -> memref<10240xf32, #tpu.memory_space<hbm>>
      tpu.wait_dma2 semaphore(%run_scoped3A : memref<!tpu.dma_semaphore, #tpu.memory_space<semaphore_mem>>) src(%arg9 : memref<10240xf32, #tpu.memory_space<vmem>>) dst(%dma_wait3A_19 : memref<10240xf32, #tpu.memory_space<hbm>>)
      tpu.yield
    }) : () -> ()
    "tpu.region"() ({
      %run_scoped3A = tpu.sem_alloc : memref<!tpu.dma_semaphore, #tpu.memory_space<semaphore_mem>>
      %dma_start3A = arith.constant 0 : i32
      %dma_start3A_10 = tpu.memref_slice %arg6[%add3A, %dma_start3A] : memref<32x5120xf32, #tpu.memory_space<hbm>> -> memref<1x5120xf32, #tpu.memory_space<hbm>>
      %dma_start3A_11 = tpu.memref_squeeze %dma_start3A_10 : memref<1x5120xf32, #tpu.memory_space<hbm>> -> memref<5120xf32, #tpu.memory_space<hbm>>
      %dma_start3A_12 = arith.constant 0 : i32
      %dma_start3A_13 = tpu.memref_slice %arg6[%add3A, %dma_start3A_12] : memref<32x5120xf32, #tpu.memory_space<hbm>> -> memref<1x5120xf32, #tpu.memory_space<hbm>>
      %dma_start3A_14 = tpu.memref_squeeze %dma_start3A_13 : memref<1x5120xf32, #tpu.memory_space<hbm>> -> memref<5120xf32, #tpu.memory_space<hbm>>
      tpu.enqueue_dma source(%arg10 : memref<5120xf32, #tpu.memory_space<vmem>>) target(%dma_start3A_14 : memref<5120xf32, #tpu.memory_space<hbm>>) target_semaphore(%run_scoped3A : memref<!tpu.dma_semaphore, #tpu.memory_space<semaphore_mem>>)
      %dma_wait3A = arith.constant 0 : i32
      %dma_wait3A_15 = tpu.memref_slice %arg6[%add3A, %dma_wait3A] : memref<32x5120xf32, #tpu.memory_space<hbm>> -> memref<1x5120xf32, #tpu.memory_space<hbm>>
      %dma_wait3A_16 = tpu.memref_squeeze %dma_wait3A_15 : memref<1x5120xf32, #tpu.memory_space<hbm>> -> memref<5120xf32, #tpu.memory_space<hbm>>
      %dma_wait3A_17 = arith.constant 0 : i32
      %dma_wait3A_18 = tpu.memref_slice %arg6[%add3A, %dma_wait3A_17] : memref<32x5120xf32, #tpu.memory_space<hbm>> -> memref<1x5120xf32, #tpu.memory_space<hbm>>
      %dma_wait3A_19 = tpu.memref_squeeze %dma_wait3A_18 : memref<1x5120xf32, #tpu.memory_space<hbm>> -> memref<5120xf32, #tpu.memory_space<hbm>>
      tpu.wait_dma2 semaphore(%run_scoped3A : memref<!tpu.dma_semaphore, #tpu.memory_space<semaphore_mem>>) src(%arg10 : memref<5120xf32, #tpu.memory_space<vmem>>) dst(%dma_wait3A_19 : memref<5120xf32, #tpu.memory_space<hbm>>)
      tpu.yield
    }) : () -> ()
    return
  }
}

#map = affine_map<(d0, d1) -> (0, 0)>
#map1 = affine_map<(d0, d1) -> (0, 0, 0)>
module attributes {stable_mosaic.version = 14 : i64} {
  func.func @_pass(%arg0: i32, %arg1: i32, %arg2: memref<10240x128xf32, #tpu.memory_space<hbm>>, %arg3: memref<2560x128xi32, #tpu.memory_space<hbm>>, %arg4: memref<2560x128xi32, #tpu.memory_space<hbm>>, %arg5: memref<640x128xf32, #tpu.memory_space<hbm>>, %arg6: memref<2x5120x128xf32, #tpu.memory_space<hbm>>, %arg7: memref<5x128xi32, #tpu.memory_space<vmem>>, %arg8: memref<5x128xi32, #tpu.memory_space<vmem>>, %arg9: memref<128x128xf32, #tpu.memory_space<vmem>>, %arg10: memref<128x128xf32, #tpu.memory_space<vmem>>, %arg11: memref<128x128xf32, #tpu.memory_space<vmem>>, %arg12: memref<128x128xf32, #tpu.memory_space<vmem>>, %arg13: memref<128x128xf32, #tpu.memory_space<vmem>>, %arg14: memref<5120x128xf32, #tpu.memory_space<vmem_shared>>, %arg15: memref<5x!tpu.dma_semaphore, #tpu.memory_space<semaphore_mem>>, %arg16: memref<5x!tpu.dma_semaphore, #tpu.memory_space<semaphore_mem>>, %arg17: memref<5x!tpu.dma_semaphore, #tpu.memory_space<semaphore_mem>>) attributes {dimension_semantics = [#tpu.dimension_semantics<core_parallel>, #tpu.dimension_semantics<subcore_parallel>], iteration_bounds = array<i64: 2, 16>, scalar_prefetch = 0 : i64, scratch_operands = 11 : i64, tpu.core_type = #tpu.core_type<sc_vector_subcore>, window_params = [{transform_indices = #map}, {transform_indices = #map}, {transform_indices = #map}, {transform_indices = #map}, {transform_indices = #map1}]} {
    %mul3A = arith.constant 2 : i32
    %mul3A_0 = arith.muli %arg1, %mul3A : i32
    %add3A = arith.addi %mul3A_0, %arg0 : i32
    %mul3A_1 = arith.constant 320 : i32
    %mul3A_2 = arith.muli %arg1, %mul3A_1 : i32
    "tpu.region"() ({
      %run_scoped3A = tpu.sem_alloc : memref<!tpu.dma_semaphore, #tpu.memory_space<semaphore_mem>>
      %dma_start3A = arith.constant 0 : i32
      %dma_start3A_15 = tpu.memref_slice %arg14[%mul3A_2, %dma_start3A] : memref<5120x128xf32, #tpu.memory_space<vmem_shared>> -> memref<320x128xf32, #tpu.memory_space<vmem_shared>>
      %dma_start3A_16 = arith.constant 0 : i32
      %dma_start3A_17 = arith.constant 0 : i32
      %dma_start3A_18 = tpu.memref_slice %arg5[%dma_start3A_16, %dma_start3A_17] : memref<640x128xf32, #tpu.memory_space<hbm>> -> memref<320x128xf32, #tpu.memory_space<hbm>>
      tpu.enqueue_dma source(%dma_start3A_18 : memref<320x128xf32, #tpu.memory_space<hbm>>) target(%dma_start3A_15 : memref<320x128xf32, #tpu.memory_space<vmem_shared>>) target_semaphore(%run_scoped3A : memref<!tpu.dma_semaphore, #tpu.memory_space<semaphore_mem>>)
      %dma_wait3A = arith.constant 0 : i32
      %dma_wait3A_19 = tpu.memref_slice %arg14[%mul3A_2, %dma_wait3A] : memref<5120x128xf32, #tpu.memory_space<vmem_shared>> -> memref<320x128xf32, #tpu.memory_space<vmem_shared>>
      %dma_wait3A_20 = arith.constant 0 : i32
      %dma_wait3A_21 = arith.constant 0 : i32
      %dma_wait3A_22 = tpu.memref_slice %arg5[%dma_wait3A_20, %dma_wait3A_21] : memref<640x128xf32, #tpu.memory_space<hbm>> -> memref<320x128xf32, #tpu.memory_space<hbm>>
      tpu.wait_dma2 semaphore(%run_scoped3A : memref<!tpu.dma_semaphore, #tpu.memory_space<semaphore_mem>>) src(%dma_wait3A_22 : memref<320x128xf32, #tpu.memory_space<hbm>>) dst(%dma_wait3A_19 : memref<320x128xf32, #tpu.memory_space<vmem_shared>>)
      tpu.yield
    }) : () -> ()
    %barrier3A = arith.constant 0 : index
    tpu.barrier barrier_id(%barrier3A)
    %eq3A = arith.constant 0 : i32
    %eq3A_3 = arith.cmpi eq, %arg0, %eq3A : i32
    %convert_element_type3A = arith.extui %eq3A_3 : i1 to i32
    %cond3A = arith.constant 0 : i32
    %cond3A_4 = arith.cmpi ne, %convert_element_type3A, %cond3A : i32
    scf.if %cond3A_4 {
      %mul3A_15 = arith.constant 150 : i32
      %mul3A_16 = arith.muli %arg1, %mul3A_15 : i32
      %scan3A = arith.constant 0 : i32
      %scan3A_17 = arith.constant 30 : i32
      %scan3A_18 = arith.addi %scan3A, %scan3A_17 : i32
      %scan3A_19 = arith.constant 1 : i32
      scf.for %scan3A_21 = %scan3A to %scan3A_18 step %scan3A_19  : i32 {
        %mul3A_22 = arith.constant 5 : i32
        %mul3A_23 = arith.muli %scan3A_21, %mul3A_22 : i32
        %add3A_24 = arith.constant 0 : i32
        %add3A_25 = arith.addi %add3A_24, %mul3A_23 : i32
        %add3A_26 = arith.addi %mul3A_16, %add3A_25 : i32
        %add3A_27 = arith.constant 0 : i32
        %add3A_28 = arith.addi %add3A_26, %add3A_27 : i32
        %dma_start3A = arith.constant 0 : i32
        %dma_start3A_29 = arith.constant 0 : i32
        %dma_start3A_30 = arith.constant 0 : i32
        %dma_start3A_31 = tpu.memref_slice %arg7[%dma_start3A, %dma_start3A_30] : memref<5x128xi32, #tpu.memory_space<vmem>> -> memref<1x128xi32, #tpu.memory_space<vmem>>
        %dma_start3A_32 = tpu.memref_squeeze %dma_start3A_31 : memref<1x128xi32, #tpu.memory_space<vmem>> -> memref<128xi32, #tpu.memory_space<vmem>>
        %dma_start3A_33 = arith.constant 0 : i32
        %dma_start3A_34 = tpu.memref_slice %arg3[%add3A_28, %dma_start3A_33] : memref<2560x128xi32, #tpu.memory_space<hbm>> -> memref<1x128xi32, #tpu.memory_space<hbm>>
        %dma_start3A_35 = tpu.memref_squeeze %dma_start3A_34 : memref<1x128xi32, #tpu.memory_space<hbm>> -> memref<128xi32, #tpu.memory_space<hbm>>
        %dma_start3A_36 = tpu.memref_slice %arg15[%dma_start3A_29] : memref<5x!tpu.dma_semaphore, #tpu.memory_space<semaphore_mem>> -> memref<1x!tpu.dma_semaphore, #tpu.memory_space<semaphore_mem>>
        %dma_start3A_37 = tpu.memref_squeeze %dma_start3A_36 : memref<1x!tpu.dma_semaphore, #tpu.memory_space<semaphore_mem>> -> memref<!tpu.dma_semaphore, #tpu.memory_space<semaphore_mem>>
        %dma_start3A_38 = arith.constant 0 : i32
        %dma_start3A_39 = tpu.memref_slice %arg7[%dma_start3A, %dma_start3A_38] : memref<5x128xi32, #tpu.memory_space<vmem>> -> memref<1x128xi32, #tpu.memory_space<vmem>>
        %dma_start3A_40 = tpu.memref_squeeze %dma_start3A_39 : memref<1x128xi32, #tpu.memory_space<vmem>> -> memref<128xi32, #tpu.memory_space<vmem>>
        %dma_start3A_41 = arith.constant 0 : i32
        %dma_start3A_42 = tpu.memref_slice %arg3[%add3A_28, %dma_start3A_41] : memref<2560x128xi32, #tpu.memory_space<hbm>> -> memref<1x128xi32, #tpu.memory_space<hbm>>
        %dma_start3A_43 = tpu.memref_squeeze %dma_start3A_42 : memref<1x128xi32, #tpu.memory_space<hbm>> -> memref<128xi32, #tpu.memory_space<hbm>>
        tpu.enqueue_dma source(%dma_start3A_43 : memref<128xi32, #tpu.memory_space<hbm>>) target(%dma_start3A_40 : memref<128xi32, #tpu.memory_space<vmem>>) target_semaphore(%dma_start3A_37 : memref<!tpu.dma_semaphore, #tpu.memory_space<semaphore_mem>>)
        %dma_start3A_44 = arith.constant 0 : i32
        %dma_start3A_45 = arith.constant 0 : i32
        %dma_start3A_46 = arith.constant 0 : i32
        %dma_start3A_47 = tpu.memref_slice %arg8[%dma_start3A_44, %dma_start3A_46] : memref<5x128xi32, #tpu.memory_space<vmem>> -> memref<1x128xi32, #tpu.memory_space<vmem>>
        %dma_start3A_48 = tpu.memref_squeeze %dma_start3A_47 : memref<1x128xi32, #tpu.memory_space<vmem>> -> memref<128xi32, #tpu.memory_space<vmem>>
        %dma_start3A_49 = arith.constant 0 : i32
        %dma_start3A_50 = tpu.memref_slice %arg4[%add3A_28, %dma_start3A_49] : memref<2560x128xi32, #tpu.memory_space<hbm>> -> memref<1x128xi32, #tpu.memory_space<hbm>>
        %dma_start3A_51 = tpu.memref_squeeze %dma_start3A_50 : memref<1x128xi32, #tpu.memory_space<hbm>> -> memref<128xi32, #tpu.memory_space<hbm>>
        %dma_start3A_52 = tpu.memref_slice %arg15[%dma_start3A_45] : memref<5x!tpu.dma_semaphore, #tpu.memory_space<semaphore_mem>> -> memref<1x!tpu.dma_semaphore, #tpu.memory_space<semaphore_mem>>
        %dma_start3A_53 = tpu.memref_squeeze %dma_start3A_52 : memref<1x!tpu.dma_semaphore, #tpu.memory_space<semaphore_mem>> -> memref<!tpu.dma_semaphore, #tpu.memory_space<semaphore_mem>>
        %dma_start3A_54 = arith.constant 0 : i32
        %dma_start3A_55 = tpu.memref_slice %arg8[%dma_start3A_44, %dma_start3A_54] : memref<5x128xi32, #tpu.memory_space<vmem>> -> memref<1x128xi32, #tpu.memory_space<vmem>>
        %dma_start3A_56 = tpu.memref_squeeze %dma_start3A_55 : memref<1x128xi32, #tpu.memory_space<vmem>> -> memref<128xi32, #tpu.memory_space<vmem>>
        %dma_start3A_57 = arith.constant 0 : i32
        %dma_start3A_58 = tpu.memref_slice %arg4[%add3A_28, %dma_start3A_57] : memref<2560x128xi32, #tpu.memory_space<hbm>> -> memref<1x128xi32, #tpu.memory_space<hbm>>
        %dma_start3A_59 = tpu.memref_squeeze %dma_start3A_58 : memref<1x128xi32, #tpu.memory_space<hbm>> -> memref<128xi32, #tpu.memory_space<hbm>>
        tpu.enqueue_dma source(%dma_start3A_59 : memref<128xi32, #tpu.memory_space<hbm>>) target(%dma_start3A_56 : memref<128xi32, #tpu.memory_space<vmem>>) target_semaphore(%dma_start3A_53 : memref<!tpu.dma_semaphore, #tpu.memory_space<semaphore_mem>>)
        %add3A_60 = arith.addi %mul3A_16, %add3A_25 : i32
        %add3A_61 = arith.constant 1 : i32
        %add3A_62 = arith.addi %add3A_60, %add3A_61 : i32
        %dma_start3A_63 = arith.constant 1 : i32
        %dma_start3A_64 = arith.constant 1 : i32
        %dma_start3A_65 = arith.constant 0 : i32
        %dma_start3A_66 = tpu.memref_slice %arg7[%dma_start3A_63, %dma_start3A_65] : memref<5x128xi32, #tpu.memory_space<vmem>> -> memref<1x128xi32, #tpu.memory_space<vmem>>
        %dma_start3A_67 = tpu.memref_squeeze %dma_start3A_66 : memref<1x128xi32, #tpu.memory_space<vmem>> -> memref<128xi32, #tpu.memory_space<vmem>>
        %dma_start3A_68 = arith.constant 0 : i32
        %dma_start3A_69 = tpu.memref_slice %arg3[%add3A_62, %dma_start3A_68] : memref<2560x128xi32, #tpu.memory_space<hbm>> -> memref<1x128xi32, #tpu.memory_space<hbm>>
        %dma_start3A_70 = tpu.memref_squeeze %dma_start3A_69 : memref<1x128xi32, #tpu.memory_space<hbm>> -> memref<128xi32, #tpu.memory_space<hbm>>
        %dma_start3A_71 = tpu.memref_slice %arg15[%dma_start3A_64] : memref<5x!tpu.dma_semaphore, #tpu.memory_space<semaphore_mem>> -> memref<1x!tpu.dma_semaphore, #tpu.memory_space<semaphore_mem>>
        %dma_start3A_72 = tpu.memref_squeeze %dma_start3A_71 : memref<1x!tpu.dma_semaphore, #tpu.memory_space<semaphore_mem>> -> memref<!tpu.dma_semaphore, #tpu.memory_space<semaphore_mem>>
        %dma_start3A_73 = arith.constant 0 : i32
        %dma_start3A_74 = tpu.memref_slice %arg7[%dma_start3A_63, %dma_start3A_73] : memref<5x128xi32, #tpu.memory_space<vmem>> -> memref<1x128xi32, #tpu.memory_space<vmem>>
        %dma_start3A_75 = tpu.memref_squeeze %dma_start3A_74 : memref<1x128xi32, #tpu.memory_space<vmem>> -> memref<128xi32, #tpu.memory_space<vmem>>
        %dma_start3A_76 = arith.constant 0 : i32
        %dma_start3A_77 = tpu.memref_slice %arg3[%add3A_62, %dma_start3A_76] : memref<2560x128xi32, #tpu.memory_space<hbm>> -> memref<1x128xi32, #tpu.memory_space<hbm>>
        %dma_start3A_78 = tpu.memref_squeeze %dma_start3A_77 : memref<1x128xi32, #tpu.memory_space<hbm>> -> memref<128xi32, #tpu.memory_space<hbm>>
        tpu.enqueue_dma source(%dma_start3A_78 : memref<128xi32, #tpu.memory_space<hbm>>) target(%dma_start3A_75 : memref<128xi32, #tpu.memory_space<vmem>>) target_semaphore(%dma_start3A_72 : memref<!tpu.dma_semaphore, #tpu.memory_space<semaphore_mem>>)
        %dma_start3A_79 = arith.constant 1 : i32
        %dma_start3A_80 = arith.constant 1 : i32
        %dma_start3A_81 = arith.constant 0 : i32
        %dma_start3A_82 = tpu.memref_slice %arg8[%dma_start3A_79, %dma_start3A_81] : memref<5x128xi32, #tpu.memory_space<vmem>> -> memref<1x128xi32, #tpu.memory_space<vmem>>
        %dma_start3A_83 = tpu.memref_squeeze %dma_start3A_82 : memref<1x128xi32, #tpu.memory_space<vmem>> -> memref<128xi32, #tpu.memory_space<vmem>>
        %dma_start3A_84 = arith.constant 0 : i32
        %dma_start3A_85 = tpu.memref_slice %arg4[%add3A_62, %dma_start3A_84] : memref<2560x128xi32, #tpu.memory_space<hbm>> -> memref<1x128xi32, #tpu.memory_space<hbm>>
        %dma_start3A_86 = tpu.memref_squeeze %dma_start3A_85 : memref<1x128xi32, #tpu.memory_space<hbm>> -> memref<128xi32, #tpu.memory_space<hbm>>
        %dma_start3A_87 = tpu.memref_slice %arg15[%dma_start3A_80] : memref<5x!tpu.dma_semaphore, #tpu.memory_space<semaphore_mem>> -> memref<1x!tpu.dma_semaphore, #tpu.memory_space<semaphore_mem>>
        %dma_start3A_88 = tpu.memref_squeeze %dma_start3A_87 : memref<1x!tpu.dma_semaphore, #tpu.memory_space<semaphore_mem>> -> memref<!tpu.dma_semaphore, #tpu.memory_space<semaphore_mem>>
        %dma_start3A_89 = arith.constant 0 : i32
        %dma_start3A_90 = tpu.memref_slice %arg8[%dma_start3A_79, %dma_start3A_89] : memref<5x128xi32, #tpu.memory_space<vmem>> -> memref<1x128xi32, #tpu.memory_space<vmem>>
        %dma_start3A_91 = tpu.memref_squeeze %dma_start3A_90 : memref<1x128xi32, #tpu.memory_space<vmem>> -> memref<128xi32, #tpu.memory_space<vmem>>
        %dma_start3A_92 = arith.constant 0 : i32
        %dma_start3A_93 = tpu.memref_slice %arg4[%add3A_62, %dma_start3A_92] : memref<2560x128xi32, #tpu.memory_space<hbm>> -> memref<1x128xi32, #tpu.memory_space<hbm>>
        %dma_start3A_94 = tpu.memref_squeeze %dma_start3A_93 : memref<1x128xi32, #tpu.memory_space<hbm>> -> memref<128xi32, #tpu.memory_space<hbm>>
        tpu.enqueue_dma source(%dma_start3A_94 : memref<128xi32, #tpu.memory_space<hbm>>) target(%dma_start3A_91 : memref<128xi32, #tpu.memory_space<vmem>>) target_semaphore(%dma_start3A_88 : memref<!tpu.dma_semaphore, #tpu.memory_space<semaphore_mem>>)
        %add3A_95 = arith.addi %mul3A_16, %add3A_25 : i32
        %add3A_96 = arith.constant 2 : i32
        %add3A_97 = arith.addi %add3A_95, %add3A_96 : i32
        %dma_start3A_98 = arith.constant 2 : i32
        %dma_start3A_99 = arith.constant 2 : i32
        %dma_start3A_100 = arith.constant 0 : i32
        %dma_start3A_101 = tpu.memref_slice %arg7[%dma_start3A_98, %dma_start3A_100] : memref<5x128xi32, #tpu.memory_space<vmem>> -> memref<1x128xi32, #tpu.memory_space<vmem>>
        %dma_start3A_102 = tpu.memref_squeeze %dma_start3A_101 : memref<1x128xi32, #tpu.memory_space<vmem>> -> memref<128xi32, #tpu.memory_space<vmem>>
        %dma_start3A_103 = arith.constant 0 : i32
        %dma_start3A_104 = tpu.memref_slice %arg3[%add3A_97, %dma_start3A_103] : memref<2560x128xi32, #tpu.memory_space<hbm>> -> memref<1x128xi32, #tpu.memory_space<hbm>>
        %dma_start3A_105 = tpu.memref_squeeze %dma_start3A_104 : memref<1x128xi32, #tpu.memory_space<hbm>> -> memref<128xi32, #tpu.memory_space<hbm>>
        %dma_start3A_106 = tpu.memref_slice %arg15[%dma_start3A_99] : memref<5x!tpu.dma_semaphore, #tpu.memory_space<semaphore_mem>> -> memref<1x!tpu.dma_semaphore, #tpu.memory_space<semaphore_mem>>
        %dma_start3A_107 = tpu.memref_squeeze %dma_start3A_106 : memref<1x!tpu.dma_semaphore, #tpu.memory_space<semaphore_mem>> -> memref<!tpu.dma_semaphore, #tpu.memory_space<semaphore_mem>>
        %dma_start3A_108 = arith.constant 0 : i32
        %dma_start3A_109 = tpu.memref_slice %arg7[%dma_start3A_98, %dma_start3A_108] : memref<5x128xi32, #tpu.memory_space<vmem>> -> memref<1x128xi32, #tpu.memory_space<vmem>>
        %dma_start3A_110 = tpu.memref_squeeze %dma_start3A_109 : memref<1x128xi32, #tpu.memory_space<vmem>> -> memref<128xi32, #tpu.memory_space<vmem>>
        %dma_start3A_111 = arith.constant 0 : i32
        %dma_start3A_112 = tpu.memref_slice %arg3[%add3A_97, %dma_start3A_111] : memref<2560x128xi32, #tpu.memory_space<hbm>> -> memref<1x128xi32, #tpu.memory_space<hbm>>
        %dma_start3A_113 = tpu.memref_squeeze %dma_start3A_112 : memref<1x128xi32, #tpu.memory_space<hbm>> -> memref<128xi32, #tpu.memory_space<hbm>>
        tpu.enqueue_dma source(%dma_start3A_113 : memref<128xi32, #tpu.memory_space<hbm>>) target(%dma_start3A_110 : memref<128xi32, #tpu.memory_space<vmem>>) target_semaphore(%dma_start3A_107 : memref<!tpu.dma_semaphore, #tpu.memory_space<semaphore_mem>>)
        %dma_start3A_114 = arith.constant 2 : i32
        %dma_start3A_115 = arith.constant 2 : i32
        %dma_start3A_116 = arith.constant 0 : i32
        %dma_start3A_117 = tpu.memref_slice %arg8[%dma_start3A_114, %dma_start3A_116] : memref<5x128xi32, #tpu.memory_space<vmem>> -> memref<1x128xi32, #tpu.memory_space<vmem>>
        %dma_start3A_118 = tpu.memref_squeeze %dma_start3A_117 : memref<1x128xi32, #tpu.memory_space<vmem>> -> memref<128xi32, #tpu.memory_space<vmem>>
        %dma_start3A_119 = arith.constant 0 : i32
        %dma_start3A_120 = tpu.memref_slice %arg4[%add3A_97, %dma_start3A_119] : memref<2560x128xi32, #tpu.memory_space<hbm>> -> memref<1x128xi32, #tpu.memory_space<hbm>>
        %dma_start3A_121 = tpu.memref_squeeze %dma_start3A_120 : memref<1x128xi32, #tpu.memory_space<hbm>> -> memref<128xi32, #tpu.memory_space<hbm>>
        %dma_start3A_122 = tpu.memref_slice %arg15[%dma_start3A_115] : memref<5x!tpu.dma_semaphore, #tpu.memory_space<semaphore_mem>> -> memref<1x!tpu.dma_semaphore, #tpu.memory_space<semaphore_mem>>
        %dma_start3A_123 = tpu.memref_squeeze %dma_start3A_122 : memref<1x!tpu.dma_semaphore, #tpu.memory_space<semaphore_mem>> -> memref<!tpu.dma_semaphore, #tpu.memory_space<semaphore_mem>>
        %dma_start3A_124 = arith.constant 0 : i32
        %dma_start3A_125 = tpu.memref_slice %arg8[%dma_start3A_114, %dma_start3A_124] : memref<5x128xi32, #tpu.memory_space<vmem>> -> memref<1x128xi32, #tpu.memory_space<vmem>>
        %dma_start3A_126 = tpu.memref_squeeze %dma_start3A_125 : memref<1x128xi32, #tpu.memory_space<vmem>> -> memref<128xi32, #tpu.memory_space<vmem>>
        %dma_start3A_127 = arith.constant 0 : i32
        %dma_start3A_128 = tpu.memref_slice %arg4[%add3A_97, %dma_start3A_127] : memref<2560x128xi32, #tpu.memory_space<hbm>> -> memref<1x128xi32, #tpu.memory_space<hbm>>
        %dma_start3A_129 = tpu.memref_squeeze %dma_start3A_128 : memref<1x128xi32, #tpu.memory_space<hbm>> -> memref<128xi32, #tpu.memory_space<hbm>>
        tpu.enqueue_dma source(%dma_start3A_129 : memref<128xi32, #tpu.memory_space<hbm>>) target(%dma_start3A_126 : memref<128xi32, #tpu.memory_space<vmem>>) target_semaphore(%dma_start3A_123 : memref<!tpu.dma_semaphore, #tpu.memory_space<semaphore_mem>>)
        %add3A_130 = arith.addi %mul3A_16, %add3A_25 : i32
        %add3A_131 = arith.constant 3 : i32
        %add3A_132 = arith.addi %add3A_130, %add3A_131 : i32
        %dma_start3A_133 = arith.constant 3 : i32
        %dma_start3A_134 = arith.constant 3 : i32
        %dma_start3A_135 = arith.constant 0 : i32
        %dma_start3A_136 = tpu.memref_slice %arg7[%dma_start3A_133, %dma_start3A_135] : memref<5x128xi32, #tpu.memory_space<vmem>> -> memref<1x128xi32, #tpu.memory_space<vmem>>
        %dma_start3A_137 = tpu.memref_squeeze %dma_start3A_136 : memref<1x128xi32, #tpu.memory_space<vmem>> -> memref<128xi32, #tpu.memory_space<vmem>>
        %dma_start3A_138 = arith.constant 0 : i32
        %dma_start3A_139 = tpu.memref_slice %arg3[%add3A_132, %dma_start3A_138] : memref<2560x128xi32, #tpu.memory_space<hbm>> -> memref<1x128xi32, #tpu.memory_space<hbm>>
        %dma_start3A_140 = tpu.memref_squeeze %dma_start3A_139 : memref<1x128xi32, #tpu.memory_space<hbm>> -> memref<128xi32, #tpu.memory_space<hbm>>
        %dma_start3A_141 = tpu.memref_slice %arg15[%dma_start3A_134] : memref<5x!tpu.dma_semaphore, #tpu.memory_space<semaphore_mem>> -> memref<1x!tpu.dma_semaphore, #tpu.memory_space<semaphore_mem>>
        %dma_start3A_142 = tpu.memref_squeeze %dma_start3A_141 : memref<1x!tpu.dma_semaphore, #tpu.memory_space<semaphore_mem>> -> memref<!tpu.dma_semaphore, #tpu.memory_space<semaphore_mem>>
        %dma_start3A_143 = arith.constant 0 : i32
        %dma_start3A_144 = tpu.memref_slice %arg7[%dma_start3A_133, %dma_start3A_143] : memref<5x128xi32, #tpu.memory_space<vmem>> -> memref<1x128xi32, #tpu.memory_space<vmem>>
        %dma_start3A_145 = tpu.memref_squeeze %dma_start3A_144 : memref<1x128xi32, #tpu.memory_space<vmem>> -> memref<128xi32, #tpu.memory_space<vmem>>
        %dma_start3A_146 = arith.constant 0 : i32
        %dma_start3A_147 = tpu.memref_slice %arg3[%add3A_132, %dma_start3A_146] : memref<2560x128xi32, #tpu.memory_space<hbm>> -> memref<1x128xi32, #tpu.memory_space<hbm>>
        %dma_start3A_148 = tpu.memref_squeeze %dma_start3A_147 : memref<1x128xi32, #tpu.memory_space<hbm>> -> memref<128xi32, #tpu.memory_space<hbm>>
        tpu.enqueue_dma source(%dma_start3A_148 : memref<128xi32, #tpu.memory_space<hbm>>) target(%dma_start3A_145 : memref<128xi32, #tpu.memory_space<vmem>>) target_semaphore(%dma_start3A_142 : memref<!tpu.dma_semaphore, #tpu.memory_space<semaphore_mem>>)
        %dma_start3A_149 = arith.constant 3 : i32
        %dma_start3A_150 = arith.constant 3 : i32
        %dma_start3A_151 = arith.constant 0 : i32
        %dma_start3A_152 = tpu.memref_slice %arg8[%dma_start3A_149, %dma_start3A_151] : memref<5x128xi32, #tpu.memory_space<vmem>> -> memref<1x128xi32, #tpu.memory_space<vmem>>
        %dma_start3A_153 = tpu.memref_squeeze %dma_start3A_152 : memref<1x128xi32, #tpu.memory_space<vmem>> -> memref<128xi32, #tpu.memory_space<vmem>>
        %dma_start3A_154 = arith.constant 0 : i32
        %dma_start3A_155 = tpu.memref_slice %arg4[%add3A_132, %dma_start3A_154] : memref<2560x128xi32, #tpu.memory_space<hbm>> -> memref<1x128xi32, #tpu.memory_space<hbm>>
        %dma_start3A_156 = tpu.memref_squeeze %dma_start3A_155 : memref<1x128xi32, #tpu.memory_space<hbm>> -> memref<128xi32, #tpu.memory_space<hbm>>
        %dma_start3A_157 = tpu.memref_slice %arg15[%dma_start3A_150] : memref<5x!tpu.dma_semaphore, #tpu.memory_space<semaphore_mem>> -> memref<1x!tpu.dma_semaphore, #tpu.memory_space<semaphore_mem>>
        %dma_start3A_158 = tpu.memref_squeeze %dma_start3A_157 : memref<1x!tpu.dma_semaphore, #tpu.memory_space<semaphore_mem>> -> memref<!tpu.dma_semaphore, #tpu.memory_space<semaphore_mem>>
        %dma_start3A_159 = arith.constant 0 : i32
        %dma_start3A_160 = tpu.memref_slice %arg8[%dma_start3A_149, %dma_start3A_159] : memref<5x128xi32, #tpu.memory_space<vmem>> -> memref<1x128xi32, #tpu.memory_space<vmem>>
        %dma_start3A_161 = tpu.memref_squeeze %dma_start3A_160 : memref<1x128xi32, #tpu.memory_space<vmem>> -> memref<128xi32, #tpu.memory_space<vmem>>
        %dma_start3A_162 = arith.constant 0 : i32
        %dma_start3A_163 = tpu.memref_slice %arg4[%add3A_132, %dma_start3A_162] : memref<2560x128xi32, #tpu.memory_space<hbm>> -> memref<1x128xi32, #tpu.memory_space<hbm>>
        %dma_start3A_164 = tpu.memref_squeeze %dma_start3A_163 : memref<1x128xi32, #tpu.memory_space<hbm>> -> memref<128xi32, #tpu.memory_space<hbm>>
        tpu.enqueue_dma source(%dma_start3A_164 : memref<128xi32, #tpu.memory_space<hbm>>) target(%dma_start3A_161 : memref<128xi32, #tpu.memory_space<vmem>>) target_semaphore(%dma_start3A_158 : memref<!tpu.dma_semaphore, #tpu.memory_space<semaphore_mem>>)
        %add3A_165 = arith.addi %mul3A_16, %add3A_25 : i32
        %add3A_166 = arith.constant 4 : i32
        %add3A_167 = arith.addi %add3A_165, %add3A_166 : i32
        %dma_start3A_168 = arith.constant 4 : i32
        %dma_start3A_169 = arith.constant 4 : i32
        %dma_start3A_170 = arith.constant 0 : i32
        %dma_start3A_171 = tpu.memref_slice %arg7[%dma_start3A_168, %dma_start3A_170] : memref<5x128xi32, #tpu.memory_space<vmem>> -> memref<1x128xi32, #tpu.memory_space<vmem>>
        %dma_start3A_172 = tpu.memref_squeeze %dma_start3A_171 : memref<1x128xi32, #tpu.memory_space<vmem>> -> memref<128xi32, #tpu.memory_space<vmem>>
        %dma_start3A_173 = arith.constant 0 : i32
        %dma_start3A_174 = tpu.memref_slice %arg3[%add3A_167, %dma_start3A_173] : memref<2560x128xi32, #tpu.memory_space<hbm>> -> memref<1x128xi32, #tpu.memory_space<hbm>>
        %dma_start3A_175 = tpu.memref_squeeze %dma_start3A_174 : memref<1x128xi32, #tpu.memory_space<hbm>> -> memref<128xi32, #tpu.memory_space<hbm>>
        %dma_start3A_176 = tpu.memref_slice %arg15[%dma_start3A_169] : memref<5x!tpu.dma_semaphore, #tpu.memory_space<semaphore_mem>> -> memref<1x!tpu.dma_semaphore, #tpu.memory_space<semaphore_mem>>
        %dma_start3A_177 = tpu.memref_squeeze %dma_start3A_176 : memref<1x!tpu.dma_semaphore, #tpu.memory_space<semaphore_mem>> -> memref<!tpu.dma_semaphore, #tpu.memory_space<semaphore_mem>>
        %dma_start3A_178 = arith.constant 0 : i32
        %dma_start3A_179 = tpu.memref_slice %arg7[%dma_start3A_168, %dma_start3A_178] : memref<5x128xi32, #tpu.memory_space<vmem>> -> memref<1x128xi32, #tpu.memory_space<vmem>>
        %dma_start3A_180 = tpu.memref_squeeze %dma_start3A_179 : memref<1x128xi32, #tpu.memory_space<vmem>> -> memref<128xi32, #tpu.memory_space<vmem>>
        %dma_start3A_181 = arith.constant 0 : i32
        %dma_start3A_182 = tpu.memref_slice %arg3[%add3A_167, %dma_start3A_181] : memref<2560x128xi32, #tpu.memory_space<hbm>> -> memref<1x128xi32, #tpu.memory_space<hbm>>
        %dma_start3A_183 = tpu.memref_squeeze %dma_start3A_182 : memref<1x128xi32, #tpu.memory_space<hbm>> -> memref<128xi32, #tpu.memory_space<hbm>>
        tpu.enqueue_dma source(%dma_start3A_183 : memref<128xi32, #tpu.memory_space<hbm>>) target(%dma_start3A_180 : memref<128xi32, #tpu.memory_space<vmem>>) target_semaphore(%dma_start3A_177 : memref<!tpu.dma_semaphore, #tpu.memory_space<semaphore_mem>>)
        %dma_start3A_184 = arith.constant 4 : i32
        %dma_start3A_185 = arith.constant 4 : i32
        %dma_start3A_186 = arith.constant 0 : i32
        %dma_start3A_187 = tpu.memref_slice %arg8[%dma_start3A_184, %dma_start3A_186] : memref<5x128xi32, #tpu.memory_space<vmem>> -> memref<1x128xi32, #tpu.memory_space<vmem>>
        %dma_start3A_188 = tpu.memref_squeeze %dma_start3A_187 : memref<1x128xi32, #tpu.memory_space<vmem>> -> memref<128xi32, #tpu.memory_space<vmem>>
        %dma_start3A_189 = arith.constant 0 : i32
        %dma_start3A_190 = tpu.memref_slice %arg4[%add3A_167, %dma_start3A_189] : memref<2560x128xi32, #tpu.memory_space<hbm>> -> memref<1x128xi32, #tpu.memory_space<hbm>>
        %dma_start3A_191 = tpu.memref_squeeze %dma_start3A_190 : memref<1x128xi32, #tpu.memory_space<hbm>> -> memref<128xi32, #tpu.memory_space<hbm>>
        %dma_start3A_192 = tpu.memref_slice %arg15[%dma_start3A_185] : memref<5x!tpu.dma_semaphore, #tpu.memory_space<semaphore_mem>> -> memref<1x!tpu.dma_semaphore, #tpu.memory_space<semaphore_mem>>
        %dma_start3A_193 = tpu.memref_squeeze %dma_start3A_192 : memref<1x!tpu.dma_semaphore, #tpu.memory_space<semaphore_mem>> -> memref<!tpu.dma_semaphore, #tpu.memory_space<semaphore_mem>>
        %dma_start3A_194 = arith.constant 0 : i32
        %dma_start3A_195 = tpu.memref_slice %arg8[%dma_start3A_184, %dma_start3A_194] : memref<5x128xi32, #tpu.memory_space<vmem>> -> memref<1x128xi32, #tpu.memory_space<vmem>>
        %dma_start3A_196 = tpu.memref_squeeze %dma_start3A_195 : memref<1x128xi32, #tpu.memory_space<vmem>> -> memref<128xi32, #tpu.memory_space<vmem>>
        %dma_start3A_197 = arith.constant 0 : i32
        %dma_start3A_198 = tpu.memref_slice %arg4[%add3A_167, %dma_start3A_197] : memref<2560x128xi32, #tpu.memory_space<hbm>> -> memref<1x128xi32, #tpu.memory_space<hbm>>
        %dma_start3A_199 = tpu.memref_squeeze %dma_start3A_198 : memref<1x128xi32, #tpu.memory_space<hbm>> -> memref<128xi32, #tpu.memory_space<hbm>>
        tpu.enqueue_dma source(%dma_start3A_199 : memref<128xi32, #tpu.memory_space<hbm>>) target(%dma_start3A_196 : memref<128xi32, #tpu.memory_space<vmem>>) target_semaphore(%dma_start3A_193 : memref<!tpu.dma_semaphore, #tpu.memory_space<semaphore_mem>>)
        %dma_wait3A = arith.constant 0 : i32
        %dma_wait3A_200 = arith.constant 0 : i32
        %dma_wait3A_201 = arith.constant 0 : i32
        %dma_wait3A_202 = tpu.memref_slice %arg7[%dma_wait3A, %dma_wait3A_201] : memref<5x128xi32, #tpu.memory_space<vmem>> -> memref<1x128xi32, #tpu.memory_space<vmem>>
        %dma_wait3A_203 = tpu.memref_squeeze %dma_wait3A_202 : memref<1x128xi32, #tpu.memory_space<vmem>> -> memref<128xi32, #tpu.memory_space<vmem>>
        %dma_wait3A_204 = arith.constant 0 : i32
        %dma_wait3A_205 = tpu.memref_slice %arg3[%add3A_28, %dma_wait3A_204] : memref<2560x128xi32, #tpu.memory_space<hbm>> -> memref<1x128xi32, #tpu.memory_space<hbm>>
        %dma_wait3A_206 = tpu.memref_squeeze %dma_wait3A_205 : memref<1x128xi32, #tpu.memory_space<hbm>> -> memref<128xi32, #tpu.memory_space<hbm>>
        %dma_wait3A_207 = tpu.memref_slice %arg15[%dma_wait3A_200] : memref<5x!tpu.dma_semaphore, #tpu.memory_space<semaphore_mem>> -> memref<1x!tpu.dma_semaphore, #tpu.memory_space<semaphore_mem>>
        %dma_wait3A_208 = tpu.memref_squeeze %dma_wait3A_207 : memref<1x!tpu.dma_semaphore, #tpu.memory_space<semaphore_mem>> -> memref<!tpu.dma_semaphore, #tpu.memory_space<semaphore_mem>>
        %dma_wait3A_209 = arith.constant 0 : i32
        %dma_wait3A_210 = tpu.memref_slice %arg7[%dma_wait3A, %dma_wait3A_209] : memref<5x128xi32, #tpu.memory_space<vmem>> -> memref<1x128xi32, #tpu.memory_space<vmem>>
        %dma_wait3A_211 = tpu.memref_squeeze %dma_wait3A_210 : memref<1x128xi32, #tpu.memory_space<vmem>> -> memref<128xi32, #tpu.memory_space<vmem>>
        %dma_wait3A_212 = arith.constant 0 : i32
        %dma_wait3A_213 = tpu.memref_slice %arg3[%add3A_28, %dma_wait3A_212] : memref<2560x128xi32, #tpu.memory_space<hbm>> -> memref<1x128xi32, #tpu.memory_space<hbm>>
        %dma_wait3A_214 = tpu.memref_squeeze %dma_wait3A_213 : memref<1x128xi32, #tpu.memory_space<hbm>> -> memref<128xi32, #tpu.memory_space<hbm>>
        tpu.wait_dma2 semaphore(%dma_wait3A_208 : memref<!tpu.dma_semaphore, #tpu.memory_space<semaphore_mem>>) src(%dma_wait3A_214 : memref<128xi32, #tpu.memory_space<hbm>>) dst(%dma_wait3A_211 : memref<128xi32, #tpu.memory_space<vmem>>)
        %dma_wait3A_215 = arith.constant 0 : i32
        %dma_wait3A_216 = arith.constant 0 : i32
        %dma_wait3A_217 = arith.constant 0 : i32
        %dma_wait3A_218 = tpu.memref_slice %arg8[%dma_wait3A_215, %dma_wait3A_217] : memref<5x128xi32, #tpu.memory_space<vmem>> -> memref<1x128xi32, #tpu.memory_space<vmem>>
        %dma_wait3A_219 = tpu.memref_squeeze %dma_wait3A_218 : memref<1x128xi32, #tpu.memory_space<vmem>> -> memref<128xi32, #tpu.memory_space<vmem>>
        %dma_wait3A_220 = arith.constant 0 : i32
        %dma_wait3A_221 = tpu.memref_slice %arg4[%add3A_28, %dma_wait3A_220] : memref<2560x128xi32, #tpu.memory_space<hbm>> -> memref<1x128xi32, #tpu.memory_space<hbm>>
        %dma_wait3A_222 = tpu.memref_squeeze %dma_wait3A_221 : memref<1x128xi32, #tpu.memory_space<hbm>> -> memref<128xi32, #tpu.memory_space<hbm>>
        %dma_wait3A_223 = tpu.memref_slice %arg15[%dma_wait3A_216] : memref<5x!tpu.dma_semaphore, #tpu.memory_space<semaphore_mem>> -> memref<1x!tpu.dma_semaphore, #tpu.memory_space<semaphore_mem>>
        %dma_wait3A_224 = tpu.memref_squeeze %dma_wait3A_223 : memref<1x!tpu.dma_semaphore, #tpu.memory_space<semaphore_mem>> -> memref<!tpu.dma_semaphore, #tpu.memory_space<semaphore_mem>>
        %dma_wait3A_225 = arith.constant 0 : i32
        %dma_wait3A_226 = tpu.memref_slice %arg8[%dma_wait3A_215, %dma_wait3A_225] : memref<5x128xi32, #tpu.memory_space<vmem>> -> memref<1x128xi32, #tpu.memory_space<vmem>>
        %dma_wait3A_227 = tpu.memref_squeeze %dma_wait3A_226 : memref<1x128xi32, #tpu.memory_space<vmem>> -> memref<128xi32, #tpu.memory_space<vmem>>
        %dma_wait3A_228 = arith.constant 0 : i32
        %dma_wait3A_229 = tpu.memref_slice %arg4[%add3A_28, %dma_wait3A_228] : memref<2560x128xi32, #tpu.memory_space<hbm>> -> memref<1x128xi32, #tpu.memory_space<hbm>>
        %dma_wait3A_230 = tpu.memref_squeeze %dma_wait3A_229 : memref<1x128xi32, #tpu.memory_space<hbm>> -> memref<128xi32, #tpu.memory_space<hbm>>
        tpu.wait_dma2 semaphore(%dma_wait3A_224 : memref<!tpu.dma_semaphore, #tpu.memory_space<semaphore_mem>>) src(%dma_wait3A_230 : memref<128xi32, #tpu.memory_space<hbm>>) dst(%dma_wait3A_227 : memref<128xi32, #tpu.memory_space<vmem>>)
        %dma_start3A_231 = arith.constant 0 : i32
        %dma_start3A_232 = arith.constant 0 : i32
        %dma_start3A_233 = arith.constant 0 : i32
        %dma_start3A_234 = tpu.memref_slice %arg7[%dma_start3A_231, %dma_start3A_233] : memref<5x128xi32, #tpu.memory_space<vmem>> -> memref<1x128xi32, #tpu.memory_space<vmem>>
        %dma_start3A_235 = tpu.memref_squeeze %dma_start3A_234 : memref<1x128xi32, #tpu.memory_space<vmem>> -> memref<128xi32, #tpu.memory_space<vmem>>
        %dma_start3A_236 = arith.constant 0 : i32
        %dma_start3A_237 = arith.constant 0 : i32
        %dma_start3A_238 = tpu.memref_slice %arg2[%dma_start3A_236, %dma_start3A_237] : memref<10240x128xf32, #tpu.memory_space<hbm>> -> memref<10240x128xf32, #tpu.memory_space<hbm>>
        %dma_start3A_239 = tpu.memref_slice %arg16[%dma_start3A_232] : memref<5x!tpu.dma_semaphore, #tpu.memory_space<semaphore_mem>> -> memref<1x!tpu.dma_semaphore, #tpu.memory_space<semaphore_mem>>
        %dma_start3A_240 = tpu.memref_squeeze %dma_start3A_239 : memref<1x!tpu.dma_semaphore, #tpu.memory_space<semaphore_mem>> -> memref<!tpu.dma_semaphore, #tpu.memory_space<semaphore_mem>>
        tpu.enqueue_indirect_dma source(%dma_start3A_238 : memref<10240x128xf32, #tpu.memory_space<hbm>>) target(%arg9 : memref<128x128xf32, #tpu.memory_space<vmem>>) offsets(%dma_start3A_235 : memref<128xi32, #tpu.memory_space<vmem>>) semaphore(%dma_start3A_240 : memref<!tpu.dma_semaphore, #tpu.memory_space<semaphore_mem>>)
        %dma_wait3A_241 = arith.constant 1 : i32
        %dma_wait3A_242 = arith.constant 1 : i32
        %dma_wait3A_243 = arith.constant 0 : i32
        %dma_wait3A_244 = tpu.memref_slice %arg7[%dma_wait3A_241, %dma_wait3A_243] : memref<5x128xi32, #tpu.memory_space<vmem>> -> memref<1x128xi32, #tpu.memory_space<vmem>>
        %dma_wait3A_245 = tpu.memref_squeeze %dma_wait3A_244 : memref<1x128xi32, #tpu.memory_space<vmem>> -> memref<128xi32, #tpu.memory_space<vmem>>
        %dma_wait3A_246 = arith.constant 0 : i32
        %dma_wait3A_247 = tpu.memref_slice %arg3[%add3A_62, %dma_wait3A_246] : memref<2560x128xi32, #tpu.memory_space<hbm>> -> memref<1x128xi32, #tpu.memory_space<hbm>>
        %dma_wait3A_248 = tpu.memref_squeeze %dma_wait3A_247 : memref<1x128xi32, #tpu.memory_space<hbm>> -> memref<128xi32, #tpu.memory_space<hbm>>
        %dma_wait3A_249 = tpu.memref_slice %arg15[%dma_wait3A_242] : memref<5x!tpu.dma_semaphore, #tpu.memory_space<semaphore_mem>> -> memref<1x!tpu.dma_semaphore, #tpu.memory_space<semaphore_mem>>
        %dma_wait3A_250 = tpu.memref_squeeze %dma_wait3A_249 : memref<1x!tpu.dma_semaphore, #tpu.memory_space<semaphore_mem>> -> memref<!tpu.dma_semaphore, #tpu.memory_space<semaphore_mem>>
        %dma_wait3A_251 = arith.constant 0 : i32
        %dma_wait3A_252 = tpu.memref_slice %arg7[%dma_wait3A_241, %dma_wait3A_251] : memref<5x128xi32, #tpu.memory_space<vmem>> -> memref<1x128xi32, #tpu.memory_space<vmem>>
        %dma_wait3A_253 = tpu.memref_squeeze %dma_wait3A_252 : memref<1x128xi32, #tpu.memory_space<vmem>> -> memref<128xi32, #tpu.memory_space<vmem>>
        %dma_wait3A_254 = arith.constant 0 : i32
        %dma_wait3A_255 = tpu.memref_slice %arg3[%add3A_62, %dma_wait3A_254] : memref<2560x128xi32, #tpu.memory_space<hbm>> -> memref<1x128xi32, #tpu.memory_space<hbm>>
        %dma_wait3A_256 = tpu.memref_squeeze %dma_wait3A_255 : memref<1x128xi32, #tpu.memory_space<hbm>> -> memref<128xi32, #tpu.memory_space<hbm>>
        tpu.wait_dma2 semaphore(%dma_wait3A_250 : memref<!tpu.dma_semaphore, #tpu.memory_space<semaphore_mem>>) src(%dma_wait3A_256 : memref<128xi32, #tpu.memory_space<hbm>>) dst(%dma_wait3A_253 : memref<128xi32, #tpu.memory_space<vmem>>)
        %dma_wait3A_257 = arith.constant 1 : i32
        %dma_wait3A_258 = arith.constant 1 : i32
        %dma_wait3A_259 = arith.constant 0 : i32
        %dma_wait3A_260 = tpu.memref_slice %arg8[%dma_wait3A_257, %dma_wait3A_259] : memref<5x128xi32, #tpu.memory_space<vmem>> -> memref<1x128xi32, #tpu.memory_space<vmem>>
        %dma_wait3A_261 = tpu.memref_squeeze %dma_wait3A_260 : memref<1x128xi32, #tpu.memory_space<vmem>> -> memref<128xi32, #tpu.memory_space<vmem>>
        %dma_wait3A_262 = arith.constant 0 : i32
        %dma_wait3A_263 = tpu.memref_slice %arg4[%add3A_62, %dma_wait3A_262] : memref<2560x128xi32, #tpu.memory_space<hbm>> -> memref<1x128xi32, #tpu.memory_space<hbm>>
        %dma_wait3A_264 = tpu.memref_squeeze %dma_wait3A_263 : memref<1x128xi32, #tpu.memory_space<hbm>> -> memref<128xi32, #tpu.memory_space<hbm>>
        %dma_wait3A_265 = tpu.memref_slice %arg15[%dma_wait3A_258] : memref<5x!tpu.dma_semaphore, #tpu.memory_space<semaphore_mem>> -> memref<1x!tpu.dma_semaphore, #tpu.memory_space<semaphore_mem>>
        %dma_wait3A_266 = tpu.memref_squeeze %dma_wait3A_265 : memref<1x!tpu.dma_semaphore, #tpu.memory_space<semaphore_mem>> -> memref<!tpu.dma_semaphore, #tpu.memory_space<semaphore_mem>>
        %dma_wait3A_267 = arith.constant 0 : i32
        %dma_wait3A_268 = tpu.memref_slice %arg8[%dma_wait3A_257, %dma_wait3A_267] : memref<5x128xi32, #tpu.memory_space<vmem>> -> memref<1x128xi32, #tpu.memory_space<vmem>>
        %dma_wait3A_269 = tpu.memref_squeeze %dma_wait3A_268 : memref<1x128xi32, #tpu.memory_space<vmem>> -> memref<128xi32, #tpu.memory_space<vmem>>
        %dma_wait3A_270 = arith.constant 0 : i32
        %dma_wait3A_271 = tpu.memref_slice %arg4[%add3A_62, %dma_wait3A_270] : memref<2560x128xi32, #tpu.memory_space<hbm>> -> memref<1x128xi32, #tpu.memory_space<hbm>>
        %dma_wait3A_272 = tpu.memref_squeeze %dma_wait3A_271 : memref<1x128xi32, #tpu.memory_space<hbm>> -> memref<128xi32, #tpu.memory_space<hbm>>
        tpu.wait_dma2 semaphore(%dma_wait3A_266 : memref<!tpu.dma_semaphore, #tpu.memory_space<semaphore_mem>>) src(%dma_wait3A_272 : memref<128xi32, #tpu.memory_space<hbm>>) dst(%dma_wait3A_269 : memref<128xi32, #tpu.memory_space<vmem>>)
        %dma_start3A_273 = arith.constant 1 : i32
        %dma_start3A_274 = arith.constant 1 : i32
        %dma_start3A_275 = arith.constant 0 : i32
        %dma_start3A_276 = tpu.memref_slice %arg7[%dma_start3A_273, %dma_start3A_275] : memref<5x128xi32, #tpu.memory_space<vmem>> -> memref<1x128xi32, #tpu.memory_space<vmem>>
        %dma_start3A_277 = tpu.memref_squeeze %dma_start3A_276 : memref<1x128xi32, #tpu.memory_space<vmem>> -> memref<128xi32, #tpu.memory_space<vmem>>
        %dma_start3A_278 = arith.constant 0 : i32
        %dma_start3A_279 = arith.constant 0 : i32
        %dma_start3A_280 = tpu.memref_slice %arg2[%dma_start3A_278, %dma_start3A_279] : memref<10240x128xf32, #tpu.memory_space<hbm>> -> memref<10240x128xf32, #tpu.memory_space<hbm>>
        %dma_start3A_281 = tpu.memref_slice %arg16[%dma_start3A_274] : memref<5x!tpu.dma_semaphore, #tpu.memory_space<semaphore_mem>> -> memref<1x!tpu.dma_semaphore, #tpu.memory_space<semaphore_mem>>
        %dma_start3A_282 = tpu.memref_squeeze %dma_start3A_281 : memref<1x!tpu.dma_semaphore, #tpu.memory_space<semaphore_mem>> -> memref<!tpu.dma_semaphore, #tpu.memory_space<semaphore_mem>>
        tpu.enqueue_indirect_dma source(%dma_start3A_280 : memref<10240x128xf32, #tpu.memory_space<hbm>>) target(%arg10 : memref<128x128xf32, #tpu.memory_space<vmem>>) offsets(%dma_start3A_277 : memref<128xi32, #tpu.memory_space<vmem>>) semaphore(%dma_start3A_282 : memref<!tpu.dma_semaphore, #tpu.memory_space<semaphore_mem>>)
        %dma_wait3A_283 = arith.constant 2 : i32
        %dma_wait3A_284 = arith.constant 2 : i32
        %dma_wait3A_285 = arith.constant 0 : i32
        %dma_wait3A_286 = tpu.memref_slice %arg7[%dma_wait3A_283, %dma_wait3A_285] : memref<5x128xi32, #tpu.memory_space<vmem>> -> memref<1x128xi32, #tpu.memory_space<vmem>>
        %dma_wait3A_287 = tpu.memref_squeeze %dma_wait3A_286 : memref<1x128xi32, #tpu.memory_space<vmem>> -> memref<128xi32, #tpu.memory_space<vmem>>
        %dma_wait3A_288 = arith.constant 0 : i32
        %dma_wait3A_289 = tpu.memref_slice %arg3[%add3A_97, %dma_wait3A_288] : memref<2560x128xi32, #tpu.memory_space<hbm>> -> memref<1x128xi32, #tpu.memory_space<hbm>>
        %dma_wait3A_290 = tpu.memref_squeeze %dma_wait3A_289 : memref<1x128xi32, #tpu.memory_space<hbm>> -> memref<128xi32, #tpu.memory_space<hbm>>
        %dma_wait3A_291 = tpu.memref_slice %arg15[%dma_wait3A_284] : memref<5x!tpu.dma_semaphore, #tpu.memory_space<semaphore_mem>> -> memref<1x!tpu.dma_semaphore, #tpu.memory_space<semaphore_mem>>
        %dma_wait3A_292 = tpu.memref_squeeze %dma_wait3A_291 : memref<1x!tpu.dma_semaphore, #tpu.memory_space<semaphore_mem>> -> memref<!tpu.dma_semaphore, #tpu.memory_space<semaphore_mem>>
        %dma_wait3A_293 = arith.constant 0 : i32
        %dma_wait3A_294 = tpu.memref_slice %arg7[%dma_wait3A_283, %dma_wait3A_293] : memref<5x128xi32, #tpu.memory_space<vmem>> -> memref<1x128xi32, #tpu.memory_space<vmem>>
        %dma_wait3A_295 = tpu.memref_squeeze %dma_wait3A_294 : memref<1x128xi32, #tpu.memory_space<vmem>> -> memref<128xi32, #tpu.memory_space<vmem>>
        %dma_wait3A_296 = arith.constant 0 : i32
        %dma_wait3A_297 = tpu.memref_slice %arg3[%add3A_97, %dma_wait3A_296] : memref<2560x128xi32, #tpu.memory_space<hbm>> -> memref<1x128xi32, #tpu.memory_space<hbm>>
        %dma_wait3A_298 = tpu.memref_squeeze %dma_wait3A_297 : memref<1x128xi32, #tpu.memory_space<hbm>> -> memref<128xi32, #tpu.memory_space<hbm>>
        tpu.wait_dma2 semaphore(%dma_wait3A_292 : memref<!tpu.dma_semaphore, #tpu.memory_space<semaphore_mem>>) src(%dma_wait3A_298 : memref<128xi32, #tpu.memory_space<hbm>>) dst(%dma_wait3A_295 : memref<128xi32, #tpu.memory_space<vmem>>)
        %dma_wait3A_299 = arith.constant 2 : i32
        %dma_wait3A_300 = arith.constant 2 : i32
        %dma_wait3A_301 = arith.constant 0 : i32
        %dma_wait3A_302 = tpu.memref_slice %arg8[%dma_wait3A_299, %dma_wait3A_301] : memref<5x128xi32, #tpu.memory_space<vmem>> -> memref<1x128xi32, #tpu.memory_space<vmem>>
        %dma_wait3A_303 = tpu.memref_squeeze %dma_wait3A_302 : memref<1x128xi32, #tpu.memory_space<vmem>> -> memref<128xi32, #tpu.memory_space<vmem>>
        %dma_wait3A_304 = arith.constant 0 : i32
        %dma_wait3A_305 = tpu.memref_slice %arg4[%add3A_97, %dma_wait3A_304] : memref<2560x128xi32, #tpu.memory_space<hbm>> -> memref<1x128xi32, #tpu.memory_space<hbm>>
        %dma_wait3A_306 = tpu.memref_squeeze %dma_wait3A_305 : memref<1x128xi32, #tpu.memory_space<hbm>> -> memref<128xi32, #tpu.memory_space<hbm>>
        %dma_wait3A_307 = tpu.memref_slice %arg15[%dma_wait3A_300] : memref<5x!tpu.dma_semaphore, #tpu.memory_space<semaphore_mem>> -> memref<1x!tpu.dma_semaphore, #tpu.memory_space<semaphore_mem>>
        %dma_wait3A_308 = tpu.memref_squeeze %dma_wait3A_307 : memref<1x!tpu.dma_semaphore, #tpu.memory_space<semaphore_mem>> -> memref<!tpu.dma_semaphore, #tpu.memory_space<semaphore_mem>>
        %dma_wait3A_309 = arith.constant 0 : i32
        %dma_wait3A_310 = tpu.memref_slice %arg8[%dma_wait3A_299, %dma_wait3A_309] : memref<5x128xi32, #tpu.memory_space<vmem>> -> memref<1x128xi32, #tpu.memory_space<vmem>>
        %dma_wait3A_311 = tpu.memref_squeeze %dma_wait3A_310 : memref<1x128xi32, #tpu.memory_space<vmem>> -> memref<128xi32, #tpu.memory_space<vmem>>
        %dma_wait3A_312 = arith.constant 0 : i32
        %dma_wait3A_313 = tpu.memref_slice %arg4[%add3A_97, %dma_wait3A_312] : memref<2560x128xi32, #tpu.memory_space<hbm>> -> memref<1x128xi32, #tpu.memory_space<hbm>>
        %dma_wait3A_314 = tpu.memref_squeeze %dma_wait3A_313 : memref<1x128xi32, #tpu.memory_space<hbm>> -> memref<128xi32, #tpu.memory_space<hbm>>
        tpu.wait_dma2 semaphore(%dma_wait3A_308 : memref<!tpu.dma_semaphore, #tpu.memory_space<semaphore_mem>>) src(%dma_wait3A_314 : memref<128xi32, #tpu.memory_space<hbm>>) dst(%dma_wait3A_311 : memref<128xi32, #tpu.memory_space<vmem>>)
        %dma_start3A_315 = arith.constant 2 : i32
        %dma_start3A_316 = arith.constant 2 : i32
        %dma_start3A_317 = arith.constant 0 : i32
        %dma_start3A_318 = tpu.memref_slice %arg7[%dma_start3A_315, %dma_start3A_317] : memref<5x128xi32, #tpu.memory_space<vmem>> -> memref<1x128xi32, #tpu.memory_space<vmem>>
        %dma_start3A_319 = tpu.memref_squeeze %dma_start3A_318 : memref<1x128xi32, #tpu.memory_space<vmem>> -> memref<128xi32, #tpu.memory_space<vmem>>
        %dma_start3A_320 = arith.constant 0 : i32
        %dma_start3A_321 = arith.constant 0 : i32
        %dma_start3A_322 = tpu.memref_slice %arg2[%dma_start3A_320, %dma_start3A_321] : memref<10240x128xf32, #tpu.memory_space<hbm>> -> memref<10240x128xf32, #tpu.memory_space<hbm>>
        %dma_start3A_323 = tpu.memref_slice %arg16[%dma_start3A_316] : memref<5x!tpu.dma_semaphore, #tpu.memory_space<semaphore_mem>> -> memref<1x!tpu.dma_semaphore, #tpu.memory_space<semaphore_mem>>
        %dma_start3A_324 = tpu.memref_squeeze %dma_start3A_323 : memref<1x!tpu.dma_semaphore, #tpu.memory_space<semaphore_mem>> -> memref<!tpu.dma_semaphore, #tpu.memory_space<semaphore_mem>>
        tpu.enqueue_indirect_dma source(%dma_start3A_322 : memref<10240x128xf32, #tpu.memory_space<hbm>>) target(%arg11 : memref<128x128xf32, #tpu.memory_space<vmem>>) offsets(%dma_start3A_319 : memref<128xi32, #tpu.memory_space<vmem>>) semaphore(%dma_start3A_324 : memref<!tpu.dma_semaphore, #tpu.memory_space<semaphore_mem>>)
        %dma_wait3A_325 = arith.constant 3 : i32
        %dma_wait3A_326 = arith.constant 3 : i32
        %dma_wait3A_327 = arith.constant 0 : i32
        %dma_wait3A_328 = tpu.memref_slice %arg7[%dma_wait3A_325, %dma_wait3A_327] : memref<5x128xi32, #tpu.memory_space<vmem>> -> memref<1x128xi32, #tpu.memory_space<vmem>>
        %dma_wait3A_329 = tpu.memref_squeeze %dma_wait3A_328 : memref<1x128xi32, #tpu.memory_space<vmem>> -> memref<128xi32, #tpu.memory_space<vmem>>
        %dma_wait3A_330 = arith.constant 0 : i32
        %dma_wait3A_331 = tpu.memref_slice %arg3[%add3A_132, %dma_wait3A_330] : memref<2560x128xi32, #tpu.memory_space<hbm>> -> memref<1x128xi32, #tpu.memory_space<hbm>>
        %dma_wait3A_332 = tpu.memref_squeeze %dma_wait3A_331 : memref<1x128xi32, #tpu.memory_space<hbm>> -> memref<128xi32, #tpu.memory_space<hbm>>
        %dma_wait3A_333 = tpu.memref_slice %arg15[%dma_wait3A_326] : memref<5x!tpu.dma_semaphore, #tpu.memory_space<semaphore_mem>> -> memref<1x!tpu.dma_semaphore, #tpu.memory_space<semaphore_mem>>
        %dma_wait3A_334 = tpu.memref_squeeze %dma_wait3A_333 : memref<1x!tpu.dma_semaphore, #tpu.memory_space<semaphore_mem>> -> memref<!tpu.dma_semaphore, #tpu.memory_space<semaphore_mem>>
        %dma_wait3A_335 = arith.constant 0 : i32
        %dma_wait3A_336 = tpu.memref_slice %arg7[%dma_wait3A_325, %dma_wait3A_335] : memref<5x128xi32, #tpu.memory_space<vmem>> -> memref<1x128xi32, #tpu.memory_space<vmem>>
        %dma_wait3A_337 = tpu.memref_squeeze %dma_wait3A_336 : memref<1x128xi32, #tpu.memory_space<vmem>> -> memref<128xi32, #tpu.memory_space<vmem>>
        %dma_wait3A_338 = arith.constant 0 : i32
        %dma_wait3A_339 = tpu.memref_slice %arg3[%add3A_132, %dma_wait3A_338] : memref<2560x128xi32, #tpu.memory_space<hbm>> -> memref<1x128xi32, #tpu.memory_space<hbm>>
        %dma_wait3A_340 = tpu.memref_squeeze %dma_wait3A_339 : memref<1x128xi32, #tpu.memory_space<hbm>> -> memref<128xi32, #tpu.memory_space<hbm>>
        tpu.wait_dma2 semaphore(%dma_wait3A_334 : memref<!tpu.dma_semaphore, #tpu.memory_space<semaphore_mem>>) src(%dma_wait3A_340 : memref<128xi32, #tpu.memory_space<hbm>>) dst(%dma_wait3A_337 : memref<128xi32, #tpu.memory_space<vmem>>)
        %dma_wait3A_341 = arith.constant 3 : i32
        %dma_wait3A_342 = arith.constant 3 : i32
        %dma_wait3A_343 = arith.constant 0 : i32
        %dma_wait3A_344 = tpu.memref_slice %arg8[%dma_wait3A_341, %dma_wait3A_343] : memref<5x128xi32, #tpu.memory_space<vmem>> -> memref<1x128xi32, #tpu.memory_space<vmem>>
        %dma_wait3A_345 = tpu.memref_squeeze %dma_wait3A_344 : memref<1x128xi32, #tpu.memory_space<vmem>> -> memref<128xi32, #tpu.memory_space<vmem>>
        %dma_wait3A_346 = arith.constant 0 : i32
        %dma_wait3A_347 = tpu.memref_slice %arg4[%add3A_132, %dma_wait3A_346] : memref<2560x128xi32, #tpu.memory_space<hbm>> -> memref<1x128xi32, #tpu.memory_space<hbm>>
        %dma_wait3A_348 = tpu.memref_squeeze %dma_wait3A_347 : memref<1x128xi32, #tpu.memory_space<hbm>> -> memref<128xi32, #tpu.memory_space<hbm>>
        %dma_wait3A_349 = tpu.memref_slice %arg15[%dma_wait3A_342] : memref<5x!tpu.dma_semaphore, #tpu.memory_space<semaphore_mem>> -> memref<1x!tpu.dma_semaphore, #tpu.memory_space<semaphore_mem>>
        %dma_wait3A_350 = tpu.memref_squeeze %dma_wait3A_349 : memref<1x!tpu.dma_semaphore, #tpu.memory_space<semaphore_mem>> -> memref<!tpu.dma_semaphore, #tpu.memory_space<semaphore_mem>>
        %dma_wait3A_351 = arith.constant 0 : i32
        %dma_wait3A_352 = tpu.memref_slice %arg8[%dma_wait3A_341, %dma_wait3A_351] : memref<5x128xi32, #tpu.memory_space<vmem>> -> memref<1x128xi32, #tpu.memory_space<vmem>>
        %dma_wait3A_353 = tpu.memref_squeeze %dma_wait3A_352 : memref<1x128xi32, #tpu.memory_space<vmem>> -> memref<128xi32, #tpu.memory_space<vmem>>
        %dma_wait3A_354 = arith.constant 0 : i32
        %dma_wait3A_355 = tpu.memref_slice %arg4[%add3A_132, %dma_wait3A_354] : memref<2560x128xi32, #tpu.memory_space<hbm>> -> memref<1x128xi32, #tpu.memory_space<hbm>>
        %dma_wait3A_356 = tpu.memref_squeeze %dma_wait3A_355 : memref<1x128xi32, #tpu.memory_space<hbm>> -> memref<128xi32, #tpu.memory_space<hbm>>
        tpu.wait_dma2 semaphore(%dma_wait3A_350 : memref<!tpu.dma_semaphore, #tpu.memory_space<semaphore_mem>>) src(%dma_wait3A_356 : memref<128xi32, #tpu.memory_space<hbm>>) dst(%dma_wait3A_353 : memref<128xi32, #tpu.memory_space<vmem>>)
        %dma_start3A_357 = arith.constant 3 : i32
        %dma_start3A_358 = arith.constant 3 : i32
        %dma_start3A_359 = arith.constant 0 : i32
        %dma_start3A_360 = tpu.memref_slice %arg7[%dma_start3A_357, %dma_start3A_359] : memref<5x128xi32, #tpu.memory_space<vmem>> -> memref<1x128xi32, #tpu.memory_space<vmem>>
        %dma_start3A_361 = tpu.memref_squeeze %dma_start3A_360 : memref<1x128xi32, #tpu.memory_space<vmem>> -> memref<128xi32, #tpu.memory_space<vmem>>
        %dma_start3A_362 = arith.constant 0 : i32
        %dma_start3A_363 = arith.constant 0 : i32
        %dma_start3A_364 = tpu.memref_slice %arg2[%dma_start3A_362, %dma_start3A_363] : memref<10240x128xf32, #tpu.memory_space<hbm>> -> memref<10240x128xf32, #tpu.memory_space<hbm>>
        %dma_start3A_365 = tpu.memref_slice %arg16[%dma_start3A_358] : memref<5x!tpu.dma_semaphore, #tpu.memory_space<semaphore_mem>> -> memref<1x!tpu.dma_semaphore, #tpu.memory_space<semaphore_mem>>
        %dma_start3A_366 = tpu.memref_squeeze %dma_start3A_365 : memref<1x!tpu.dma_semaphore, #tpu.memory_space<semaphore_mem>> -> memref<!tpu.dma_semaphore, #tpu.memory_space<semaphore_mem>>
        tpu.enqueue_indirect_dma source(%dma_start3A_364 : memref<10240x128xf32, #tpu.memory_space<hbm>>) target(%arg12 : memref<128x128xf32, #tpu.memory_space<vmem>>) offsets(%dma_start3A_361 : memref<128xi32, #tpu.memory_space<vmem>>) semaphore(%dma_start3A_366 : memref<!tpu.dma_semaphore, #tpu.memory_space<semaphore_mem>>)
        %dma_wait3A_367 = arith.constant 4 : i32
        %dma_wait3A_368 = arith.constant 4 : i32
        %dma_wait3A_369 = arith.constant 0 : i32
        %dma_wait3A_370 = tpu.memref_slice %arg7[%dma_wait3A_367, %dma_wait3A_369] : memref<5x128xi32, #tpu.memory_space<vmem>> -> memref<1x128xi32, #tpu.memory_space<vmem>>
        %dma_wait3A_371 = tpu.memref_squeeze %dma_wait3A_370 : memref<1x128xi32, #tpu.memory_space<vmem>> -> memref<128xi32, #tpu.memory_space<vmem>>
        %dma_wait3A_372 = arith.constant 0 : i32
        %dma_wait3A_373 = tpu.memref_slice %arg3[%add3A_167, %dma_wait3A_372] : memref<2560x128xi32, #tpu.memory_space<hbm>> -> memref<1x128xi32, #tpu.memory_space<hbm>>
        %dma_wait3A_374 = tpu.memref_squeeze %dma_wait3A_373 : memref<1x128xi32, #tpu.memory_space<hbm>> -> memref<128xi32, #tpu.memory_space<hbm>>
        %dma_wait3A_375 = tpu.memref_slice %arg15[%dma_wait3A_368] : memref<5x!tpu.dma_semaphore, #tpu.memory_space<semaphore_mem>> -> memref<1x!tpu.dma_semaphore, #tpu.memory_space<semaphore_mem>>
        %dma_wait3A_376 = tpu.memref_squeeze %dma_wait3A_375 : memref<1x!tpu.dma_semaphore, #tpu.memory_space<semaphore_mem>> -> memref<!tpu.dma_semaphore, #tpu.memory_space<semaphore_mem>>
        %dma_wait3A_377 = arith.constant 0 : i32
        %dma_wait3A_378 = tpu.memref_slice %arg7[%dma_wait3A_367, %dma_wait3A_377] : memref<5x128xi32, #tpu.memory_space<vmem>> -> memref<1x128xi32, #tpu.memory_space<vmem>>
        %dma_wait3A_379 = tpu.memref_squeeze %dma_wait3A_378 : memref<1x128xi32, #tpu.memory_space<vmem>> -> memref<128xi32, #tpu.memory_space<vmem>>
        %dma_wait3A_380 = arith.constant 0 : i32
        %dma_wait3A_381 = tpu.memref_slice %arg3[%add3A_167, %dma_wait3A_380] : memref<2560x128xi32, #tpu.memory_space<hbm>> -> memref<1x128xi32, #tpu.memory_space<hbm>>
        %dma_wait3A_382 = tpu.memref_squeeze %dma_wait3A_381 : memref<1x128xi32, #tpu.memory_space<hbm>> -> memref<128xi32, #tpu.memory_space<hbm>>
        tpu.wait_dma2 semaphore(%dma_wait3A_376 : memref<!tpu.dma_semaphore, #tpu.memory_space<semaphore_mem>>) src(%dma_wait3A_382 : memref<128xi32, #tpu.memory_space<hbm>>) dst(%dma_wait3A_379 : memref<128xi32, #tpu.memory_space<vmem>>)
        %dma_wait3A_383 = arith.constant 4 : i32
        %dma_wait3A_384 = arith.constant 4 : i32
        %dma_wait3A_385 = arith.constant 0 : i32
        %dma_wait3A_386 = tpu.memref_slice %arg8[%dma_wait3A_383, %dma_wait3A_385] : memref<5x128xi32, #tpu.memory_space<vmem>> -> memref<1x128xi32, #tpu.memory_space<vmem>>
        %dma_wait3A_387 = tpu.memref_squeeze %dma_wait3A_386 : memref<1x128xi32, #tpu.memory_space<vmem>> -> memref<128xi32, #tpu.memory_space<vmem>>
        %dma_wait3A_388 = arith.constant 0 : i32
        %dma_wait3A_389 = tpu.memref_slice %arg4[%add3A_167, %dma_wait3A_388] : memref<2560x128xi32, #tpu.memory_space<hbm>> -> memref<1x128xi32, #tpu.memory_space<hbm>>
        %dma_wait3A_390 = tpu.memref_squeeze %dma_wait3A_389 : memref<1x128xi32, #tpu.memory_space<hbm>> -> memref<128xi32, #tpu.memory_space<hbm>>
        %dma_wait3A_391 = tpu.memref_slice %arg15[%dma_wait3A_384] : memref<5x!tpu.dma_semaphore, #tpu.memory_space<semaphore_mem>> -> memref<1x!tpu.dma_semaphore, #tpu.memory_space<semaphore_mem>>
        %dma_wait3A_392 = tpu.memref_squeeze %dma_wait3A_391 : memref<1x!tpu.dma_semaphore, #tpu.memory_space<semaphore_mem>> -> memref<!tpu.dma_semaphore, #tpu.memory_space<semaphore_mem>>
        %dma_wait3A_393 = arith.constant 0 : i32
        %dma_wait3A_394 = tpu.memref_slice %arg8[%dma_wait3A_383, %dma_wait3A_393] : memref<5x128xi32, #tpu.memory_space<vmem>> -> memref<1x128xi32, #tpu.memory_space<vmem>>
        %dma_wait3A_395 = tpu.memref_squeeze %dma_wait3A_394 : memref<1x128xi32, #tpu.memory_space<vmem>> -> memref<128xi32, #tpu.memory_space<vmem>>
        %dma_wait3A_396 = arith.constant 0 : i32
        %dma_wait3A_397 = tpu.memref_slice %arg4[%add3A_167, %dma_wait3A_396] : memref<2560x128xi32, #tpu.memory_space<hbm>> -> memref<1x128xi32, #tpu.memory_space<hbm>>
        %dma_wait3A_398 = tpu.memref_squeeze %dma_wait3A_397 : memref<1x128xi32, #tpu.memory_space<hbm>> -> memref<128xi32, #tpu.memory_space<hbm>>
        tpu.wait_dma2 semaphore(%dma_wait3A_392 : memref<!tpu.dma_semaphore, #tpu.memory_space<semaphore_mem>>) src(%dma_wait3A_398 : memref<128xi32, #tpu.memory_space<hbm>>) dst(%dma_wait3A_395 : memref<128xi32, #tpu.memory_space<vmem>>)
        %dma_start3A_399 = arith.constant 4 : i32
        %dma_start3A_400 = arith.constant 4 : i32
        %dma_start3A_401 = arith.constant 0 : i32
        %dma_start3A_402 = tpu.memref_slice %arg7[%dma_start3A_399, %dma_start3A_401] : memref<5x128xi32, #tpu.memory_space<vmem>> -> memref<1x128xi32, #tpu.memory_space<vmem>>
        %dma_start3A_403 = tpu.memref_squeeze %dma_start3A_402 : memref<1x128xi32, #tpu.memory_space<vmem>> -> memref<128xi32, #tpu.memory_space<vmem>>
        %dma_start3A_404 = arith.constant 0 : i32
        %dma_start3A_405 = arith.constant 0 : i32
        %dma_start3A_406 = tpu.memref_slice %arg2[%dma_start3A_404, %dma_start3A_405] : memref<10240x128xf32, #tpu.memory_space<hbm>> -> memref<10240x128xf32, #tpu.memory_space<hbm>>
        %dma_start3A_407 = tpu.memref_slice %arg16[%dma_start3A_400] : memref<5x!tpu.dma_semaphore, #tpu.memory_space<semaphore_mem>> -> memref<1x!tpu.dma_semaphore, #tpu.memory_space<semaphore_mem>>
        %dma_start3A_408 = tpu.memref_squeeze %dma_start3A_407 : memref<1x!tpu.dma_semaphore, #tpu.memory_space<semaphore_mem>> -> memref<!tpu.dma_semaphore, #tpu.memory_space<semaphore_mem>>
        tpu.enqueue_indirect_dma source(%dma_start3A_406 : memref<10240x128xf32, #tpu.memory_space<hbm>>) target(%arg13 : memref<128x128xf32, #tpu.memory_space<vmem>>) offsets(%dma_start3A_403 : memref<128xi32, #tpu.memory_space<vmem>>) semaphore(%dma_start3A_408 : memref<!tpu.dma_semaphore, #tpu.memory_space<semaphore_mem>>)
        %dma_wait3A_409 = arith.constant 0 : i32
        %dma_wait3A_410 = arith.constant 0 : i32
        %dma_wait3A_411 = arith.constant 0 : i32
        %dma_wait3A_412 = tpu.memref_slice %arg7[%dma_wait3A_409, %dma_wait3A_411] : memref<5x128xi32, #tpu.memory_space<vmem>> -> memref<1x128xi32, #tpu.memory_space<vmem>>
        %dma_wait3A_413 = tpu.memref_squeeze %dma_wait3A_412 : memref<1x128xi32, #tpu.memory_space<vmem>> -> memref<128xi32, #tpu.memory_space<vmem>>
        %dma_wait3A_414 = arith.constant 0 : i32
        %dma_wait3A_415 = arith.constant 0 : i32
        %dma_wait3A_416 = tpu.memref_slice %arg2[%dma_wait3A_414, %dma_wait3A_415] : memref<10240x128xf32, #tpu.memory_space<hbm>> -> memref<10240x128xf32, #tpu.memory_space<hbm>>
        %dma_wait3A_417 = tpu.memref_slice %arg16[%dma_wait3A_410] : memref<5x!tpu.dma_semaphore, #tpu.memory_space<semaphore_mem>> -> memref<1x!tpu.dma_semaphore, #tpu.memory_space<semaphore_mem>>
        %dma_wait3A_418 = tpu.memref_squeeze %dma_wait3A_417 : memref<1x!tpu.dma_semaphore, #tpu.memory_space<semaphore_mem>> -> memref<!tpu.dma_semaphore, #tpu.memory_space<semaphore_mem>>
        tpu.wait_indirect_dma semaphore(%dma_wait3A_418 : memref<!tpu.dma_semaphore, #tpu.memory_space<semaphore_mem>>) src(%dma_wait3A_416 : memref<10240x128xf32, #tpu.memory_space<hbm>>) dst(%arg9 : memref<128x128xf32, #tpu.memory_space<vmem>>)
        %dma_start3A_419 = arith.constant 0 : i32
        %dma_start3A_420 = arith.constant 0 : i32
        %dma_start3A_421 = arith.constant 0 : i32
        %dma_start3A_422 = tpu.memref_slice %arg8[%dma_start3A_419, %dma_start3A_421] : memref<5x128xi32, #tpu.memory_space<vmem>> -> memref<1x128xi32, #tpu.memory_space<vmem>>
        %dma_start3A_423 = tpu.memref_squeeze %dma_start3A_422 : memref<1x128xi32, #tpu.memory_space<vmem>> -> memref<128xi32, #tpu.memory_space<vmem>>
        %dma_start3A_424 = arith.constant 0 : i32
        %dma_start3A_425 = arith.constant 0 : i32
        %dma_start3A_426 = tpu.memref_slice %arg14[%dma_start3A_424, %dma_start3A_425] : memref<5120x128xf32, #tpu.memory_space<vmem_shared>> -> memref<5120x128xf32, #tpu.memory_space<vmem_shared>>
        %dma_start3A_427 = tpu.memref_slice %arg17[%dma_start3A_420] : memref<5x!tpu.dma_semaphore, #tpu.memory_space<semaphore_mem>> -> memref<1x!tpu.dma_semaphore, #tpu.memory_space<semaphore_mem>>
        %dma_start3A_428 = tpu.memref_squeeze %dma_start3A_427 : memref<1x!tpu.dma_semaphore, #tpu.memory_space<semaphore_mem>> -> memref<!tpu.dma_semaphore, #tpu.memory_space<semaphore_mem>>
        tpu.enqueue_indirect_dma source(%arg9 : memref<128x128xf32, #tpu.memory_space<vmem>>) target(%dma_start3A_426 : memref<5120x128xf32, #tpu.memory_space<vmem_shared>>) offsets(%dma_start3A_423 : memref<128xi32, #tpu.memory_space<vmem>>) semaphore(%dma_start3A_428 : memref<!tpu.dma_semaphore, #tpu.memory_space<semaphore_mem>>) {add = true}
        %dma_wait3A_429 = arith.constant 1 : i32
        %dma_wait3A_430 = arith.constant 1 : i32
        %dma_wait3A_431 = arith.constant 0 : i32
        %dma_wait3A_432 = tpu.memref_slice %arg7[%dma_wait3A_429, %dma_wait3A_431] : memref<5x128xi32, #tpu.memory_space<vmem>> -> memref<1x128xi32, #tpu.memory_space<vmem>>
        %dma_wait3A_433 = tpu.memref_squeeze %dma_wait3A_432 : memref<1x128xi32, #tpu.memory_space<vmem>> -> memref<128xi32, #tpu.memory_space<vmem>>
        %dma_wait3A_434 = arith.constant 0 : i32
        %dma_wait3A_435 = arith.constant 0 : i32
        %dma_wait3A_436 = tpu.memref_slice %arg2[%dma_wait3A_434, %dma_wait3A_435] : memref<10240x128xf32, #tpu.memory_space<hbm>> -> memref<10240x128xf32, #tpu.memory_space<hbm>>
        %dma_wait3A_437 = tpu.memref_slice %arg16[%dma_wait3A_430] : memref<5x!tpu.dma_semaphore, #tpu.memory_space<semaphore_mem>> -> memref<1x!tpu.dma_semaphore, #tpu.memory_space<semaphore_mem>>
        %dma_wait3A_438 = tpu.memref_squeeze %dma_wait3A_437 : memref<1x!tpu.dma_semaphore, #tpu.memory_space<semaphore_mem>> -> memref<!tpu.dma_semaphore, #tpu.memory_space<semaphore_mem>>
        tpu.wait_indirect_dma semaphore(%dma_wait3A_438 : memref<!tpu.dma_semaphore, #tpu.memory_space<semaphore_mem>>) src(%dma_wait3A_436 : memref<10240x128xf32, #tpu.memory_space<hbm>>) dst(%arg10 : memref<128x128xf32, #tpu.memory_space<vmem>>)
        %dma_start3A_439 = arith.constant 1 : i32
        %dma_start3A_440 = arith.constant 1 : i32
        %dma_start3A_441 = arith.constant 0 : i32
        %dma_start3A_442 = tpu.memref_slice %arg8[%dma_start3A_439, %dma_start3A_441] : memref<5x128xi32, #tpu.memory_space<vmem>> -> memref<1x128xi32, #tpu.memory_space<vmem>>
        %dma_start3A_443 = tpu.memref_squeeze %dma_start3A_442 : memref<1x128xi32, #tpu.memory_space<vmem>> -> memref<128xi32, #tpu.memory_space<vmem>>
        %dma_start3A_444 = arith.constant 0 : i32
        %dma_start3A_445 = arith.constant 0 : i32
        %dma_start3A_446 = tpu.memref_slice %arg14[%dma_start3A_444, %dma_start3A_445] : memref<5120x128xf32, #tpu.memory_space<vmem_shared>> -> memref<5120x128xf32, #tpu.memory_space<vmem_shared>>
        %dma_start3A_447 = tpu.memref_slice %arg17[%dma_start3A_440] : memref<5x!tpu.dma_semaphore, #tpu.memory_space<semaphore_mem>> -> memref<1x!tpu.dma_semaphore, #tpu.memory_space<semaphore_mem>>
        %dma_start3A_448 = tpu.memref_squeeze %dma_start3A_447 : memref<1x!tpu.dma_semaphore, #tpu.memory_space<semaphore_mem>> -> memref<!tpu.dma_semaphore, #tpu.memory_space<semaphore_mem>>
        tpu.enqueue_indirect_dma source(%arg10 : memref<128x128xf32, #tpu.memory_space<vmem>>) target(%dma_start3A_446 : memref<5120x128xf32, #tpu.memory_space<vmem_shared>>) offsets(%dma_start3A_443 : memref<128xi32, #tpu.memory_space<vmem>>) semaphore(%dma_start3A_448 : memref<!tpu.dma_semaphore, #tpu.memory_space<semaphore_mem>>) {add = true}
        %dma_wait3A_449 = arith.constant 2 : i32
        %dma_wait3A_450 = arith.constant 2 : i32
        %dma_wait3A_451 = arith.constant 0 : i32
        %dma_wait3A_452 = tpu.memref_slice %arg7[%dma_wait3A_449, %dma_wait3A_451] : memref<5x128xi32, #tpu.memory_space<vmem>> -> memref<1x128xi32, #tpu.memory_space<vmem>>
        %dma_wait3A_453 = tpu.memref_squeeze %dma_wait3A_452 : memref<1x128xi32, #tpu.memory_space<vmem>> -> memref<128xi32, #tpu.memory_space<vmem>>
        %dma_wait3A_454 = arith.constant 0 : i32
        %dma_wait3A_455 = arith.constant 0 : i32
        %dma_wait3A_456 = tpu.memref_slice %arg2[%dma_wait3A_454, %dma_wait3A_455] : memref<10240x128xf32, #tpu.memory_space<hbm>> -> memref<10240x128xf32, #tpu.memory_space<hbm>>
        %dma_wait3A_457 = tpu.memref_slice %arg16[%dma_wait3A_450] : memref<5x!tpu.dma_semaphore, #tpu.memory_space<semaphore_mem>> -> memref<1x!tpu.dma_semaphore, #tpu.memory_space<semaphore_mem>>
        %dma_wait3A_458 = tpu.memref_squeeze %dma_wait3A_457 : memref<1x!tpu.dma_semaphore, #tpu.memory_space<semaphore_mem>> -> memref<!tpu.dma_semaphore, #tpu.memory_space<semaphore_mem>>
        tpu.wait_indirect_dma semaphore(%dma_wait3A_458 : memref<!tpu.dma_semaphore, #tpu.memory_space<semaphore_mem>>) src(%dma_wait3A_456 : memref<10240x128xf32, #tpu.memory_space<hbm>>) dst(%arg11 : memref<128x128xf32, #tpu.memory_space<vmem>>)
        %dma_start3A_459 = arith.constant 2 : i32
        %dma_start3A_460 = arith.constant 2 : i32
        %dma_start3A_461 = arith.constant 0 : i32
        %dma_start3A_462 = tpu.memref_slice %arg8[%dma_start3A_459, %dma_start3A_461] : memref<5x128xi32, #tpu.memory_space<vmem>> -> memref<1x128xi32, #tpu.memory_space<vmem>>
        %dma_start3A_463 = tpu.memref_squeeze %dma_start3A_462 : memref<1x128xi32, #tpu.memory_space<vmem>> -> memref<128xi32, #tpu.memory_space<vmem>>
        %dma_start3A_464 = arith.constant 0 : i32
        %dma_start3A_465 = arith.constant 0 : i32
        %dma_start3A_466 = tpu.memref_slice %arg14[%dma_start3A_464, %dma_start3A_465] : memref<5120x128xf32, #tpu.memory_space<vmem_shared>> -> memref<5120x128xf32, #tpu.memory_space<vmem_shared>>
        %dma_start3A_467 = tpu.memref_slice %arg17[%dma_start3A_460] : memref<5x!tpu.dma_semaphore, #tpu.memory_space<semaphore_mem>> -> memref<1x!tpu.dma_semaphore, #tpu.memory_space<semaphore_mem>>
        %dma_start3A_468 = tpu.memref_squeeze %dma_start3A_467 : memref<1x!tpu.dma_semaphore, #tpu.memory_space<semaphore_mem>> -> memref<!tpu.dma_semaphore, #tpu.memory_space<semaphore_mem>>
        tpu.enqueue_indirect_dma source(%arg11 : memref<128x128xf32, #tpu.memory_space<vmem>>) target(%dma_start3A_466 : memref<5120x128xf32, #tpu.memory_space<vmem_shared>>) offsets(%dma_start3A_463 : memref<128xi32, #tpu.memory_space<vmem>>) semaphore(%dma_start3A_468 : memref<!tpu.dma_semaphore, #tpu.memory_space<semaphore_mem>>) {add = true}
        %dma_wait3A_469 = arith.constant 3 : i32
        %dma_wait3A_470 = arith.constant 3 : i32
        %dma_wait3A_471 = arith.constant 0 : i32
        %dma_wait3A_472 = tpu.memref_slice %arg7[%dma_wait3A_469, %dma_wait3A_471] : memref<5x128xi32, #tpu.memory_space<vmem>> -> memref<1x128xi32, #tpu.memory_space<vmem>>
        %dma_wait3A_473 = tpu.memref_squeeze %dma_wait3A_472 : memref<1x128xi32, #tpu.memory_space<vmem>> -> memref<128xi32, #tpu.memory_space<vmem>>
        %dma_wait3A_474 = arith.constant 0 : i32
        %dma_wait3A_475 = arith.constant 0 : i32
        %dma_wait3A_476 = tpu.memref_slice %arg2[%dma_wait3A_474, %dma_wait3A_475] : memref<10240x128xf32, #tpu.memory_space<hbm>> -> memref<10240x128xf32, #tpu.memory_space<hbm>>
        %dma_wait3A_477 = tpu.memref_slice %arg16[%dma_wait3A_470] : memref<5x!tpu.dma_semaphore, #tpu.memory_space<semaphore_mem>> -> memref<1x!tpu.dma_semaphore, #tpu.memory_space<semaphore_mem>>
        %dma_wait3A_478 = tpu.memref_squeeze %dma_wait3A_477 : memref<1x!tpu.dma_semaphore, #tpu.memory_space<semaphore_mem>> -> memref<!tpu.dma_semaphore, #tpu.memory_space<semaphore_mem>>
        tpu.wait_indirect_dma semaphore(%dma_wait3A_478 : memref<!tpu.dma_semaphore, #tpu.memory_space<semaphore_mem>>) src(%dma_wait3A_476 : memref<10240x128xf32, #tpu.memory_space<hbm>>) dst(%arg12 : memref<128x128xf32, #tpu.memory_space<vmem>>)
        %dma_start3A_479 = arith.constant 3 : i32
        %dma_start3A_480 = arith.constant 3 : i32
        %dma_start3A_481 = arith.constant 0 : i32
        %dma_start3A_482 = tpu.memref_slice %arg8[%dma_start3A_479, %dma_start3A_481] : memref<5x128xi32, #tpu.memory_space<vmem>> -> memref<1x128xi32, #tpu.memory_space<vmem>>
        %dma_start3A_483 = tpu.memref_squeeze %dma_start3A_482 : memref<1x128xi32, #tpu.memory_space<vmem>> -> memref<128xi32, #tpu.memory_space<vmem>>
        %dma_start3A_484 = arith.constant 0 : i32
        %dma_start3A_485 = arith.constant 0 : i32
        %dma_start3A_486 = tpu.memref_slice %arg14[%dma_start3A_484, %dma_start3A_485] : memref<5120x128xf32, #tpu.memory_space<vmem_shared>> -> memref<5120x128xf32, #tpu.memory_space<vmem_shared>>
        %dma_start3A_487 = tpu.memref_slice %arg17[%dma_start3A_480] : memref<5x!tpu.dma_semaphore, #tpu.memory_space<semaphore_mem>> -> memref<1x!tpu.dma_semaphore, #tpu.memory_space<semaphore_mem>>
        %dma_start3A_488 = tpu.memref_squeeze %dma_start3A_487 : memref<1x!tpu.dma_semaphore, #tpu.memory_space<semaphore_mem>> -> memref<!tpu.dma_semaphore, #tpu.memory_space<semaphore_mem>>
        tpu.enqueue_indirect_dma source(%arg12 : memref<128x128xf32, #tpu.memory_space<vmem>>) target(%dma_start3A_486 : memref<5120x128xf32, #tpu.memory_space<vmem_shared>>) offsets(%dma_start3A_483 : memref<128xi32, #tpu.memory_space<vmem>>) semaphore(%dma_start3A_488 : memref<!tpu.dma_semaphore, #tpu.memory_space<semaphore_mem>>) {add = true}
        %dma_wait3A_489 = arith.constant 4 : i32
        %dma_wait3A_490 = arith.constant 4 : i32
        %dma_wait3A_491 = arith.constant 0 : i32
        %dma_wait3A_492 = tpu.memref_slice %arg7[%dma_wait3A_489, %dma_wait3A_491] : memref<5x128xi32, #tpu.memory_space<vmem>> -> memref<1x128xi32, #tpu.memory_space<vmem>>
        %dma_wait3A_493 = tpu.memref_squeeze %dma_wait3A_492 : memref<1x128xi32, #tpu.memory_space<vmem>> -> memref<128xi32, #tpu.memory_space<vmem>>
        %dma_wait3A_494 = arith.constant 0 : i32
        %dma_wait3A_495 = arith.constant 0 : i32
        %dma_wait3A_496 = tpu.memref_slice %arg2[%dma_wait3A_494, %dma_wait3A_495] : memref<10240x128xf32, #tpu.memory_space<hbm>> -> memref<10240x128xf32, #tpu.memory_space<hbm>>
        %dma_wait3A_497 = tpu.memref_slice %arg16[%dma_wait3A_490] : memref<5x!tpu.dma_semaphore, #tpu.memory_space<semaphore_mem>> -> memref<1x!tpu.dma_semaphore, #tpu.memory_space<semaphore_mem>>
        %dma_wait3A_498 = tpu.memref_squeeze %dma_wait3A_497 : memref<1x!tpu.dma_semaphore, #tpu.memory_space<semaphore_mem>> -> memref<!tpu.dma_semaphore, #tpu.memory_space<semaphore_mem>>
        tpu.wait_indirect_dma semaphore(%dma_wait3A_498 : memref<!tpu.dma_semaphore, #tpu.memory_space<semaphore_mem>>) src(%dma_wait3A_496 : memref<10240x128xf32, #tpu.memory_space<hbm>>) dst(%arg13 : memref<128x128xf32, #tpu.memory_space<vmem>>)
        %dma_start3A_499 = arith.constant 4 : i32
        %dma_start3A_500 = arith.constant 4 : i32
        %dma_start3A_501 = arith.constant 0 : i32
        %dma_start3A_502 = tpu.memref_slice %arg8[%dma_start3A_499, %dma_start3A_501] : memref<5x128xi32, #tpu.memory_space<vmem>> -> memref<1x128xi32, #tpu.memory_space<vmem>>
        %dma_start3A_503 = tpu.memref_squeeze %dma_start3A_502 : memref<1x128xi32, #tpu.memory_space<vmem>> -> memref<128xi32, #tpu.memory_space<vmem>>
        %dma_start3A_504 = arith.constant 0 : i32
        %dma_start3A_505 = arith.constant 0 : i32
        %dma_start3A_506 = tpu.memref_slice %arg14[%dma_start3A_504, %dma_start3A_505] : memref<5120x128xf32, #tpu.memory_space<vmem_shared>> -> memref<5120x128xf32, #tpu.memory_space<vmem_shared>>
        %dma_start3A_507 = tpu.memref_slice %arg17[%dma_start3A_500] : memref<5x!tpu.dma_semaphore, #tpu.memory_space<semaphore_mem>> -> memref<1x!tpu.dma_semaphore, #tpu.memory_space<semaphore_mem>>
        %dma_start3A_508 = tpu.memref_squeeze %dma_start3A_507 : memref<1x!tpu.dma_semaphore, #tpu.memory_space<semaphore_mem>> -> memref<!tpu.dma_semaphore, #tpu.memory_space<semaphore_mem>>
        tpu.enqueue_indirect_dma source(%arg13 : memref<128x128xf32, #tpu.memory_space<vmem>>) target(%dma_start3A_506 : memref<5120x128xf32, #tpu.memory_space<vmem_shared>>) offsets(%dma_start3A_503 : memref<128xi32, #tpu.memory_space<vmem>>) semaphore(%dma_start3A_508 : memref<!tpu.dma_semaphore, #tpu.memory_space<semaphore_mem>>) {add = true}
        %dma_wait3A_509 = arith.constant 0 : i32
        %dma_wait3A_510 = arith.constant 0 : i32
        %dma_wait3A_511 = arith.constant 0 : i32
        %dma_wait3A_512 = tpu.memref_slice %arg8[%dma_wait3A_509, %dma_wait3A_511] : memref<5x128xi32, #tpu.memory_space<vmem>> -> memref<1x128xi32, #tpu.memory_space<vmem>>
        %dma_wait3A_513 = tpu.memref_squeeze %dma_wait3A_512 : memref<1x128xi32, #tpu.memory_space<vmem>> -> memref<128xi32, #tpu.memory_space<vmem>>
        %dma_wait3A_514 = arith.constant 0 : i32
        %dma_wait3A_515 = arith.constant 0 : i32
        %dma_wait3A_516 = tpu.memref_slice %arg14[%dma_wait3A_514, %dma_wait3A_515] : memref<5120x128xf32, #tpu.memory_space<vmem_shared>> -> memref<5120x128xf32, #tpu.memory_space<vmem_shared>>
        %dma_wait3A_517 = tpu.memref_slice %arg17[%dma_wait3A_510] : memref<5x!tpu.dma_semaphore, #tpu.memory_space<semaphore_mem>> -> memref<1x!tpu.dma_semaphore, #tpu.memory_space<semaphore_mem>>
        %dma_wait3A_518 = tpu.memref_squeeze %dma_wait3A_517 : memref<1x!tpu.dma_semaphore, #tpu.memory_space<semaphore_mem>> -> memref<!tpu.dma_semaphore, #tpu.memory_space<semaphore_mem>>
        tpu.wait_indirect_dma semaphore(%dma_wait3A_518 : memref<!tpu.dma_semaphore, #tpu.memory_space<semaphore_mem>>) src(%arg9 : memref<128x128xf32, #tpu.memory_space<vmem>>) dst(%dma_wait3A_516 : memref<5120x128xf32, #tpu.memory_space<vmem_shared>>)
        %dma_wait3A_519 = arith.constant 1 : i32
        %dma_wait3A_520 = arith.constant 1 : i32
        %dma_wait3A_521 = arith.constant 0 : i32
        %dma_wait3A_522 = tpu.memref_slice %arg8[%dma_wait3A_519, %dma_wait3A_521] : memref<5x128xi32, #tpu.memory_space<vmem>> -> memref<1x128xi32, #tpu.memory_space<vmem>>
        %dma_wait3A_523 = tpu.memref_squeeze %dma_wait3A_522 : memref<1x128xi32, #tpu.memory_space<vmem>> -> memref<128xi32, #tpu.memory_space<vmem>>
        %dma_wait3A_524 = arith.constant 0 : i32
        %dma_wait3A_525 = arith.constant 0 : i32
        %dma_wait3A_526 = tpu.memref_slice %arg14[%dma_wait3A_524, %dma_wait3A_525] : memref<5120x128xf32, #tpu.memory_space<vmem_shared>> -> memref<5120x128xf32, #tpu.memory_space<vmem_shared>>
        %dma_wait3A_527 = tpu.memref_slice %arg17[%dma_wait3A_520] : memref<5x!tpu.dma_semaphore, #tpu.memory_space<semaphore_mem>> -> memref<1x!tpu.dma_semaphore, #tpu.memory_space<semaphore_mem>>
        %dma_wait3A_528 = tpu.memref_squeeze %dma_wait3A_527 : memref<1x!tpu.dma_semaphore, #tpu.memory_space<semaphore_mem>> -> memref<!tpu.dma_semaphore, #tpu.memory_space<semaphore_mem>>
        tpu.wait_indirect_dma semaphore(%dma_wait3A_528 : memref<!tpu.dma_semaphore, #tpu.memory_space<semaphore_mem>>) src(%arg10 : memref<128x128xf32, #tpu.memory_space<vmem>>) dst(%dma_wait3A_526 : memref<5120x128xf32, #tpu.memory_space<vmem_shared>>)
        %dma_wait3A_529 = arith.constant 2 : i32
        %dma_wait3A_530 = arith.constant 2 : i32
        %dma_wait3A_531 = arith.constant 0 : i32
        %dma_wait3A_532 = tpu.memref_slice %arg8[%dma_wait3A_529, %dma_wait3A_531] : memref<5x128xi32, #tpu.memory_space<vmem>> -> memref<1x128xi32, #tpu.memory_space<vmem>>
        %dma_wait3A_533 = tpu.memref_squeeze %dma_wait3A_532 : memref<1x128xi32, #tpu.memory_space<vmem>> -> memref<128xi32, #tpu.memory_space<vmem>>
        %dma_wait3A_534 = arith.constant 0 : i32
        %dma_wait3A_535 = arith.constant 0 : i32
        %dma_wait3A_536 = tpu.memref_slice %arg14[%dma_wait3A_534, %dma_wait3A_535] : memref<5120x128xf32, #tpu.memory_space<vmem_shared>> -> memref<5120x128xf32, #tpu.memory_space<vmem_shared>>
        %dma_wait3A_537 = tpu.memref_slice %arg17[%dma_wait3A_530] : memref<5x!tpu.dma_semaphore, #tpu.memory_space<semaphore_mem>> -> memref<1x!tpu.dma_semaphore, #tpu.memory_space<semaphore_mem>>
        %dma_wait3A_538 = tpu.memref_squeeze %dma_wait3A_537 : memref<1x!tpu.dma_semaphore, #tpu.memory_space<semaphore_mem>> -> memref<!tpu.dma_semaphore, #tpu.memory_space<semaphore_mem>>
        tpu.wait_indirect_dma semaphore(%dma_wait3A_538 : memref<!tpu.dma_semaphore, #tpu.memory_space<semaphore_mem>>) src(%arg11 : memref<128x128xf32, #tpu.memory_space<vmem>>) dst(%dma_wait3A_536 : memref<5120x128xf32, #tpu.memory_space<vmem_shared>>)
        %dma_wait3A_539 = arith.constant 3 : i32
        %dma_wait3A_540 = arith.constant 3 : i32
        %dma_wait3A_541 = arith.constant 0 : i32
        %dma_wait3A_542 = tpu.memref_slice %arg8[%dma_wait3A_539, %dma_wait3A_541] : memref<5x128xi32, #tpu.memory_space<vmem>> -> memref<1x128xi32, #tpu.memory_space<vmem>>
        %dma_wait3A_543 = tpu.memref_squeeze %dma_wait3A_542 : memref<1x128xi32, #tpu.memory_space<vmem>> -> memref<128xi32, #tpu.memory_space<vmem>>
        %dma_wait3A_544 = arith.constant 0 : i32
        %dma_wait3A_545 = arith.constant 0 : i32
        %dma_wait3A_546 = tpu.memref_slice %arg14[%dma_wait3A_544, %dma_wait3A_545] : memref<5120x128xf32, #tpu.memory_space<vmem_shared>> -> memref<5120x128xf32, #tpu.memory_space<vmem_shared>>
        %dma_wait3A_547 = tpu.memref_slice %arg17[%dma_wait3A_540] : memref<5x!tpu.dma_semaphore, #tpu.memory_space<semaphore_mem>> -> memref<1x!tpu.dma_semaphore, #tpu.memory_space<semaphore_mem>>
        %dma_wait3A_548 = tpu.memref_squeeze %dma_wait3A_547 : memref<1x!tpu.dma_semaphore, #tpu.memory_space<semaphore_mem>> -> memref<!tpu.dma_semaphore, #tpu.memory_space<semaphore_mem>>
        tpu.wait_indirect_dma semaphore(%dma_wait3A_548 : memref<!tpu.dma_semaphore, #tpu.memory_space<semaphore_mem>>) src(%arg12 : memref<128x128xf32, #tpu.memory_space<vmem>>) dst(%dma_wait3A_546 : memref<5120x128xf32, #tpu.memory_space<vmem_shared>>)
        %dma_wait3A_549 = arith.constant 4 : i32
        %dma_wait3A_550 = arith.constant 4 : i32
        %dma_wait3A_551 = arith.constant 0 : i32
        %dma_wait3A_552 = tpu.memref_slice %arg8[%dma_wait3A_549, %dma_wait3A_551] : memref<5x128xi32, #tpu.memory_space<vmem>> -> memref<1x128xi32, #tpu.memory_space<vmem>>
        %dma_wait3A_553 = tpu.memref_squeeze %dma_wait3A_552 : memref<1x128xi32, #tpu.memory_space<vmem>> -> memref<128xi32, #tpu.memory_space<vmem>>
        %dma_wait3A_554 = arith.constant 0 : i32
        %dma_wait3A_555 = arith.constant 0 : i32
        %dma_wait3A_556 = tpu.memref_slice %arg14[%dma_wait3A_554, %dma_wait3A_555] : memref<5120x128xf32, #tpu.memory_space<vmem_shared>> -> memref<5120x128xf32, #tpu.memory_space<vmem_shared>>
        %dma_wait3A_557 = tpu.memref_slice %arg17[%dma_wait3A_550] : memref<5x!tpu.dma_semaphore, #tpu.memory_space<semaphore_mem>> -> memref<1x!tpu.dma_semaphore, #tpu.memory_space<semaphore_mem>>
        %dma_wait3A_558 = tpu.memref_squeeze %dma_wait3A_557 : memref<1x!tpu.dma_semaphore, #tpu.memory_space<semaphore_mem>> -> memref<!tpu.dma_semaphore, #tpu.memory_space<semaphore_mem>>
        tpu.wait_indirect_dma semaphore(%dma_wait3A_558 : memref<!tpu.dma_semaphore, #tpu.memory_space<semaphore_mem>>) src(%arg13 : memref<128x128xf32, #tpu.memory_space<vmem>>) dst(%dma_wait3A_556 : memref<5120x128xf32, #tpu.memory_space<vmem_shared>>)
      }
      %scan3A_20 = arith.constant 30 : i32
    } else {
    }
    %eq3A_5 = arith.constant 1 : i32
    %eq3A_6 = arith.cmpi eq, %arg0, %eq3A_5 : i32
    %convert_element_type3A_7 = arith.extui %eq3A_6 : i1 to i32
    %cond3A_8 = arith.constant 0 : i32
    %cond3A_9 = arith.cmpi ne, %convert_element_type3A_7, %cond3A_8 : i32
    scf.if %cond3A_9 {
      %mul3A_15 = arith.constant 10 : i32
      %mul3A_16 = arith.muli %arg1, %mul3A_15 : i32
      %add3A_17 = arith.constant 2400 : i32
      %add3A_18 = arith.addi %add3A_17, %mul3A_16 : i32
      %scan3A = arith.constant 0 : i32
      %scan3A_19 = arith.constant 2 : i32
      %scan3A_20 = arith.addi %scan3A, %scan3A_19 : i32
      %scan3A_21 = arith.constant 1 : i32
      scf.for %scan3A_23 = %scan3A to %scan3A_20 step %scan3A_21  : i32 {
        %mul3A_24 = arith.constant 5 : i32
        %mul3A_25 = arith.muli %scan3A_23, %mul3A_24 : i32
        %add3A_26 = arith.constant 0 : i32
        %add3A_27 = arith.addi %add3A_26, %mul3A_25 : i32
        %add3A_28 = arith.addi %add3A_18, %add3A_27 : i32
        %add3A_29 = arith.constant 0 : i32
        %add3A_30 = arith.addi %add3A_28, %add3A_29 : i32
        %dma_start3A = arith.constant 0 : i32
        %dma_start3A_31 = arith.constant 0 : i32
        %dma_start3A_32 = arith.constant 0 : i32
        %dma_start3A_33 = tpu.memref_slice %arg7[%dma_start3A, %dma_start3A_32] : memref<5x128xi32, #tpu.memory_space<vmem>> -> memref<1x128xi32, #tpu.memory_space<vmem>>
        %dma_start3A_34 = tpu.memref_squeeze %dma_start3A_33 : memref<1x128xi32, #tpu.memory_space<vmem>> -> memref<128xi32, #tpu.memory_space<vmem>>
        %dma_start3A_35 = arith.constant 0 : i32
        %dma_start3A_36 = tpu.memref_slice %arg3[%add3A_30, %dma_start3A_35] : memref<2560x128xi32, #tpu.memory_space<hbm>> -> memref<1x128xi32, #tpu.memory_space<hbm>>
        %dma_start3A_37 = tpu.memref_squeeze %dma_start3A_36 : memref<1x128xi32, #tpu.memory_space<hbm>> -> memref<128xi32, #tpu.memory_space<hbm>>
        %dma_start3A_38 = tpu.memref_slice %arg15[%dma_start3A_31] : memref<5x!tpu.dma_semaphore, #tpu.memory_space<semaphore_mem>> -> memref<1x!tpu.dma_semaphore, #tpu.memory_space<semaphore_mem>>
        %dma_start3A_39 = tpu.memref_squeeze %dma_start3A_38 : memref<1x!tpu.dma_semaphore, #tpu.memory_space<semaphore_mem>> -> memref<!tpu.dma_semaphore, #tpu.memory_space<semaphore_mem>>
        %dma_start3A_40 = arith.constant 0 : i32
        %dma_start3A_41 = tpu.memref_slice %arg7[%dma_start3A, %dma_start3A_40] : memref<5x128xi32, #tpu.memory_space<vmem>> -> memref<1x128xi32, #tpu.memory_space<vmem>>
        %dma_start3A_42 = tpu.memref_squeeze %dma_start3A_41 : memref<1x128xi32, #tpu.memory_space<vmem>> -> memref<128xi32, #tpu.memory_space<vmem>>
        %dma_start3A_43 = arith.constant 0 : i32
        %dma_start3A_44 = tpu.memref_slice %arg3[%add3A_30, %dma_start3A_43] : memref<2560x128xi32, #tpu.memory_space<hbm>> -> memref<1x128xi32, #tpu.memory_space<hbm>>
        %dma_start3A_45 = tpu.memref_squeeze %dma_start3A_44 : memref<1x128xi32, #tpu.memory_space<hbm>> -> memref<128xi32, #tpu.memory_space<hbm>>
        tpu.enqueue_dma source(%dma_start3A_45 : memref<128xi32, #tpu.memory_space<hbm>>) target(%dma_start3A_42 : memref<128xi32, #tpu.memory_space<vmem>>) target_semaphore(%dma_start3A_39 : memref<!tpu.dma_semaphore, #tpu.memory_space<semaphore_mem>>)
        %dma_start3A_46 = arith.constant 0 : i32
        %dma_start3A_47 = arith.constant 0 : i32
        %dma_start3A_48 = arith.constant 0 : i32
        %dma_start3A_49 = tpu.memref_slice %arg8[%dma_start3A_46, %dma_start3A_48] : memref<5x128xi32, #tpu.memory_space<vmem>> -> memref<1x128xi32, #tpu.memory_space<vmem>>
        %dma_start3A_50 = tpu.memref_squeeze %dma_start3A_49 : memref<1x128xi32, #tpu.memory_space<vmem>> -> memref<128xi32, #tpu.memory_space<vmem>>
        %dma_start3A_51 = arith.constant 0 : i32
        %dma_start3A_52 = tpu.memref_slice %arg4[%add3A_30, %dma_start3A_51] : memref<2560x128xi32, #tpu.memory_space<hbm>> -> memref<1x128xi32, #tpu.memory_space<hbm>>
        %dma_start3A_53 = tpu.memref_squeeze %dma_start3A_52 : memref<1x128xi32, #tpu.memory_space<hbm>> -> memref<128xi32, #tpu.memory_space<hbm>>
        %dma_start3A_54 = tpu.memref_slice %arg15[%dma_start3A_47] : memref<5x!tpu.dma_semaphore, #tpu.memory_space<semaphore_mem>> -> memref<1x!tpu.dma_semaphore, #tpu.memory_space<semaphore_mem>>
        %dma_start3A_55 = tpu.memref_squeeze %dma_start3A_54 : memref<1x!tpu.dma_semaphore, #tpu.memory_space<semaphore_mem>> -> memref<!tpu.dma_semaphore, #tpu.memory_space<semaphore_mem>>
        %dma_start3A_56 = arith.constant 0 : i32
        %dma_start3A_57 = tpu.memref_slice %arg8[%dma_start3A_46, %dma_start3A_56] : memref<5x128xi32, #tpu.memory_space<vmem>> -> memref<1x128xi32, #tpu.memory_space<vmem>>
        %dma_start3A_58 = tpu.memref_squeeze %dma_start3A_57 : memref<1x128xi32, #tpu.memory_space<vmem>> -> memref<128xi32, #tpu.memory_space<vmem>>
        %dma_start3A_59 = arith.constant 0 : i32
        %dma_start3A_60 = tpu.memref_slice %arg4[%add3A_30, %dma_start3A_59] : memref<2560x128xi32, #tpu.memory_space<hbm>> -> memref<1x128xi32, #tpu.memory_space<hbm>>
        %dma_start3A_61 = tpu.memref_squeeze %dma_start3A_60 : memref<1x128xi32, #tpu.memory_space<hbm>> -> memref<128xi32, #tpu.memory_space<hbm>>
        tpu.enqueue_dma source(%dma_start3A_61 : memref<128xi32, #tpu.memory_space<hbm>>) target(%dma_start3A_58 : memref<128xi32, #tpu.memory_space<vmem>>) target_semaphore(%dma_start3A_55 : memref<!tpu.dma_semaphore, #tpu.memory_space<semaphore_mem>>)
        %add3A_62 = arith.addi %add3A_18, %add3A_27 : i32
        %add3A_63 = arith.constant 1 : i32
        %add3A_64 = arith.addi %add3A_62, %add3A_63 : i32
        %dma_start3A_65 = arith.constant 1 : i32
        %dma_start3A_66 = arith.constant 1 : i32
        %dma_start3A_67 = arith.constant 0 : i32
        %dma_start3A_68 = tpu.memref_slice %arg7[%dma_start3A_65, %dma_start3A_67] : memref<5x128xi32, #tpu.memory_space<vmem>> -> memref<1x128xi32, #tpu.memory_space<vmem>>
        %dma_start3A_69 = tpu.memref_squeeze %dma_start3A_68 : memref<1x128xi32, #tpu.memory_space<vmem>> -> memref<128xi32, #tpu.memory_space<vmem>>
        %dma_start3A_70 = arith.constant 0 : i32
        %dma_start3A_71 = tpu.memref_slice %arg3[%add3A_64, %dma_start3A_70] : memref<2560x128xi32, #tpu.memory_space<hbm>> -> memref<1x128xi32, #tpu.memory_space<hbm>>
        %dma_start3A_72 = tpu.memref_squeeze %dma_start3A_71 : memref<1x128xi32, #tpu.memory_space<hbm>> -> memref<128xi32, #tpu.memory_space<hbm>>
        %dma_start3A_73 = tpu.memref_slice %arg15[%dma_start3A_66] : memref<5x!tpu.dma_semaphore, #tpu.memory_space<semaphore_mem>> -> memref<1x!tpu.dma_semaphore, #tpu.memory_space<semaphore_mem>>
        %dma_start3A_74 = tpu.memref_squeeze %dma_start3A_73 : memref<1x!tpu.dma_semaphore, #tpu.memory_space<semaphore_mem>> -> memref<!tpu.dma_semaphore, #tpu.memory_space<semaphore_mem>>
        %dma_start3A_75 = arith.constant 0 : i32
        %dma_start3A_76 = tpu.memref_slice %arg7[%dma_start3A_65, %dma_start3A_75] : memref<5x128xi32, #tpu.memory_space<vmem>> -> memref<1x128xi32, #tpu.memory_space<vmem>>
        %dma_start3A_77 = tpu.memref_squeeze %dma_start3A_76 : memref<1x128xi32, #tpu.memory_space<vmem>> -> memref<128xi32, #tpu.memory_space<vmem>>
        %dma_start3A_78 = arith.constant 0 : i32
        %dma_start3A_79 = tpu.memref_slice %arg3[%add3A_64, %dma_start3A_78] : memref<2560x128xi32, #tpu.memory_space<hbm>> -> memref<1x128xi32, #tpu.memory_space<hbm>>
        %dma_start3A_80 = tpu.memref_squeeze %dma_start3A_79 : memref<1x128xi32, #tpu.memory_space<hbm>> -> memref<128xi32, #tpu.memory_space<hbm>>
        tpu.enqueue_dma source(%dma_start3A_80 : memref<128xi32, #tpu.memory_space<hbm>>) target(%dma_start3A_77 : memref<128xi32, #tpu.memory_space<vmem>>) target_semaphore(%dma_start3A_74 : memref<!tpu.dma_semaphore, #tpu.memory_space<semaphore_mem>>)
        %dma_start3A_81 = arith.constant 1 : i32
        %dma_start3A_82 = arith.constant 1 : i32
        %dma_start3A_83 = arith.constant 0 : i32
        %dma_start3A_84 = tpu.memref_slice %arg8[%dma_start3A_81, %dma_start3A_83] : memref<5x128xi32, #tpu.memory_space<vmem>> -> memref<1x128xi32, #tpu.memory_space<vmem>>
        %dma_start3A_85 = tpu.memref_squeeze %dma_start3A_84 : memref<1x128xi32, #tpu.memory_space<vmem>> -> memref<128xi32, #tpu.memory_space<vmem>>
        %dma_start3A_86 = arith.constant 0 : i32
        %dma_start3A_87 = tpu.memref_slice %arg4[%add3A_64, %dma_start3A_86] : memref<2560x128xi32, #tpu.memory_space<hbm>> -> memref<1x128xi32, #tpu.memory_space<hbm>>
        %dma_start3A_88 = tpu.memref_squeeze %dma_start3A_87 : memref<1x128xi32, #tpu.memory_space<hbm>> -> memref<128xi32, #tpu.memory_space<hbm>>
        %dma_start3A_89 = tpu.memref_slice %arg15[%dma_start3A_82] : memref<5x!tpu.dma_semaphore, #tpu.memory_space<semaphore_mem>> -> memref<1x!tpu.dma_semaphore, #tpu.memory_space<semaphore_mem>>
        %dma_start3A_90 = tpu.memref_squeeze %dma_start3A_89 : memref<1x!tpu.dma_semaphore, #tpu.memory_space<semaphore_mem>> -> memref<!tpu.dma_semaphore, #tpu.memory_space<semaphore_mem>>
        %dma_start3A_91 = arith.constant 0 : i32
        %dma_start3A_92 = tpu.memref_slice %arg8[%dma_start3A_81, %dma_start3A_91] : memref<5x128xi32, #tpu.memory_space<vmem>> -> memref<1x128xi32, #tpu.memory_space<vmem>>
        %dma_start3A_93 = tpu.memref_squeeze %dma_start3A_92 : memref<1x128xi32, #tpu.memory_space<vmem>> -> memref<128xi32, #tpu.memory_space<vmem>>
        %dma_start3A_94 = arith.constant 0 : i32
        %dma_start3A_95 = tpu.memref_slice %arg4[%add3A_64, %dma_start3A_94] : memref<2560x128xi32, #tpu.memory_space<hbm>> -> memref<1x128xi32, #tpu.memory_space<hbm>>
        %dma_start3A_96 = tpu.memref_squeeze %dma_start3A_95 : memref<1x128xi32, #tpu.memory_space<hbm>> -> memref<128xi32, #tpu.memory_space<hbm>>
        tpu.enqueue_dma source(%dma_start3A_96 : memref<128xi32, #tpu.memory_space<hbm>>) target(%dma_start3A_93 : memref<128xi32, #tpu.memory_space<vmem>>) target_semaphore(%dma_start3A_90 : memref<!tpu.dma_semaphore, #tpu.memory_space<semaphore_mem>>)
        %add3A_97 = arith.addi %add3A_18, %add3A_27 : i32
        %add3A_98 = arith.constant 2 : i32
        %add3A_99 = arith.addi %add3A_97, %add3A_98 : i32
        %dma_start3A_100 = arith.constant 2 : i32
        %dma_start3A_101 = arith.constant 2 : i32
        %dma_start3A_102 = arith.constant 0 : i32
        %dma_start3A_103 = tpu.memref_slice %arg7[%dma_start3A_100, %dma_start3A_102] : memref<5x128xi32, #tpu.memory_space<vmem>> -> memref<1x128xi32, #tpu.memory_space<vmem>>
        %dma_start3A_104 = tpu.memref_squeeze %dma_start3A_103 : memref<1x128xi32, #tpu.memory_space<vmem>> -> memref<128xi32, #tpu.memory_space<vmem>>
        %dma_start3A_105 = arith.constant 0 : i32
        %dma_start3A_106 = tpu.memref_slice %arg3[%add3A_99, %dma_start3A_105] : memref<2560x128xi32, #tpu.memory_space<hbm>> -> memref<1x128xi32, #tpu.memory_space<hbm>>
        %dma_start3A_107 = tpu.memref_squeeze %dma_start3A_106 : memref<1x128xi32, #tpu.memory_space<hbm>> -> memref<128xi32, #tpu.memory_space<hbm>>
        %dma_start3A_108 = tpu.memref_slice %arg15[%dma_start3A_101] : memref<5x!tpu.dma_semaphore, #tpu.memory_space<semaphore_mem>> -> memref<1x!tpu.dma_semaphore, #tpu.memory_space<semaphore_mem>>
        %dma_start3A_109 = tpu.memref_squeeze %dma_start3A_108 : memref<1x!tpu.dma_semaphore, #tpu.memory_space<semaphore_mem>> -> memref<!tpu.dma_semaphore, #tpu.memory_space<semaphore_mem>>
        %dma_start3A_110 = arith.constant 0 : i32
        %dma_start3A_111 = tpu.memref_slice %arg7[%dma_start3A_100, %dma_start3A_110] : memref<5x128xi32, #tpu.memory_space<vmem>> -> memref<1x128xi32, #tpu.memory_space<vmem>>
        %dma_start3A_112 = tpu.memref_squeeze %dma_start3A_111 : memref<1x128xi32, #tpu.memory_space<vmem>> -> memref<128xi32, #tpu.memory_space<vmem>>
        %dma_start3A_113 = arith.constant 0 : i32
        %dma_start3A_114 = tpu.memref_slice %arg3[%add3A_99, %dma_start3A_113] : memref<2560x128xi32, #tpu.memory_space<hbm>> -> memref<1x128xi32, #tpu.memory_space<hbm>>
        %dma_start3A_115 = tpu.memref_squeeze %dma_start3A_114 : memref<1x128xi32, #tpu.memory_space<hbm>> -> memref<128xi32, #tpu.memory_space<hbm>>
        tpu.enqueue_dma source(%dma_start3A_115 : memref<128xi32, #tpu.memory_space<hbm>>) target(%dma_start3A_112 : memref<128xi32, #tpu.memory_space<vmem>>) target_semaphore(%dma_start3A_109 : memref<!tpu.dma_semaphore, #tpu.memory_space<semaphore_mem>>)
        %dma_start3A_116 = arith.constant 2 : i32
        %dma_start3A_117 = arith.constant 2 : i32
        %dma_start3A_118 = arith.constant 0 : i32
        %dma_start3A_119 = tpu.memref_slice %arg8[%dma_start3A_116, %dma_start3A_118] : memref<5x128xi32, #tpu.memory_space<vmem>> -> memref<1x128xi32, #tpu.memory_space<vmem>>
        %dma_start3A_120 = tpu.memref_squeeze %dma_start3A_119 : memref<1x128xi32, #tpu.memory_space<vmem>> -> memref<128xi32, #tpu.memory_space<vmem>>
        %dma_start3A_121 = arith.constant 0 : i32
        %dma_start3A_122 = tpu.memref_slice %arg4[%add3A_99, %dma_start3A_121] : memref<2560x128xi32, #tpu.memory_space<hbm>> -> memref<1x128xi32, #tpu.memory_space<hbm>>
        %dma_start3A_123 = tpu.memref_squeeze %dma_start3A_122 : memref<1x128xi32, #tpu.memory_space<hbm>> -> memref<128xi32, #tpu.memory_space<hbm>>
        %dma_start3A_124 = tpu.memref_slice %arg15[%dma_start3A_117] : memref<5x!tpu.dma_semaphore, #tpu.memory_space<semaphore_mem>> -> memref<1x!tpu.dma_semaphore, #tpu.memory_space<semaphore_mem>>
        %dma_start3A_125 = tpu.memref_squeeze %dma_start3A_124 : memref<1x!tpu.dma_semaphore, #tpu.memory_space<semaphore_mem>> -> memref<!tpu.dma_semaphore, #tpu.memory_space<semaphore_mem>>
        %dma_start3A_126 = arith.constant 0 : i32
        %dma_start3A_127 = tpu.memref_slice %arg8[%dma_start3A_116, %dma_start3A_126] : memref<5x128xi32, #tpu.memory_space<vmem>> -> memref<1x128xi32, #tpu.memory_space<vmem>>
        %dma_start3A_128 = tpu.memref_squeeze %dma_start3A_127 : memref<1x128xi32, #tpu.memory_space<vmem>> -> memref<128xi32, #tpu.memory_space<vmem>>
        %dma_start3A_129 = arith.constant 0 : i32
        %dma_start3A_130 = tpu.memref_slice %arg4[%add3A_99, %dma_start3A_129] : memref<2560x128xi32, #tpu.memory_space<hbm>> -> memref<1x128xi32, #tpu.memory_space<hbm>>
        %dma_start3A_131 = tpu.memref_squeeze %dma_start3A_130 : memref<1x128xi32, #tpu.memory_space<hbm>> -> memref<128xi32, #tpu.memory_space<hbm>>
        tpu.enqueue_dma source(%dma_start3A_131 : memref<128xi32, #tpu.memory_space<hbm>>) target(%dma_start3A_128 : memref<128xi32, #tpu.memory_space<vmem>>) target_semaphore(%dma_start3A_125 : memref<!tpu.dma_semaphore, #tpu.memory_space<semaphore_mem>>)
        %add3A_132 = arith.addi %add3A_18, %add3A_27 : i32
        %add3A_133 = arith.constant 3 : i32
        %add3A_134 = arith.addi %add3A_132, %add3A_133 : i32
        %dma_start3A_135 = arith.constant 3 : i32
        %dma_start3A_136 = arith.constant 3 : i32
        %dma_start3A_137 = arith.constant 0 : i32
        %dma_start3A_138 = tpu.memref_slice %arg7[%dma_start3A_135, %dma_start3A_137] : memref<5x128xi32, #tpu.memory_space<vmem>> -> memref<1x128xi32, #tpu.memory_space<vmem>>
        %dma_start3A_139 = tpu.memref_squeeze %dma_start3A_138 : memref<1x128xi32, #tpu.memory_space<vmem>> -> memref<128xi32, #tpu.memory_space<vmem>>
        %dma_start3A_140 = arith.constant 0 : i32
        %dma_start3A_141 = tpu.memref_slice %arg3[%add3A_134, %dma_start3A_140] : memref<2560x128xi32, #tpu.memory_space<hbm>> -> memref<1x128xi32, #tpu.memory_space<hbm>>
        %dma_start3A_142 = tpu.memref_squeeze %dma_start3A_141 : memref<1x128xi32, #tpu.memory_space<hbm>> -> memref<128xi32, #tpu.memory_space<hbm>>
        %dma_start3A_143 = tpu.memref_slice %arg15[%dma_start3A_136] : memref<5x!tpu.dma_semaphore, #tpu.memory_space<semaphore_mem>> -> memref<1x!tpu.dma_semaphore, #tpu.memory_space<semaphore_mem>>
        %dma_start3A_144 = tpu.memref_squeeze %dma_start3A_143 : memref<1x!tpu.dma_semaphore, #tpu.memory_space<semaphore_mem>> -> memref<!tpu.dma_semaphore, #tpu.memory_space<semaphore_mem>>
        %dma_start3A_145 = arith.constant 0 : i32
        %dma_start3A_146 = tpu.memref_slice %arg7[%dma_start3A_135, %dma_start3A_145] : memref<5x128xi32, #tpu.memory_space<vmem>> -> memref<1x128xi32, #tpu.memory_space<vmem>>
        %dma_start3A_147 = tpu.memref_squeeze %dma_start3A_146 : memref<1x128xi32, #tpu.memory_space<vmem>> -> memref<128xi32, #tpu.memory_space<vmem>>
        %dma_start3A_148 = arith.constant 0 : i32
        %dma_start3A_149 = tpu.memref_slice %arg3[%add3A_134, %dma_start3A_148] : memref<2560x128xi32, #tpu.memory_space<hbm>> -> memref<1x128xi32, #tpu.memory_space<hbm>>
        %dma_start3A_150 = tpu.memref_squeeze %dma_start3A_149 : memref<1x128xi32, #tpu.memory_space<hbm>> -> memref<128xi32, #tpu.memory_space<hbm>>
        tpu.enqueue_dma source(%dma_start3A_150 : memref<128xi32, #tpu.memory_space<hbm>>) target(%dma_start3A_147 : memref<128xi32, #tpu.memory_space<vmem>>) target_semaphore(%dma_start3A_144 : memref<!tpu.dma_semaphore, #tpu.memory_space<semaphore_mem>>)
        %dma_start3A_151 = arith.constant 3 : i32
        %dma_start3A_152 = arith.constant 3 : i32
        %dma_start3A_153 = arith.constant 0 : i32
        %dma_start3A_154 = tpu.memref_slice %arg8[%dma_start3A_151, %dma_start3A_153] : memref<5x128xi32, #tpu.memory_space<vmem>> -> memref<1x128xi32, #tpu.memory_space<vmem>>
        %dma_start3A_155 = tpu.memref_squeeze %dma_start3A_154 : memref<1x128xi32, #tpu.memory_space<vmem>> -> memref<128xi32, #tpu.memory_space<vmem>>
        %dma_start3A_156 = arith.constant 0 : i32
        %dma_start3A_157 = tpu.memref_slice %arg4[%add3A_134, %dma_start3A_156] : memref<2560x128xi32, #tpu.memory_space<hbm>> -> memref<1x128xi32, #tpu.memory_space<hbm>>
        %dma_start3A_158 = tpu.memref_squeeze %dma_start3A_157 : memref<1x128xi32, #tpu.memory_space<hbm>> -> memref<128xi32, #tpu.memory_space<hbm>>
        %dma_start3A_159 = tpu.memref_slice %arg15[%dma_start3A_152] : memref<5x!tpu.dma_semaphore, #tpu.memory_space<semaphore_mem>> -> memref<1x!tpu.dma_semaphore, #tpu.memory_space<semaphore_mem>>
        %dma_start3A_160 = tpu.memref_squeeze %dma_start3A_159 : memref<1x!tpu.dma_semaphore, #tpu.memory_space<semaphore_mem>> -> memref<!tpu.dma_semaphore, #tpu.memory_space<semaphore_mem>>
        %dma_start3A_161 = arith.constant 0 : i32
        %dma_start3A_162 = tpu.memref_slice %arg8[%dma_start3A_151, %dma_start3A_161] : memref<5x128xi32, #tpu.memory_space<vmem>> -> memref<1x128xi32, #tpu.memory_space<vmem>>
        %dma_start3A_163 = tpu.memref_squeeze %dma_start3A_162 : memref<1x128xi32, #tpu.memory_space<vmem>> -> memref<128xi32, #tpu.memory_space<vmem>>
        %dma_start3A_164 = arith.constant 0 : i32
        %dma_start3A_165 = tpu.memref_slice %arg4[%add3A_134, %dma_start3A_164] : memref<2560x128xi32, #tpu.memory_space<hbm>> -> memref<1x128xi32, #tpu.memory_space<hbm>>
        %dma_start3A_166 = tpu.memref_squeeze %dma_start3A_165 : memref<1x128xi32, #tpu.memory_space<hbm>> -> memref<128xi32, #tpu.memory_space<hbm>>
        tpu.enqueue_dma source(%dma_start3A_166 : memref<128xi32, #tpu.memory_space<hbm>>) target(%dma_start3A_163 : memref<128xi32, #tpu.memory_space<vmem>>) target_semaphore(%dma_start3A_160 : memref<!tpu.dma_semaphore, #tpu.memory_space<semaphore_mem>>)
        %add3A_167 = arith.addi %add3A_18, %add3A_27 : i32
        %add3A_168 = arith.constant 4 : i32
        %add3A_169 = arith.addi %add3A_167, %add3A_168 : i32
        %dma_start3A_170 = arith.constant 4 : i32
        %dma_start3A_171 = arith.constant 4 : i32
        %dma_start3A_172 = arith.constant 0 : i32
        %dma_start3A_173 = tpu.memref_slice %arg7[%dma_start3A_170, %dma_start3A_172] : memref<5x128xi32, #tpu.memory_space<vmem>> -> memref<1x128xi32, #tpu.memory_space<vmem>>
        %dma_start3A_174 = tpu.memref_squeeze %dma_start3A_173 : memref<1x128xi32, #tpu.memory_space<vmem>> -> memref<128xi32, #tpu.memory_space<vmem>>
        %dma_start3A_175 = arith.constant 0 : i32
        %dma_start3A_176 = tpu.memref_slice %arg3[%add3A_169, %dma_start3A_175] : memref<2560x128xi32, #tpu.memory_space<hbm>> -> memref<1x128xi32, #tpu.memory_space<hbm>>
        %dma_start3A_177 = tpu.memref_squeeze %dma_start3A_176 : memref<1x128xi32, #tpu.memory_space<hbm>> -> memref<128xi32, #tpu.memory_space<hbm>>
        %dma_start3A_178 = tpu.memref_slice %arg15[%dma_start3A_171] : memref<5x!tpu.dma_semaphore, #tpu.memory_space<semaphore_mem>> -> memref<1x!tpu.dma_semaphore, #tpu.memory_space<semaphore_mem>>
        %dma_start3A_179 = tpu.memref_squeeze %dma_start3A_178 : memref<1x!tpu.dma_semaphore, #tpu.memory_space<semaphore_mem>> -> memref<!tpu.dma_semaphore, #tpu.memory_space<semaphore_mem>>
        %dma_start3A_180 = arith.constant 0 : i32
        %dma_start3A_181 = tpu.memref_slice %arg7[%dma_start3A_170, %dma_start3A_180] : memref<5x128xi32, #tpu.memory_space<vmem>> -> memref<1x128xi32, #tpu.memory_space<vmem>>
        %dma_start3A_182 = tpu.memref_squeeze %dma_start3A_181 : memref<1x128xi32, #tpu.memory_space<vmem>> -> memref<128xi32, #tpu.memory_space<vmem>>
        %dma_start3A_183 = arith.constant 0 : i32
        %dma_start3A_184 = tpu.memref_slice %arg3[%add3A_169, %dma_start3A_183] : memref<2560x128xi32, #tpu.memory_space<hbm>> -> memref<1x128xi32, #tpu.memory_space<hbm>>
        %dma_start3A_185 = tpu.memref_squeeze %dma_start3A_184 : memref<1x128xi32, #tpu.memory_space<hbm>> -> memref<128xi32, #tpu.memory_space<hbm>>
        tpu.enqueue_dma source(%dma_start3A_185 : memref<128xi32, #tpu.memory_space<hbm>>) target(%dma_start3A_182 : memref<128xi32, #tpu.memory_space<vmem>>) target_semaphore(%dma_start3A_179 : memref<!tpu.dma_semaphore, #tpu.memory_space<semaphore_mem>>)
        %dma_start3A_186 = arith.constant 4 : i32
        %dma_start3A_187 = arith.constant 4 : i32
        %dma_start3A_188 = arith.constant 0 : i32
        %dma_start3A_189 = tpu.memref_slice %arg8[%dma_start3A_186, %dma_start3A_188] : memref<5x128xi32, #tpu.memory_space<vmem>> -> memref<1x128xi32, #tpu.memory_space<vmem>>
        %dma_start3A_190 = tpu.memref_squeeze %dma_start3A_189 : memref<1x128xi32, #tpu.memory_space<vmem>> -> memref<128xi32, #tpu.memory_space<vmem>>
        %dma_start3A_191 = arith.constant 0 : i32
        %dma_start3A_192 = tpu.memref_slice %arg4[%add3A_169, %dma_start3A_191] : memref<2560x128xi32, #tpu.memory_space<hbm>> -> memref<1x128xi32, #tpu.memory_space<hbm>>
        %dma_start3A_193 = tpu.memref_squeeze %dma_start3A_192 : memref<1x128xi32, #tpu.memory_space<hbm>> -> memref<128xi32, #tpu.memory_space<hbm>>
        %dma_start3A_194 = tpu.memref_slice %arg15[%dma_start3A_187] : memref<5x!tpu.dma_semaphore, #tpu.memory_space<semaphore_mem>> -> memref<1x!tpu.dma_semaphore, #tpu.memory_space<semaphore_mem>>
        %dma_start3A_195 = tpu.memref_squeeze %dma_start3A_194 : memref<1x!tpu.dma_semaphore, #tpu.memory_space<semaphore_mem>> -> memref<!tpu.dma_semaphore, #tpu.memory_space<semaphore_mem>>
        %dma_start3A_196 = arith.constant 0 : i32
        %dma_start3A_197 = tpu.memref_slice %arg8[%dma_start3A_186, %dma_start3A_196] : memref<5x128xi32, #tpu.memory_space<vmem>> -> memref<1x128xi32, #tpu.memory_space<vmem>>
        %dma_start3A_198 = tpu.memref_squeeze %dma_start3A_197 : memref<1x128xi32, #tpu.memory_space<vmem>> -> memref<128xi32, #tpu.memory_space<vmem>>
        %dma_start3A_199 = arith.constant 0 : i32
        %dma_start3A_200 = tpu.memref_slice %arg4[%add3A_169, %dma_start3A_199] : memref<2560x128xi32, #tpu.memory_space<hbm>> -> memref<1x128xi32, #tpu.memory_space<hbm>>
        %dma_start3A_201 = tpu.memref_squeeze %dma_start3A_200 : memref<1x128xi32, #tpu.memory_space<hbm>> -> memref<128xi32, #tpu.memory_space<hbm>>
        tpu.enqueue_dma source(%dma_start3A_201 : memref<128xi32, #tpu.memory_space<hbm>>) target(%dma_start3A_198 : memref<128xi32, #tpu.memory_space<vmem>>) target_semaphore(%dma_start3A_195 : memref<!tpu.dma_semaphore, #tpu.memory_space<semaphore_mem>>)
        %dma_wait3A = arith.constant 0 : i32
        %dma_wait3A_202 = arith.constant 0 : i32
        %dma_wait3A_203 = arith.constant 0 : i32
        %dma_wait3A_204 = tpu.memref_slice %arg7[%dma_wait3A, %dma_wait3A_203] : memref<5x128xi32, #tpu.memory_space<vmem>> -> memref<1x128xi32, #tpu.memory_space<vmem>>
        %dma_wait3A_205 = tpu.memref_squeeze %dma_wait3A_204 : memref<1x128xi32, #tpu.memory_space<vmem>> -> memref<128xi32, #tpu.memory_space<vmem>>
        %dma_wait3A_206 = arith.constant 0 : i32
        %dma_wait3A_207 = tpu.memref_slice %arg3[%add3A_30, %dma_wait3A_206] : memref<2560x128xi32, #tpu.memory_space<hbm>> -> memref<1x128xi32, #tpu.memory_space<hbm>>
        %dma_wait3A_208 = tpu.memref_squeeze %dma_wait3A_207 : memref<1x128xi32, #tpu.memory_space<hbm>> -> memref<128xi32, #tpu.memory_space<hbm>>
        %dma_wait3A_209 = tpu.memref_slice %arg15[%dma_wait3A_202] : memref<5x!tpu.dma_semaphore, #tpu.memory_space<semaphore_mem>> -> memref<1x!tpu.dma_semaphore, #tpu.memory_space<semaphore_mem>>
        %dma_wait3A_210 = tpu.memref_squeeze %dma_wait3A_209 : memref<1x!tpu.dma_semaphore, #tpu.memory_space<semaphore_mem>> -> memref<!tpu.dma_semaphore, #tpu.memory_space<semaphore_mem>>
        %dma_wait3A_211 = arith.constant 0 : i32
        %dma_wait3A_212 = tpu.memref_slice %arg7[%dma_wait3A, %dma_wait3A_211] : memref<5x128xi32, #tpu.memory_space<vmem>> -> memref<1x128xi32, #tpu.memory_space<vmem>>
        %dma_wait3A_213 = tpu.memref_squeeze %dma_wait3A_212 : memref<1x128xi32, #tpu.memory_space<vmem>> -> memref<128xi32, #tpu.memory_space<vmem>>
        %dma_wait3A_214 = arith.constant 0 : i32
        %dma_wait3A_215 = tpu.memref_slice %arg3[%add3A_30, %dma_wait3A_214] : memref<2560x128xi32, #tpu.memory_space<hbm>> -> memref<1x128xi32, #tpu.memory_space<hbm>>
        %dma_wait3A_216 = tpu.memref_squeeze %dma_wait3A_215 : memref<1x128xi32, #tpu.memory_space<hbm>> -> memref<128xi32, #tpu.memory_space<hbm>>
        tpu.wait_dma2 semaphore(%dma_wait3A_210 : memref<!tpu.dma_semaphore, #tpu.memory_space<semaphore_mem>>) src(%dma_wait3A_216 : memref<128xi32, #tpu.memory_space<hbm>>) dst(%dma_wait3A_213 : memref<128xi32, #tpu.memory_space<vmem>>)
        %dma_wait3A_217 = arith.constant 0 : i32
        %dma_wait3A_218 = arith.constant 0 : i32
        %dma_wait3A_219 = arith.constant 0 : i32
        %dma_wait3A_220 = tpu.memref_slice %arg8[%dma_wait3A_217, %dma_wait3A_219] : memref<5x128xi32, #tpu.memory_space<vmem>> -> memref<1x128xi32, #tpu.memory_space<vmem>>
        %dma_wait3A_221 = tpu.memref_squeeze %dma_wait3A_220 : memref<1x128xi32, #tpu.memory_space<vmem>> -> memref<128xi32, #tpu.memory_space<vmem>>
        %dma_wait3A_222 = arith.constant 0 : i32
        %dma_wait3A_223 = tpu.memref_slice %arg4[%add3A_30, %dma_wait3A_222] : memref<2560x128xi32, #tpu.memory_space<hbm>> -> memref<1x128xi32, #tpu.memory_space<hbm>>
        %dma_wait3A_224 = tpu.memref_squeeze %dma_wait3A_223 : memref<1x128xi32, #tpu.memory_space<hbm>> -> memref<128xi32, #tpu.memory_space<hbm>>
        %dma_wait3A_225 = tpu.memref_slice %arg15[%dma_wait3A_218] : memref<5x!tpu.dma_semaphore, #tpu.memory_space<semaphore_mem>> -> memref<1x!tpu.dma_semaphore, #tpu.memory_space<semaphore_mem>>
        %dma_wait3A_226 = tpu.memref_squeeze %dma_wait3A_225 : memref<1x!tpu.dma_semaphore, #tpu.memory_space<semaphore_mem>> -> memref<!tpu.dma_semaphore, #tpu.memory_space<semaphore_mem>>
        %dma_wait3A_227 = arith.constant 0 : i32
        %dma_wait3A_228 = tpu.memref_slice %arg8[%dma_wait3A_217, %dma_wait3A_227] : memref<5x128xi32, #tpu.memory_space<vmem>> -> memref<1x128xi32, #tpu.memory_space<vmem>>
        %dma_wait3A_229 = tpu.memref_squeeze %dma_wait3A_228 : memref<1x128xi32, #tpu.memory_space<vmem>> -> memref<128xi32, #tpu.memory_space<vmem>>
        %dma_wait3A_230 = arith.constant 0 : i32
        %dma_wait3A_231 = tpu.memref_slice %arg4[%add3A_30, %dma_wait3A_230] : memref<2560x128xi32, #tpu.memory_space<hbm>> -> memref<1x128xi32, #tpu.memory_space<hbm>>
        %dma_wait3A_232 = tpu.memref_squeeze %dma_wait3A_231 : memref<1x128xi32, #tpu.memory_space<hbm>> -> memref<128xi32, #tpu.memory_space<hbm>>
        tpu.wait_dma2 semaphore(%dma_wait3A_226 : memref<!tpu.dma_semaphore, #tpu.memory_space<semaphore_mem>>) src(%dma_wait3A_232 : memref<128xi32, #tpu.memory_space<hbm>>) dst(%dma_wait3A_229 : memref<128xi32, #tpu.memory_space<vmem>>)
        %dma_start3A_233 = arith.constant 0 : i32
        %dma_start3A_234 = arith.constant 0 : i32
        %dma_start3A_235 = arith.constant 0 : i32
        %dma_start3A_236 = tpu.memref_slice %arg7[%dma_start3A_233, %dma_start3A_235] : memref<5x128xi32, #tpu.memory_space<vmem>> -> memref<1x128xi32, #tpu.memory_space<vmem>>
        %dma_start3A_237 = tpu.memref_squeeze %dma_start3A_236 : memref<1x128xi32, #tpu.memory_space<vmem>> -> memref<128xi32, #tpu.memory_space<vmem>>
        %dma_start3A_238 = arith.constant 0 : i32
        %dma_start3A_239 = arith.constant 0 : i32
        %dma_start3A_240 = tpu.memref_slice %arg2[%dma_start3A_238, %dma_start3A_239] : memref<10240x128xf32, #tpu.memory_space<hbm>> -> memref<10240x128xf32, #tpu.memory_space<hbm>>
        %dma_start3A_241 = tpu.memref_slice %arg16[%dma_start3A_234] : memref<5x!tpu.dma_semaphore, #tpu.memory_space<semaphore_mem>> -> memref<1x!tpu.dma_semaphore, #tpu.memory_space<semaphore_mem>>
        %dma_start3A_242 = tpu.memref_squeeze %dma_start3A_241 : memref<1x!tpu.dma_semaphore, #tpu.memory_space<semaphore_mem>> -> memref<!tpu.dma_semaphore, #tpu.memory_space<semaphore_mem>>
        tpu.enqueue_indirect_dma source(%dma_start3A_240 : memref<10240x128xf32, #tpu.memory_space<hbm>>) target(%arg9 : memref<128x128xf32, #tpu.memory_space<vmem>>) offsets(%dma_start3A_237 : memref<128xi32, #tpu.memory_space<vmem>>) semaphore(%dma_start3A_242 : memref<!tpu.dma_semaphore, #tpu.memory_space<semaphore_mem>>)
        %dma_wait3A_243 = arith.constant 1 : i32
        %dma_wait3A_244 = arith.constant 1 : i32
        %dma_wait3A_245 = arith.constant 0 : i32
        %dma_wait3A_246 = tpu.memref_slice %arg7[%dma_wait3A_243, %dma_wait3A_245] : memref<5x128xi32, #tpu.memory_space<vmem>> -> memref<1x128xi32, #tpu.memory_space<vmem>>
        %dma_wait3A_247 = tpu.memref_squeeze %dma_wait3A_246 : memref<1x128xi32, #tpu.memory_space<vmem>> -> memref<128xi32, #tpu.memory_space<vmem>>
        %dma_wait3A_248 = arith.constant 0 : i32
        %dma_wait3A_249 = tpu.memref_slice %arg3[%add3A_64, %dma_wait3A_248] : memref<2560x128xi32, #tpu.memory_space<hbm>> -> memref<1x128xi32, #tpu.memory_space<hbm>>
        %dma_wait3A_250 = tpu.memref_squeeze %dma_wait3A_249 : memref<1x128xi32, #tpu.memory_space<hbm>> -> memref<128xi32, #tpu.memory_space<hbm>>
        %dma_wait3A_251 = tpu.memref_slice %arg15[%dma_wait3A_244] : memref<5x!tpu.dma_semaphore, #tpu.memory_space<semaphore_mem>> -> memref<1x!tpu.dma_semaphore, #tpu.memory_space<semaphore_mem>>
        %dma_wait3A_252 = tpu.memref_squeeze %dma_wait3A_251 : memref<1x!tpu.dma_semaphore, #tpu.memory_space<semaphore_mem>> -> memref<!tpu.dma_semaphore, #tpu.memory_space<semaphore_mem>>
        %dma_wait3A_253 = arith.constant 0 : i32
        %dma_wait3A_254 = tpu.memref_slice %arg7[%dma_wait3A_243, %dma_wait3A_253] : memref<5x128xi32, #tpu.memory_space<vmem>> -> memref<1x128xi32, #tpu.memory_space<vmem>>
        %dma_wait3A_255 = tpu.memref_squeeze %dma_wait3A_254 : memref<1x128xi32, #tpu.memory_space<vmem>> -> memref<128xi32, #tpu.memory_space<vmem>>
        %dma_wait3A_256 = arith.constant 0 : i32
        %dma_wait3A_257 = tpu.memref_slice %arg3[%add3A_64, %dma_wait3A_256] : memref<2560x128xi32, #tpu.memory_space<hbm>> -> memref<1x128xi32, #tpu.memory_space<hbm>>
        %dma_wait3A_258 = tpu.memref_squeeze %dma_wait3A_257 : memref<1x128xi32, #tpu.memory_space<hbm>> -> memref<128xi32, #tpu.memory_space<hbm>>
        tpu.wait_dma2 semaphore(%dma_wait3A_252 : memref<!tpu.dma_semaphore, #tpu.memory_space<semaphore_mem>>) src(%dma_wait3A_258 : memref<128xi32, #tpu.memory_space<hbm>>) dst(%dma_wait3A_255 : memref<128xi32, #tpu.memory_space<vmem>>)
        %dma_wait3A_259 = arith.constant 1 : i32
        %dma_wait3A_260 = arith.constant 1 : i32
        %dma_wait3A_261 = arith.constant 0 : i32
        %dma_wait3A_262 = tpu.memref_slice %arg8[%dma_wait3A_259, %dma_wait3A_261] : memref<5x128xi32, #tpu.memory_space<vmem>> -> memref<1x128xi32, #tpu.memory_space<vmem>>
        %dma_wait3A_263 = tpu.memref_squeeze %dma_wait3A_262 : memref<1x128xi32, #tpu.memory_space<vmem>> -> memref<128xi32, #tpu.memory_space<vmem>>
        %dma_wait3A_264 = arith.constant 0 : i32
        %dma_wait3A_265 = tpu.memref_slice %arg4[%add3A_64, %dma_wait3A_264] : memref<2560x128xi32, #tpu.memory_space<hbm>> -> memref<1x128xi32, #tpu.memory_space<hbm>>
        %dma_wait3A_266 = tpu.memref_squeeze %dma_wait3A_265 : memref<1x128xi32, #tpu.memory_space<hbm>> -> memref<128xi32, #tpu.memory_space<hbm>>
        %dma_wait3A_267 = tpu.memref_slice %arg15[%dma_wait3A_260] : memref<5x!tpu.dma_semaphore, #tpu.memory_space<semaphore_mem>> -> memref<1x!tpu.dma_semaphore, #tpu.memory_space<semaphore_mem>>
        %dma_wait3A_268 = tpu.memref_squeeze %dma_wait3A_267 : memref<1x!tpu.dma_semaphore, #tpu.memory_space<semaphore_mem>> -> memref<!tpu.dma_semaphore, #tpu.memory_space<semaphore_mem>>
        %dma_wait3A_269 = arith.constant 0 : i32
        %dma_wait3A_270 = tpu.memref_slice %arg8[%dma_wait3A_259, %dma_wait3A_269] : memref<5x128xi32, #tpu.memory_space<vmem>> -> memref<1x128xi32, #tpu.memory_space<vmem>>
        %dma_wait3A_271 = tpu.memref_squeeze %dma_wait3A_270 : memref<1x128xi32, #tpu.memory_space<vmem>> -> memref<128xi32, #tpu.memory_space<vmem>>
        %dma_wait3A_272 = arith.constant 0 : i32
        %dma_wait3A_273 = tpu.memref_slice %arg4[%add3A_64, %dma_wait3A_272] : memref<2560x128xi32, #tpu.memory_space<hbm>> -> memref<1x128xi32, #tpu.memory_space<hbm>>
        %dma_wait3A_274 = tpu.memref_squeeze %dma_wait3A_273 : memref<1x128xi32, #tpu.memory_space<hbm>> -> memref<128xi32, #tpu.memory_space<hbm>>
        tpu.wait_dma2 semaphore(%dma_wait3A_268 : memref<!tpu.dma_semaphore, #tpu.memory_space<semaphore_mem>>) src(%dma_wait3A_274 : memref<128xi32, #tpu.memory_space<hbm>>) dst(%dma_wait3A_271 : memref<128xi32, #tpu.memory_space<vmem>>)
        %dma_start3A_275 = arith.constant 1 : i32
        %dma_start3A_276 = arith.constant 1 : i32
        %dma_start3A_277 = arith.constant 0 : i32
        %dma_start3A_278 = tpu.memref_slice %arg7[%dma_start3A_275, %dma_start3A_277] : memref<5x128xi32, #tpu.memory_space<vmem>> -> memref<1x128xi32, #tpu.memory_space<vmem>>
        %dma_start3A_279 = tpu.memref_squeeze %dma_start3A_278 : memref<1x128xi32, #tpu.memory_space<vmem>> -> memref<128xi32, #tpu.memory_space<vmem>>
        %dma_start3A_280 = arith.constant 0 : i32
        %dma_start3A_281 = arith.constant 0 : i32
        %dma_start3A_282 = tpu.memref_slice %arg2[%dma_start3A_280, %dma_start3A_281] : memref<10240x128xf32, #tpu.memory_space<hbm>> -> memref<10240x128xf32, #tpu.memory_space<hbm>>
        %dma_start3A_283 = tpu.memref_slice %arg16[%dma_start3A_276] : memref<5x!tpu.dma_semaphore, #tpu.memory_space<semaphore_mem>> -> memref<1x!tpu.dma_semaphore, #tpu.memory_space<semaphore_mem>>
        %dma_start3A_284 = tpu.memref_squeeze %dma_start3A_283 : memref<1x!tpu.dma_semaphore, #tpu.memory_space<semaphore_mem>> -> memref<!tpu.dma_semaphore, #tpu.memory_space<semaphore_mem>>
        tpu.enqueue_indirect_dma source(%dma_start3A_282 : memref<10240x128xf32, #tpu.memory_space<hbm>>) target(%arg10 : memref<128x128xf32, #tpu.memory_space<vmem>>) offsets(%dma_start3A_279 : memref<128xi32, #tpu.memory_space<vmem>>) semaphore(%dma_start3A_284 : memref<!tpu.dma_semaphore, #tpu.memory_space<semaphore_mem>>)
        %dma_wait3A_285 = arith.constant 2 : i32
        %dma_wait3A_286 = arith.constant 2 : i32
        %dma_wait3A_287 = arith.constant 0 : i32
        %dma_wait3A_288 = tpu.memref_slice %arg7[%dma_wait3A_285, %dma_wait3A_287] : memref<5x128xi32, #tpu.memory_space<vmem>> -> memref<1x128xi32, #tpu.memory_space<vmem>>
        %dma_wait3A_289 = tpu.memref_squeeze %dma_wait3A_288 : memref<1x128xi32, #tpu.memory_space<vmem>> -> memref<128xi32, #tpu.memory_space<vmem>>
        %dma_wait3A_290 = arith.constant 0 : i32
        %dma_wait3A_291 = tpu.memref_slice %arg3[%add3A_99, %dma_wait3A_290] : memref<2560x128xi32, #tpu.memory_space<hbm>> -> memref<1x128xi32, #tpu.memory_space<hbm>>
        %dma_wait3A_292 = tpu.memref_squeeze %dma_wait3A_291 : memref<1x128xi32, #tpu.memory_space<hbm>> -> memref<128xi32, #tpu.memory_space<hbm>>
        %dma_wait3A_293 = tpu.memref_slice %arg15[%dma_wait3A_286] : memref<5x!tpu.dma_semaphore, #tpu.memory_space<semaphore_mem>> -> memref<1x!tpu.dma_semaphore, #tpu.memory_space<semaphore_mem>>
        %dma_wait3A_294 = tpu.memref_squeeze %dma_wait3A_293 : memref<1x!tpu.dma_semaphore, #tpu.memory_space<semaphore_mem>> -> memref<!tpu.dma_semaphore, #tpu.memory_space<semaphore_mem>>
        %dma_wait3A_295 = arith.constant 0 : i32
        %dma_wait3A_296 = tpu.memref_slice %arg7[%dma_wait3A_285, %dma_wait3A_295] : memref<5x128xi32, #tpu.memory_space<vmem>> -> memref<1x128xi32, #tpu.memory_space<vmem>>
        %dma_wait3A_297 = tpu.memref_squeeze %dma_wait3A_296 : memref<1x128xi32, #tpu.memory_space<vmem>> -> memref<128xi32, #tpu.memory_space<vmem>>
        %dma_wait3A_298 = arith.constant 0 : i32
        %dma_wait3A_299 = tpu.memref_slice %arg3[%add3A_99, %dma_wait3A_298] : memref<2560x128xi32, #tpu.memory_space<hbm>> -> memref<1x128xi32, #tpu.memory_space<hbm>>
        %dma_wait3A_300 = tpu.memref_squeeze %dma_wait3A_299 : memref<1x128xi32, #tpu.memory_space<hbm>> -> memref<128xi32, #tpu.memory_space<hbm>>
        tpu.wait_dma2 semaphore(%dma_wait3A_294 : memref<!tpu.dma_semaphore, #tpu.memory_space<semaphore_mem>>) src(%dma_wait3A_300 : memref<128xi32, #tpu.memory_space<hbm>>) dst(%dma_wait3A_297 : memref<128xi32, #tpu.memory_space<vmem>>)
        %dma_wait3A_301 = arith.constant 2 : i32
        %dma_wait3A_302 = arith.constant 2 : i32
        %dma_wait3A_303 = arith.constant 0 : i32
        %dma_wait3A_304 = tpu.memref_slice %arg8[%dma_wait3A_301, %dma_wait3A_303] : memref<5x128xi32, #tpu.memory_space<vmem>> -> memref<1x128xi32, #tpu.memory_space<vmem>>
        %dma_wait3A_305 = tpu.memref_squeeze %dma_wait3A_304 : memref<1x128xi32, #tpu.memory_space<vmem>> -> memref<128xi32, #tpu.memory_space<vmem>>
        %dma_wait3A_306 = arith.constant 0 : i32
        %dma_wait3A_307 = tpu.memref_slice %arg4[%add3A_99, %dma_wait3A_306] : memref<2560x128xi32, #tpu.memory_space<hbm>> -> memref<1x128xi32, #tpu.memory_space<hbm>>
        %dma_wait3A_308 = tpu.memref_squeeze %dma_wait3A_307 : memref<1x128xi32, #tpu.memory_space<hbm>> -> memref<128xi32, #tpu.memory_space<hbm>>
        %dma_wait3A_309 = tpu.memref_slice %arg15[%dma_wait3A_302] : memref<5x!tpu.dma_semaphore, #tpu.memory_space<semaphore_mem>> -> memref<1x!tpu.dma_semaphore, #tpu.memory_space<semaphore_mem>>
        %dma_wait3A_310 = tpu.memref_squeeze %dma_wait3A_309 : memref<1x!tpu.dma_semaphore, #tpu.memory_space<semaphore_mem>> -> memref<!tpu.dma_semaphore, #tpu.memory_space<semaphore_mem>>
        %dma_wait3A_311 = arith.constant 0 : i32
        %dma_wait3A_312 = tpu.memref_slice %arg8[%dma_wait3A_301, %dma_wait3A_311] : memref<5x128xi32, #tpu.memory_space<vmem>> -> memref<1x128xi32, #tpu.memory_space<vmem>>
        %dma_wait3A_313 = tpu.memref_squeeze %dma_wait3A_312 : memref<1x128xi32, #tpu.memory_space<vmem>> -> memref<128xi32, #tpu.memory_space<vmem>>
        %dma_wait3A_314 = arith.constant 0 : i32
        %dma_wait3A_315 = tpu.memref_slice %arg4[%add3A_99, %dma_wait3A_314] : memref<2560x128xi32, #tpu.memory_space<hbm>> -> memref<1x128xi32, #tpu.memory_space<hbm>>
        %dma_wait3A_316 = tpu.memref_squeeze %dma_wait3A_315 : memref<1x128xi32, #tpu.memory_space<hbm>> -> memref<128xi32, #tpu.memory_space<hbm>>
        tpu.wait_dma2 semaphore(%dma_wait3A_310 : memref<!tpu.dma_semaphore, #tpu.memory_space<semaphore_mem>>) src(%dma_wait3A_316 : memref<128xi32, #tpu.memory_space<hbm>>) dst(%dma_wait3A_313 : memref<128xi32, #tpu.memory_space<vmem>>)
        %dma_start3A_317 = arith.constant 2 : i32
        %dma_start3A_318 = arith.constant 2 : i32
        %dma_start3A_319 = arith.constant 0 : i32
        %dma_start3A_320 = tpu.memref_slice %arg7[%dma_start3A_317, %dma_start3A_319] : memref<5x128xi32, #tpu.memory_space<vmem>> -> memref<1x128xi32, #tpu.memory_space<vmem>>
        %dma_start3A_321 = tpu.memref_squeeze %dma_start3A_320 : memref<1x128xi32, #tpu.memory_space<vmem>> -> memref<128xi32, #tpu.memory_space<vmem>>
        %dma_start3A_322 = arith.constant 0 : i32
        %dma_start3A_323 = arith.constant 0 : i32
        %dma_start3A_324 = tpu.memref_slice %arg2[%dma_start3A_322, %dma_start3A_323] : memref<10240x128xf32, #tpu.memory_space<hbm>> -> memref<10240x128xf32, #tpu.memory_space<hbm>>
        %dma_start3A_325 = tpu.memref_slice %arg16[%dma_start3A_318] : memref<5x!tpu.dma_semaphore, #tpu.memory_space<semaphore_mem>> -> memref<1x!tpu.dma_semaphore, #tpu.memory_space<semaphore_mem>>
        %dma_start3A_326 = tpu.memref_squeeze %dma_start3A_325 : memref<1x!tpu.dma_semaphore, #tpu.memory_space<semaphore_mem>> -> memref<!tpu.dma_semaphore, #tpu.memory_space<semaphore_mem>>
        tpu.enqueue_indirect_dma source(%dma_start3A_324 : memref<10240x128xf32, #tpu.memory_space<hbm>>) target(%arg11 : memref<128x128xf32, #tpu.memory_space<vmem>>) offsets(%dma_start3A_321 : memref<128xi32, #tpu.memory_space<vmem>>) semaphore(%dma_start3A_326 : memref<!tpu.dma_semaphore, #tpu.memory_space<semaphore_mem>>)
        %dma_wait3A_327 = arith.constant 3 : i32
        %dma_wait3A_328 = arith.constant 3 : i32
        %dma_wait3A_329 = arith.constant 0 : i32
        %dma_wait3A_330 = tpu.memref_slice %arg7[%dma_wait3A_327, %dma_wait3A_329] : memref<5x128xi32, #tpu.memory_space<vmem>> -> memref<1x128xi32, #tpu.memory_space<vmem>>
        %dma_wait3A_331 = tpu.memref_squeeze %dma_wait3A_330 : memref<1x128xi32, #tpu.memory_space<vmem>> -> memref<128xi32, #tpu.memory_space<vmem>>
        %dma_wait3A_332 = arith.constant 0 : i32
        %dma_wait3A_333 = tpu.memref_slice %arg3[%add3A_134, %dma_wait3A_332] : memref<2560x128xi32, #tpu.memory_space<hbm>> -> memref<1x128xi32, #tpu.memory_space<hbm>>
        %dma_wait3A_334 = tpu.memref_squeeze %dma_wait3A_333 : memref<1x128xi32, #tpu.memory_space<hbm>> -> memref<128xi32, #tpu.memory_space<hbm>>
        %dma_wait3A_335 = tpu.memref_slice %arg15[%dma_wait3A_328] : memref<5x!tpu.dma_semaphore, #tpu.memory_space<semaphore_mem>> -> memref<1x!tpu.dma_semaphore, #tpu.memory_space<semaphore_mem>>
        %dma_wait3A_336 = tpu.memref_squeeze %dma_wait3A_335 : memref<1x!tpu.dma_semaphore, #tpu.memory_space<semaphore_mem>> -> memref<!tpu.dma_semaphore, #tpu.memory_space<semaphore_mem>>
        %dma_wait3A_337 = arith.constant 0 : i32
        %dma_wait3A_338 = tpu.memref_slice %arg7[%dma_wait3A_327, %dma_wait3A_337] : memref<5x128xi32, #tpu.memory_space<vmem>> -> memref<1x128xi32, #tpu.memory_space<vmem>>
        %dma_wait3A_339 = tpu.memref_squeeze %dma_wait3A_338 : memref<1x128xi32, #tpu.memory_space<vmem>> -> memref<128xi32, #tpu.memory_space<vmem>>
        %dma_wait3A_340 = arith.constant 0 : i32
        %dma_wait3A_341 = tpu.memref_slice %arg3[%add3A_134, %dma_wait3A_340] : memref<2560x128xi32, #tpu.memory_space<hbm>> -> memref<1x128xi32, #tpu.memory_space<hbm>>
        %dma_wait3A_342 = tpu.memref_squeeze %dma_wait3A_341 : memref<1x128xi32, #tpu.memory_space<hbm>> -> memref<128xi32, #tpu.memory_space<hbm>>
        tpu.wait_dma2 semaphore(%dma_wait3A_336 : memref<!tpu.dma_semaphore, #tpu.memory_space<semaphore_mem>>) src(%dma_wait3A_342 : memref<128xi32, #tpu.memory_space<hbm>>) dst(%dma_wait3A_339 : memref<128xi32, #tpu.memory_space<vmem>>)
        %dma_wait3A_343 = arith.constant 3 : i32
        %dma_wait3A_344 = arith.constant 3 : i32
        %dma_wait3A_345 = arith.constant 0 : i32
        %dma_wait3A_346 = tpu.memref_slice %arg8[%dma_wait3A_343, %dma_wait3A_345] : memref<5x128xi32, #tpu.memory_space<vmem>> -> memref<1x128xi32, #tpu.memory_space<vmem>>
        %dma_wait3A_347 = tpu.memref_squeeze %dma_wait3A_346 : memref<1x128xi32, #tpu.memory_space<vmem>> -> memref<128xi32, #tpu.memory_space<vmem>>
        %dma_wait3A_348 = arith.constant 0 : i32
        %dma_wait3A_349 = tpu.memref_slice %arg4[%add3A_134, %dma_wait3A_348] : memref<2560x128xi32, #tpu.memory_space<hbm>> -> memref<1x128xi32, #tpu.memory_space<hbm>>
        %dma_wait3A_350 = tpu.memref_squeeze %dma_wait3A_349 : memref<1x128xi32, #tpu.memory_space<hbm>> -> memref<128xi32, #tpu.memory_space<hbm>>
        %dma_wait3A_351 = tpu.memref_slice %arg15[%dma_wait3A_344] : memref<5x!tpu.dma_semaphore, #tpu.memory_space<semaphore_mem>> -> memref<1x!tpu.dma_semaphore, #tpu.memory_space<semaphore_mem>>
        %dma_wait3A_352 = tpu.memref_squeeze %dma_wait3A_351 : memref<1x!tpu.dma_semaphore, #tpu.memory_space<semaphore_mem>> -> memref<!tpu.dma_semaphore, #tpu.memory_space<semaphore_mem>>
        %dma_wait3A_353 = arith.constant 0 : i32
        %dma_wait3A_354 = tpu.memref_slice %arg8[%dma_wait3A_343, %dma_wait3A_353] : memref<5x128xi32, #tpu.memory_space<vmem>> -> memref<1x128xi32, #tpu.memory_space<vmem>>
        %dma_wait3A_355 = tpu.memref_squeeze %dma_wait3A_354 : memref<1x128xi32, #tpu.memory_space<vmem>> -> memref<128xi32, #tpu.memory_space<vmem>>
        %dma_wait3A_356 = arith.constant 0 : i32
        %dma_wait3A_357 = tpu.memref_slice %arg4[%add3A_134, %dma_wait3A_356] : memref<2560x128xi32, #tpu.memory_space<hbm>> -> memref<1x128xi32, #tpu.memory_space<hbm>>
        %dma_wait3A_358 = tpu.memref_squeeze %dma_wait3A_357 : memref<1x128xi32, #tpu.memory_space<hbm>> -> memref<128xi32, #tpu.memory_space<hbm>>
        tpu.wait_dma2 semaphore(%dma_wait3A_352 : memref<!tpu.dma_semaphore, #tpu.memory_space<semaphore_mem>>) src(%dma_wait3A_358 : memref<128xi32, #tpu.memory_space<hbm>>) dst(%dma_wait3A_355 : memref<128xi32, #tpu.memory_space<vmem>>)
        %dma_start3A_359 = arith.constant 3 : i32
        %dma_start3A_360 = arith.constant 3 : i32
        %dma_start3A_361 = arith.constant 0 : i32
        %dma_start3A_362 = tpu.memref_slice %arg7[%dma_start3A_359, %dma_start3A_361] : memref<5x128xi32, #tpu.memory_space<vmem>> -> memref<1x128xi32, #tpu.memory_space<vmem>>
        %dma_start3A_363 = tpu.memref_squeeze %dma_start3A_362 : memref<1x128xi32, #tpu.memory_space<vmem>> -> memref<128xi32, #tpu.memory_space<vmem>>
        %dma_start3A_364 = arith.constant 0 : i32
        %dma_start3A_365 = arith.constant 0 : i32
        %dma_start3A_366 = tpu.memref_slice %arg2[%dma_start3A_364, %dma_start3A_365] : memref<10240x128xf32, #tpu.memory_space<hbm>> -> memref<10240x128xf32, #tpu.memory_space<hbm>>
        %dma_start3A_367 = tpu.memref_slice %arg16[%dma_start3A_360] : memref<5x!tpu.dma_semaphore, #tpu.memory_space<semaphore_mem>> -> memref<1x!tpu.dma_semaphore, #tpu.memory_space<semaphore_mem>>
        %dma_start3A_368 = tpu.memref_squeeze %dma_start3A_367 : memref<1x!tpu.dma_semaphore, #tpu.memory_space<semaphore_mem>> -> memref<!tpu.dma_semaphore, #tpu.memory_space<semaphore_mem>>
        tpu.enqueue_indirect_dma source(%dma_start3A_366 : memref<10240x128xf32, #tpu.memory_space<hbm>>) target(%arg12 : memref<128x128xf32, #tpu.memory_space<vmem>>) offsets(%dma_start3A_363 : memref<128xi32, #tpu.memory_space<vmem>>) semaphore(%dma_start3A_368 : memref<!tpu.dma_semaphore, #tpu.memory_space<semaphore_mem>>)
        %dma_wait3A_369 = arith.constant 4 : i32
        %dma_wait3A_370 = arith.constant 4 : i32
        %dma_wait3A_371 = arith.constant 0 : i32
        %dma_wait3A_372 = tpu.memref_slice %arg7[%dma_wait3A_369, %dma_wait3A_371] : memref<5x128xi32, #tpu.memory_space<vmem>> -> memref<1x128xi32, #tpu.memory_space<vmem>>
        %dma_wait3A_373 = tpu.memref_squeeze %dma_wait3A_372 : memref<1x128xi32, #tpu.memory_space<vmem>> -> memref<128xi32, #tpu.memory_space<vmem>>
        %dma_wait3A_374 = arith.constant 0 : i32
        %dma_wait3A_375 = tpu.memref_slice %arg3[%add3A_169, %dma_wait3A_374] : memref<2560x128xi32, #tpu.memory_space<hbm>> -> memref<1x128xi32, #tpu.memory_space<hbm>>
        %dma_wait3A_376 = tpu.memref_squeeze %dma_wait3A_375 : memref<1x128xi32, #tpu.memory_space<hbm>> -> memref<128xi32, #tpu.memory_space<hbm>>
        %dma_wait3A_377 = tpu.memref_slice %arg15[%dma_wait3A_370] : memref<5x!tpu.dma_semaphore, #tpu.memory_space<semaphore_mem>> -> memref<1x!tpu.dma_semaphore, #tpu.memory_space<semaphore_mem>>
        %dma_wait3A_378 = tpu.memref_squeeze %dma_wait3A_377 : memref<1x!tpu.dma_semaphore, #tpu.memory_space<semaphore_mem>> -> memref<!tpu.dma_semaphore, #tpu.memory_space<semaphore_mem>>
        %dma_wait3A_379 = arith.constant 0 : i32
        %dma_wait3A_380 = tpu.memref_slice %arg7[%dma_wait3A_369, %dma_wait3A_379] : memref<5x128xi32, #tpu.memory_space<vmem>> -> memref<1x128xi32, #tpu.memory_space<vmem>>
        %dma_wait3A_381 = tpu.memref_squeeze %dma_wait3A_380 : memref<1x128xi32, #tpu.memory_space<vmem>> -> memref<128xi32, #tpu.memory_space<vmem>>
        %dma_wait3A_382 = arith.constant 0 : i32
        %dma_wait3A_383 = tpu.memref_slice %arg3[%add3A_169, %dma_wait3A_382] : memref<2560x128xi32, #tpu.memory_space<hbm>> -> memref<1x128xi32, #tpu.memory_space<hbm>>
        %dma_wait3A_384 = tpu.memref_squeeze %dma_wait3A_383 : memref<1x128xi32, #tpu.memory_space<hbm>> -> memref<128xi32, #tpu.memory_space<hbm>>
        tpu.wait_dma2 semaphore(%dma_wait3A_378 : memref<!tpu.dma_semaphore, #tpu.memory_space<semaphore_mem>>) src(%dma_wait3A_384 : memref<128xi32, #tpu.memory_space<hbm>>) dst(%dma_wait3A_381 : memref<128xi32, #tpu.memory_space<vmem>>)
        %dma_wait3A_385 = arith.constant 4 : i32
        %dma_wait3A_386 = arith.constant 4 : i32
        %dma_wait3A_387 = arith.constant 0 : i32
        %dma_wait3A_388 = tpu.memref_slice %arg8[%dma_wait3A_385, %dma_wait3A_387] : memref<5x128xi32, #tpu.memory_space<vmem>> -> memref<1x128xi32, #tpu.memory_space<vmem>>
        %dma_wait3A_389 = tpu.memref_squeeze %dma_wait3A_388 : memref<1x128xi32, #tpu.memory_space<vmem>> -> memref<128xi32, #tpu.memory_space<vmem>>
        %dma_wait3A_390 = arith.constant 0 : i32
        %dma_wait3A_391 = tpu.memref_slice %arg4[%add3A_169, %dma_wait3A_390] : memref<2560x128xi32, #tpu.memory_space<hbm>> -> memref<1x128xi32, #tpu.memory_space<hbm>>
        %dma_wait3A_392 = tpu.memref_squeeze %dma_wait3A_391 : memref<1x128xi32, #tpu.memory_space<hbm>> -> memref<128xi32, #tpu.memory_space<hbm>>
        %dma_wait3A_393 = tpu.memref_slice %arg15[%dma_wait3A_386] : memref<5x!tpu.dma_semaphore, #tpu.memory_space<semaphore_mem>> -> memref<1x!tpu.dma_semaphore, #tpu.memory_space<semaphore_mem>>
        %dma_wait3A_394 = tpu.memref_squeeze %dma_wait3A_393 : memref<1x!tpu.dma_semaphore, #tpu.memory_space<semaphore_mem>> -> memref<!tpu.dma_semaphore, #tpu.memory_space<semaphore_mem>>
        %dma_wait3A_395 = arith.constant 0 : i32
        %dma_wait3A_396 = tpu.memref_slice %arg8[%dma_wait3A_385, %dma_wait3A_395] : memref<5x128xi32, #tpu.memory_space<vmem>> -> memref<1x128xi32, #tpu.memory_space<vmem>>
        %dma_wait3A_397 = tpu.memref_squeeze %dma_wait3A_396 : memref<1x128xi32, #tpu.memory_space<vmem>> -> memref<128xi32, #tpu.memory_space<vmem>>
        %dma_wait3A_398 = arith.constant 0 : i32
        %dma_wait3A_399 = tpu.memref_slice %arg4[%add3A_169, %dma_wait3A_398] : memref<2560x128xi32, #tpu.memory_space<hbm>> -> memref<1x128xi32, #tpu.memory_space<hbm>>
        %dma_wait3A_400 = tpu.memref_squeeze %dma_wait3A_399 : memref<1x128xi32, #tpu.memory_space<hbm>> -> memref<128xi32, #tpu.memory_space<hbm>>
        tpu.wait_dma2 semaphore(%dma_wait3A_394 : memref<!tpu.dma_semaphore, #tpu.memory_space<semaphore_mem>>) src(%dma_wait3A_400 : memref<128xi32, #tpu.memory_space<hbm>>) dst(%dma_wait3A_397 : memref<128xi32, #tpu.memory_space<vmem>>)
        %dma_start3A_401 = arith.constant 4 : i32
        %dma_start3A_402 = arith.constant 4 : i32
        %dma_start3A_403 = arith.constant 0 : i32
        %dma_start3A_404 = tpu.memref_slice %arg7[%dma_start3A_401, %dma_start3A_403] : memref<5x128xi32, #tpu.memory_space<vmem>> -> memref<1x128xi32, #tpu.memory_space<vmem>>
        %dma_start3A_405 = tpu.memref_squeeze %dma_start3A_404 : memref<1x128xi32, #tpu.memory_space<vmem>> -> memref<128xi32, #tpu.memory_space<vmem>>
        %dma_start3A_406 = arith.constant 0 : i32
        %dma_start3A_407 = arith.constant 0 : i32
        %dma_start3A_408 = tpu.memref_slice %arg2[%dma_start3A_406, %dma_start3A_407] : memref<10240x128xf32, #tpu.memory_space<hbm>> -> memref<10240x128xf32, #tpu.memory_space<hbm>>
        %dma_start3A_409 = tpu.memref_slice %arg16[%dma_start3A_402] : memref<5x!tpu.dma_semaphore, #tpu.memory_space<semaphore_mem>> -> memref<1x!tpu.dma_semaphore, #tpu.memory_space<semaphore_mem>>
        %dma_start3A_410 = tpu.memref_squeeze %dma_start3A_409 : memref<1x!tpu.dma_semaphore, #tpu.memory_space<semaphore_mem>> -> memref<!tpu.dma_semaphore, #tpu.memory_space<semaphore_mem>>
        tpu.enqueue_indirect_dma source(%dma_start3A_408 : memref<10240x128xf32, #tpu.memory_space<hbm>>) target(%arg13 : memref<128x128xf32, #tpu.memory_space<vmem>>) offsets(%dma_start3A_405 : memref<128xi32, #tpu.memory_space<vmem>>) semaphore(%dma_start3A_410 : memref<!tpu.dma_semaphore, #tpu.memory_space<semaphore_mem>>)
        %dma_wait3A_411 = arith.constant 0 : i32
        %dma_wait3A_412 = arith.constant 0 : i32
        %dma_wait3A_413 = arith.constant 0 : i32
        %dma_wait3A_414 = tpu.memref_slice %arg7[%dma_wait3A_411, %dma_wait3A_413] : memref<5x128xi32, #tpu.memory_space<vmem>> -> memref<1x128xi32, #tpu.memory_space<vmem>>
        %dma_wait3A_415 = tpu.memref_squeeze %dma_wait3A_414 : memref<1x128xi32, #tpu.memory_space<vmem>> -> memref<128xi32, #tpu.memory_space<vmem>>
        %dma_wait3A_416 = arith.constant 0 : i32
        %dma_wait3A_417 = arith.constant 0 : i32
        %dma_wait3A_418 = tpu.memref_slice %arg2[%dma_wait3A_416, %dma_wait3A_417] : memref<10240x128xf32, #tpu.memory_space<hbm>> -> memref<10240x128xf32, #tpu.memory_space<hbm>>
        %dma_wait3A_419 = tpu.memref_slice %arg16[%dma_wait3A_412] : memref<5x!tpu.dma_semaphore, #tpu.memory_space<semaphore_mem>> -> memref<1x!tpu.dma_semaphore, #tpu.memory_space<semaphore_mem>>
        %dma_wait3A_420 = tpu.memref_squeeze %dma_wait3A_419 : memref<1x!tpu.dma_semaphore, #tpu.memory_space<semaphore_mem>> -> memref<!tpu.dma_semaphore, #tpu.memory_space<semaphore_mem>>
        tpu.wait_indirect_dma semaphore(%dma_wait3A_420 : memref<!tpu.dma_semaphore, #tpu.memory_space<semaphore_mem>>) src(%dma_wait3A_418 : memref<10240x128xf32, #tpu.memory_space<hbm>>) dst(%arg9 : memref<128x128xf32, #tpu.memory_space<vmem>>)
        %dma_start3A_421 = arith.constant 0 : i32
        %dma_start3A_422 = arith.constant 0 : i32
        %dma_start3A_423 = arith.constant 0 : i32
        %dma_start3A_424 = tpu.memref_slice %arg8[%dma_start3A_421, %dma_start3A_423] : memref<5x128xi32, #tpu.memory_space<vmem>> -> memref<1x128xi32, #tpu.memory_space<vmem>>
        %dma_start3A_425 = tpu.memref_squeeze %dma_start3A_424 : memref<1x128xi32, #tpu.memory_space<vmem>> -> memref<128xi32, #tpu.memory_space<vmem>>
        %dma_start3A_426 = arith.constant 0 : i32
        %dma_start3A_427 = arith.constant 0 : i32
        %dma_start3A_428 = tpu.memref_slice %arg14[%dma_start3A_426, %dma_start3A_427] : memref<5120x128xf32, #tpu.memory_space<vmem_shared>> -> memref<5120x128xf32, #tpu.memory_space<vmem_shared>>
        %dma_start3A_429 = tpu.memref_slice %arg17[%dma_start3A_422] : memref<5x!tpu.dma_semaphore, #tpu.memory_space<semaphore_mem>> -> memref<1x!tpu.dma_semaphore, #tpu.memory_space<semaphore_mem>>
        %dma_start3A_430 = tpu.memref_squeeze %dma_start3A_429 : memref<1x!tpu.dma_semaphore, #tpu.memory_space<semaphore_mem>> -> memref<!tpu.dma_semaphore, #tpu.memory_space<semaphore_mem>>
        tpu.enqueue_indirect_dma source(%arg9 : memref<128x128xf32, #tpu.memory_space<vmem>>) target(%dma_start3A_428 : memref<5120x128xf32, #tpu.memory_space<vmem_shared>>) offsets(%dma_start3A_425 : memref<128xi32, #tpu.memory_space<vmem>>) semaphore(%dma_start3A_430 : memref<!tpu.dma_semaphore, #tpu.memory_space<semaphore_mem>>) {add = true}
        %dma_wait3A_431 = arith.constant 1 : i32
        %dma_wait3A_432 = arith.constant 1 : i32
        %dma_wait3A_433 = arith.constant 0 : i32
        %dma_wait3A_434 = tpu.memref_slice %arg7[%dma_wait3A_431, %dma_wait3A_433] : memref<5x128xi32, #tpu.memory_space<vmem>> -> memref<1x128xi32, #tpu.memory_space<vmem>>
        %dma_wait3A_435 = tpu.memref_squeeze %dma_wait3A_434 : memref<1x128xi32, #tpu.memory_space<vmem>> -> memref<128xi32, #tpu.memory_space<vmem>>
        %dma_wait3A_436 = arith.constant 0 : i32
        %dma_wait3A_437 = arith.constant 0 : i32
        %dma_wait3A_438 = tpu.memref_slice %arg2[%dma_wait3A_436, %dma_wait3A_437] : memref<10240x128xf32, #tpu.memory_space<hbm>> -> memref<10240x128xf32, #tpu.memory_space<hbm>>
        %dma_wait3A_439 = tpu.memref_slice %arg16[%dma_wait3A_432] : memref<5x!tpu.dma_semaphore, #tpu.memory_space<semaphore_mem>> -> memref<1x!tpu.dma_semaphore, #tpu.memory_space<semaphore_mem>>
        %dma_wait3A_440 = tpu.memref_squeeze %dma_wait3A_439 : memref<1x!tpu.dma_semaphore, #tpu.memory_space<semaphore_mem>> -> memref<!tpu.dma_semaphore, #tpu.memory_space<semaphore_mem>>
        tpu.wait_indirect_dma semaphore(%dma_wait3A_440 : memref<!tpu.dma_semaphore, #tpu.memory_space<semaphore_mem>>) src(%dma_wait3A_438 : memref<10240x128xf32, #tpu.memory_space<hbm>>) dst(%arg10 : memref<128x128xf32, #tpu.memory_space<vmem>>)
        %dma_start3A_441 = arith.constant 1 : i32
        %dma_start3A_442 = arith.constant 1 : i32
        %dma_start3A_443 = arith.constant 0 : i32
        %dma_start3A_444 = tpu.memref_slice %arg8[%dma_start3A_441, %dma_start3A_443] : memref<5x128xi32, #tpu.memory_space<vmem>> -> memref<1x128xi32, #tpu.memory_space<vmem>>
        %dma_start3A_445 = tpu.memref_squeeze %dma_start3A_444 : memref<1x128xi32, #tpu.memory_space<vmem>> -> memref<128xi32, #tpu.memory_space<vmem>>
        %dma_start3A_446 = arith.constant 0 : i32
        %dma_start3A_447 = arith.constant 0 : i32
        %dma_start3A_448 = tpu.memref_slice %arg14[%dma_start3A_446, %dma_start3A_447] : memref<5120x128xf32, #tpu.memory_space<vmem_shared>> -> memref<5120x128xf32, #tpu.memory_space<vmem_shared>>
        %dma_start3A_449 = tpu.memref_slice %arg17[%dma_start3A_442] : memref<5x!tpu.dma_semaphore, #tpu.memory_space<semaphore_mem>> -> memref<1x!tpu.dma_semaphore, #tpu.memory_space<semaphore_mem>>
        %dma_start3A_450 = tpu.memref_squeeze %dma_start3A_449 : memref<1x!tpu.dma_semaphore, #tpu.memory_space<semaphore_mem>> -> memref<!tpu.dma_semaphore, #tpu.memory_space<semaphore_mem>>
        tpu.enqueue_indirect_dma source(%arg10 : memref<128x128xf32, #tpu.memory_space<vmem>>) target(%dma_start3A_448 : memref<5120x128xf32, #tpu.memory_space<vmem_shared>>) offsets(%dma_start3A_445 : memref<128xi32, #tpu.memory_space<vmem>>) semaphore(%dma_start3A_450 : memref<!tpu.dma_semaphore, #tpu.memory_space<semaphore_mem>>) {add = true}
        %dma_wait3A_451 = arith.constant 2 : i32
        %dma_wait3A_452 = arith.constant 2 : i32
        %dma_wait3A_453 = arith.constant 0 : i32
        %dma_wait3A_454 = tpu.memref_slice %arg7[%dma_wait3A_451, %dma_wait3A_453] : memref<5x128xi32, #tpu.memory_space<vmem>> -> memref<1x128xi32, #tpu.memory_space<vmem>>
        %dma_wait3A_455 = tpu.memref_squeeze %dma_wait3A_454 : memref<1x128xi32, #tpu.memory_space<vmem>> -> memref<128xi32, #tpu.memory_space<vmem>>
        %dma_wait3A_456 = arith.constant 0 : i32
        %dma_wait3A_457 = arith.constant 0 : i32
        %dma_wait3A_458 = tpu.memref_slice %arg2[%dma_wait3A_456, %dma_wait3A_457] : memref<10240x128xf32, #tpu.memory_space<hbm>> -> memref<10240x128xf32, #tpu.memory_space<hbm>>
        %dma_wait3A_459 = tpu.memref_slice %arg16[%dma_wait3A_452] : memref<5x!tpu.dma_semaphore, #tpu.memory_space<semaphore_mem>> -> memref<1x!tpu.dma_semaphore, #tpu.memory_space<semaphore_mem>>
        %dma_wait3A_460 = tpu.memref_squeeze %dma_wait3A_459 : memref<1x!tpu.dma_semaphore, #tpu.memory_space<semaphore_mem>> -> memref<!tpu.dma_semaphore, #tpu.memory_space<semaphore_mem>>
        tpu.wait_indirect_dma semaphore(%dma_wait3A_460 : memref<!tpu.dma_semaphore, #tpu.memory_space<semaphore_mem>>) src(%dma_wait3A_458 : memref<10240x128xf32, #tpu.memory_space<hbm>>) dst(%arg11 : memref<128x128xf32, #tpu.memory_space<vmem>>)
        %dma_start3A_461 = arith.constant 2 : i32
        %dma_start3A_462 = arith.constant 2 : i32
        %dma_start3A_463 = arith.constant 0 : i32
        %dma_start3A_464 = tpu.memref_slice %arg8[%dma_start3A_461, %dma_start3A_463] : memref<5x128xi32, #tpu.memory_space<vmem>> -> memref<1x128xi32, #tpu.memory_space<vmem>>
        %dma_start3A_465 = tpu.memref_squeeze %dma_start3A_464 : memref<1x128xi32, #tpu.memory_space<vmem>> -> memref<128xi32, #tpu.memory_space<vmem>>
        %dma_start3A_466 = arith.constant 0 : i32
        %dma_start3A_467 = arith.constant 0 : i32
        %dma_start3A_468 = tpu.memref_slice %arg14[%dma_start3A_466, %dma_start3A_467] : memref<5120x128xf32, #tpu.memory_space<vmem_shared>> -> memref<5120x128xf32, #tpu.memory_space<vmem_shared>>
        %dma_start3A_469 = tpu.memref_slice %arg17[%dma_start3A_462] : memref<5x!tpu.dma_semaphore, #tpu.memory_space<semaphore_mem>> -> memref<1x!tpu.dma_semaphore, #tpu.memory_space<semaphore_mem>>
        %dma_start3A_470 = tpu.memref_squeeze %dma_start3A_469 : memref<1x!tpu.dma_semaphore, #tpu.memory_space<semaphore_mem>> -> memref<!tpu.dma_semaphore, #tpu.memory_space<semaphore_mem>>
        tpu.enqueue_indirect_dma source(%arg11 : memref<128x128xf32, #tpu.memory_space<vmem>>) target(%dma_start3A_468 : memref<5120x128xf32, #tpu.memory_space<vmem_shared>>) offsets(%dma_start3A_465 : memref<128xi32, #tpu.memory_space<vmem>>) semaphore(%dma_start3A_470 : memref<!tpu.dma_semaphore, #tpu.memory_space<semaphore_mem>>) {add = true}
        %dma_wait3A_471 = arith.constant 3 : i32
        %dma_wait3A_472 = arith.constant 3 : i32
        %dma_wait3A_473 = arith.constant 0 : i32
        %dma_wait3A_474 = tpu.memref_slice %arg7[%dma_wait3A_471, %dma_wait3A_473] : memref<5x128xi32, #tpu.memory_space<vmem>> -> memref<1x128xi32, #tpu.memory_space<vmem>>
        %dma_wait3A_475 = tpu.memref_squeeze %dma_wait3A_474 : memref<1x128xi32, #tpu.memory_space<vmem>> -> memref<128xi32, #tpu.memory_space<vmem>>
        %dma_wait3A_476 = arith.constant 0 : i32
        %dma_wait3A_477 = arith.constant 0 : i32
        %dma_wait3A_478 = tpu.memref_slice %arg2[%dma_wait3A_476, %dma_wait3A_477] : memref<10240x128xf32, #tpu.memory_space<hbm>> -> memref<10240x128xf32, #tpu.memory_space<hbm>>
        %dma_wait3A_479 = tpu.memref_slice %arg16[%dma_wait3A_472] : memref<5x!tpu.dma_semaphore, #tpu.memory_space<semaphore_mem>> -> memref<1x!tpu.dma_semaphore, #tpu.memory_space<semaphore_mem>>
        %dma_wait3A_480 = tpu.memref_squeeze %dma_wait3A_479 : memref<1x!tpu.dma_semaphore, #tpu.memory_space<semaphore_mem>> -> memref<!tpu.dma_semaphore, #tpu.memory_space<semaphore_mem>>
        tpu.wait_indirect_dma semaphore(%dma_wait3A_480 : memref<!tpu.dma_semaphore, #tpu.memory_space<semaphore_mem>>) src(%dma_wait3A_478 : memref<10240x128xf32, #tpu.memory_space<hbm>>) dst(%arg12 : memref<128x128xf32, #tpu.memory_space<vmem>>)
        %dma_start3A_481 = arith.constant 3 : i32
        %dma_start3A_482 = arith.constant 3 : i32
        %dma_start3A_483 = arith.constant 0 : i32
        %dma_start3A_484 = tpu.memref_slice %arg8[%dma_start3A_481, %dma_start3A_483] : memref<5x128xi32, #tpu.memory_space<vmem>> -> memref<1x128xi32, #tpu.memory_space<vmem>>
        %dma_start3A_485 = tpu.memref_squeeze %dma_start3A_484 : memref<1x128xi32, #tpu.memory_space<vmem>> -> memref<128xi32, #tpu.memory_space<vmem>>
        %dma_start3A_486 = arith.constant 0 : i32
        %dma_start3A_487 = arith.constant 0 : i32
        %dma_start3A_488 = tpu.memref_slice %arg14[%dma_start3A_486, %dma_start3A_487] : memref<5120x128xf32, #tpu.memory_space<vmem_shared>> -> memref<5120x128xf32, #tpu.memory_space<vmem_shared>>
        %dma_start3A_489 = tpu.memref_slice %arg17[%dma_start3A_482] : memref<5x!tpu.dma_semaphore, #tpu.memory_space<semaphore_mem>> -> memref<1x!tpu.dma_semaphore, #tpu.memory_space<semaphore_mem>>
        %dma_start3A_490 = tpu.memref_squeeze %dma_start3A_489 : memref<1x!tpu.dma_semaphore, #tpu.memory_space<semaphore_mem>> -> memref<!tpu.dma_semaphore, #tpu.memory_space<semaphore_mem>>
        tpu.enqueue_indirect_dma source(%arg12 : memref<128x128xf32, #tpu.memory_space<vmem>>) target(%dma_start3A_488 : memref<5120x128xf32, #tpu.memory_space<vmem_shared>>) offsets(%dma_start3A_485 : memref<128xi32, #tpu.memory_space<vmem>>) semaphore(%dma_start3A_490 : memref<!tpu.dma_semaphore, #tpu.memory_space<semaphore_mem>>) {add = true}
        %dma_wait3A_491 = arith.constant 4 : i32
        %dma_wait3A_492 = arith.constant 4 : i32
        %dma_wait3A_493 = arith.constant 0 : i32
        %dma_wait3A_494 = tpu.memref_slice %arg7[%dma_wait3A_491, %dma_wait3A_493] : memref<5x128xi32, #tpu.memory_space<vmem>> -> memref<1x128xi32, #tpu.memory_space<vmem>>
        %dma_wait3A_495 = tpu.memref_squeeze %dma_wait3A_494 : memref<1x128xi32, #tpu.memory_space<vmem>> -> memref<128xi32, #tpu.memory_space<vmem>>
        %dma_wait3A_496 = arith.constant 0 : i32
        %dma_wait3A_497 = arith.constant 0 : i32
        %dma_wait3A_498 = tpu.memref_slice %arg2[%dma_wait3A_496, %dma_wait3A_497] : memref<10240x128xf32, #tpu.memory_space<hbm>> -> memref<10240x128xf32, #tpu.memory_space<hbm>>
        %dma_wait3A_499 = tpu.memref_slice %arg16[%dma_wait3A_492] : memref<5x!tpu.dma_semaphore, #tpu.memory_space<semaphore_mem>> -> memref<1x!tpu.dma_semaphore, #tpu.memory_space<semaphore_mem>>
        %dma_wait3A_500 = tpu.memref_squeeze %dma_wait3A_499 : memref<1x!tpu.dma_semaphore, #tpu.memory_space<semaphore_mem>> -> memref<!tpu.dma_semaphore, #tpu.memory_space<semaphore_mem>>
        tpu.wait_indirect_dma semaphore(%dma_wait3A_500 : memref<!tpu.dma_semaphore, #tpu.memory_space<semaphore_mem>>) src(%dma_wait3A_498 : memref<10240x128xf32, #tpu.memory_space<hbm>>) dst(%arg13 : memref<128x128xf32, #tpu.memory_space<vmem>>)
        %dma_start3A_501 = arith.constant 4 : i32
        %dma_start3A_502 = arith.constant 4 : i32
        %dma_start3A_503 = arith.constant 0 : i32
        %dma_start3A_504 = tpu.memref_slice %arg8[%dma_start3A_501, %dma_start3A_503] : memref<5x128xi32, #tpu.memory_space<vmem>> -> memref<1x128xi32, #tpu.memory_space<vmem>>
        %dma_start3A_505 = tpu.memref_squeeze %dma_start3A_504 : memref<1x128xi32, #tpu.memory_space<vmem>> -> memref<128xi32, #tpu.memory_space<vmem>>
        %dma_start3A_506 = arith.constant 0 : i32
        %dma_start3A_507 = arith.constant 0 : i32
        %dma_start3A_508 = tpu.memref_slice %arg14[%dma_start3A_506, %dma_start3A_507] : memref<5120x128xf32, #tpu.memory_space<vmem_shared>> -> memref<5120x128xf32, #tpu.memory_space<vmem_shared>>
        %dma_start3A_509 = tpu.memref_slice %arg17[%dma_start3A_502] : memref<5x!tpu.dma_semaphore, #tpu.memory_space<semaphore_mem>> -> memref<1x!tpu.dma_semaphore, #tpu.memory_space<semaphore_mem>>
        %dma_start3A_510 = tpu.memref_squeeze %dma_start3A_509 : memref<1x!tpu.dma_semaphore, #tpu.memory_space<semaphore_mem>> -> memref<!tpu.dma_semaphore, #tpu.memory_space<semaphore_mem>>
        tpu.enqueue_indirect_dma source(%arg13 : memref<128x128xf32, #tpu.memory_space<vmem>>) target(%dma_start3A_508 : memref<5120x128xf32, #tpu.memory_space<vmem_shared>>) offsets(%dma_start3A_505 : memref<128xi32, #tpu.memory_space<vmem>>) semaphore(%dma_start3A_510 : memref<!tpu.dma_semaphore, #tpu.memory_space<semaphore_mem>>) {add = true}
        %dma_wait3A_511 = arith.constant 0 : i32
        %dma_wait3A_512 = arith.constant 0 : i32
        %dma_wait3A_513 = arith.constant 0 : i32
        %dma_wait3A_514 = tpu.memref_slice %arg8[%dma_wait3A_511, %dma_wait3A_513] : memref<5x128xi32, #tpu.memory_space<vmem>> -> memref<1x128xi32, #tpu.memory_space<vmem>>
        %dma_wait3A_515 = tpu.memref_squeeze %dma_wait3A_514 : memref<1x128xi32, #tpu.memory_space<vmem>> -> memref<128xi32, #tpu.memory_space<vmem>>
        %dma_wait3A_516 = arith.constant 0 : i32
        %dma_wait3A_517 = arith.constant 0 : i32
        %dma_wait3A_518 = tpu.memref_slice %arg14[%dma_wait3A_516, %dma_wait3A_517] : memref<5120x128xf32, #tpu.memory_space<vmem_shared>> -> memref<5120x128xf32, #tpu.memory_space<vmem_shared>>
        %dma_wait3A_519 = tpu.memref_slice %arg17[%dma_wait3A_512] : memref<5x!tpu.dma_semaphore, #tpu.memory_space<semaphore_mem>> -> memref<1x!tpu.dma_semaphore, #tpu.memory_space<semaphore_mem>>
        %dma_wait3A_520 = tpu.memref_squeeze %dma_wait3A_519 : memref<1x!tpu.dma_semaphore, #tpu.memory_space<semaphore_mem>> -> memref<!tpu.dma_semaphore, #tpu.memory_space<semaphore_mem>>
        tpu.wait_indirect_dma semaphore(%dma_wait3A_520 : memref<!tpu.dma_semaphore, #tpu.memory_space<semaphore_mem>>) src(%arg9 : memref<128x128xf32, #tpu.memory_space<vmem>>) dst(%dma_wait3A_518 : memref<5120x128xf32, #tpu.memory_space<vmem_shared>>)
        %dma_wait3A_521 = arith.constant 1 : i32
        %dma_wait3A_522 = arith.constant 1 : i32
        %dma_wait3A_523 = arith.constant 0 : i32
        %dma_wait3A_524 = tpu.memref_slice %arg8[%dma_wait3A_521, %dma_wait3A_523] : memref<5x128xi32, #tpu.memory_space<vmem>> -> memref<1x128xi32, #tpu.memory_space<vmem>>
        %dma_wait3A_525 = tpu.memref_squeeze %dma_wait3A_524 : memref<1x128xi32, #tpu.memory_space<vmem>> -> memref<128xi32, #tpu.memory_space<vmem>>
        %dma_wait3A_526 = arith.constant 0 : i32
        %dma_wait3A_527 = arith.constant 0 : i32
        %dma_wait3A_528 = tpu.memref_slice %arg14[%dma_wait3A_526, %dma_wait3A_527] : memref<5120x128xf32, #tpu.memory_space<vmem_shared>> -> memref<5120x128xf32, #tpu.memory_space<vmem_shared>>
        %dma_wait3A_529 = tpu.memref_slice %arg17[%dma_wait3A_522] : memref<5x!tpu.dma_semaphore, #tpu.memory_space<semaphore_mem>> -> memref<1x!tpu.dma_semaphore, #tpu.memory_space<semaphore_mem>>
        %dma_wait3A_530 = tpu.memref_squeeze %dma_wait3A_529 : memref<1x!tpu.dma_semaphore, #tpu.memory_space<semaphore_mem>> -> memref<!tpu.dma_semaphore, #tpu.memory_space<semaphore_mem>>
        tpu.wait_indirect_dma semaphore(%dma_wait3A_530 : memref<!tpu.dma_semaphore, #tpu.memory_space<semaphore_mem>>) src(%arg10 : memref<128x128xf32, #tpu.memory_space<vmem>>) dst(%dma_wait3A_528 : memref<5120x128xf32, #tpu.memory_space<vmem_shared>>)
        %dma_wait3A_531 = arith.constant 2 : i32
        %dma_wait3A_532 = arith.constant 2 : i32
        %dma_wait3A_533 = arith.constant 0 : i32
        %dma_wait3A_534 = tpu.memref_slice %arg8[%dma_wait3A_531, %dma_wait3A_533] : memref<5x128xi32, #tpu.memory_space<vmem>> -> memref<1x128xi32, #tpu.memory_space<vmem>>
        %dma_wait3A_535 = tpu.memref_squeeze %dma_wait3A_534 : memref<1x128xi32, #tpu.memory_space<vmem>> -> memref<128xi32, #tpu.memory_space<vmem>>
        %dma_wait3A_536 = arith.constant 0 : i32
        %dma_wait3A_537 = arith.constant 0 : i32
        %dma_wait3A_538 = tpu.memref_slice %arg14[%dma_wait3A_536, %dma_wait3A_537] : memref<5120x128xf32, #tpu.memory_space<vmem_shared>> -> memref<5120x128xf32, #tpu.memory_space<vmem_shared>>
        %dma_wait3A_539 = tpu.memref_slice %arg17[%dma_wait3A_532] : memref<5x!tpu.dma_semaphore, #tpu.memory_space<semaphore_mem>> -> memref<1x!tpu.dma_semaphore, #tpu.memory_space<semaphore_mem>>
        %dma_wait3A_540 = tpu.memref_squeeze %dma_wait3A_539 : memref<1x!tpu.dma_semaphore, #tpu.memory_space<semaphore_mem>> -> memref<!tpu.dma_semaphore, #tpu.memory_space<semaphore_mem>>
        tpu.wait_indirect_dma semaphore(%dma_wait3A_540 : memref<!tpu.dma_semaphore, #tpu.memory_space<semaphore_mem>>) src(%arg11 : memref<128x128xf32, #tpu.memory_space<vmem>>) dst(%dma_wait3A_538 : memref<5120x128xf32, #tpu.memory_space<vmem_shared>>)
        %dma_wait3A_541 = arith.constant 3 : i32
        %dma_wait3A_542 = arith.constant 3 : i32
        %dma_wait3A_543 = arith.constant 0 : i32
        %dma_wait3A_544 = tpu.memref_slice %arg8[%dma_wait3A_541, %dma_wait3A_543] : memref<5x128xi32, #tpu.memory_space<vmem>> -> memref<1x128xi32, #tpu.memory_space<vmem>>
        %dma_wait3A_545 = tpu.memref_squeeze %dma_wait3A_544 : memref<1x128xi32, #tpu.memory_space<vmem>> -> memref<128xi32, #tpu.memory_space<vmem>>
        %dma_wait3A_546 = arith.constant 0 : i32
        %dma_wait3A_547 = arith.constant 0 : i32
        %dma_wait3A_548 = tpu.memref_slice %arg14[%dma_wait3A_546, %dma_wait3A_547] : memref<5120x128xf32, #tpu.memory_space<vmem_shared>> -> memref<5120x128xf32, #tpu.memory_space<vmem_shared>>
        %dma_wait3A_549 = tpu.memref_slice %arg17[%dma_wait3A_542] : memref<5x!tpu.dma_semaphore, #tpu.memory_space<semaphore_mem>> -> memref<1x!tpu.dma_semaphore, #tpu.memory_space<semaphore_mem>>
        %dma_wait3A_550 = tpu.memref_squeeze %dma_wait3A_549 : memref<1x!tpu.dma_semaphore, #tpu.memory_space<semaphore_mem>> -> memref<!tpu.dma_semaphore, #tpu.memory_space<semaphore_mem>>
        tpu.wait_indirect_dma semaphore(%dma_wait3A_550 : memref<!tpu.dma_semaphore, #tpu.memory_space<semaphore_mem>>) src(%arg12 : memref<128x128xf32, #tpu.memory_space<vmem>>) dst(%dma_wait3A_548 : memref<5120x128xf32, #tpu.memory_space<vmem_shared>>)
        %dma_wait3A_551 = arith.constant 4 : i32
        %dma_wait3A_552 = arith.constant 4 : i32
        %dma_wait3A_553 = arith.constant 0 : i32
        %dma_wait3A_554 = tpu.memref_slice %arg8[%dma_wait3A_551, %dma_wait3A_553] : memref<5x128xi32, #tpu.memory_space<vmem>> -> memref<1x128xi32, #tpu.memory_space<vmem>>
        %dma_wait3A_555 = tpu.memref_squeeze %dma_wait3A_554 : memref<1x128xi32, #tpu.memory_space<vmem>> -> memref<128xi32, #tpu.memory_space<vmem>>
        %dma_wait3A_556 = arith.constant 0 : i32
        %dma_wait3A_557 = arith.constant 0 : i32
        %dma_wait3A_558 = tpu.memref_slice %arg14[%dma_wait3A_556, %dma_wait3A_557] : memref<5120x128xf32, #tpu.memory_space<vmem_shared>> -> memref<5120x128xf32, #tpu.memory_space<vmem_shared>>
        %dma_wait3A_559 = tpu.memref_slice %arg17[%dma_wait3A_552] : memref<5x!tpu.dma_semaphore, #tpu.memory_space<semaphore_mem>> -> memref<1x!tpu.dma_semaphore, #tpu.memory_space<semaphore_mem>>
        %dma_wait3A_560 = tpu.memref_squeeze %dma_wait3A_559 : memref<1x!tpu.dma_semaphore, #tpu.memory_space<semaphore_mem>> -> memref<!tpu.dma_semaphore, #tpu.memory_space<semaphore_mem>>
        tpu.wait_indirect_dma semaphore(%dma_wait3A_560 : memref<!tpu.dma_semaphore, #tpu.memory_space<semaphore_mem>>) src(%arg13 : memref<128x128xf32, #tpu.memory_space<vmem>>) dst(%dma_wait3A_558 : memref<5120x128xf32, #tpu.memory_space<vmem_shared>>)
      }
      %scan3A_22 = arith.constant 2 : i32
    } else {
    }
    %barrier3A_10 = arith.constant 0 : index
    tpu.barrier barrier_id(%barrier3A_10)
    %mul3A_11 = arith.constant 320 : i32
    %mul3A_12 = arith.muli %arg1, %mul3A_11 : i32
    %mul3A_13 = arith.constant 320 : i32
    %mul3A_14 = arith.muli %arg1, %mul3A_13 : i32
    "tpu.region"() ({
      %run_scoped3A = tpu.sem_alloc : memref<!tpu.dma_semaphore, #tpu.memory_space<semaphore_mem>>
      %dma_start3A = arith.constant 0 : i32
      %dma_start3A_15 = tpu.memref_slice %arg6[%arg0, %mul3A_14, %dma_start3A] : memref<2x5120x128xf32, #tpu.memory_space<hbm>> -> memref<1x320x128xf32, #tpu.memory_space<hbm>>
      %dma_start3A_16 = tpu.memref_squeeze %dma_start3A_15 : memref<1x320x128xf32, #tpu.memory_space<hbm>> -> memref<320x128xf32, #tpu.memory_space<hbm>>
      %dma_start3A_17 = arith.constant 0 : i32
      %dma_start3A_18 = tpu.memref_slice %arg14[%mul3A_12, %dma_start3A_17] : memref<5120x128xf32, #tpu.memory_space<vmem_shared>> -> memref<320x128xf32, #tpu.memory_space<vmem_shared>>
      tpu.enqueue_dma source(%dma_start3A_18 : memref<320x128xf32, #tpu.memory_space<vmem_shared>>) target(%dma_start3A_16 : memref<320x128xf32, #tpu.memory_space<hbm>>) target_semaphore(%run_scoped3A : memref<!tpu.dma_semaphore, #tpu.memory_space<semaphore_mem>>)
      %dma_wait3A = arith.constant 0 : i32
      %dma_wait3A_19 = tpu.memref_slice %arg6[%arg0, %mul3A_14, %dma_wait3A] : memref<2x5120x128xf32, #tpu.memory_space<hbm>> -> memref<1x320x128xf32, #tpu.memory_space<hbm>>
      %dma_wait3A_20 = tpu.memref_squeeze %dma_wait3A_19 : memref<1x320x128xf32, #tpu.memory_space<hbm>> -> memref<320x128xf32, #tpu.memory_space<hbm>>
      %dma_wait3A_21 = arith.constant 0 : i32
      %dma_wait3A_22 = tpu.memref_slice %arg14[%mul3A_12, %dma_wait3A_21] : memref<5120x128xf32, #tpu.memory_space<vmem_shared>> -> memref<320x128xf32, #tpu.memory_space<vmem_shared>>
      tpu.wait_dma2 semaphore(%run_scoped3A : memref<!tpu.dma_semaphore, #tpu.memory_space<semaphore_mem>>) src(%dma_wait3A_22 : memref<320x128xf32, #tpu.memory_space<vmem_shared>>) dst(%dma_wait3A_20 : memref<320x128xf32, #tpu.memory_space<hbm>>)
      tpu.yield
    }) : () -> ()
    return
  }
}

#map = affine_map<(d0, d1) -> (0, 0)>
#map1 = affine_map<(d0, d1) -> (0, 0, 0)>
module attributes {stable_mosaic.version = 14 : i64} {
  func.func @_pass(%arg0: i32, %arg1: i32, %arg2: memref<5120x128xf32, #tpu.memory_space<hbm>>, %arg3: memref<2560x128xi32, #tpu.memory_space<hbm>>, %arg4: memref<2560x128xi32, #tpu.memory_space<hbm>>, %arg5: memref<640x128xf32, #tpu.memory_space<hbm>>, %arg6: memref<2x10240x128xf32, #tpu.memory_space<hbm>>, %arg7: memref<2x128xi32, #tpu.memory_space<vmem>>, %arg8: memref<2x128xi32, #tpu.memory_space<vmem>>, %arg9: memref<128x128xf32, #tpu.memory_space<vmem>>, %arg10: memref<128x128xf32, #tpu.memory_space<vmem>>, %arg11: memref<10240x128xf32, #tpu.memory_space<vmem_shared>>, %arg12: memref<2x!tpu.dma_semaphore, #tpu.memory_space<semaphore_mem>>, %arg13: memref<2x!tpu.dma_semaphore, #tpu.memory_space<semaphore_mem>>, %arg14: memref<2x!tpu.dma_semaphore, #tpu.memory_space<semaphore_mem>>) attributes {dimension_semantics = [#tpu.dimension_semantics<core_parallel>, #tpu.dimension_semantics<subcore_parallel>], iteration_bounds = array<i64: 2, 16>, scalar_prefetch = 0 : i64, scratch_operands = 8 : i64, tpu.core_type = #tpu.core_type<sc_vector_subcore>, window_params = [{transform_indices = #map}, {transform_indices = #map}, {transform_indices = #map}, {transform_indices = #map}, {transform_indices = #map1}]} {
    %mul3A = arith.constant 2 : i32
    %mul3A_0 = arith.muli %arg1, %mul3A : i32
    %add3A = arith.addi %mul3A_0, %arg0 : i32
    %mul3A_1 = arith.constant 640 : i32
    %mul3A_2 = arith.muli %arg1, %mul3A_1 : i32
    "tpu.region"() ({
      %run_scoped3A = tpu.sem_alloc : memref<!tpu.dma_semaphore, #tpu.memory_space<semaphore_mem>>
      %dma_start3A = arith.constant 0 : i32
      %dma_start3A_15 = tpu.memref_slice %arg11[%mul3A_2, %dma_start3A] : memref<10240x128xf32, #tpu.memory_space<vmem_shared>> -> memref<640x128xf32, #tpu.memory_space<vmem_shared>>
      %dma_start3A_16 = arith.constant 0 : i32
      %dma_start3A_17 = arith.constant 0 : i32
      %dma_start3A_18 = tpu.memref_slice %arg5[%dma_start3A_16, %dma_start3A_17] : memref<640x128xf32, #tpu.memory_space<hbm>> -> memref<640x128xf32, #tpu.memory_space<hbm>>
      tpu.enqueue_dma source(%dma_start3A_18 : memref<640x128xf32, #tpu.memory_space<hbm>>) target(%dma_start3A_15 : memref<640x128xf32, #tpu.memory_space<vmem_shared>>) target_semaphore(%run_scoped3A : memref<!tpu.dma_semaphore, #tpu.memory_space<semaphore_mem>>)
      %dma_wait3A = arith.constant 0 : i32
      %dma_wait3A_19 = tpu.memref_slice %arg11[%mul3A_2, %dma_wait3A] : memref<10240x128xf32, #tpu.memory_space<vmem_shared>> -> memref<640x128xf32, #tpu.memory_space<vmem_shared>>
      %dma_wait3A_20 = arith.constant 0 : i32
      %dma_wait3A_21 = arith.constant 0 : i32
      %dma_wait3A_22 = tpu.memref_slice %arg5[%dma_wait3A_20, %dma_wait3A_21] : memref<640x128xf32, #tpu.memory_space<hbm>> -> memref<640x128xf32, #tpu.memory_space<hbm>>
      tpu.wait_dma2 semaphore(%run_scoped3A : memref<!tpu.dma_semaphore, #tpu.memory_space<semaphore_mem>>) src(%dma_wait3A_22 : memref<640x128xf32, #tpu.memory_space<hbm>>) dst(%dma_wait3A_19 : memref<640x128xf32, #tpu.memory_space<vmem_shared>>)
      tpu.yield
    }) : () -> ()
    %barrier3A = arith.constant 0 : index
    tpu.barrier barrier_id(%barrier3A)
    %eq3A = arith.constant 0 : i32
    %eq3A_3 = arith.cmpi eq, %arg0, %eq3A : i32
    %convert_element_type3A = arith.extui %eq3A_3 : i1 to i32
    %cond3A = arith.constant 0 : i32
    %cond3A_4 = arith.cmpi ne, %convert_element_type3A, %cond3A : i32
    scf.if %cond3A_4 {
      %mul3A_15 = arith.constant 150 : i32
      %mul3A_16 = arith.muli %arg1, %mul3A_15 : i32
      %scan3A = arith.constant 0 : i32
      %scan3A_17 = arith.constant 75 : i32
      %scan3A_18 = arith.addi %scan3A, %scan3A_17 : i32
      %scan3A_19 = arith.constant 1 : i32
      scf.for %scan3A_21 = %scan3A to %scan3A_18 step %scan3A_19  : i32 {
        %mul3A_22 = arith.constant 2 : i32
        %mul3A_23 = arith.muli %scan3A_21, %mul3A_22 : i32
        %add3A_24 = arith.constant 0 : i32
        %add3A_25 = arith.addi %add3A_24, %mul3A_23 : i32
        %add3A_26 = arith.addi %mul3A_16, %add3A_25 : i32
        %add3A_27 = arith.constant 0 : i32
        %add3A_28 = arith.addi %add3A_26, %add3A_27 : i32
        %dma_start3A = arith.constant 0 : i32
        %dma_start3A_29 = arith.constant 0 : i32
        %dma_start3A_30 = arith.constant 0 : i32
        %dma_start3A_31 = tpu.memref_slice %arg7[%dma_start3A, %dma_start3A_30] : memref<2x128xi32, #tpu.memory_space<vmem>> -> memref<1x128xi32, #tpu.memory_space<vmem>>
        %dma_start3A_32 = tpu.memref_squeeze %dma_start3A_31 : memref<1x128xi32, #tpu.memory_space<vmem>> -> memref<128xi32, #tpu.memory_space<vmem>>
        %dma_start3A_33 = arith.constant 0 : i32
        %dma_start3A_34 = tpu.memref_slice %arg3[%add3A_28, %dma_start3A_33] : memref<2560x128xi32, #tpu.memory_space<hbm>> -> memref<1x128xi32, #tpu.memory_space<hbm>>
        %dma_start3A_35 = tpu.memref_squeeze %dma_start3A_34 : memref<1x128xi32, #tpu.memory_space<hbm>> -> memref<128xi32, #tpu.memory_space<hbm>>
        %dma_start3A_36 = tpu.memref_slice %arg12[%dma_start3A_29] : memref<2x!tpu.dma_semaphore, #tpu.memory_space<semaphore_mem>> -> memref<1x!tpu.dma_semaphore, #tpu.memory_space<semaphore_mem>>
        %dma_start3A_37 = tpu.memref_squeeze %dma_start3A_36 : memref<1x!tpu.dma_semaphore, #tpu.memory_space<semaphore_mem>> -> memref<!tpu.dma_semaphore, #tpu.memory_space<semaphore_mem>>
        %dma_start3A_38 = arith.constant 0 : i32
        %dma_start3A_39 = tpu.memref_slice %arg7[%dma_start3A, %dma_start3A_38] : memref<2x128xi32, #tpu.memory_space<vmem>> -> memref<1x128xi32, #tpu.memory_space<vmem>>
        %dma_start3A_40 = tpu.memref_squeeze %dma_start3A_39 : memref<1x128xi32, #tpu.memory_space<vmem>> -> memref<128xi32, #tpu.memory_space<vmem>>
        %dma_start3A_41 = arith.constant 0 : i32
        %dma_start3A_42 = tpu.memref_slice %arg3[%add3A_28, %dma_start3A_41] : memref<2560x128xi32, #tpu.memory_space<hbm>> -> memref<1x128xi32, #tpu.memory_space<hbm>>
        %dma_start3A_43 = tpu.memref_squeeze %dma_start3A_42 : memref<1x128xi32, #tpu.memory_space<hbm>> -> memref<128xi32, #tpu.memory_space<hbm>>
        tpu.enqueue_dma source(%dma_start3A_43 : memref<128xi32, #tpu.memory_space<hbm>>) target(%dma_start3A_40 : memref<128xi32, #tpu.memory_space<vmem>>) target_semaphore(%dma_start3A_37 : memref<!tpu.dma_semaphore, #tpu.memory_space<semaphore_mem>>)
        %dma_start3A_44 = arith.constant 0 : i32
        %dma_start3A_45 = arith.constant 0 : i32
        %dma_start3A_46 = arith.constant 0 : i32
        %dma_start3A_47 = tpu.memref_slice %arg8[%dma_start3A_44, %dma_start3A_46] : memref<2x128xi32, #tpu.memory_space<vmem>> -> memref<1x128xi32, #tpu.memory_space<vmem>>
        %dma_start3A_48 = tpu.memref_squeeze %dma_start3A_47 : memref<1x128xi32, #tpu.memory_space<vmem>> -> memref<128xi32, #tpu.memory_space<vmem>>
        %dma_start3A_49 = arith.constant 0 : i32
        %dma_start3A_50 = tpu.memref_slice %arg4[%add3A_28, %dma_start3A_49] : memref<2560x128xi32, #tpu.memory_space<hbm>> -> memref<1x128xi32, #tpu.memory_space<hbm>>
        %dma_start3A_51 = tpu.memref_squeeze %dma_start3A_50 : memref<1x128xi32, #tpu.memory_space<hbm>> -> memref<128xi32, #tpu.memory_space<hbm>>
        %dma_start3A_52 = tpu.memref_slice %arg12[%dma_start3A_45] : memref<2x!tpu.dma_semaphore, #tpu.memory_space<semaphore_mem>> -> memref<1x!tpu.dma_semaphore, #tpu.memory_space<semaphore_mem>>
        %dma_start3A_53 = tpu.memref_squeeze %dma_start3A_52 : memref<1x!tpu.dma_semaphore, #tpu.memory_space<semaphore_mem>> -> memref<!tpu.dma_semaphore, #tpu.memory_space<semaphore_mem>>
        %dma_start3A_54 = arith.constant 0 : i32
        %dma_start3A_55 = tpu.memref_slice %arg8[%dma_start3A_44, %dma_start3A_54] : memref<2x128xi32, #tpu.memory_space<vmem>> -> memref<1x128xi32, #tpu.memory_space<vmem>>
        %dma_start3A_56 = tpu.memref_squeeze %dma_start3A_55 : memref<1x128xi32, #tpu.memory_space<vmem>> -> memref<128xi32, #tpu.memory_space<vmem>>
        %dma_start3A_57 = arith.constant 0 : i32
        %dma_start3A_58 = tpu.memref_slice %arg4[%add3A_28, %dma_start3A_57] : memref<2560x128xi32, #tpu.memory_space<hbm>> -> memref<1x128xi32, #tpu.memory_space<hbm>>
        %dma_start3A_59 = tpu.memref_squeeze %dma_start3A_58 : memref<1x128xi32, #tpu.memory_space<hbm>> -> memref<128xi32, #tpu.memory_space<hbm>>
        tpu.enqueue_dma source(%dma_start3A_59 : memref<128xi32, #tpu.memory_space<hbm>>) target(%dma_start3A_56 : memref<128xi32, #tpu.memory_space<vmem>>) target_semaphore(%dma_start3A_53 : memref<!tpu.dma_semaphore, #tpu.memory_space<semaphore_mem>>)
        %add3A_60 = arith.addi %mul3A_16, %add3A_25 : i32
        %add3A_61 = arith.constant 1 : i32
        %add3A_62 = arith.addi %add3A_60, %add3A_61 : i32
        %dma_start3A_63 = arith.constant 1 : i32
        %dma_start3A_64 = arith.constant 1 : i32
        %dma_start3A_65 = arith.constant 0 : i32
        %dma_start3A_66 = tpu.memref_slice %arg7[%dma_start3A_63, %dma_start3A_65] : memref<2x128xi32, #tpu.memory_space<vmem>> -> memref<1x128xi32, #tpu.memory_space<vmem>>
        %dma_start3A_67 = tpu.memref_squeeze %dma_start3A_66 : memref<1x128xi32, #tpu.memory_space<vmem>> -> memref<128xi32, #tpu.memory_space<vmem>>
        %dma_start3A_68 = arith.constant 0 : i32
        %dma_start3A_69 = tpu.memref_slice %arg3[%add3A_62, %dma_start3A_68] : memref<2560x128xi32, #tpu.memory_space<hbm>> -> memref<1x128xi32, #tpu.memory_space<hbm>>
        %dma_start3A_70 = tpu.memref_squeeze %dma_start3A_69 : memref<1x128xi32, #tpu.memory_space<hbm>> -> memref<128xi32, #tpu.memory_space<hbm>>
        %dma_start3A_71 = tpu.memref_slice %arg12[%dma_start3A_64] : memref<2x!tpu.dma_semaphore, #tpu.memory_space<semaphore_mem>> -> memref<1x!tpu.dma_semaphore, #tpu.memory_space<semaphore_mem>>
        %dma_start3A_72 = tpu.memref_squeeze %dma_start3A_71 : memref<1x!tpu.dma_semaphore, #tpu.memory_space<semaphore_mem>> -> memref<!tpu.dma_semaphore, #tpu.memory_space<semaphore_mem>>
        %dma_start3A_73 = arith.constant 0 : i32
        %dma_start3A_74 = tpu.memref_slice %arg7[%dma_start3A_63, %dma_start3A_73] : memref<2x128xi32, #tpu.memory_space<vmem>> -> memref<1x128xi32, #tpu.memory_space<vmem>>
        %dma_start3A_75 = tpu.memref_squeeze %dma_start3A_74 : memref<1x128xi32, #tpu.memory_space<vmem>> -> memref<128xi32, #tpu.memory_space<vmem>>
        %dma_start3A_76 = arith.constant 0 : i32
        %dma_start3A_77 = tpu.memref_slice %arg3[%add3A_62, %dma_start3A_76] : memref<2560x128xi32, #tpu.memory_space<hbm>> -> memref<1x128xi32, #tpu.memory_space<hbm>>
        %dma_start3A_78 = tpu.memref_squeeze %dma_start3A_77 : memref<1x128xi32, #tpu.memory_space<hbm>> -> memref<128xi32, #tpu.memory_space<hbm>>
        tpu.enqueue_dma source(%dma_start3A_78 : memref<128xi32, #tpu.memory_space<hbm>>) target(%dma_start3A_75 : memref<128xi32, #tpu.memory_space<vmem>>) target_semaphore(%dma_start3A_72 : memref<!tpu.dma_semaphore, #tpu.memory_space<semaphore_mem>>)
        %dma_start3A_79 = arith.constant 1 : i32
        %dma_start3A_80 = arith.constant 1 : i32
        %dma_start3A_81 = arith.constant 0 : i32
        %dma_start3A_82 = tpu.memref_slice %arg8[%dma_start3A_79, %dma_start3A_81] : memref<2x128xi32, #tpu.memory_space<vmem>> -> memref<1x128xi32, #tpu.memory_space<vmem>>
        %dma_start3A_83 = tpu.memref_squeeze %dma_start3A_82 : memref<1x128xi32, #tpu.memory_space<vmem>> -> memref<128xi32, #tpu.memory_space<vmem>>
        %dma_start3A_84 = arith.constant 0 : i32
        %dma_start3A_85 = tpu.memref_slice %arg4[%add3A_62, %dma_start3A_84] : memref<2560x128xi32, #tpu.memory_space<hbm>> -> memref<1x128xi32, #tpu.memory_space<hbm>>
        %dma_start3A_86 = tpu.memref_squeeze %dma_start3A_85 : memref<1x128xi32, #tpu.memory_space<hbm>> -> memref<128xi32, #tpu.memory_space<hbm>>
        %dma_start3A_87 = tpu.memref_slice %arg12[%dma_start3A_80] : memref<2x!tpu.dma_semaphore, #tpu.memory_space<semaphore_mem>> -> memref<1x!tpu.dma_semaphore, #tpu.memory_space<semaphore_mem>>
        %dma_start3A_88 = tpu.memref_squeeze %dma_start3A_87 : memref<1x!tpu.dma_semaphore, #tpu.memory_space<semaphore_mem>> -> memref<!tpu.dma_semaphore, #tpu.memory_space<semaphore_mem>>
        %dma_start3A_89 = arith.constant 0 : i32
        %dma_start3A_90 = tpu.memref_slice %arg8[%dma_start3A_79, %dma_start3A_89] : memref<2x128xi32, #tpu.memory_space<vmem>> -> memref<1x128xi32, #tpu.memory_space<vmem>>
        %dma_start3A_91 = tpu.memref_squeeze %dma_start3A_90 : memref<1x128xi32, #tpu.memory_space<vmem>> -> memref<128xi32, #tpu.memory_space<vmem>>
        %dma_start3A_92 = arith.constant 0 : i32
        %dma_start3A_93 = tpu.memref_slice %arg4[%add3A_62, %dma_start3A_92] : memref<2560x128xi32, #tpu.memory_space<hbm>> -> memref<1x128xi32, #tpu.memory_space<hbm>>
        %dma_start3A_94 = tpu.memref_squeeze %dma_start3A_93 : memref<1x128xi32, #tpu.memory_space<hbm>> -> memref<128xi32, #tpu.memory_space<hbm>>
        tpu.enqueue_dma source(%dma_start3A_94 : memref<128xi32, #tpu.memory_space<hbm>>) target(%dma_start3A_91 : memref<128xi32, #tpu.memory_space<vmem>>) target_semaphore(%dma_start3A_88 : memref<!tpu.dma_semaphore, #tpu.memory_space<semaphore_mem>>)
        %dma_wait3A = arith.constant 0 : i32
        %dma_wait3A_95 = arith.constant 0 : i32
        %dma_wait3A_96 = arith.constant 0 : i32
        %dma_wait3A_97 = tpu.memref_slice %arg7[%dma_wait3A, %dma_wait3A_96] : memref<2x128xi32, #tpu.memory_space<vmem>> -> memref<1x128xi32, #tpu.memory_space<vmem>>
        %dma_wait3A_98 = tpu.memref_squeeze %dma_wait3A_97 : memref<1x128xi32, #tpu.memory_space<vmem>> -> memref<128xi32, #tpu.memory_space<vmem>>
        %dma_wait3A_99 = arith.constant 0 : i32
        %dma_wait3A_100 = tpu.memref_slice %arg3[%add3A_28, %dma_wait3A_99] : memref<2560x128xi32, #tpu.memory_space<hbm>> -> memref<1x128xi32, #tpu.memory_space<hbm>>
        %dma_wait3A_101 = tpu.memref_squeeze %dma_wait3A_100 : memref<1x128xi32, #tpu.memory_space<hbm>> -> memref<128xi32, #tpu.memory_space<hbm>>
        %dma_wait3A_102 = tpu.memref_slice %arg12[%dma_wait3A_95] : memref<2x!tpu.dma_semaphore, #tpu.memory_space<semaphore_mem>> -> memref<1x!tpu.dma_semaphore, #tpu.memory_space<semaphore_mem>>
        %dma_wait3A_103 = tpu.memref_squeeze %dma_wait3A_102 : memref<1x!tpu.dma_semaphore, #tpu.memory_space<semaphore_mem>> -> memref<!tpu.dma_semaphore, #tpu.memory_space<semaphore_mem>>
        %dma_wait3A_104 = arith.constant 0 : i32
        %dma_wait3A_105 = tpu.memref_slice %arg7[%dma_wait3A, %dma_wait3A_104] : memref<2x128xi32, #tpu.memory_space<vmem>> -> memref<1x128xi32, #tpu.memory_space<vmem>>
        %dma_wait3A_106 = tpu.memref_squeeze %dma_wait3A_105 : memref<1x128xi32, #tpu.memory_space<vmem>> -> memref<128xi32, #tpu.memory_space<vmem>>
        %dma_wait3A_107 = arith.constant 0 : i32
        %dma_wait3A_108 = tpu.memref_slice %arg3[%add3A_28, %dma_wait3A_107] : memref<2560x128xi32, #tpu.memory_space<hbm>> -> memref<1x128xi32, #tpu.memory_space<hbm>>
        %dma_wait3A_109 = tpu.memref_squeeze %dma_wait3A_108 : memref<1x128xi32, #tpu.memory_space<hbm>> -> memref<128xi32, #tpu.memory_space<hbm>>
        tpu.wait_dma2 semaphore(%dma_wait3A_103 : memref<!tpu.dma_semaphore, #tpu.memory_space<semaphore_mem>>) src(%dma_wait3A_109 : memref<128xi32, #tpu.memory_space<hbm>>) dst(%dma_wait3A_106 : memref<128xi32, #tpu.memory_space<vmem>>)
        %dma_wait3A_110 = arith.constant 0 : i32
        %dma_wait3A_111 = arith.constant 0 : i32
        %dma_wait3A_112 = arith.constant 0 : i32
        %dma_wait3A_113 = tpu.memref_slice %arg8[%dma_wait3A_110, %dma_wait3A_112] : memref<2x128xi32, #tpu.memory_space<vmem>> -> memref<1x128xi32, #tpu.memory_space<vmem>>
        %dma_wait3A_114 = tpu.memref_squeeze %dma_wait3A_113 : memref<1x128xi32, #tpu.memory_space<vmem>> -> memref<128xi32, #tpu.memory_space<vmem>>
        %dma_wait3A_115 = arith.constant 0 : i32
        %dma_wait3A_116 = tpu.memref_slice %arg4[%add3A_28, %dma_wait3A_115] : memref<2560x128xi32, #tpu.memory_space<hbm>> -> memref<1x128xi32, #tpu.memory_space<hbm>>
        %dma_wait3A_117 = tpu.memref_squeeze %dma_wait3A_116 : memref<1x128xi32, #tpu.memory_space<hbm>> -> memref<128xi32, #tpu.memory_space<hbm>>
        %dma_wait3A_118 = tpu.memref_slice %arg12[%dma_wait3A_111] : memref<2x!tpu.dma_semaphore, #tpu.memory_space<semaphore_mem>> -> memref<1x!tpu.dma_semaphore, #tpu.memory_space<semaphore_mem>>
        %dma_wait3A_119 = tpu.memref_squeeze %dma_wait3A_118 : memref<1x!tpu.dma_semaphore, #tpu.memory_space<semaphore_mem>> -> memref<!tpu.dma_semaphore, #tpu.memory_space<semaphore_mem>>
        %dma_wait3A_120 = arith.constant 0 : i32
        %dma_wait3A_121 = tpu.memref_slice %arg8[%dma_wait3A_110, %dma_wait3A_120] : memref<2x128xi32, #tpu.memory_space<vmem>> -> memref<1x128xi32, #tpu.memory_space<vmem>>
        %dma_wait3A_122 = tpu.memref_squeeze %dma_wait3A_121 : memref<1x128xi32, #tpu.memory_space<vmem>> -> memref<128xi32, #tpu.memory_space<vmem>>
        %dma_wait3A_123 = arith.constant 0 : i32
        %dma_wait3A_124 = tpu.memref_slice %arg4[%add3A_28, %dma_wait3A_123] : memref<2560x128xi32, #tpu.memory_space<hbm>> -> memref<1x128xi32, #tpu.memory_space<hbm>>
        %dma_wait3A_125 = tpu.memref_squeeze %dma_wait3A_124 : memref<1x128xi32, #tpu.memory_space<hbm>> -> memref<128xi32, #tpu.memory_space<hbm>>
        tpu.wait_dma2 semaphore(%dma_wait3A_119 : memref<!tpu.dma_semaphore, #tpu.memory_space<semaphore_mem>>) src(%dma_wait3A_125 : memref<128xi32, #tpu.memory_space<hbm>>) dst(%dma_wait3A_122 : memref<128xi32, #tpu.memory_space<vmem>>)
        %dma_start3A_126 = arith.constant 0 : i32
        %dma_start3A_127 = arith.constant 0 : i32
        %dma_start3A_128 = arith.constant 0 : i32
        %dma_start3A_129 = tpu.memref_slice %arg7[%dma_start3A_126, %dma_start3A_128] : memref<2x128xi32, #tpu.memory_space<vmem>> -> memref<1x128xi32, #tpu.memory_space<vmem>>
        %dma_start3A_130 = tpu.memref_squeeze %dma_start3A_129 : memref<1x128xi32, #tpu.memory_space<vmem>> -> memref<128xi32, #tpu.memory_space<vmem>>
        %dma_start3A_131 = arith.constant 0 : i32
        %dma_start3A_132 = arith.constant 0 : i32
        %dma_start3A_133 = tpu.memref_slice %arg2[%dma_start3A_131, %dma_start3A_132] : memref<5120x128xf32, #tpu.memory_space<hbm>> -> memref<5120x128xf32, #tpu.memory_space<hbm>>
        %dma_start3A_134 = tpu.memref_slice %arg13[%dma_start3A_127] : memref<2x!tpu.dma_semaphore, #tpu.memory_space<semaphore_mem>> -> memref<1x!tpu.dma_semaphore, #tpu.memory_space<semaphore_mem>>
        %dma_start3A_135 = tpu.memref_squeeze %dma_start3A_134 : memref<1x!tpu.dma_semaphore, #tpu.memory_space<semaphore_mem>> -> memref<!tpu.dma_semaphore, #tpu.memory_space<semaphore_mem>>
        tpu.enqueue_indirect_dma source(%dma_start3A_133 : memref<5120x128xf32, #tpu.memory_space<hbm>>) target(%arg9 : memref<128x128xf32, #tpu.memory_space<vmem>>) offsets(%dma_start3A_130 : memref<128xi32, #tpu.memory_space<vmem>>) semaphore(%dma_start3A_135 : memref<!tpu.dma_semaphore, #tpu.memory_space<semaphore_mem>>)
        %dma_wait3A_136 = arith.constant 1 : i32
        %dma_wait3A_137 = arith.constant 1 : i32
        %dma_wait3A_138 = arith.constant 0 : i32
        %dma_wait3A_139 = tpu.memref_slice %arg7[%dma_wait3A_136, %dma_wait3A_138] : memref<2x128xi32, #tpu.memory_space<vmem>> -> memref<1x128xi32, #tpu.memory_space<vmem>>
        %dma_wait3A_140 = tpu.memref_squeeze %dma_wait3A_139 : memref<1x128xi32, #tpu.memory_space<vmem>> -> memref<128xi32, #tpu.memory_space<vmem>>
        %dma_wait3A_141 = arith.constant 0 : i32
        %dma_wait3A_142 = tpu.memref_slice %arg3[%add3A_62, %dma_wait3A_141] : memref<2560x128xi32, #tpu.memory_space<hbm>> -> memref<1x128xi32, #tpu.memory_space<hbm>>
        %dma_wait3A_143 = tpu.memref_squeeze %dma_wait3A_142 : memref<1x128xi32, #tpu.memory_space<hbm>> -> memref<128xi32, #tpu.memory_space<hbm>>
        %dma_wait3A_144 = tpu.memref_slice %arg12[%dma_wait3A_137] : memref<2x!tpu.dma_semaphore, #tpu.memory_space<semaphore_mem>> -> memref<1x!tpu.dma_semaphore, #tpu.memory_space<semaphore_mem>>
        %dma_wait3A_145 = tpu.memref_squeeze %dma_wait3A_144 : memref<1x!tpu.dma_semaphore, #tpu.memory_space<semaphore_mem>> -> memref<!tpu.dma_semaphore, #tpu.memory_space<semaphore_mem>>
        %dma_wait3A_146 = arith.constant 0 : i32
        %dma_wait3A_147 = tpu.memref_slice %arg7[%dma_wait3A_136, %dma_wait3A_146] : memref<2x128xi32, #tpu.memory_space<vmem>> -> memref<1x128xi32, #tpu.memory_space<vmem>>
        %dma_wait3A_148 = tpu.memref_squeeze %dma_wait3A_147 : memref<1x128xi32, #tpu.memory_space<vmem>> -> memref<128xi32, #tpu.memory_space<vmem>>
        %dma_wait3A_149 = arith.constant 0 : i32
        %dma_wait3A_150 = tpu.memref_slice %arg3[%add3A_62, %dma_wait3A_149] : memref<2560x128xi32, #tpu.memory_space<hbm>> -> memref<1x128xi32, #tpu.memory_space<hbm>>
        %dma_wait3A_151 = tpu.memref_squeeze %dma_wait3A_150 : memref<1x128xi32, #tpu.memory_space<hbm>> -> memref<128xi32, #tpu.memory_space<hbm>>
        tpu.wait_dma2 semaphore(%dma_wait3A_145 : memref<!tpu.dma_semaphore, #tpu.memory_space<semaphore_mem>>) src(%dma_wait3A_151 : memref<128xi32, #tpu.memory_space<hbm>>) dst(%dma_wait3A_148 : memref<128xi32, #tpu.memory_space<vmem>>)
        %dma_wait3A_152 = arith.constant 1 : i32
        %dma_wait3A_153 = arith.constant 1 : i32
        %dma_wait3A_154 = arith.constant 0 : i32
        %dma_wait3A_155 = tpu.memref_slice %arg8[%dma_wait3A_152, %dma_wait3A_154] : memref<2x128xi32, #tpu.memory_space<vmem>> -> memref<1x128xi32, #tpu.memory_space<vmem>>
        %dma_wait3A_156 = tpu.memref_squeeze %dma_wait3A_155 : memref<1x128xi32, #tpu.memory_space<vmem>> -> memref<128xi32, #tpu.memory_space<vmem>>
        %dma_wait3A_157 = arith.constant 0 : i32
        %dma_wait3A_158 = tpu.memref_slice %arg4[%add3A_62, %dma_wait3A_157] : memref<2560x128xi32, #tpu.memory_space<hbm>> -> memref<1x128xi32, #tpu.memory_space<hbm>>
        %dma_wait3A_159 = tpu.memref_squeeze %dma_wait3A_158 : memref<1x128xi32, #tpu.memory_space<hbm>> -> memref<128xi32, #tpu.memory_space<hbm>>
        %dma_wait3A_160 = tpu.memref_slice %arg12[%dma_wait3A_153] : memref<2x!tpu.dma_semaphore, #tpu.memory_space<semaphore_mem>> -> memref<1x!tpu.dma_semaphore, #tpu.memory_space<semaphore_mem>>
        %dma_wait3A_161 = tpu.memref_squeeze %dma_wait3A_160 : memref<1x!tpu.dma_semaphore, #tpu.memory_space<semaphore_mem>> -> memref<!tpu.dma_semaphore, #tpu.memory_space<semaphore_mem>>
        %dma_wait3A_162 = arith.constant 0 : i32
        %dma_wait3A_163 = tpu.memref_slice %arg8[%dma_wait3A_152, %dma_wait3A_162] : memref<2x128xi32, #tpu.memory_space<vmem>> -> memref<1x128xi32, #tpu.memory_space<vmem>>
        %dma_wait3A_164 = tpu.memref_squeeze %dma_wait3A_163 : memref<1x128xi32, #tpu.memory_space<vmem>> -> memref<128xi32, #tpu.memory_space<vmem>>
        %dma_wait3A_165 = arith.constant 0 : i32
        %dma_wait3A_166 = tpu.memref_slice %arg4[%add3A_62, %dma_wait3A_165] : memref<2560x128xi32, #tpu.memory_space<hbm>> -> memref<1x128xi32, #tpu.memory_space<hbm>>
        %dma_wait3A_167 = tpu.memref_squeeze %dma_wait3A_166 : memref<1x128xi32, #tpu.memory_space<hbm>> -> memref<128xi32, #tpu.memory_space<hbm>>
        tpu.wait_dma2 semaphore(%dma_wait3A_161 : memref<!tpu.dma_semaphore, #tpu.memory_space<semaphore_mem>>) src(%dma_wait3A_167 : memref<128xi32, #tpu.memory_space<hbm>>) dst(%dma_wait3A_164 : memref<128xi32, #tpu.memory_space<vmem>>)
        %dma_start3A_168 = arith.constant 1 : i32
        %dma_start3A_169 = arith.constant 1 : i32
        %dma_start3A_170 = arith.constant 0 : i32
        %dma_start3A_171 = tpu.memref_slice %arg7[%dma_start3A_168, %dma_start3A_170] : memref<2x128xi32, #tpu.memory_space<vmem>> -> memref<1x128xi32, #tpu.memory_space<vmem>>
        %dma_start3A_172 = tpu.memref_squeeze %dma_start3A_171 : memref<1x128xi32, #tpu.memory_space<vmem>> -> memref<128xi32, #tpu.memory_space<vmem>>
        %dma_start3A_173 = arith.constant 0 : i32
        %dma_start3A_174 = arith.constant 0 : i32
        %dma_start3A_175 = tpu.memref_slice %arg2[%dma_start3A_173, %dma_start3A_174] : memref<5120x128xf32, #tpu.memory_space<hbm>> -> memref<5120x128xf32, #tpu.memory_space<hbm>>
        %dma_start3A_176 = tpu.memref_slice %arg13[%dma_start3A_169] : memref<2x!tpu.dma_semaphore, #tpu.memory_space<semaphore_mem>> -> memref<1x!tpu.dma_semaphore, #tpu.memory_space<semaphore_mem>>
        %dma_start3A_177 = tpu.memref_squeeze %dma_start3A_176 : memref<1x!tpu.dma_semaphore, #tpu.memory_space<semaphore_mem>> -> memref<!tpu.dma_semaphore, #tpu.memory_space<semaphore_mem>>
        tpu.enqueue_indirect_dma source(%dma_start3A_175 : memref<5120x128xf32, #tpu.memory_space<hbm>>) target(%arg10 : memref<128x128xf32, #tpu.memory_space<vmem>>) offsets(%dma_start3A_172 : memref<128xi32, #tpu.memory_space<vmem>>) semaphore(%dma_start3A_177 : memref<!tpu.dma_semaphore, #tpu.memory_space<semaphore_mem>>)
        %dma_wait3A_178 = arith.constant 0 : i32
        %dma_wait3A_179 = arith.constant 0 : i32
        %dma_wait3A_180 = arith.constant 0 : i32
        %dma_wait3A_181 = tpu.memref_slice %arg7[%dma_wait3A_178, %dma_wait3A_180] : memref<2x128xi32, #tpu.memory_space<vmem>> -> memref<1x128xi32, #tpu.memory_space<vmem>>
        %dma_wait3A_182 = tpu.memref_squeeze %dma_wait3A_181 : memref<1x128xi32, #tpu.memory_space<vmem>> -> memref<128xi32, #tpu.memory_space<vmem>>
        %dma_wait3A_183 = arith.constant 0 : i32
        %dma_wait3A_184 = arith.constant 0 : i32
        %dma_wait3A_185 = tpu.memref_slice %arg2[%dma_wait3A_183, %dma_wait3A_184] : memref<5120x128xf32, #tpu.memory_space<hbm>> -> memref<5120x128xf32, #tpu.memory_space<hbm>>
        %dma_wait3A_186 = tpu.memref_slice %arg13[%dma_wait3A_179] : memref<2x!tpu.dma_semaphore, #tpu.memory_space<semaphore_mem>> -> memref<1x!tpu.dma_semaphore, #tpu.memory_space<semaphore_mem>>
        %dma_wait3A_187 = tpu.memref_squeeze %dma_wait3A_186 : memref<1x!tpu.dma_semaphore, #tpu.memory_space<semaphore_mem>> -> memref<!tpu.dma_semaphore, #tpu.memory_space<semaphore_mem>>
        tpu.wait_indirect_dma semaphore(%dma_wait3A_187 : memref<!tpu.dma_semaphore, #tpu.memory_space<semaphore_mem>>) src(%dma_wait3A_185 : memref<5120x128xf32, #tpu.memory_space<hbm>>) dst(%arg9 : memref<128x128xf32, #tpu.memory_space<vmem>>)
        %dma_start3A_188 = arith.constant 0 : i32
        %dma_start3A_189 = arith.constant 0 : i32
        %dma_start3A_190 = arith.constant 0 : i32
        %dma_start3A_191 = tpu.memref_slice %arg8[%dma_start3A_188, %dma_start3A_190] : memref<2x128xi32, #tpu.memory_space<vmem>> -> memref<1x128xi32, #tpu.memory_space<vmem>>
        %dma_start3A_192 = tpu.memref_squeeze %dma_start3A_191 : memref<1x128xi32, #tpu.memory_space<vmem>> -> memref<128xi32, #tpu.memory_space<vmem>>
        %dma_start3A_193 = arith.constant 0 : i32
        %dma_start3A_194 = arith.constant 0 : i32
        %dma_start3A_195 = tpu.memref_slice %arg11[%dma_start3A_193, %dma_start3A_194] : memref<10240x128xf32, #tpu.memory_space<vmem_shared>> -> memref<10240x128xf32, #tpu.memory_space<vmem_shared>>
        %dma_start3A_196 = tpu.memref_slice %arg14[%dma_start3A_189] : memref<2x!tpu.dma_semaphore, #tpu.memory_space<semaphore_mem>> -> memref<1x!tpu.dma_semaphore, #tpu.memory_space<semaphore_mem>>
        %dma_start3A_197 = tpu.memref_squeeze %dma_start3A_196 : memref<1x!tpu.dma_semaphore, #tpu.memory_space<semaphore_mem>> -> memref<!tpu.dma_semaphore, #tpu.memory_space<semaphore_mem>>
        tpu.enqueue_indirect_dma source(%arg9 : memref<128x128xf32, #tpu.memory_space<vmem>>) target(%dma_start3A_195 : memref<10240x128xf32, #tpu.memory_space<vmem_shared>>) offsets(%dma_start3A_192 : memref<128xi32, #tpu.memory_space<vmem>>) semaphore(%dma_start3A_197 : memref<!tpu.dma_semaphore, #tpu.memory_space<semaphore_mem>>) {add = true}
        %dma_wait3A_198 = arith.constant 1 : i32
        %dma_wait3A_199 = arith.constant 1 : i32
        %dma_wait3A_200 = arith.constant 0 : i32
        %dma_wait3A_201 = tpu.memref_slice %arg7[%dma_wait3A_198, %dma_wait3A_200] : memref<2x128xi32, #tpu.memory_space<vmem>> -> memref<1x128xi32, #tpu.memory_space<vmem>>
        %dma_wait3A_202 = tpu.memref_squeeze %dma_wait3A_201 : memref<1x128xi32, #tpu.memory_space<vmem>> -> memref<128xi32, #tpu.memory_space<vmem>>
        %dma_wait3A_203 = arith.constant 0 : i32
        %dma_wait3A_204 = arith.constant 0 : i32
        %dma_wait3A_205 = tpu.memref_slice %arg2[%dma_wait3A_203, %dma_wait3A_204] : memref<5120x128xf32, #tpu.memory_space<hbm>> -> memref<5120x128xf32, #tpu.memory_space<hbm>>
        %dma_wait3A_206 = tpu.memref_slice %arg13[%dma_wait3A_199] : memref<2x!tpu.dma_semaphore, #tpu.memory_space<semaphore_mem>> -> memref<1x!tpu.dma_semaphore, #tpu.memory_space<semaphore_mem>>
        %dma_wait3A_207 = tpu.memref_squeeze %dma_wait3A_206 : memref<1x!tpu.dma_semaphore, #tpu.memory_space<semaphore_mem>> -> memref<!tpu.dma_semaphore, #tpu.memory_space<semaphore_mem>>
        tpu.wait_indirect_dma semaphore(%dma_wait3A_207 : memref<!tpu.dma_semaphore, #tpu.memory_space<semaphore_mem>>) src(%dma_wait3A_205 : memref<5120x128xf32, #tpu.memory_space<hbm>>) dst(%arg10 : memref<128x128xf32, #tpu.memory_space<vmem>>)
        %dma_start3A_208 = arith.constant 1 : i32
        %dma_start3A_209 = arith.constant 1 : i32
        %dma_start3A_210 = arith.constant 0 : i32
        %dma_start3A_211 = tpu.memref_slice %arg8[%dma_start3A_208, %dma_start3A_210] : memref<2x128xi32, #tpu.memory_space<vmem>> -> memref<1x128xi32, #tpu.memory_space<vmem>>
        %dma_start3A_212 = tpu.memref_squeeze %dma_start3A_211 : memref<1x128xi32, #tpu.memory_space<vmem>> -> memref<128xi32, #tpu.memory_space<vmem>>
        %dma_start3A_213 = arith.constant 0 : i32
        %dma_start3A_214 = arith.constant 0 : i32
        %dma_start3A_215 = tpu.memref_slice %arg11[%dma_start3A_213, %dma_start3A_214] : memref<10240x128xf32, #tpu.memory_space<vmem_shared>> -> memref<10240x128xf32, #tpu.memory_space<vmem_shared>>
        %dma_start3A_216 = tpu.memref_slice %arg14[%dma_start3A_209] : memref<2x!tpu.dma_semaphore, #tpu.memory_space<semaphore_mem>> -> memref<1x!tpu.dma_semaphore, #tpu.memory_space<semaphore_mem>>
        %dma_start3A_217 = tpu.memref_squeeze %dma_start3A_216 : memref<1x!tpu.dma_semaphore, #tpu.memory_space<semaphore_mem>> -> memref<!tpu.dma_semaphore, #tpu.memory_space<semaphore_mem>>
        tpu.enqueue_indirect_dma source(%arg10 : memref<128x128xf32, #tpu.memory_space<vmem>>) target(%dma_start3A_215 : memref<10240x128xf32, #tpu.memory_space<vmem_shared>>) offsets(%dma_start3A_212 : memref<128xi32, #tpu.memory_space<vmem>>) semaphore(%dma_start3A_217 : memref<!tpu.dma_semaphore, #tpu.memory_space<semaphore_mem>>) {add = true}
        %dma_wait3A_218 = arith.constant 0 : i32
        %dma_wait3A_219 = arith.constant 0 : i32
        %dma_wait3A_220 = arith.constant 0 : i32
        %dma_wait3A_221 = tpu.memref_slice %arg8[%dma_wait3A_218, %dma_wait3A_220] : memref<2x128xi32, #tpu.memory_space<vmem>> -> memref<1x128xi32, #tpu.memory_space<vmem>>
        %dma_wait3A_222 = tpu.memref_squeeze %dma_wait3A_221 : memref<1x128xi32, #tpu.memory_space<vmem>> -> memref<128xi32, #tpu.memory_space<vmem>>
        %dma_wait3A_223 = arith.constant 0 : i32
        %dma_wait3A_224 = arith.constant 0 : i32
        %dma_wait3A_225 = tpu.memref_slice %arg11[%dma_wait3A_223, %dma_wait3A_224] : memref<10240x128xf32, #tpu.memory_space<vmem_shared>> -> memref<10240x128xf32, #tpu.memory_space<vmem_shared>>
        %dma_wait3A_226 = tpu.memref_slice %arg14[%dma_wait3A_219] : memref<2x!tpu.dma_semaphore, #tpu.memory_space<semaphore_mem>> -> memref<1x!tpu.dma_semaphore, #tpu.memory_space<semaphore_mem>>
        %dma_wait3A_227 = tpu.memref_squeeze %dma_wait3A_226 : memref<1x!tpu.dma_semaphore, #tpu.memory_space<semaphore_mem>> -> memref<!tpu.dma_semaphore, #tpu.memory_space<semaphore_mem>>
        tpu.wait_indirect_dma semaphore(%dma_wait3A_227 : memref<!tpu.dma_semaphore, #tpu.memory_space<semaphore_mem>>) src(%arg9 : memref<128x128xf32, #tpu.memory_space<vmem>>) dst(%dma_wait3A_225 : memref<10240x128xf32, #tpu.memory_space<vmem_shared>>)
        %dma_wait3A_228 = arith.constant 1 : i32
        %dma_wait3A_229 = arith.constant 1 : i32
        %dma_wait3A_230 = arith.constant 0 : i32
        %dma_wait3A_231 = tpu.memref_slice %arg8[%dma_wait3A_228, %dma_wait3A_230] : memref<2x128xi32, #tpu.memory_space<vmem>> -> memref<1x128xi32, #tpu.memory_space<vmem>>
        %dma_wait3A_232 = tpu.memref_squeeze %dma_wait3A_231 : memref<1x128xi32, #tpu.memory_space<vmem>> -> memref<128xi32, #tpu.memory_space<vmem>>
        %dma_wait3A_233 = arith.constant 0 : i32
        %dma_wait3A_234 = arith.constant 0 : i32
        %dma_wait3A_235 = tpu.memref_slice %arg11[%dma_wait3A_233, %dma_wait3A_234] : memref<10240x128xf32, #tpu.memory_space<vmem_shared>> -> memref<10240x128xf32, #tpu.memory_space<vmem_shared>>
        %dma_wait3A_236 = tpu.memref_slice %arg14[%dma_wait3A_229] : memref<2x!tpu.dma_semaphore, #tpu.memory_space<semaphore_mem>> -> memref<1x!tpu.dma_semaphore, #tpu.memory_space<semaphore_mem>>
        %dma_wait3A_237 = tpu.memref_squeeze %dma_wait3A_236 : memref<1x!tpu.dma_semaphore, #tpu.memory_space<semaphore_mem>> -> memref<!tpu.dma_semaphore, #tpu.memory_space<semaphore_mem>>
        tpu.wait_indirect_dma semaphore(%dma_wait3A_237 : memref<!tpu.dma_semaphore, #tpu.memory_space<semaphore_mem>>) src(%arg10 : memref<128x128xf32, #tpu.memory_space<vmem>>) dst(%dma_wait3A_235 : memref<10240x128xf32, #tpu.memory_space<vmem_shared>>)
      }
      %scan3A_20 = arith.constant 75 : i32
    } else {
    }
    %eq3A_5 = arith.constant 1 : i32
    %eq3A_6 = arith.cmpi eq, %arg0, %eq3A_5 : i32
    %convert_element_type3A_7 = arith.extui %eq3A_6 : i1 to i32
    %cond3A_8 = arith.constant 0 : i32
    %cond3A_9 = arith.cmpi ne, %convert_element_type3A_7, %cond3A_8 : i32
    scf.if %cond3A_9 {
      %mul3A_15 = arith.constant 10 : i32
      %mul3A_16 = arith.muli %arg1, %mul3A_15 : i32
      %add3A_17 = arith.constant 2400 : i32
      %add3A_18 = arith.addi %add3A_17, %mul3A_16 : i32
      %scan3A = arith.constant 0 : i32
      %scan3A_19 = arith.constant 5 : i32
      %scan3A_20 = arith.addi %scan3A, %scan3A_19 : i32
      %scan3A_21 = arith.constant 1 : i32
      scf.for %scan3A_23 = %scan3A to %scan3A_20 step %scan3A_21  : i32 {
        %mul3A_24 = arith.constant 2 : i32
        %mul3A_25 = arith.muli %scan3A_23, %mul3A_24 : i32
        %add3A_26 = arith.constant 0 : i32
        %add3A_27 = arith.addi %add3A_26, %mul3A_25 : i32
        %add3A_28 = arith.addi %add3A_18, %add3A_27 : i32
        %add3A_29 = arith.constant 0 : i32
        %add3A_30 = arith.addi %add3A_28, %add3A_29 : i32
        %dma_start3A = arith.constant 0 : i32
        %dma_start3A_31 = arith.constant 0 : i32
        %dma_start3A_32 = arith.constant 0 : i32
        %dma_start3A_33 = tpu.memref_slice %arg7[%dma_start3A, %dma_start3A_32] : memref<2x128xi32, #tpu.memory_space<vmem>> -> memref<1x128xi32, #tpu.memory_space<vmem>>
        %dma_start3A_34 = tpu.memref_squeeze %dma_start3A_33 : memref<1x128xi32, #tpu.memory_space<vmem>> -> memref<128xi32, #tpu.memory_space<vmem>>
        %dma_start3A_35 = arith.constant 0 : i32
        %dma_start3A_36 = tpu.memref_slice %arg3[%add3A_30, %dma_start3A_35] : memref<2560x128xi32, #tpu.memory_space<hbm>> -> memref<1x128xi32, #tpu.memory_space<hbm>>
        %dma_start3A_37 = tpu.memref_squeeze %dma_start3A_36 : memref<1x128xi32, #tpu.memory_space<hbm>> -> memref<128xi32, #tpu.memory_space<hbm>>
        %dma_start3A_38 = tpu.memref_slice %arg12[%dma_start3A_31] : memref<2x!tpu.dma_semaphore, #tpu.memory_space<semaphore_mem>> -> memref<1x!tpu.dma_semaphore, #tpu.memory_space<semaphore_mem>>
        %dma_start3A_39 = tpu.memref_squeeze %dma_start3A_38 : memref<1x!tpu.dma_semaphore, #tpu.memory_space<semaphore_mem>> -> memref<!tpu.dma_semaphore, #tpu.memory_space<semaphore_mem>>
        %dma_start3A_40 = arith.constant 0 : i32
        %dma_start3A_41 = tpu.memref_slice %arg7[%dma_start3A, %dma_start3A_40] : memref<2x128xi32, #tpu.memory_space<vmem>> -> memref<1x128xi32, #tpu.memory_space<vmem>>
        %dma_start3A_42 = tpu.memref_squeeze %dma_start3A_41 : memref<1x128xi32, #tpu.memory_space<vmem>> -> memref<128xi32, #tpu.memory_space<vmem>>
        %dma_start3A_43 = arith.constant 0 : i32
        %dma_start3A_44 = tpu.memref_slice %arg3[%add3A_30, %dma_start3A_43] : memref<2560x128xi32, #tpu.memory_space<hbm>> -> memref<1x128xi32, #tpu.memory_space<hbm>>
        %dma_start3A_45 = tpu.memref_squeeze %dma_start3A_44 : memref<1x128xi32, #tpu.memory_space<hbm>> -> memref<128xi32, #tpu.memory_space<hbm>>
        tpu.enqueue_dma source(%dma_start3A_45 : memref<128xi32, #tpu.memory_space<hbm>>) target(%dma_start3A_42 : memref<128xi32, #tpu.memory_space<vmem>>) target_semaphore(%dma_start3A_39 : memref<!tpu.dma_semaphore, #tpu.memory_space<semaphore_mem>>)
        %dma_start3A_46 = arith.constant 0 : i32
        %dma_start3A_47 = arith.constant 0 : i32
        %dma_start3A_48 = arith.constant 0 : i32
        %dma_start3A_49 = tpu.memref_slice %arg8[%dma_start3A_46, %dma_start3A_48] : memref<2x128xi32, #tpu.memory_space<vmem>> -> memref<1x128xi32, #tpu.memory_space<vmem>>
        %dma_start3A_50 = tpu.memref_squeeze %dma_start3A_49 : memref<1x128xi32, #tpu.memory_space<vmem>> -> memref<128xi32, #tpu.memory_space<vmem>>
        %dma_start3A_51 = arith.constant 0 : i32
        %dma_start3A_52 = tpu.memref_slice %arg4[%add3A_30, %dma_start3A_51] : memref<2560x128xi32, #tpu.memory_space<hbm>> -> memref<1x128xi32, #tpu.memory_space<hbm>>
        %dma_start3A_53 = tpu.memref_squeeze %dma_start3A_52 : memref<1x128xi32, #tpu.memory_space<hbm>> -> memref<128xi32, #tpu.memory_space<hbm>>
        %dma_start3A_54 = tpu.memref_slice %arg12[%dma_start3A_47] : memref<2x!tpu.dma_semaphore, #tpu.memory_space<semaphore_mem>> -> memref<1x!tpu.dma_semaphore, #tpu.memory_space<semaphore_mem>>
        %dma_start3A_55 = tpu.memref_squeeze %dma_start3A_54 : memref<1x!tpu.dma_semaphore, #tpu.memory_space<semaphore_mem>> -> memref<!tpu.dma_semaphore, #tpu.memory_space<semaphore_mem>>
        %dma_start3A_56 = arith.constant 0 : i32
        %dma_start3A_57 = tpu.memref_slice %arg8[%dma_start3A_46, %dma_start3A_56] : memref<2x128xi32, #tpu.memory_space<vmem>> -> memref<1x128xi32, #tpu.memory_space<vmem>>
        %dma_start3A_58 = tpu.memref_squeeze %dma_start3A_57 : memref<1x128xi32, #tpu.memory_space<vmem>> -> memref<128xi32, #tpu.memory_space<vmem>>
        %dma_start3A_59 = arith.constant 0 : i32
        %dma_start3A_60 = tpu.memref_slice %arg4[%add3A_30, %dma_start3A_59] : memref<2560x128xi32, #tpu.memory_space<hbm>> -> memref<1x128xi32, #tpu.memory_space<hbm>>
        %dma_start3A_61 = tpu.memref_squeeze %dma_start3A_60 : memref<1x128xi32, #tpu.memory_space<hbm>> -> memref<128xi32, #tpu.memory_space<hbm>>
        tpu.enqueue_dma source(%dma_start3A_61 : memref<128xi32, #tpu.memory_space<hbm>>) target(%dma_start3A_58 : memref<128xi32, #tpu.memory_space<vmem>>) target_semaphore(%dma_start3A_55 : memref<!tpu.dma_semaphore, #tpu.memory_space<semaphore_mem>>)
        %add3A_62 = arith.addi %add3A_18, %add3A_27 : i32
        %add3A_63 = arith.constant 1 : i32
        %add3A_64 = arith.addi %add3A_62, %add3A_63 : i32
        %dma_start3A_65 = arith.constant 1 : i32
        %dma_start3A_66 = arith.constant 1 : i32
        %dma_start3A_67 = arith.constant 0 : i32
        %dma_start3A_68 = tpu.memref_slice %arg7[%dma_start3A_65, %dma_start3A_67] : memref<2x128xi32, #tpu.memory_space<vmem>> -> memref<1x128xi32, #tpu.memory_space<vmem>>
        %dma_start3A_69 = tpu.memref_squeeze %dma_start3A_68 : memref<1x128xi32, #tpu.memory_space<vmem>> -> memref<128xi32, #tpu.memory_space<vmem>>
        %dma_start3A_70 = arith.constant 0 : i32
        %dma_start3A_71 = tpu.memref_slice %arg3[%add3A_64, %dma_start3A_70] : memref<2560x128xi32, #tpu.memory_space<hbm>> -> memref<1x128xi32, #tpu.memory_space<hbm>>
        %dma_start3A_72 = tpu.memref_squeeze %dma_start3A_71 : memref<1x128xi32, #tpu.memory_space<hbm>> -> memref<128xi32, #tpu.memory_space<hbm>>
        %dma_start3A_73 = tpu.memref_slice %arg12[%dma_start3A_66] : memref<2x!tpu.dma_semaphore, #tpu.memory_space<semaphore_mem>> -> memref<1x!tpu.dma_semaphore, #tpu.memory_space<semaphore_mem>>
        %dma_start3A_74 = tpu.memref_squeeze %dma_start3A_73 : memref<1x!tpu.dma_semaphore, #tpu.memory_space<semaphore_mem>> -> memref<!tpu.dma_semaphore, #tpu.memory_space<semaphore_mem>>
        %dma_start3A_75 = arith.constant 0 : i32
        %dma_start3A_76 = tpu.memref_slice %arg7[%dma_start3A_65, %dma_start3A_75] : memref<2x128xi32, #tpu.memory_space<vmem>> -> memref<1x128xi32, #tpu.memory_space<vmem>>
        %dma_start3A_77 = tpu.memref_squeeze %dma_start3A_76 : memref<1x128xi32, #tpu.memory_space<vmem>> -> memref<128xi32, #tpu.memory_space<vmem>>
        %dma_start3A_78 = arith.constant 0 : i32
        %dma_start3A_79 = tpu.memref_slice %arg3[%add3A_64, %dma_start3A_78] : memref<2560x128xi32, #tpu.memory_space<hbm>> -> memref<1x128xi32, #tpu.memory_space<hbm>>
        %dma_start3A_80 = tpu.memref_squeeze %dma_start3A_79 : memref<1x128xi32, #tpu.memory_space<hbm>> -> memref<128xi32, #tpu.memory_space<hbm>>
        tpu.enqueue_dma source(%dma_start3A_80 : memref<128xi32, #tpu.memory_space<hbm>>) target(%dma_start3A_77 : memref<128xi32, #tpu.memory_space<vmem>>) target_semaphore(%dma_start3A_74 : memref<!tpu.dma_semaphore, #tpu.memory_space<semaphore_mem>>)
        %dma_start3A_81 = arith.constant 1 : i32
        %dma_start3A_82 = arith.constant 1 : i32
        %dma_start3A_83 = arith.constant 0 : i32
        %dma_start3A_84 = tpu.memref_slice %arg8[%dma_start3A_81, %dma_start3A_83] : memref<2x128xi32, #tpu.memory_space<vmem>> -> memref<1x128xi32, #tpu.memory_space<vmem>>
        %dma_start3A_85 = tpu.memref_squeeze %dma_start3A_84 : memref<1x128xi32, #tpu.memory_space<vmem>> -> memref<128xi32, #tpu.memory_space<vmem>>
        %dma_start3A_86 = arith.constant 0 : i32
        %dma_start3A_87 = tpu.memref_slice %arg4[%add3A_64, %dma_start3A_86] : memref<2560x128xi32, #tpu.memory_space<hbm>> -> memref<1x128xi32, #tpu.memory_space<hbm>>
        %dma_start3A_88 = tpu.memref_squeeze %dma_start3A_87 : memref<1x128xi32, #tpu.memory_space<hbm>> -> memref<128xi32, #tpu.memory_space<hbm>>
        %dma_start3A_89 = tpu.memref_slice %arg12[%dma_start3A_82] : memref<2x!tpu.dma_semaphore, #tpu.memory_space<semaphore_mem>> -> memref<1x!tpu.dma_semaphore, #tpu.memory_space<semaphore_mem>>
        %dma_start3A_90 = tpu.memref_squeeze %dma_start3A_89 : memref<1x!tpu.dma_semaphore, #tpu.memory_space<semaphore_mem>> -> memref<!tpu.dma_semaphore, #tpu.memory_space<semaphore_mem>>
        %dma_start3A_91 = arith.constant 0 : i32
        %dma_start3A_92 = tpu.memref_slice %arg8[%dma_start3A_81, %dma_start3A_91] : memref<2x128xi32, #tpu.memory_space<vmem>> -> memref<1x128xi32, #tpu.memory_space<vmem>>
        %dma_start3A_93 = tpu.memref_squeeze %dma_start3A_92 : memref<1x128xi32, #tpu.memory_space<vmem>> -> memref<128xi32, #tpu.memory_space<vmem>>
        %dma_start3A_94 = arith.constant 0 : i32
        %dma_start3A_95 = tpu.memref_slice %arg4[%add3A_64, %dma_start3A_94] : memref<2560x128xi32, #tpu.memory_space<hbm>> -> memref<1x128xi32, #tpu.memory_space<hbm>>
        %dma_start3A_96 = tpu.memref_squeeze %dma_start3A_95 : memref<1x128xi32, #tpu.memory_space<hbm>> -> memref<128xi32, #tpu.memory_space<hbm>>
        tpu.enqueue_dma source(%dma_start3A_96 : memref<128xi32, #tpu.memory_space<hbm>>) target(%dma_start3A_93 : memref<128xi32, #tpu.memory_space<vmem>>) target_semaphore(%dma_start3A_90 : memref<!tpu.dma_semaphore, #tpu.memory_space<semaphore_mem>>)
        %dma_wait3A = arith.constant 0 : i32
        %dma_wait3A_97 = arith.constant 0 : i32
        %dma_wait3A_98 = arith.constant 0 : i32
        %dma_wait3A_99 = tpu.memref_slice %arg7[%dma_wait3A, %dma_wait3A_98] : memref<2x128xi32, #tpu.memory_space<vmem>> -> memref<1x128xi32, #tpu.memory_space<vmem>>
        %dma_wait3A_100 = tpu.memref_squeeze %dma_wait3A_99 : memref<1x128xi32, #tpu.memory_space<vmem>> -> memref<128xi32, #tpu.memory_space<vmem>>
        %dma_wait3A_101 = arith.constant 0 : i32
        %dma_wait3A_102 = tpu.memref_slice %arg3[%add3A_30, %dma_wait3A_101] : memref<2560x128xi32, #tpu.memory_space<hbm>> -> memref<1x128xi32, #tpu.memory_space<hbm>>
        %dma_wait3A_103 = tpu.memref_squeeze %dma_wait3A_102 : memref<1x128xi32, #tpu.memory_space<hbm>> -> memref<128xi32, #tpu.memory_space<hbm>>
        %dma_wait3A_104 = tpu.memref_slice %arg12[%dma_wait3A_97] : memref<2x!tpu.dma_semaphore, #tpu.memory_space<semaphore_mem>> -> memref<1x!tpu.dma_semaphore, #tpu.memory_space<semaphore_mem>>
        %dma_wait3A_105 = tpu.memref_squeeze %dma_wait3A_104 : memref<1x!tpu.dma_semaphore, #tpu.memory_space<semaphore_mem>> -> memref<!tpu.dma_semaphore, #tpu.memory_space<semaphore_mem>>
        %dma_wait3A_106 = arith.constant 0 : i32
        %dma_wait3A_107 = tpu.memref_slice %arg7[%dma_wait3A, %dma_wait3A_106] : memref<2x128xi32, #tpu.memory_space<vmem>> -> memref<1x128xi32, #tpu.memory_space<vmem>>
        %dma_wait3A_108 = tpu.memref_squeeze %dma_wait3A_107 : memref<1x128xi32, #tpu.memory_space<vmem>> -> memref<128xi32, #tpu.memory_space<vmem>>
        %dma_wait3A_109 = arith.constant 0 : i32
        %dma_wait3A_110 = tpu.memref_slice %arg3[%add3A_30, %dma_wait3A_109] : memref<2560x128xi32, #tpu.memory_space<hbm>> -> memref<1x128xi32, #tpu.memory_space<hbm>>
        %dma_wait3A_111 = tpu.memref_squeeze %dma_wait3A_110 : memref<1x128xi32, #tpu.memory_space<hbm>> -> memref<128xi32, #tpu.memory_space<hbm>>
        tpu.wait_dma2 semaphore(%dma_wait3A_105 : memref<!tpu.dma_semaphore, #tpu.memory_space<semaphore_mem>>) src(%dma_wait3A_111 : memref<128xi32, #tpu.memory_space<hbm>>) dst(%dma_wait3A_108 : memref<128xi32, #tpu.memory_space<vmem>>)
        %dma_wait3A_112 = arith.constant 0 : i32
        %dma_wait3A_113 = arith.constant 0 : i32
        %dma_wait3A_114 = arith.constant 0 : i32
        %dma_wait3A_115 = tpu.memref_slice %arg8[%dma_wait3A_112, %dma_wait3A_114] : memref<2x128xi32, #tpu.memory_space<vmem>> -> memref<1x128xi32, #tpu.memory_space<vmem>>
        %dma_wait3A_116 = tpu.memref_squeeze %dma_wait3A_115 : memref<1x128xi32, #tpu.memory_space<vmem>> -> memref<128xi32, #tpu.memory_space<vmem>>
        %dma_wait3A_117 = arith.constant 0 : i32
        %dma_wait3A_118 = tpu.memref_slice %arg4[%add3A_30, %dma_wait3A_117] : memref<2560x128xi32, #tpu.memory_space<hbm>> -> memref<1x128xi32, #tpu.memory_space<hbm>>
        %dma_wait3A_119 = tpu.memref_squeeze %dma_wait3A_118 : memref<1x128xi32, #tpu.memory_space<hbm>> -> memref<128xi32, #tpu.memory_space<hbm>>
        %dma_wait3A_120 = tpu.memref_slice %arg12[%dma_wait3A_113] : memref<2x!tpu.dma_semaphore, #tpu.memory_space<semaphore_mem>> -> memref<1x!tpu.dma_semaphore, #tpu.memory_space<semaphore_mem>>
        %dma_wait3A_121 = tpu.memref_squeeze %dma_wait3A_120 : memref<1x!tpu.dma_semaphore, #tpu.memory_space<semaphore_mem>> -> memref<!tpu.dma_semaphore, #tpu.memory_space<semaphore_mem>>
        %dma_wait3A_122 = arith.constant 0 : i32
        %dma_wait3A_123 = tpu.memref_slice %arg8[%dma_wait3A_112, %dma_wait3A_122] : memref<2x128xi32, #tpu.memory_space<vmem>> -> memref<1x128xi32, #tpu.memory_space<vmem>>
        %dma_wait3A_124 = tpu.memref_squeeze %dma_wait3A_123 : memref<1x128xi32, #tpu.memory_space<vmem>> -> memref<128xi32, #tpu.memory_space<vmem>>
        %dma_wait3A_125 = arith.constant 0 : i32
        %dma_wait3A_126 = tpu.memref_slice %arg4[%add3A_30, %dma_wait3A_125] : memref<2560x128xi32, #tpu.memory_space<hbm>> -> memref<1x128xi32, #tpu.memory_space<hbm>>
        %dma_wait3A_127 = tpu.memref_squeeze %dma_wait3A_126 : memref<1x128xi32, #tpu.memory_space<hbm>> -> memref<128xi32, #tpu.memory_space<hbm>>
        tpu.wait_dma2 semaphore(%dma_wait3A_121 : memref<!tpu.dma_semaphore, #tpu.memory_space<semaphore_mem>>) src(%dma_wait3A_127 : memref<128xi32, #tpu.memory_space<hbm>>) dst(%dma_wait3A_124 : memref<128xi32, #tpu.memory_space<vmem>>)
        %dma_start3A_128 = arith.constant 0 : i32
        %dma_start3A_129 = arith.constant 0 : i32
        %dma_start3A_130 = arith.constant 0 : i32
        %dma_start3A_131 = tpu.memref_slice %arg7[%dma_start3A_128, %dma_start3A_130] : memref<2x128xi32, #tpu.memory_space<vmem>> -> memref<1x128xi32, #tpu.memory_space<vmem>>
        %dma_start3A_132 = tpu.memref_squeeze %dma_start3A_131 : memref<1x128xi32, #tpu.memory_space<vmem>> -> memref<128xi32, #tpu.memory_space<vmem>>
        %dma_start3A_133 = arith.constant 0 : i32
        %dma_start3A_134 = arith.constant 0 : i32
        %dma_start3A_135 = tpu.memref_slice %arg2[%dma_start3A_133, %dma_start3A_134] : memref<5120x128xf32, #tpu.memory_space<hbm>> -> memref<5120x128xf32, #tpu.memory_space<hbm>>
        %dma_start3A_136 = tpu.memref_slice %arg13[%dma_start3A_129] : memref<2x!tpu.dma_semaphore, #tpu.memory_space<semaphore_mem>> -> memref<1x!tpu.dma_semaphore, #tpu.memory_space<semaphore_mem>>
        %dma_start3A_137 = tpu.memref_squeeze %dma_start3A_136 : memref<1x!tpu.dma_semaphore, #tpu.memory_space<semaphore_mem>> -> memref<!tpu.dma_semaphore, #tpu.memory_space<semaphore_mem>>
        tpu.enqueue_indirect_dma source(%dma_start3A_135 : memref<5120x128xf32, #tpu.memory_space<hbm>>) target(%arg9 : memref<128x128xf32, #tpu.memory_space<vmem>>) offsets(%dma_start3A_132 : memref<128xi32, #tpu.memory_space<vmem>>) semaphore(%dma_start3A_137 : memref<!tpu.dma_semaphore, #tpu.memory_space<semaphore_mem>>)
        %dma_wait3A_138 = arith.constant 1 : i32
        %dma_wait3A_139 = arith.constant 1 : i32
        %dma_wait3A_140 = arith.constant 0 : i32
        %dma_wait3A_141 = tpu.memref_slice %arg7[%dma_wait3A_138, %dma_wait3A_140] : memref<2x128xi32, #tpu.memory_space<vmem>> -> memref<1x128xi32, #tpu.memory_space<vmem>>
        %dma_wait3A_142 = tpu.memref_squeeze %dma_wait3A_141 : memref<1x128xi32, #tpu.memory_space<vmem>> -> memref<128xi32, #tpu.memory_space<vmem>>
        %dma_wait3A_143 = arith.constant 0 : i32
        %dma_wait3A_144 = tpu.memref_slice %arg3[%add3A_64, %dma_wait3A_143] : memref<2560x128xi32, #tpu.memory_space<hbm>> -> memref<1x128xi32, #tpu.memory_space<hbm>>
        %dma_wait3A_145 = tpu.memref_squeeze %dma_wait3A_144 : memref<1x128xi32, #tpu.memory_space<hbm>> -> memref<128xi32, #tpu.memory_space<hbm>>
        %dma_wait3A_146 = tpu.memref_slice %arg12[%dma_wait3A_139] : memref<2x!tpu.dma_semaphore, #tpu.memory_space<semaphore_mem>> -> memref<1x!tpu.dma_semaphore, #tpu.memory_space<semaphore_mem>>
        %dma_wait3A_147 = tpu.memref_squeeze %dma_wait3A_146 : memref<1x!tpu.dma_semaphore, #tpu.memory_space<semaphore_mem>> -> memref<!tpu.dma_semaphore, #tpu.memory_space<semaphore_mem>>
        %dma_wait3A_148 = arith.constant 0 : i32
        %dma_wait3A_149 = tpu.memref_slice %arg7[%dma_wait3A_138, %dma_wait3A_148] : memref<2x128xi32, #tpu.memory_space<vmem>> -> memref<1x128xi32, #tpu.memory_space<vmem>>
        %dma_wait3A_150 = tpu.memref_squeeze %dma_wait3A_149 : memref<1x128xi32, #tpu.memory_space<vmem>> -> memref<128xi32, #tpu.memory_space<vmem>>
        %dma_wait3A_151 = arith.constant 0 : i32
        %dma_wait3A_152 = tpu.memref_slice %arg3[%add3A_64, %dma_wait3A_151] : memref<2560x128xi32, #tpu.memory_space<hbm>> -> memref<1x128xi32, #tpu.memory_space<hbm>>
        %dma_wait3A_153 = tpu.memref_squeeze %dma_wait3A_152 : memref<1x128xi32, #tpu.memory_space<hbm>> -> memref<128xi32, #tpu.memory_space<hbm>>
        tpu.wait_dma2 semaphore(%dma_wait3A_147 : memref<!tpu.dma_semaphore, #tpu.memory_space<semaphore_mem>>) src(%dma_wait3A_153 : memref<128xi32, #tpu.memory_space<hbm>>) dst(%dma_wait3A_150 : memref<128xi32, #tpu.memory_space<vmem>>)
        %dma_wait3A_154 = arith.constant 1 : i32
        %dma_wait3A_155 = arith.constant 1 : i32
        %dma_wait3A_156 = arith.constant 0 : i32
        %dma_wait3A_157 = tpu.memref_slice %arg8[%dma_wait3A_154, %dma_wait3A_156] : memref<2x128xi32, #tpu.memory_space<vmem>> -> memref<1x128xi32, #tpu.memory_space<vmem>>
        %dma_wait3A_158 = tpu.memref_squeeze %dma_wait3A_157 : memref<1x128xi32, #tpu.memory_space<vmem>> -> memref<128xi32, #tpu.memory_space<vmem>>
        %dma_wait3A_159 = arith.constant 0 : i32
        %dma_wait3A_160 = tpu.memref_slice %arg4[%add3A_64, %dma_wait3A_159] : memref<2560x128xi32, #tpu.memory_space<hbm>> -> memref<1x128xi32, #tpu.memory_space<hbm>>
        %dma_wait3A_161 = tpu.memref_squeeze %dma_wait3A_160 : memref<1x128xi32, #tpu.memory_space<hbm>> -> memref<128xi32, #tpu.memory_space<hbm>>
        %dma_wait3A_162 = tpu.memref_slice %arg12[%dma_wait3A_155] : memref<2x!tpu.dma_semaphore, #tpu.memory_space<semaphore_mem>> -> memref<1x!tpu.dma_semaphore, #tpu.memory_space<semaphore_mem>>
        %dma_wait3A_163 = tpu.memref_squeeze %dma_wait3A_162 : memref<1x!tpu.dma_semaphore, #tpu.memory_space<semaphore_mem>> -> memref<!tpu.dma_semaphore, #tpu.memory_space<semaphore_mem>>
        %dma_wait3A_164 = arith.constant 0 : i32
        %dma_wait3A_165 = tpu.memref_slice %arg8[%dma_wait3A_154, %dma_wait3A_164] : memref<2x128xi32, #tpu.memory_space<vmem>> -> memref<1x128xi32, #tpu.memory_space<vmem>>
        %dma_wait3A_166 = tpu.memref_squeeze %dma_wait3A_165 : memref<1x128xi32, #tpu.memory_space<vmem>> -> memref<128xi32, #tpu.memory_space<vmem>>
        %dma_wait3A_167 = arith.constant 0 : i32
        %dma_wait3A_168 = tpu.memref_slice %arg4[%add3A_64, %dma_wait3A_167] : memref<2560x128xi32, #tpu.memory_space<hbm>> -> memref<1x128xi32, #tpu.memory_space<hbm>>
        %dma_wait3A_169 = tpu.memref_squeeze %dma_wait3A_168 : memref<1x128xi32, #tpu.memory_space<hbm>> -> memref<128xi32, #tpu.memory_space<hbm>>
        tpu.wait_dma2 semaphore(%dma_wait3A_163 : memref<!tpu.dma_semaphore, #tpu.memory_space<semaphore_mem>>) src(%dma_wait3A_169 : memref<128xi32, #tpu.memory_space<hbm>>) dst(%dma_wait3A_166 : memref<128xi32, #tpu.memory_space<vmem>>)
        %dma_start3A_170 = arith.constant 1 : i32
        %dma_start3A_171 = arith.constant 1 : i32
        %dma_start3A_172 = arith.constant 0 : i32
        %dma_start3A_173 = tpu.memref_slice %arg7[%dma_start3A_170, %dma_start3A_172] : memref<2x128xi32, #tpu.memory_space<vmem>> -> memref<1x128xi32, #tpu.memory_space<vmem>>
        %dma_start3A_174 = tpu.memref_squeeze %dma_start3A_173 : memref<1x128xi32, #tpu.memory_space<vmem>> -> memref<128xi32, #tpu.memory_space<vmem>>
        %dma_start3A_175 = arith.constant 0 : i32
        %dma_start3A_176 = arith.constant 0 : i32
        %dma_start3A_177 = tpu.memref_slice %arg2[%dma_start3A_175, %dma_start3A_176] : memref<5120x128xf32, #tpu.memory_space<hbm>> -> memref<5120x128xf32, #tpu.memory_space<hbm>>
        %dma_start3A_178 = tpu.memref_slice %arg13[%dma_start3A_171] : memref<2x!tpu.dma_semaphore, #tpu.memory_space<semaphore_mem>> -> memref<1x!tpu.dma_semaphore, #tpu.memory_space<semaphore_mem>>
        %dma_start3A_179 = tpu.memref_squeeze %dma_start3A_178 : memref<1x!tpu.dma_semaphore, #tpu.memory_space<semaphore_mem>> -> memref<!tpu.dma_semaphore, #tpu.memory_space<semaphore_mem>>
        tpu.enqueue_indirect_dma source(%dma_start3A_177 : memref<5120x128xf32, #tpu.memory_space<hbm>>) target(%arg10 : memref<128x128xf32, #tpu.memory_space<vmem>>) offsets(%dma_start3A_174 : memref<128xi32, #tpu.memory_space<vmem>>) semaphore(%dma_start3A_179 : memref<!tpu.dma_semaphore, #tpu.memory_space<semaphore_mem>>)
        %dma_wait3A_180 = arith.constant 0 : i32
        %dma_wait3A_181 = arith.constant 0 : i32
        %dma_wait3A_182 = arith.constant 0 : i32
        %dma_wait3A_183 = tpu.memref_slice %arg7[%dma_wait3A_180, %dma_wait3A_182] : memref<2x128xi32, #tpu.memory_space<vmem>> -> memref<1x128xi32, #tpu.memory_space<vmem>>
        %dma_wait3A_184 = tpu.memref_squeeze %dma_wait3A_183 : memref<1x128xi32, #tpu.memory_space<vmem>> -> memref<128xi32, #tpu.memory_space<vmem>>
        %dma_wait3A_185 = arith.constant 0 : i32
        %dma_wait3A_186 = arith.constant 0 : i32
        %dma_wait3A_187 = tpu.memref_slice %arg2[%dma_wait3A_185, %dma_wait3A_186] : memref<5120x128xf32, #tpu.memory_space<hbm>> -> memref<5120x128xf32, #tpu.memory_space<hbm>>
        %dma_wait3A_188 = tpu.memref_slice %arg13[%dma_wait3A_181] : memref<2x!tpu.dma_semaphore, #tpu.memory_space<semaphore_mem>> -> memref<1x!tpu.dma_semaphore, #tpu.memory_space<semaphore_mem>>
        %dma_wait3A_189 = tpu.memref_squeeze %dma_wait3A_188 : memref<1x!tpu.dma_semaphore, #tpu.memory_space<semaphore_mem>> -> memref<!tpu.dma_semaphore, #tpu.memory_space<semaphore_mem>>
        tpu.wait_indirect_dma semaphore(%dma_wait3A_189 : memref<!tpu.dma_semaphore, #tpu.memory_space<semaphore_mem>>) src(%dma_wait3A_187 : memref<5120x128xf32, #tpu.memory_space<hbm>>) dst(%arg9 : memref<128x128xf32, #tpu.memory_space<vmem>>)
        %dma_start3A_190 = arith.constant 0 : i32
        %dma_start3A_191 = arith.constant 0 : i32
        %dma_start3A_192 = arith.constant 0 : i32
        %dma_start3A_193 = tpu.memref_slice %arg8[%dma_start3A_190, %dma_start3A_192] : memref<2x128xi32, #tpu.memory_space<vmem>> -> memref<1x128xi32, #tpu.memory_space<vmem>>
        %dma_start3A_194 = tpu.memref_squeeze %dma_start3A_193 : memref<1x128xi32, #tpu.memory_space<vmem>> -> memref<128xi32, #tpu.memory_space<vmem>>
        %dma_start3A_195 = arith.constant 0 : i32
        %dma_start3A_196 = arith.constant 0 : i32
        %dma_start3A_197 = tpu.memref_slice %arg11[%dma_start3A_195, %dma_start3A_196] : memref<10240x128xf32, #tpu.memory_space<vmem_shared>> -> memref<10240x128xf32, #tpu.memory_space<vmem_shared>>
        %dma_start3A_198 = tpu.memref_slice %arg14[%dma_start3A_191] : memref<2x!tpu.dma_semaphore, #tpu.memory_space<semaphore_mem>> -> memref<1x!tpu.dma_semaphore, #tpu.memory_space<semaphore_mem>>
        %dma_start3A_199 = tpu.memref_squeeze %dma_start3A_198 : memref<1x!tpu.dma_semaphore, #tpu.memory_space<semaphore_mem>> -> memref<!tpu.dma_semaphore, #tpu.memory_space<semaphore_mem>>
        tpu.enqueue_indirect_dma source(%arg9 : memref<128x128xf32, #tpu.memory_space<vmem>>) target(%dma_start3A_197 : memref<10240x128xf32, #tpu.memory_space<vmem_shared>>) offsets(%dma_start3A_194 : memref<128xi32, #tpu.memory_space<vmem>>) semaphore(%dma_start3A_199 : memref<!tpu.dma_semaphore, #tpu.memory_space<semaphore_mem>>) {add = true}
        %dma_wait3A_200 = arith.constant 1 : i32
        %dma_wait3A_201 = arith.constant 1 : i32
        %dma_wait3A_202 = arith.constant 0 : i32
        %dma_wait3A_203 = tpu.memref_slice %arg7[%dma_wait3A_200, %dma_wait3A_202] : memref<2x128xi32, #tpu.memory_space<vmem>> -> memref<1x128xi32, #tpu.memory_space<vmem>>
        %dma_wait3A_204 = tpu.memref_squeeze %dma_wait3A_203 : memref<1x128xi32, #tpu.memory_space<vmem>> -> memref<128xi32, #tpu.memory_space<vmem>>
        %dma_wait3A_205 = arith.constant 0 : i32
        %dma_wait3A_206 = arith.constant 0 : i32
        %dma_wait3A_207 = tpu.memref_slice %arg2[%dma_wait3A_205, %dma_wait3A_206] : memref<5120x128xf32, #tpu.memory_space<hbm>> -> memref<5120x128xf32, #tpu.memory_space<hbm>>
        %dma_wait3A_208 = tpu.memref_slice %arg13[%dma_wait3A_201] : memref<2x!tpu.dma_semaphore, #tpu.memory_space<semaphore_mem>> -> memref<1x!tpu.dma_semaphore, #tpu.memory_space<semaphore_mem>>
        %dma_wait3A_209 = tpu.memref_squeeze %dma_wait3A_208 : memref<1x!tpu.dma_semaphore, #tpu.memory_space<semaphore_mem>> -> memref<!tpu.dma_semaphore, #tpu.memory_space<semaphore_mem>>
        tpu.wait_indirect_dma semaphore(%dma_wait3A_209 : memref<!tpu.dma_semaphore, #tpu.memory_space<semaphore_mem>>) src(%dma_wait3A_207 : memref<5120x128xf32, #tpu.memory_space<hbm>>) dst(%arg10 : memref<128x128xf32, #tpu.memory_space<vmem>>)
        %dma_start3A_210 = arith.constant 1 : i32
        %dma_start3A_211 = arith.constant 1 : i32
        %dma_start3A_212 = arith.constant 0 : i32
        %dma_start3A_213 = tpu.memref_slice %arg8[%dma_start3A_210, %dma_start3A_212] : memref<2x128xi32, #tpu.memory_space<vmem>> -> memref<1x128xi32, #tpu.memory_space<vmem>>
        %dma_start3A_214 = tpu.memref_squeeze %dma_start3A_213 : memref<1x128xi32, #tpu.memory_space<vmem>> -> memref<128xi32, #tpu.memory_space<vmem>>
        %dma_start3A_215 = arith.constant 0 : i32
        %dma_start3A_216 = arith.constant 0 : i32
        %dma_start3A_217 = tpu.memref_slice %arg11[%dma_start3A_215, %dma_start3A_216] : memref<10240x128xf32, #tpu.memory_space<vmem_shared>> -> memref<10240x128xf32, #tpu.memory_space<vmem_shared>>
        %dma_start3A_218 = tpu.memref_slice %arg14[%dma_start3A_211] : memref<2x!tpu.dma_semaphore, #tpu.memory_space<semaphore_mem>> -> memref<1x!tpu.dma_semaphore, #tpu.memory_space<semaphore_mem>>
        %dma_start3A_219 = tpu.memref_squeeze %dma_start3A_218 : memref<1x!tpu.dma_semaphore, #tpu.memory_space<semaphore_mem>> -> memref<!tpu.dma_semaphore, #tpu.memory_space<semaphore_mem>>
        tpu.enqueue_indirect_dma source(%arg10 : memref<128x128xf32, #tpu.memory_space<vmem>>) target(%dma_start3A_217 : memref<10240x128xf32, #tpu.memory_space<vmem_shared>>) offsets(%dma_start3A_214 : memref<128xi32, #tpu.memory_space<vmem>>) semaphore(%dma_start3A_219 : memref<!tpu.dma_semaphore, #tpu.memory_space<semaphore_mem>>) {add = true}
        %dma_wait3A_220 = arith.constant 0 : i32
        %dma_wait3A_221 = arith.constant 0 : i32
        %dma_wait3A_222 = arith.constant 0 : i32
        %dma_wait3A_223 = tpu.memref_slice %arg8[%dma_wait3A_220, %dma_wait3A_222] : memref<2x128xi32, #tpu.memory_space<vmem>> -> memref<1x128xi32, #tpu.memory_space<vmem>>
        %dma_wait3A_224 = tpu.memref_squeeze %dma_wait3A_223 : memref<1x128xi32, #tpu.memory_space<vmem>> -> memref<128xi32, #tpu.memory_space<vmem>>
        %dma_wait3A_225 = arith.constant 0 : i32
        %dma_wait3A_226 = arith.constant 0 : i32
        %dma_wait3A_227 = tpu.memref_slice %arg11[%dma_wait3A_225, %dma_wait3A_226] : memref<10240x128xf32, #tpu.memory_space<vmem_shared>> -> memref<10240x128xf32, #tpu.memory_space<vmem_shared>>
        %dma_wait3A_228 = tpu.memref_slice %arg14[%dma_wait3A_221] : memref<2x!tpu.dma_semaphore, #tpu.memory_space<semaphore_mem>> -> memref<1x!tpu.dma_semaphore, #tpu.memory_space<semaphore_mem>>
        %dma_wait3A_229 = tpu.memref_squeeze %dma_wait3A_228 : memref<1x!tpu.dma_semaphore, #tpu.memory_space<semaphore_mem>> -> memref<!tpu.dma_semaphore, #tpu.memory_space<semaphore_mem>>
        tpu.wait_indirect_dma semaphore(%dma_wait3A_229 : memref<!tpu.dma_semaphore, #tpu.memory_space<semaphore_mem>>) src(%arg9 : memref<128x128xf32, #tpu.memory_space<vmem>>) dst(%dma_wait3A_227 : memref<10240x128xf32, #tpu.memory_space<vmem_shared>>)
        %dma_wait3A_230 = arith.constant 1 : i32
        %dma_wait3A_231 = arith.constant 1 : i32
        %dma_wait3A_232 = arith.constant 0 : i32
        %dma_wait3A_233 = tpu.memref_slice %arg8[%dma_wait3A_230, %dma_wait3A_232] : memref<2x128xi32, #tpu.memory_space<vmem>> -> memref<1x128xi32, #tpu.memory_space<vmem>>
        %dma_wait3A_234 = tpu.memref_squeeze %dma_wait3A_233 : memref<1x128xi32, #tpu.memory_space<vmem>> -> memref<128xi32, #tpu.memory_space<vmem>>
        %dma_wait3A_235 = arith.constant 0 : i32
        %dma_wait3A_236 = arith.constant 0 : i32
        %dma_wait3A_237 = tpu.memref_slice %arg11[%dma_wait3A_235, %dma_wait3A_236] : memref<10240x128xf32, #tpu.memory_space<vmem_shared>> -> memref<10240x128xf32, #tpu.memory_space<vmem_shared>>
        %dma_wait3A_238 = tpu.memref_slice %arg14[%dma_wait3A_231] : memref<2x!tpu.dma_semaphore, #tpu.memory_space<semaphore_mem>> -> memref<1x!tpu.dma_semaphore, #tpu.memory_space<semaphore_mem>>
        %dma_wait3A_239 = tpu.memref_squeeze %dma_wait3A_238 : memref<1x!tpu.dma_semaphore, #tpu.memory_space<semaphore_mem>> -> memref<!tpu.dma_semaphore, #tpu.memory_space<semaphore_mem>>
        tpu.wait_indirect_dma semaphore(%dma_wait3A_239 : memref<!tpu.dma_semaphore, #tpu.memory_space<semaphore_mem>>) src(%arg10 : memref<128x128xf32, #tpu.memory_space<vmem>>) dst(%dma_wait3A_237 : memref<10240x128xf32, #tpu.memory_space<vmem_shared>>)
      }
      %scan3A_22 = arith.constant 5 : i32
    } else {
    }
    %barrier3A_10 = arith.constant 0 : index
    tpu.barrier barrier_id(%barrier3A_10)
    %mul3A_11 = arith.constant 640 : i32
    %mul3A_12 = arith.muli %arg1, %mul3A_11 : i32
    %mul3A_13 = arith.constant 640 : i32
    %mul3A_14 = arith.muli %arg1, %mul3A_13 : i32
    "tpu.region"() ({
      %run_scoped3A = tpu.sem_alloc : memref<!tpu.dma_semaphore, #tpu.memory_space<semaphore_mem>>
      %dma_start3A = arith.constant 0 : i32
      %dma_start3A_15 = tpu.memref_slice %arg6[%arg0, %mul3A_14, %dma_start3A] : memref<2x10240x128xf32, #tpu.memory_space<hbm>> -> memref<1x640x128xf32, #tpu.memory_space<hbm>>
      %dma_start3A_16 = tpu.memref_squeeze %dma_start3A_15 : memref<1x640x128xf32, #tpu.memory_space<hbm>> -> memref<640x128xf32, #tpu.memory_space<hbm>>
      %dma_start3A_17 = arith.constant 0 : i32
      %dma_start3A_18 = tpu.memref_slice %arg11[%mul3A_12, %dma_start3A_17] : memref<10240x128xf32, #tpu.memory_space<vmem_shared>> -> memref<640x128xf32, #tpu.memory_space<vmem_shared>>
      tpu.enqueue_dma source(%dma_start3A_18 : memref<640x128xf32, #tpu.memory_space<vmem_shared>>) target(%dma_start3A_16 : memref<640x128xf32, #tpu.memory_space<hbm>>) target_semaphore(%run_scoped3A : memref<!tpu.dma_semaphore, #tpu.memory_space<semaphore_mem>>)
      %dma_wait3A = arith.constant 0 : i32
      %dma_wait3A_19 = tpu.memref_slice %arg6[%arg0, %mul3A_14, %dma_wait3A] : memref<2x10240x128xf32, #tpu.memory_space<hbm>> -> memref<1x640x128xf32, #tpu.memory_space<hbm>>
      %dma_wait3A_20 = tpu.memref_squeeze %dma_wait3A_19 : memref<1x640x128xf32, #tpu.memory_space<hbm>> -> memref<640x128xf32, #tpu.memory_space<hbm>>
      %dma_wait3A_21 = arith.constant 0 : i32
      %dma_wait3A_22 = tpu.memref_slice %arg11[%mul3A_12, %dma_wait3A_21] : memref<10240x128xf32, #tpu.memory_space<vmem_shared>> -> memref<640x128xf32, #tpu.memory_space<vmem_shared>>
      tpu.wait_dma2 semaphore(%run_scoped3A : memref<!tpu.dma_semaphore, #tpu.memory_space<semaphore_mem>>) src(%dma_wait3A_22 : memref<640x128xf32, #tpu.memory_space<vmem_shared>>) dst(%dma_wait3A_20 : memref<640x128xf32, #tpu.memory_space<hbm>>)
      tpu.yield
    }) : () -> ()
    return
  }
}

module attributes {stable_mosaic.version = 14 : i64} {
  func.func @_k2a_body(%arg0: i32, %arg1: memref<512x128xf32, #tpu.memory_space<vmem>>, %arg2: memref<128x128xf32, #tpu.memory_space<vmem>>, %arg3: memref<1x128xf32, #tpu.memory_space<vmem>>, %arg4: memref<512x128xf32, #tpu.memory_space<vmem>>) attributes {dimension_semantics = [#tpu.dimension_semantics<arbitrary>], iteration_bounds = array<i64: 20>, scalar_prefetch = 0 : i64, scratch_operands = 0 : i64, tpu.core_type = #tpu.core_type<tc>, window_params = [{transform_indices = @transform_0, window_bounds = array<i64: 512, 128>}, {pipeline_mode = #tpu.pipeline_mode<synchronous>, transform_indices = @transform_1, window_bounds = array<i64: 128, 128>}, {pipeline_mode = #tpu.pipeline_mode<synchronous>, transform_indices = @transform_2, window_bounds = array<i64: 1, 128>}, {transform_indices = @transform_3, window_bounds = array<i64: 512, 128>}]} {
    %get3A = arith.constant 0 : index
    %get3A_0 = arith.constant 0 : index
    %get3A_1 = vector.load %arg1[%get3A, %get3A_0] : memref<512x128xf32, #tpu.memory_space<vmem>>, vector<512x128xf32>
    %get3A_2 = arith.constant 0 : index
    %get3A_3 = arith.constant 0 : index
    %get3A_4 = vector.load %arg2[%get3A_2, %get3A_3] : memref<128x128xf32, #tpu.memory_space<vmem>>, vector<128x128xf32>
    %dot_general3A = arith.constant dense<0.000000e+00> : vector<512x128xf32>
    %dot_general3A_5 = tpu.matmul %get3A_1, %get3A_4, %dot_general3A {dimension_numbers = #tpu.dot_dimension_numbers<[1], [1], [0], [0], [0, 0, 1, 0], [], []>, transpose_lhs_hint = false} : vector<512x128xf32>, vector<128x128xf32>, vector<512x128xf32> -> vector<512x128xf32>
    %get3A_6 = arith.constant 0 : index
    %get3A_7 = arith.constant 0 : index
    %get3A_8 = vector.load %arg3[%get3A_6, %get3A_7] : memref<1x128xf32, #tpu.memory_space<vmem>>, vector<1x128xf32>
    %add3A = vector.broadcast %get3A_8 : vector<1x128xf32> to vector<512x128xf32>
    %add3A_9 = arith.addf %dot_general3A_5, %add3A : vector<512x128xf32>
    %swap3A = arith.constant 0 : index
    %swap3A_10 = arith.constant 0 : index
    %swap3A_11 = vector.load %arg4[%swap3A, %swap3A_10] : memref<512x128xf32, #tpu.memory_space<vmem>>, vector<512x128xf32>
    tpu.vector_store %arg4[%swap3A, %swap3A_10], %add3A_9 {strides = array<i32>} : memref<512x128xf32, #tpu.memory_space<vmem>>, vector<512x128xf32>,
    return
  }
  func.func @transform_0(%arg0: i32) -> (i32, i32) {
    %c0_i32 = arith.constant 0 : i32
    %c0_i32_0 = arith.constant 0 : i32
    return %arg0, %c0_i32 : i32, i32
  }
  func.func @transform_1(%arg0: i32) -> (i32, i32) {
    %c0_i32 = arith.constant 0 : i32
    %c0_i32_0 = arith.constant 0 : i32
    %c0_i32_1 = arith.constant 0 : i32
    return %c0_i32, %c0_i32_0 : i32, i32
  }
  func.func @transform_2(%arg0: i32) -> (i32, i32) {
    %c0_i32 = arith.constant 0 : i32
    %c0_i32_0 = arith.constant 0 : i32
    %c0_i32_1 = arith.constant 0 : i32
    return %c0_i32, %c0_i32_0 : i32, i32
  }
  func.func @transform_3(%arg0: i32) -> (i32, i32) {
    %c0_i32 = arith.constant 0 : i32
    %c0_i32_0 = arith.constant 0 : i32
    return %arg0, %c0_i32 : i32, i32
  }
}

module attributes {stable_mosaic.version = 14 : i64} {
  func.func @_k4_body(%arg0: i32, %arg1: memref<2x512x128xf32, #tpu.memory_space<vmem>>, %arg2: memref<32x512xf32, #tpu.memory_space<vmem>>, %arg3: memref<512x128xf32, #tpu.memory_space<vmem>>) attributes {dimension_semantics = [#tpu.dimension_semantics<arbitrary>], iteration_bounds = array<i64: 10>, scalar_prefetch = 0 : i64, scratch_operands = 0 : i64, tpu.core_type = #tpu.core_type<tc>, window_params = [{transform_indices = @transform_0, window_bounds = array<i64: 2, 512, 128>}, {transform_indices = @transform_1, window_bounds = array<i64: 32, 512>}, {transform_indices = @transform_2, window_bounds = array<i64: 512, 128>}]} {
    %get3A = arith.constant 0 : index
    %get3A_0 = arith.constant 0 : index
    %get3A_1 = vector.load %arg2[%get3A, %get3A_0] : memref<32x512xf32, #tpu.memory_space<vmem>>, vector<32x512xf32>
    %reduce_sum3A = arith.constant dense<0.000000e+00> : vector<512xf32>
    %reduce_sum3A_2 = vector.multi_reduction <add>, %get3A_1, %reduce_sum3A [0] : vector<32x512xf32> to vector<512xf32>
    %broadcast_in_dim3A = vector.shape_cast %reduce_sum3A_2 : vector<512xf32> to vector<512x1xf32>
    %gt3A = arith.constant 0.000000e+00 : f32
    %gt3A_3 = vector.broadcast %gt3A : f32 to vector<512x1xf32>
    %gt3A_4 = arith.cmpf ogt, %broadcast_in_dim3A, %gt3A_3 : vector<512x1xf32>
    %max3A = arith.constant 9.99999996E-13 : f32
    %max3A_5 = vector.broadcast %max3A : f32 to vector<512x1xf32>
    %max3A_6 = arith.maximumf %broadcast_in_dim3A, %max3A_5 : vector<512x1xf32>
    %div3A = arith.constant 1.000000e+00 : f32
    %div3A_7 = vector.broadcast %div3A : f32 to vector<512x1xf32>
    %div3A_8 = arith.divf %div3A_7, %max3A_6 : vector<512x1xf32>
    %jit3A = arith.constant 0.000000e+00 : f32
    %broadcast_in_dim3A_9 = vector.broadcast %jit3A : f32 to vector<512x1xf32>
    %select_n3A = arith.select %gt3A_4, %div3A_8, %broadcast_in_dim3A_9 : vector<512x1xi1>, vector<512x1xf32>
    %get3A_10 = arith.constant 0 : index
    %get3A_11 = arith.constant 0 : index
    %get3A_12 = arith.constant 0 : index
    %get3A_13 = vector.load %arg1[%get3A_10, %get3A_11, %get3A_12] : memref<2x512x128xf32, #tpu.memory_space<vmem>>, vector<1x512x128xf32>
    %get3A_14 = vector.shape_cast %get3A_13 : vector<1x512x128xf32> to vector<512x128xf32>
    %get3A_15 = arith.constant 1 : index
    %get3A_16 = arith.constant 0 : index
    %get3A_17 = arith.constant 0 : index
    %get3A_18 = vector.load %arg1[%get3A_15, %get3A_16, %get3A_17] : memref<2x512x128xf32, #tpu.memory_space<vmem>>, vector<1x512x128xf32>
    %get3A_19 = vector.shape_cast %get3A_18 : vector<1x512x128xf32> to vector<512x128xf32>
    %add3A = arith.addf %get3A_14, %get3A_19 : vector<512x128xf32>
    %mul3A = vector.broadcast %select_n3A : vector<512x1xf32> to vector<512x128xf32>
    %mul3A_20 = arith.mulf %add3A, %mul3A : vector<512x128xf32>
    %swap3A = arith.constant 0 : index
    %swap3A_21 = arith.constant 0 : index
    %swap3A_22 = vector.load %arg3[%swap3A, %swap3A_21] : memref<512x128xf32, #tpu.memory_space<vmem>>, vector<512x128xf32>
    tpu.vector_store %arg3[%swap3A, %swap3A_21], %mul3A_20 {strides = array<i32>} : memref<512x128xf32, #tpu.memory_space<vmem>>, vector<512x128xf32>,
    return
  }
  func.func @transform_0(%arg0: i32) -> (i32, i32, i32) {
    %c0_i32 = arith.constant 0 : i32
    %c0_i32_0 = arith.constant 0 : i32
    %c0_i32_1 = arith.constant 0 : i32
    return %c0_i32, %arg0, %c0_i32_0 : i32, i32, i32
  }
  func.func @transform_1(%arg0: i32) -> (i32, i32) {
    %c0_i32 = arith.constant 0 : i32
    %c0_i32_0 = arith.constant 0 : i32
    return %c0_i32, %arg0 : i32, i32
  }
  func.func @transform_2(%arg0: i32) -> (i32, i32) {
    %c0_i32 = arith.constant 0 : i32
    %c0_i32_0 = arith.constant 0 : i32
    return %arg0, %c0_i32 : i32, i32
  }
}

module attributes {stable_mosaic.version = 14 : i64} {
  func.func @_k2b_body(%arg0: i32, %arg1: memref<512x128xf32, #tpu.memory_space<vmem>>, %arg2: memref<32x512xf32, #tpu.memory_space<vmem>>, %arg3: memref<512x128xf32, #tpu.memory_space<vmem>>) attributes {dimension_semantics = [#tpu.dimension_semantics<arbitrary>], iteration_bounds = array<i64: 20>, scalar_prefetch = 0 : i64, scratch_operands = 0 : i64, tpu.core_type = #tpu.core_type<tc>, window_params = [{transform_indices = @transform_0, window_bounds = array<i64: 512, 128>}, {transform_indices = @transform_1, window_bounds = array<i64: 32, 512>}, {transform_indices = @transform_2, window_bounds = array<i64: 512, 128>}]} {
    %get3A = arith.constant 0 : index
    %get3A_0 = arith.constant 0 : index
    %get3A_1 = vector.load %arg2[%get3A, %get3A_0] : memref<32x512xf32, #tpu.memory_space<vmem>>, vector<32x512xf32>
    %reduce_sum3A = arith.constant dense<0.000000e+00> : vector<512xf32>
    %reduce_sum3A_2 = vector.multi_reduction <add>, %get3A_1, %reduce_sum3A [0] : vector<32x512xf32> to vector<512xf32>
    %broadcast_in_dim3A = vector.shape_cast %reduce_sum3A_2 : vector<512xf32> to vector<512x1xf32>
    %gt3A = arith.constant 0.000000e+00 : f32
    %gt3A_3 = vector.broadcast %gt3A : f32 to vector<512x1xf32>
    %gt3A_4 = arith.cmpf ogt, %broadcast_in_dim3A, %gt3A_3 : vector<512x1xf32>
    %max3A = arith.constant 9.99999996E-13 : f32
    %max3A_5 = vector.broadcast %max3A : f32 to vector<512x1xf32>
    %max3A_6 = arith.maximumf %broadcast_in_dim3A, %max3A_5 : vector<512x1xf32>
    %rsqrt3A = math.rsqrt %max3A_6 : vector<512x1xf32>
    %jit3A = arith.constant 0.000000e+00 : f32
    %broadcast_in_dim3A_7 = vector.broadcast %jit3A : f32 to vector<512x1xf32>
    %select_n3A = arith.select %gt3A_4, %rsqrt3A, %broadcast_in_dim3A_7 : vector<512x1xi1>, vector<512x1xf32>
    %get3A_8 = arith.constant 0 : index
    %get3A_9 = arith.constant 0 : index
    %get3A_10 = vector.load %arg1[%get3A_8, %get3A_9] : memref<512x128xf32, #tpu.memory_space<vmem>>, vector<512x128xf32>
    %mul3A = vector.broadcast %select_n3A : vector<512x1xf32> to vector<512x128xf32>
    %mul3A_11 = arith.mulf %get3A_10, %mul3A : vector<512x128xf32>
    %swap3A = arith.constant 0 : index
    %swap3A_12 = arith.constant 0 : index
    %swap3A_13 = vector.load %arg3[%swap3A, %swap3A_12] : memref<512x128xf32, #tpu.memory_space<vmem>>, vector<512x128xf32>
    tpu.vector_store %arg3[%swap3A, %swap3A_12], %mul3A_11 {strides = array<i32>} : memref<512x128xf32, #tpu.memory_space<vmem>>, vector<512x128xf32>,
    return
  }
  func.func @transform_0(%arg0: i32) -> (i32, i32) {
    %c0_i32 = arith.constant 0 : i32
    %c0_i32_0 = arith.constant 0 : i32
    return %arg0, %c0_i32 : i32, i32
  }
  func.func @transform_1(%arg0: i32) -> (i32, i32) {
    %c0_i32 = arith.constant 0 : i32
    %c0_i32_0 = arith.constant 0 : i32
    return %c0_i32, %arg0 : i32, i32
  }
  func.func @transform_2(%arg0: i32) -> (i32, i32) {
    %c0_i32 = arith.constant 0 : i32
    %c0_i32_0 = arith.constant 0 : i32
    return %arg0, %c0_i32 : i32, i32
  }
}

module attributes {stable_mosaic.version = 14 : i64} {
  func.func @_k6_body(%arg0: i32, %arg1: memref<2x512x128xf32, #tpu.memory_space<vmem>>, %arg2: memref<32x512xf32, #tpu.memory_space<vmem>>, %arg3: memref<512x128xf32, #tpu.memory_space<vmem>>) attributes {dimension_semantics = [#tpu.dimension_semantics<arbitrary>], iteration_bounds = array<i64: 20>, scalar_prefetch = 0 : i64, scratch_operands = 0 : i64, tpu.core_type = #tpu.core_type<tc>, window_params = [{transform_indices = @transform_0, window_bounds = array<i64: 2, 512, 128>}, {transform_indices = @transform_1, window_bounds = array<i64: 32, 512>}, {transform_indices = @transform_2, window_bounds = array<i64: 512, 128>}]} {
    %get3A = arith.constant 0 : index
    %get3A_0 = arith.constant 0 : index
    %get3A_1 = vector.load %arg2[%get3A, %get3A_0] : memref<32x512xf32, #tpu.memory_space<vmem>>, vector<32x512xf32>
    %reduce_sum3A = arith.constant dense<0.000000e+00> : vector<512xf32>
    %reduce_sum3A_2 = vector.multi_reduction <add>, %get3A_1, %reduce_sum3A [0] : vector<32x512xf32> to vector<512xf32>
    %broadcast_in_dim3A = vector.shape_cast %reduce_sum3A_2 : vector<512xf32> to vector<512x1xf32>
    %gt3A = arith.constant 0.000000e+00 : f32
    %gt3A_3 = vector.broadcast %gt3A : f32 to vector<512x1xf32>
    %gt3A_4 = arith.cmpf ogt, %broadcast_in_dim3A, %gt3A_3 : vector<512x1xf32>
    %max3A = arith.constant 9.99999996E-13 : f32
    %max3A_5 = vector.broadcast %max3A : f32 to vector<512x1xf32>
    %max3A_6 = arith.maximumf %broadcast_in_dim3A, %max3A_5 : vector<512x1xf32>
    %rsqrt3A = math.rsqrt %max3A_6 : vector<512x1xf32>
    %jit3A = arith.constant 0.000000e+00 : f32
    %broadcast_in_dim3A_7 = vector.broadcast %jit3A : f32 to vector<512x1xf32>
    %select_n3A = arith.select %gt3A_4, %rsqrt3A, %broadcast_in_dim3A_7 : vector<512x1xi1>, vector<512x1xf32>
    %get3A_8 = arith.constant 0 : index
    %get3A_9 = arith.constant 0 : index
    %get3A_10 = arith.constant 0 : index
    %get3A_11 = vector.load %arg1[%get3A_8, %get3A_9, %get3A_10] : memref<2x512x128xf32, #tpu.memory_space<vmem>>, vector<1x512x128xf32>
    %get3A_12 = vector.shape_cast %get3A_11 : vector<1x512x128xf32> to vector<512x128xf32>
    %get3A_13 = arith.constant 1 : index
    %get3A_14 = arith.constant 0 : index
    %get3A_15 = arith.constant 0 : index
    %get3A_16 = vector.load %arg1[%get3A_13, %get3A_14, %get3A_15] : memref<2x512x128xf32, #tpu.memory_space<vmem>>, vector<1x512x128xf32>
    %get3A_17 = vector.shape_cast %get3A_16 : vector<1x512x128xf32> to vector<512x128xf32>
    %add3A = arith.addf %get3A_12, %get3A_17 : vector<512x128xf32>
    %mul3A = vector.broadcast %select_n3A : vector<512x1xf32> to vector<512x128xf32>
    %mul3A_18 = arith.mulf %add3A, %mul3A : vector<512x128xf32>
    %max3A_19 = arith.constant 0.000000e+00 : f32
    %max3A_20 = vector.broadcast %max3A_19 : f32 to vector<512x128xf32>
    %max3A_21 = arith.maximumf %mul3A_18, %max3A_20 : vector<512x128xf32>
    %swap3A = arith.constant 0 : index
    %swap3A_22 = arith.constant 0 : index
    %swap3A_23 = vector.load %arg3[%swap3A, %swap3A_22] : memref<512x128xf32, #tpu.memory_space<vmem>>, vector<512x128xf32>
    tpu.vector_store %arg3[%swap3A, %swap3A_22], %max3A_21 {strides = array<i32>} : memref<512x128xf32, #tpu.memory_space<vmem>>, vector<512x128xf32>,
    return
  }
  func.func @transform_0(%arg0: i32) -> (i32, i32, i32) {
    %c0_i32 = arith.constant 0 : i32
    %c0_i32_0 = arith.constant 0 : i32
    %c0_i32_1 = arith.constant 0 : i32
    return %c0_i32, %arg0, %c0_i32_0 : i32, i32, i32
  }
  func.func @transform_1(%arg0: i32) -> (i32, i32) {
    %c0_i32 = arith.constant 0 : i32
    %c0_i32_0 = arith.constant 0 : i32
    return %c0_i32, %arg0 : i32, i32
  }
  func.func @transform_2(%arg0: i32) -> (i32, i32) {
    %c0_i32 = arith.constant 0 : i32
    %c0_i32_0 = arith.constant 0 : i32
    return %arg0, %c0_i32 : i32, i32
  }
}

</mosaic_0001>

<sc_bundles>
// kernel: kernel.12.cloned.1.call-start
scs
__scs_entry_jumppad:
0x0: {  	(pc) =	sbr.rel $0x88, $3  }
0x1: {  	(tag) =	ssettag $0x0;
	lr =	simm.s32 $0x1  }
0x2: {  	[smem:$0x3F9D] =	sst lr;
	_ =	strace $0xD0000000  }
0x3: {  	_ = 	snop  }
0x4: {  	_ = 	snop  }
0x5: {  	_ = 	snop  }
0x6: {  	_ = 	snop  }
0x7: {  	_ = 	snop  }
__scs_overlays_trampoline_lowered:
0x8: {  	[smem:$0x3FAC] =	sst s0  }
0x9: {  	[smem:$0x3FAD] =	sst s1  }
0xa: {  	[smem:$0x3FAE] =	sst s2  }
0xb: {  	[smem:$0x3FAF] =	sst s3  }
0xc: {  	[smem:$0x3FB0] =	sst s4  }
0xd: {  	[smem:$0x3FB1] =	sst s5  }
0xe: {  	[smem:$0x3FB2] =	sst s6  }
0xf: {  	[smem:$0x3FB3] =	sst s7  }
0x10: {  	[smem:$0x3FB4] =	sst s8  }
0x11: {  	[smem:$0x3FB5] =	sst s9;
	s0 =	simm.s32 @!p0 $0x0  }
0x12: {  	s1 =	sld [smem:$0x3F9B];
	s0 =	simm.s32 @p0 $0x1  }
0x13: {  	[smem:$0x3FB6] =	sst s0;
	s0 =	simm.s32 @!p1 $0x0  }
0x14: {  	s2 =	sld [smem:$0x3F9A];
	s0 =	simm.s32 @p1 $0x1  }
0x15: {  	[smem:$0x3FB7] =	sst s0;
	s0 =	simm.s32 @!p2 $0x0  }
0x16: {  	s3 =	sld [smem:$0x3FDB];
	s0 =	simm.s32 @p2 $0x1  }
0x17: {  	s4 =	simm.s32 $0x1BF5;
	[smem:$0x3FB9] =	sst s0  }
0x18: {  	s0 =	sld [smem:$0x3F9C];
	_ =	swait.ge [sflag:s4], $0x0  }
0x19: {  	s7 =	sld [smem:$0x3F9D]  }
0x1a: {  	s8 =	sadd.s32 $0xFFFFE003, lr  }
0x1b: {  	s9 =	sadd.s32 $0xFFFFFEF7, lr;
	s5 =	simm.s32 $0xFFFFFFFF;
	p2 =	slt.u32 s8, $0xFFFFF086  }
0x1c: {  	p1 =	slt.u32 s9, $0xF7A;
	s5 =	simm.s32 @!p2 $0x0  }
0x1d: {  	s5 =	simm.s32 @p1 $0x1;
	p0 =	seq.s32 s7, s2  }
0x1e: {  	s7 =	smul.u32 @!p0 $0xF7A, s2;
	p2 =	seq.s32 @!p0 s5, $0x0  }
0x1f: {  	s9 =	smul.u32 $0xF7A, s1;
	s8 =	simm.s32 @!p0 $0x1BF5;
	p2 =	por !p2, p0  }
0x20: {  	[sflag:s8] =	ssyncset.s32 @!p0 $0xFFFFF086;
	s6 =	sadd.s32 @!p0 s3, s7;
	s7 =	simm.s32 @!p0 $0x108  }
0x21: {  	s3 =	sadd.s32 s3, s9;
	s6 =	sadd.s32 @!p0 $0x88, s6;
	s7 =	simm.s32 @p2 $0x1082  }
0x22: {  	[simem:s7], [sflag:s8] =	dma.local @!p0 [hbm:s6], $0xF7A  }
0x23: {  	s9 =	sor.u32 $0xD0000000, s2;
	s6 =	simm.s32 $0x108;
	_ =	swait.ge @!p0 [sflag:s8], $0x0  }
0x24: {  	s3 =	sadd.s32 $0x88, s3;
	s6 =	simm.s32 @!p1 $0x1082;
	[sflag:s4] =	ssyncset.s32 $0xFFFFF086  }
0x25: {  	[simem:s6], [sflag:s4] =	dma.local [hbm:s3], $0xF7A  }
0x26: {  	[smem:$0x3F9D] =	sst s1;
	(tag) =	ssettag s2;
	_ =	strace s9  }
0x27: {  	s1 =	sld [smem:$0x3FAD]  }
0x28: {  	s2 =	sld [smem:$0x3FAE]  }
0x29: {  	s4 =	sld [smem:$0x3FB0]  }
0x2a: {  	p0 =	seq.s32 s5, $0x0;
	s5 =	sld [smem:$0x3FB1]  }
0x2b: {  	s6 =	sld [smem:$0x3FB2]  }
0x2c: {  	s7 =	sld [smem:$0x3FB3]  }
0x2d: {  	s3 =	simm.s32 $0x108;
	s8 =	sld [smem:$0x3FB4]  }
0x2e: {  	s3 =	simm.s32 @!p0 $0x1082;
	s9 =	sld [smem:$0x3FB5]  }
0x2f: {  	lr =	sadd.s32 s0, s3;
	s0 =	sld [smem:$0x3FAC]  }
0x30: {  	s3 =	sld [smem:$0x3FAF]  }
0x31: {  	[smem:$0x3FB8] =	sst s10  }
0x32: {  	s10 =	sld [smem:$0x3FB6];
	_ =	sdelay $0x3  }
0x33: {  	p0 =	seq.s32 s10, $0x1;
	s10 =	sld [smem:$0x3FB8];
	_ =	sdelay $0x3  }
0x34: {  	[smem:$0x3FB8] =	sst s10  }
0x35: {  	s10 =	sld [smem:$0x3FB7];
	_ =	sdelay $0x3  }
0x36: {  	p1 =	seq.s32 s10, $0x1;
	s10 =	sld [smem:$0x3FB8];
	_ =	sdelay $0x3  }
0x37: {  	[smem:$0x3FB8] =	sst s10  }
0x38: {  	s10 =	sld [smem:$0x3FB9]  }
0x39: {  	_ = 	snop;
	(pc) =	sbr.ind lr, $3  }
0x3a: {  	_ = 	snop  }
0x3b: {  	_ = 	snop  }
0x3c: {  	p2 =	seq.s32 s10, $0x1;
	s10 =	sld [smem:$0x3FB8]  }
0x3d: {  	_ =	shalt  }
0x3e: {  	_ =	shalt  }
0x3f: {  	_ =	shalt  }
0x40: {  	_ =	shalt  }
0x41: {  	_ =	shalt  }
0x42: {  	_ =	shalt  }
0x43: {  	_ =	shalt  }
0x44: {  	_ =	shalt  }
0x45: {  	_ =	shalt  }
0x46: {  	_ =	shalt  }
0x47: {  	_ =	shalt  }
0x48: {  	_ =	shalt  }
0x49: {  	_ =	shalt  }
0x4a: {  	_ =	shalt  }
0x4b: {  	_ =	shalt  }
0x4c: {  	_ =	shalt  }
0x4d: {  	_ =	shalt  }
0x4e: {  	_ =	shalt  }
0x4f: {  	_ =	shalt  }
0x50: {  	_ =	shalt  }
0x51: {  	_ =	shalt  }
0x52: {  	_ =	shalt  }
0x53: {  	_ =	shalt  }
0x54: {  	_ =	shalt  }
0x55: {  	_ =	shalt  }
0x56: {  	_ =	shalt  }
0x57: {  	_ =	shalt  }
0x58: {  	_ =	shalt  }
0x59: {  	_ =	shalt  }
0x5a: {  	_ =	shalt  }
0x5b: {  	_ =	shalt  }
0x5c: {  	_ =	shalt  }
0x5d: {  	_ =	shalt  }
0x5e: {  	_ =	shalt  }
0x5f: {  	_ =	shalt  }
0x60: {  	_ =	shalt  }
0x61: {  	_ =	shalt  }
0x62: {  	_ =	shalt  }
0x63: {  	_ =	shalt  }
0x64: {  	_ =	shalt  }
0x65: {  	_ =	shalt  }
0x66: {  	_ =	shalt  }
0x67: {  	_ =	shalt  }
0x68: {  	_ =	shalt  }
0x69: {  	_ =	shalt  }
0x6a: {  	_ =	shalt  }
0x6b: {  	_ =	shalt  }
0x6c: {  	_ =	shalt  }
0x6d: {  	_ =	shalt  }
0x6e: {  	_ =	shalt  }
0x6f: {  	_ =	shalt  }
0x70: {  	_ =	shalt  }
0x71: {  	_ =	shalt  }
0x72: {  	_ =	shalt  }
0x73: {  	_ =	shalt  }
0x74: {  	_ =	shalt  }
0x75: {  	_ =	shalt  }
0x76: {  	_ =	shalt  }
0x77: {  	_ =	shalt  }
0x78: {  	_ =	shalt  }
0x79: {  	_ =	shalt  }
0x7a: {  	_ =	shalt  }
0x7b: {  	_ =	shalt  }
0x7c: {  	_ =	shalt  }
0x7d: {  	_ =	shalt  }
0x7e: {  	_ =	shalt  }
0x7f: {  	_ =	shalt  }
0x80: {  	_ =	shalt  }
0x81: {  	_ =	shalt  }
0x82: {  	_ =	shalt  }
0x83: {  	_ =	shalt  }
0x84: {  	_ =	shalt  }
0x85: {  	_ =	shalt  }
0x86: {  	_ =	shalt  }
0x87: {  	_ =	shalt  }
.Lfunc_end0:
.L_simem_size_0:
called_computation.1_lowered:
.L_overlay_start_0:
0x88: {  	s2 =	sld [smem:$0x3FD9]  }
0x89: {  	s3 =	sld [smem:$0x3FFE];
	_ =	sdelay $0x1  }
0x8a: {  	s1 =	srdreg.scid  }
0x8b: {  	s0 =	sand.u32 $0x1, s1  }
0x8c: {  	s16 =	sshll.u32 s0, $0xA;
	s2 =	sadd.s32 s3, s2  }
0x8d: {  	s2 =	sadd.s32 s2, s16  }
0x8e: {  	[smem:$0x3FC4] =	sst s2  }
0x8f: {  	_ = 	snop  }
0x90: {  	(tm) =	ssettm $0x1  }
0x91: {  	s17 =	sld [smem:$0x3FFB];
	_ =	sdelay $0x3  }
0x92: {  	_ =	strace s17  }
0x93: {  	s2 =	sld [smem:$0x3FFC];
	_ =	sdelay $0x3  }
0x94: {  	_ =	strace s2  }
0x95: {  	s2 =	sld [smem:$0x3FFD];
	_ =	sdelay $0x3  }
0x96: {  	_ =	strace s2  }
0x97: {  	_ =	strace $0x8FFFFFFF  }
0x98: {  	s18 =	sld [smem:$0x3FDB];
	_ =	sdelay $0x1  }
0x99: {  	s19 =	simm.s32 $_scs_section_size  }
0x9a: {  	s4 =	simm.s32 $_size__tile_overlayer_lowered;
	s5 =	simm.s32 $_tile_overlayer_lowered  }
0x9b: {  	s22 =	simm.s32 $0x1BFF;
	s21 =	sshll.u32 s5, $0x1;
	s2 =	sadd.s32 s19, s18  }
0x9c: {  	s6 =	simm.s32 $0x0;
	s20 =	sshll.u32 s4, $0x1;
	s4 =	sadd.s32 s21, s2  }
0x9d: {  	[timem:s6], [sflag:s22] =	dma.local [hbm:s4], s20  }
0x9e: {  	_ =	swait.ge [sflag:s22], s20  }
0x9f: {  	s3 =	ssub.s32 $0x0, s20;
	[sflag:s22] =	ssyncset.done $0x0  }
0xa0: {  	[sflag:s22] =	ssyncadd.s32 s3;
	_ =	sdelay $0x1  }
0xa1: {  	s23 =	simm.s32 $0x1B8B  }
0xa2: {  	_ =	swait.ge [sflag:s23], $0x1  }
0xa3: {  	[sflag:s23] =	ssyncset.done $0x0  }
0xa4: {  	s25 =	simm.s32 $0x1B8E;
	s24 =	sld [smem:$0x3FFE];
	[sflag:s23] =	ssyncadd.s32 $0xFFFFFFFF  }
0xa5: {  	s26 =	simm.s32 $execute0_lowered;
	[smem:$0x3FD2] =	sst s25  }
0xa6: {  	s4 =	sshll.u32 s26, $0x1;
	_ =	strace $0x80000049;
	[dreg:$0x1] =	wrdreg $0xFFFFFFFF  }
0xa7: {  	s28 =	simm.s32 $_size_execute0_lowered;
	s2 =	sadd.s32 s2, s4;
	[dreg:$0x0] =	wrdreg $0x0  }
0xa8: {  	s4 =	sshll.u32 s28, $0x1;
	[dreg:$0x2] =	wrdreg s2  }
0xa9: {  	[dreg:$0x3] =	wrdreg s4  }
0xaa: {  	[dreg:$0x4] =	wrdreg $0xC0  }
0xab: {  	_ =	task [dreg:s6], $0x5FFFF  }
0xac: {  	[dreg:$0x1] =	wrdreg $0xFFFFFFFF  }
0xad: {  	[dreg:$0x0] =	wrdreg $0x60  }
0xae: {  	[dreg:$0x2] =	wrdreg s24  }
0xaf: {  	[dreg:$0x3] =	wrdreg $0x148000  }
0xb0: {  	[dreg:$0x4] =	wrdreg $0x9  }
0xb1: {  	_ =	task.clear_ibuf [dreg:s6], $0x5FFFF;
	_ =	strace $0x90000049  }
0xb2: {  	s29 =	simm.s32 $0x9;
	_ =	strace $0x8000004B  }
0xb3: {  	_ =	swait.ge [sflag:s29], $0x1  }
0xb4: {  	[sflag:s29] =	ssyncadd.s32 $0xFFFFFFFF  }
0xb5: {  	_ =	strace $0x9000004B  }
0xb6: {  	_ =	sfence  }
0xb7: {  	s30 =	sld [smem:$0x0];
	_ =	sdelay $0x2  }
0xb8: {  	s31 =	sshll.u32 s1, $0xD;
	s1 =	sshrl.u32 s1, $0x2  }
0xb9: {  	s3 =	sand.u32 $0x4000, s31;
	s1 =	sadd.s32 s1, s30  }
0xba: {  	s0 =	sor.u32 s3, s0;
	s1 =	sshll.u32 s1, $0x11  }
0xbb: {  	s0 =	sor.u32 s1, s0  }
0xbc: {  	s0 =	sadd.s32 $0x8F2B, s0  }
0xbd: {  	[sflag:s0] =	ssyncadd.remote.s32 $0x1  }
0xbe: {  	_ =	sfence.sel $0xFFFF  }
0xbf: {  	[dreg:$0x0] =	wrdreg $0xFFFFFFFF;
	(pc) =	sbr.abs _section_cstart, $3  }
0xc0: {  	[dreg:$0x1] =	wrdreg $0xFFFFFFFF  }
0xc1: {  	_ =	task.clear_ibuf [dreg:s6], $0x2FFFF;
	_ =	strace $0x9FFFFFFF  }
0xc2: {  	(tm) =	ssettm $0x7FFFFFFF  }
0xc3: {  	_ =	shalt  }
tec
execute0_lowered:
.L_overlay_start_1:
0x0: {  	(tag) =	ssettag $0x1  }
0x1: {  	s0 =	rddreg [dreg:$0x0]  }
0x2: {  	s1 =	rddreg [dreg:$0x1]  }
0x3: {  	s3 =	simm.s32 $0x0;
	s2 =	srdreg.scid;
	s9 =	stileid.u32  }
0x4: {  	s15 =	simm.s32 $0x80;
	s28 =	simm.s32 $0x3;
	s30 =	simm.s32 $0x4  }
0x5: {  	s10 =	simm.s32 $0x8;
	s11 =	simm.s32 $0xA;
	s12 =	simm.s32 $0xB  }
0x6: {  	s14 =	simm.s32 $0x5;
	[smem:$0x7FF] =	sst s3;
	s6 =	smul.u32 $0xA000, s9  }
0x7: {  	s2 =	sand.u32 $0x1, s2;
	s4 =	sadd.s32 $0x20A00, s0;
	s8 =	smul.u32 $0x28000, s9  }
0x8: {  	s19 =	sadd.s32 $0xC400, s0;
	s20 =	sadd.s32 $0x2400, s0;
	s23 =	smul.u32 $0xA, s9  }
0x9: {  	s7 =	sadd.s32 $0x48A00, s0;
	s25 =	sshll.u32 s9, $0x6;
	s9 =	smul.u32 $0x960, s9  }
0xa: {  	s5 =	smul.u32 $0xA0000, s2;
	_ =	strace $0x8000004A;
	[dreg:$0x7] =	wrdreg s7  }
0xb: {  	s18 =	ssub.s32 $0x2, s2;
	s13 =	sor.u32 $0x1C10, s25;
	[dreg:$0x5] =	wrdreg s19  }
0xc: {  	p0 =	seq.s32 s2, $0x1;
	s25 =	simm.s32 $0x2;
	[dreg:$0x6] =	wrdreg s20  }
0xd: {  	s21 =	sshrl.u32 s18, $0x1;
	s24 =	sshrl.u32 s8, $0x2;
	s26 =	sadd.s32 s9, s19  }
0xe: {  	s31 =	sadd.s32 s9, s20;
	s8 =	simm.s32 $0x9;
	s9 =	simm.s32 $0xC  }
0xf: {  	[dreg:$0x8] =	wrdreg s13;
	s5 =	sadd.s32 s6, s5;
	s22 =	ssub.s32 s18, s21  }
0x10: {  	s7 =	sadd.s32 s24, s1;
	s18 =	sadd.s32 $0x960, s23;
	[dreg:$0x3] =	wrdreg s26  }
0x11: {  	[dreg:$0x4] =	wrdreg s31;
	s21 =	simm.s32 $0x480;
	s23 =	simm.s32 $0x1  }
.Ltmp0:
0x12: {  	s6 =	simm.s32 $0xE;
	s5 =	sshrl.u32 s5, $0x3;
	(pc) =	sbr.rel .LBB2_1-.Ltmp0, $4  }
0x13: {  	s29 =	smax.u32 s22, $0x1;
	s17 =	sshrl.u32 s7, $0x3;
	[dreg:$0x9] =	wrdreg s18  }
0x14: {  	s22 =	simm.s32 $0x500;
	s0 =	sadd.s32 s5, s0;
	[dreg:$0xb] =	wrdreg s29  }
0x15: {  	s7 =	simm.s32 $0xF;
	[dreg:$0xc] =	wrdreg s17;
	s0 =	sadd.s32 $0x4B200, s0  }
0x16: {  	s5 =	simm.s32 $0xD;
	[dreg:$0xa] =	wrdreg s0;
	s0 =	simm.s32 $0x0  }
.LBB2_4:
0x17: {  	s5 =	simm.s32 $0xF  }
0x18: {  	s17 =	rddreg [dreg:$0x4];
	s18 =	sadd.s32 s16, s18;
	[sflag:s5] =	ssyncadd.s32 $0xFFFFC000  }
0x19: {  	[tilespmem:s3], [sflag:$0x1] =	stream.linear.gather [hbm4b:s18+s3], $0x80, $0x38;
	[tilespmem:$0x1E800] =	vst v63  }
0x1a: {  	s16 =	sadd.s32 s16, s17  }
0x1b: {  	[tilespmem:s19], [sflag:$0x1] =	stream.linear.gather [hbm4b:s16+s3], $0x80, $0x38;
	[tilespmem:$0x1E800] =	vst v63  }
0x1c: {  	s26 =	sadd.s32 $0x10, s18  }
0x1d: {  	[tilespmem:s15], [sflag:$0x2] =	stream.linear.gather [hbm4b:s26+s3], $0x80, $0x38;
	[tilespmem:$0x1E800] =	vst v63  }
0x1e: {  	s29 =	sadd.s32 $0x10, s16  }
0x1f: {  	[tilespmem:s21], [sflag:$0x2] =	stream.linear.gather [hbm4b:s29+s3], $0x80, $0x38;
	[tilespmem:$0x1E800] =	vst v63  }
0x20: {  	s31 =	sadd.s32 $0x20, s18  }
0x21: {  	[tilespmem:s20], [sflag:$0x3] =	stream.linear.gather [hbm4b:s31+s3], $0x80, $0x38;
	[tilespmem:$0x1E800] =	vst v63  }
0x22: {  	s0 =	sadd.s32 $0x20, s16  }
0x23: {  	[tilespmem:s22], [sflag:$0x3] =	stream.linear.gather [hbm4b:s0+s3], $0x80, $0x38;
	[tilespmem:$0x1E800] =	vst v63  }
0x24: {  	s6 =	simm.s32 $0x180;
	s2 =	sadd.s32 $0x30, s18  }
0x25: {  	[tilespmem:s6], [sflag:$0x4] =	stream.linear.gather [hbm4b:s2+s3], $0x80, $0x38;
	[tilespmem:$0x1E800] =	vst v63  }
0x26: {  	s7 =	sadd.s32 $0x30, s16;
	s26 =	simm.s32 $0x580  }
0x27: {  	[tilespmem:s26], [sflag:$0x4] =	stream.linear.gather [hbm4b:s7+s3], $0x80, $0x38;
	[tilespmem:$0x1E800] =	vst v63  }
0x28: {  	s24 =	sadd.s32 $0x40, s18;
	s7 =	simm.s32 $0x200  }
0x29: {  	[tilespmem:s7], [sflag:$0x5] =	stream.linear.gather [hbm4b:s24+s3], $0x80, $0x38;
	[tilespmem:$0x1E800] =	vst v63  }
0x2a: {  	s16 =	sadd.s32 $0x40, s16;
	s29 =	simm.s32 $0x600  }
0x2b: {  	[tilespmem:s29], [sflag:$0x5] =	stream.linear.gather [hbm4b:s16+s3], $0x80, $0x38;
	[tilespmem:$0x1E800] =	vst v63  }
0x2c: {  	_ =	swait.ge [sflag:s23], $0x80  }
0x2d: {  	[sflag:s23] =	ssyncset.done $0x0  }
0x2e: {  	[sflag:s23] =	ssyncadd.s32 $0xFFFFFF80  }
0x2f: {  	_ =	swait.ge [sflag:s23], $0x80  }
0x30: {  	[sflag:s23] =	ssyncset.done $0x0  }
0x31: {  	s2 =	simm.s32 $0x800;
	[sflag:s23] =	ssyncadd.s32 $0xFFFFFF80  }
0x32: {  	[tilespmem:s2], [sflag:$0x6] =	stream.indirect.gather [hbm4b:s4+s15], $0x80, s3, s15, $0xb8;
	[tilespmem:$0x1E800] =	vst v63  }
0x33: {  	_ =	swait.ge [sflag:s25], $0x80  }
0x34: {  	[sflag:s25] =	ssyncset.done $0x0  }
0x35: {  	[sflag:s25] =	ssyncadd.s32 $0xFFFFFF80  }
0x36: {  	_ =	swait.ge [sflag:s25], $0x80  }
0x37: {  	[sflag:s25] =	ssyncset.done $0x0  }
0x38: {  	s24 =	simm.s32 $0x4800;
	[sflag:s25] =	ssyncadd.s32 $0xFFFFFF80  }
0x39: {  	[tilespmem:s24], [sflag:$0x7] =	stream.indirect.gather [hbm4b:s4+s15], $0x80, s15, s15, $0xb8;
	[tilespmem:$0x1E800] =	vst v63  }
0x3a: {  	_ =	swait.ge [sflag:s28], $0x80  }
0x3b: {  	[sflag:s28] =	ssyncset.done $0x0  }
0x3c: {  	[sflag:s28] =	ssyncadd.s32 $0xFFFFFF80  }
0x3d: {  	_ =	swait.ge [sflag:s28], $0x80  }
0x3e: {  	[sflag:s28] =	ssyncset.done $0x0  }
0x3f: {  	s31 =	simm.s32 $0x8800;
	[sflag:s28] =	ssyncadd.s32 $0xFFFFFF80  }
0x40: {  	[tilespmem:s31], [sflag:$0x8] =	stream.indirect.gather [hbm4b:s4+s15], $0x80, s20, s15, $0xb8;
	[tilespmem:$0x1E800] =	vst v63  }
0x41: {  	_ =	swait.ge [sflag:s30], $0x80  }
0x42: {  	[sflag:s30] =	ssyncset.done $0x0  }
0x43: {  	[sflag:s30] =	ssyncadd.s32 $0xFFFFFF80  }
0x44: {  	_ =	swait.ge [sflag:s30], $0x80  }
0x45: {  	[sflag:s30] =	ssyncset.done $0x0  }
0x46: {  	s0 =	simm.s32 $0xC800;
	[sflag:s30] =	ssyncadd.s32 $0xFFFFFF80  }
0x47: {  	[tilespmem:s0], [sflag:$0x9] =	stream.indirect.gather [hbm4b:s4+s15], $0x80, s6, s15, $0xb8;
	[tilespmem:$0x1E800] =	vst v63  }
0x48: {  	_ =	swait.ge [sflag:s14], $0x80  }
0x49: {  	[sflag:s14] =	ssyncset.done $0x0  }
0x4a: {  	[sflag:s14] =	ssyncadd.s32 $0xFFFFFF80  }
0x4b: {  	_ =	swait.ge [sflag:s14], $0x80  }
0x4c: {  	[sflag:s14] =	ssyncset.done $0x0  }
0x4d: {  	s20 =	simm.s32 $0x6;
	s6 =	simm.s32 $0x10800;
	[sflag:s14] =	ssyncadd.s32 $0xFFFFFF80  }
0x4e: {  	[tilespmem:s6], [sflag:$0xA] =	stream.indirect.gather [hbm4b:s4+s15], $0x80, s7, s15, $0xb8;
	[tilespmem:$0x1E800] =	vst v63  }
0x4f: {  	_ =	swait.ge [sflag:s20], $0x4000  }
0x50: {  	[sflag:s20] =	ssyncset.done $0x0  }
0x51: {  	[sflag:s20] =	ssyncadd.s32 $0xFFFFC000  }
0x52: {  	[spmem:s1] =	stream.indirect.scatter.add.f32 [tilespmem:s2], [sflag:$0xB], $0x80, s19, s15, $0xb8;
	[tilespmem:$0x1E800] =	vst v63  }
0x53: {  	_ =	swait.ge [sflag:s10], $0x4000  }
0x54: {  	[sflag:s10] =	ssyncset.done $0x0  }
0x55: {  	[sflag:s10] =	ssyncadd.s32 $0xFFFFC000  }
0x56: {  	[spmem:s1] =	stream.indirect.scatter.add.f32 [tilespmem:s24], [sflag:$0xC], $0x80, s21, s15, $0xb8;
	[tilespmem:$0x1E800] =	vst v63  }
0x57: {  	_ =	swait.ge [sflag:s11], $0x4000  }
0x58: {  	[sflag:s11] =	ssyncset.done $0x0  }
0x59: {  	[sflag:s11] =	ssyncadd.s32 $0xFFFFC000  }
0x5a: {  	[spmem:s1] =	stream.indirect.scatter.add.f32 [tilespmem:s31], [sflag:$0xD], $0x80, s22, s15, $0xb8;
	[tilespmem:$0x1E800] =	vst v63  }
0x5b: {  	_ =	swait.ge [sflag:s8], $0x4000  }
0x5c: {  	[sflag:s8] =	ssyncset.done $0x0  }
0x5d: {  	[sflag:s8] =	ssyncadd.s32 $0xFFFFC000  }
0x5e: {  	[spmem:s1] =	stream.indirect.scatter.add.f32 [tilespmem:s0], [sflag:$0xE], $0x80, s26, s15, $0xb8;
	[tilespmem:$0x1E800] =	vst v63  }
0x5f: {  	_ =	swait.ge [sflag:s12], $0x4000  }
0x60: {  	[sflag:s12] =	ssyncset.done $0x0  }
0x61: {  	[sflag:s12] =	ssyncadd.s32 $0xFFFFC000  }
0x62: {  	[spmem:s1] =	stream.indirect.scatter.add.f32 [tilespmem:s6], [sflag:$0xF], $0x80, s29, s15, $0xb8;
	[tilespmem:$0x1E800] =	vst v63  }
0x63: {  	_ =	swait.ge [sflag:s13], $0x4000  }
0x64: {  	[sflag:s13] =	ssyncset.done $0x0  }
0x65: {  	[sflag:s13] =	ssyncadd.s32 $0xFFFFC000  }
0x66: {  	_ =	swait.ge [sflag:s9], $0x4000  }
0x67: {  	[sflag:s9] =	ssyncset.done $0x0  }
0x68: {  	s29 =	simm.s32 $0xD;
	[sflag:s9] =	ssyncadd.s32 $0xFFFFC000  }
0x69: {  	_ =	swait.ge [sflag:s29], $0x4000  }
0x6a: {  	[sflag:s29] =	ssyncset.done $0x0  }
0x6b: {  	s31 =	simm.s32 $0xE;
	[sflag:s29] =	ssyncadd.s32 $0xFFFFC000  }
0x6c: {  	_ =	swait.ge [sflag:s31], $0x4000  }
0x6d: {  	[sflag:s31] =	ssyncset.done $0x0  }
0x6e: {  	s7 =	simm.s32 $0xF;
	s10 =	simm.s32 $0x8;
	[sflag:s31] =	ssyncadd.s32 $0xFFFFC000  }
0x6f: {  	s11 =	simm.s32 $0xA;
	s8 =	simm.s32 $0x9;
	_ =	swait.ge [sflag:s5], $0x4000  }
0x70: {  	s12 =	simm.s32 $0xB;
	s6 =	simm.s32 $0xE;
	s19 =	rddreg [dreg:$0x5]  }
0x71: {  	s9 =	simm.s32 $0xC;
	[sflag:s5] =	ssyncset.done $0x0;
	s20 =	rddreg [dreg:$0x6]  }
0x72: {  	s18 =	rddreg [dreg:$0x9];
	[sflag:s5] =	ssyncadd.s32 $0xFFFFC000;
	s5 =	simm.s32 $0xD  }
.LBB2_6:
0x73: {  	[bflag:$0x0] =	sbarrier.arrive $0xFFFF  }
0x74: {  	s13 =	rddreg [dreg:$0x8]  }
0x75: {  	s16 =	rddreg [dreg:$0xa]  }
0x76: {  	s26 =	simm.s32 $0x10;
	s17 =	rddreg [dreg:$0xc]  }
0x77: {  	[hbm:s16], [sflag:s13] =	dma.local [spmem:s17], $0x1400  }
0x78: {  	_ =	swait.ge [sflag:s26], $0x1400  }
0x79: {  	s0 =	rddreg [dreg:$0xd]  }
0x7a: {  	s29 =	rddreg [dreg:$0xb];
	s0 =	sadd.s32 $0x1, s0  }
0x7b: {  	p1 =	sne.s32 s0, s29  }
.Ltmp1:
0x7c: {  	_ = 	snop;
	(pc) =	sbr.rel @!p1 .LBB2_7-.Ltmp1, $3  }
0x7d: {  	_ =	sdelay $0x1  }
0x7e: {  	s31 =	simm.s32 $0x10;
	[sflag:s26] =	ssyncset.done $0x0  }
0x7f: {  	[sflag:s31] =	ssyncadd.s32 $0xFFFFEC00  }
.LBB2_1:
0x80: {  	[dreg:$0xd] =	wrdreg s0  }
0x81: {  	s31 =	simm.s32 $0x10;
	s16 =	rddreg [dreg:$0x7]  }
0x82: {  	[spmem:s17], [sflag:s13] =	dma.local [hbm:s16], $0x1400  }
.Ltmp2:
0x83: {  	_ =	swait.ge [sflag:s31], $0x1400;
	(pc) =	sbr.rel @!p0 .LBB2_2-.Ltmp2, $4  }
0x84: {  	[sflag:s31] =	ssyncset.done $0x0  }
0x85: {  	[sflag:s31] =	ssyncadd.s32 $0xFFFFEC00  }
0x86: {  	[bflag:$0x0] =	sbarrier.arrive $0xFFFF  }
0x87: {  	p1 =	por $0x1, $0x1;
	s16 =	simm.s32 $0x0  }
.LBB2_5:
0x88: {  	s16 =	sadd.s32 s16, s18  }
0x89: {  	s16 =	sshll.u32 s16, $0x4  }
0x8a: {  	s17 =	sadd.s32 s19, s16  }
0x8b: {  	[tilespmem:s3], [sflag:$0x1] =	stream.linear.gather [hbm4b:s17+s3], $0x80, $0x38;
	[tilespmem:$0x1E800] =	vst v63  }
0x8c: {  	s0 =	simm.s32 $0x400;
	s31 =	sadd.s32 s20, s16;
	s2 =	sadd.s32 $0x10, s16  }
0x8d: {  	[tilespmem:s0], [sflag:$0x1] =	stream.linear.gather [hbm4b:s31+s3], $0x80, $0x38;
	[tilespmem:$0x1E800] =	vst v63  }
0x8e: {  	s13 =	sadd.s32 s19, s2  }
0x8f: {  	[tilespmem:s15], [sflag:$0x2] =	stream.linear.gather [hbm4b:s13+s3], $0x80, $0x38;
	[tilespmem:$0x1E800] =	vst v63  }
0x90: {  	s24 =	sadd.s32 $0x20, s16;
	s17 =	sadd.s32 s20, s2  }
0x91: {  	[tilespmem:s21], [sflag:$0x2] =	stream.linear.gather [hbm4b:s17+s3], $0x80, $0x38;
	[tilespmem:$0x1E800] =	vst v63  }
0x92: {  	s26 =	sadd.s32 s19, s24;
	s0 =	simm.s32 $0x100  }
0x93: {  	[tilespmem:s0], [sflag:$0x3] =	stream.linear.gather [hbm4b:s26+s3], $0x80, $0x38;
	[tilespmem:$0x1E800] =	vst v63  }
0x94: {  	s29 =	sadd.s32 $0x30, s16;
	s17 =	sadd.s32 s20, s24  }
0x95: {  	[tilespmem:s22], [sflag:$0x3] =	stream.linear.gather [hbm4b:s17+s3], $0x80, $0x38;
	[tilespmem:$0x1E800] =	vst v63  }
0x96: {  	s31 =	sadd.s32 s19, s29;
	s26 =	simm.s32 $0x180  }
0x97: {  	[tilespmem:s26], [sflag:$0x4] =	stream.linear.gather [hbm4b:s31+s3], $0x80, $0x38;
	[tilespmem:$0x1E800] =	vst v63  }
0x98: {  	s16 =	sadd.s32 $0x40, s16;
	s17 =	sadd.s32 s20, s29;
	s31 =	simm.s32 $0x580  }
0x99: {  	[tilespmem:s31], [sflag:$0x4] =	stream.linear.gather [hbm4b:s17+s3], $0x80, $0x38;
	[tilespmem:$0x1E800] =	vst v63  }
0x9a: {  	s2 =	sadd.s32 s19, s16;
	s13 =	simm.s32 $0x200  }
0x9b: {  	[tilespmem:s13], [sflag:$0x5] =	stream.linear.gather [hbm4b:s2+s3], $0x80, $0x38;
	[tilespmem:$0x1E800] =	vst v63  }
0x9c: {  	s16 =	sadd.s32 s20, s16;
	s17 =	simm.s32 $0x600  }
0x9d: {  	[tilespmem:s17], [sflag:$0x5] =	stream.linear.gather [hbm4b:s16+s3], $0x80, $0x38;
	[tilespmem:$0x1E800] =	vst v63  }
0x9e: {  	s18 =	rddreg [dreg:$0x9];
	_ =	swait.ge [sflag:s23], $0x80  }
0x9f: {  	[sflag:s23] =	ssyncset.done $0x0  }
0xa0: {  	[sflag:s23] =	ssyncadd.s32 $0xFFFFFF80  }
0xa1: {  	_ =	swait.ge [sflag:s23], $0x80  }
0xa2: {  	[sflag:s23] =	ssyncset.done $0x0  }
0xa3: {  	s2 =	simm.s32 $0x800;
	[sflag:s23] =	ssyncadd.s32 $0xFFFFFF80  }
0xa4: {  	[tilespmem:s2], [sflag:$0x6] =	stream.indirect.gather [hbm4b:s4+s15], $0x80, s3, s15, $0xb8;
	[tilespmem:$0x1E800] =	vst v63  }
0xa5: {  	_ =	swait.ge [sflag:s25], $0x80  }
0xa6: {  	[sflag:s25] =	ssyncset.done $0x0  }
0xa7: {  	[sflag:s25] =	ssyncadd.s32 $0xFFFFFF80  }
0xa8: {  	_ =	swait.ge [sflag:s25], $0x80  }
0xa9: {  	[sflag:s25] =	ssyncset.done $0x0  }
0xaa: {  	s24 =	simm.s32 $0x4800;
	[sflag:s25] =	ssyncadd.s32 $0xFFFFFF80  }
0xab: {  	[tilespmem:s24], [sflag:$0x7] =	stream.indirect.gather [hbm4b:s4+s15], $0x80, s15, s15, $0xb8;
	[tilespmem:$0x1E800] =	vst v63  }
0xac: {  	_ =	swait.ge [sflag:s28], $0x80  }
0xad: {  	[sflag:s28] =	ssyncset.done $0x0  }
0xae: {  	[sflag:s28] =	ssyncadd.s32 $0xFFFFFF80  }
0xaf: {  	_ =	swait.ge [sflag:s28], $0x80  }
0xb0: {  	[sflag:s28] =	ssyncset.done $0x0  }
0xb1: {  	s29 =	simm.s32 $0x8800;
	[sflag:s28] =	ssyncadd.s32 $0xFFFFFF80  }
0xb2: {  	[tilespmem:s29], [sflag:$0x8] =	stream.indirect.gather [hbm4b:s4+s15], $0x80, s0, s15, $0xb8;
	[tilespmem:$0x1E800] =	vst v63  }
0xb3: {  	_ =	swait.ge [sflag:s30], $0x80  }
0xb4: {  	[sflag:s30] =	ssyncset.done $0x0  }
0xb5: {  	[sflag:s30] =	ssyncadd.s32 $0xFFFFFF80  }
0xb6: {  	_ =	swait.ge [sflag:s30], $0x80  }
0xb7: {  	[sflag:s30] =	ssyncset.done $0x0  }
0xb8: {  	s16 =	simm.s32 $0x5;
	s0 =	simm.s32 $0xC800;
	[sflag:s30] =	ssyncadd.s32 $0xFFFFFF80  }
0xb9: {  	[tilespmem:s0], [sflag:$0x9] =	stream.indirect.gather [hbm4b:s4+s15], $0x80, s26, s15, $0xb8;
	[tilespmem:$0x1E800] =	vst v63  }
0xba: {  	_ =	swait.ge [sflag:s16], $0x80  }
0xbb: {  	[sflag:s16] =	ssyncset.done $0x0  }
0xbc: {  	[sflag:s16] =	ssyncadd.s32 $0xFFFFFF80  }
0xbd: {  	_ =	swait.ge [sflag:s16], $0x80  }
0xbe: {  	[sflag:s16] =	ssyncset.done $0x0  }
0xbf: {  	s26 =	simm.s32 $0x10800;
	[sflag:s16] =	ssyncadd.s32 $0xFFFFFF80  }
0xc0: {  	[tilespmem:s26], [sflag:$0xA] =	stream.indirect.gather [hbm4b:s4+s15], $0x80, s13, s15, $0xb8;
	[tilespmem:$0x1E800] =	vst v63  }
0xc1: {  	s13 =	simm.s32 $0x6  }
0xc2: {  	_ =	swait.ge [sflag:s13], $0x4000  }
0xc3: {  	[sflag:s13] =	ssyncset.done $0x0  }
0xc4: {  	[sflag:s13] =	ssyncadd.s32 $0xFFFFC000;
	s13 =	simm.s32 $0x400  }
0xc5: {  	[spmem:s1] =	stream.indirect.scatter.add.f32 [tilespmem:s2], [sflag:$0xB], $0x80, s13, s15, $0xb8;
	[tilespmem:$0x1E800] =	vst v63  }
0xc6: {  	s13 =	simm.s32 $0x7  }
0xc7: {  	_ =	swait.ge [sflag:s13], $0x4000  }
0xc8: {  	[sflag:s13] =	ssyncset.done $0x0  }
0xc9: {  	[sflag:s13] =	ssyncadd.s32 $0xFFFFC000  }
0xca: {  	[spmem:s1] =	stream.indirect.scatter.add.f32 [tilespmem:s24], [sflag:$0xC], $0x80, s21, s15, $0xb8;
	[tilespmem:$0x1E800] =	vst v63  }
0xcb: {  	_ =	swait.ge [sflag:s10], $0x4000  }
0xcc: {  	[sflag:s10] =	ssyncset.done $0x0  }
0xcd: {  	[sflag:s10] =	ssyncadd.s32 $0xFFFFC000  }
0xce: {  	[spmem:s1] =	stream.indirect.scatter.add.f32 [tilespmem:s29], [sflag:$0xD], $0x80, s22, s15, $0xb8;
	[tilespmem:$0x1E800] =	vst v63  }
0xcf: {  	_ =	swait.ge [sflag:s8], $0x4000  }
0xd0: {  	[sflag:s8] =	ssyncset.done $0x0  }
0xd1: {  	[sflag:s8] =	ssyncadd.s32 $0xFFFFC000  }
0xd2: {  	[spmem:s1] =	stream.indirect.scatter.add.f32 [tilespmem:s0], [sflag:$0xE], $0x80, s31, s15, $0xb8;
	[tilespmem:$0x1E800] =	vst v63  }
0xd3: {  	_ =	swait.ge [sflag:s11], $0x4000  }
0xd4: {  	[sflag:s11] =	ssyncset.done $0x0  }
0xd5: {  	[sflag:s11] =	ssyncadd.s32 $0xFFFFC000  }
0xd6: {  	[spmem:s1] =	stream.indirect.scatter.add.f32 [tilespmem:s26], [sflag:$0xF], $0x80, s17, s15, $0xb8;
	[tilespmem:$0x1E800] =	vst v63  }
0xd7: {  	_ =	swait.ge [sflag:s12], $0x4000  }
0xd8: {  	[sflag:s12] =	ssyncset.done $0x0  }
0xd9: {  	[sflag:s12] =	ssyncadd.s32 $0xFFFFC000  }
0xda: {  	_ =	swait.ge [sflag:s9], $0x4000  }
0xdb: {  	[sflag:s9] =	ssyncset.done $0x0  }
0xdc: {  	[sflag:s9] =	ssyncadd.s32 $0xFFFFC000  }
0xdd: {  	_ =	swait.ge [sflag:s5], $0x4000  }
0xde: {  	[sflag:s5] =	ssyncset.done $0x0  }
0xdf: {  	[sflag:s5] =	ssyncadd.s32 $0xFFFFC000  }
0xe0: {  	p2 =	por p1, p1;
	_ =	swait.ge [sflag:s6], $0x4000  }
.Ltmp3:
0xe1: {  	[sflag:s6] =	ssyncset.done $0x0;
	(pc) =	sbr.rel @p2 .LBB2_5-.Ltmp3, $4  }
0xe2: {  	[sflag:s6] =	ssyncadd.s32 $0xFFFFC000  }
0xe3: {  	_ =	swait.ge [sflag:s7], $0x4000  }
0xe4: {  	[sflag:s7] =	ssyncset.done $0x0  }
0xe5: {  	p1 =	por $0x0, $0x0;
	[sflag:s7] =	ssyncadd.s32 $0xFFFFC000  }
.Ltmp4:
0xe6: {  	_ = 	snop;
	(pc) =	sbr.rel .LBB2_6-.Ltmp4, $1  }
0xe7: {  	_ =	sdelay $0x3  }
.LBB2_2:
0xe8: {  	s16 =	rddreg [dreg:$0x3]  }
0xe9: {  	s17 =	rddreg [dreg:$0x4];
	s16 =	sadd.s32 $0x0, s16  }
0xea: {  	[tilespmem:s3], [sflag:$0x1] =	stream.linear.gather [hbm4b:s16+s3], $0x80, $0x38;
	[tilespmem:$0x1E800] =	vst v63  }
0xeb: {  	s29 =	simm.s32 $0x400;
	s17 =	sadd.s32 $0x0, s17  }
0xec: {  	[tilespmem:s29], [sflag:$0x1] =	stream.linear.gather [hbm4b:s17+s3], $0x80, $0x38;
	[tilespmem:$0x1E800] =	vst v63  }
0xed: {  	s18 =	sadd.s32 $0x10, s16  }
0xee: {  	[tilespmem:s15], [sflag:$0x2] =	stream.linear.gather [hbm4b:s18+s3], $0x80, $0x38;
	[tilespmem:$0x1E800] =	vst v63  }
0xef: {  	s8 =	sadd.s32 $0x10, s17  }
0xf0: {  	[tilespmem:s21], [sflag:$0x2] =	stream.linear.gather [hbm4b:s8+s3], $0x80, $0x38;
	[tilespmem:$0x1E800] =	vst v63  }
0xf1: {  	s31 =	simm.s32 $0x100;
	s9 =	sadd.s32 $0x20, s16  }
0xf2: {  	[tilespmem:s31], [sflag:$0x3] =	stream.linear.gather [hbm4b:s9+s3], $0x80, $0x38;
	[tilespmem:$0x1E800] =	vst v63  }
0xf3: {  	s10 =	sadd.s32 $0x20, s17  }
0xf4: {  	[tilespmem:s22], [sflag:$0x3] =	stream.linear.gather [hbm4b:s10+s3], $0x80, $0x38;
	[tilespmem:$0x1E800] =	vst v63  }
0xf5: {  	s6 =	simm.s32 $0x180;
	s11 =	sadd.s32 $0x30, s16  }
0xf6: {  	[tilespmem:s6], [sflag:$0x4] =	stream.linear.gather [hbm4b:s11+s3], $0x80, $0x38;
	[tilespmem:$0x1E800] =	vst v63  }
0xf7: {  	s19 =	simm.s32 $0x580;
	s12 =	sadd.s32 $0x30, s17  }
0xf8: {  	[tilespmem:s19], [sflag:$0x4] =	stream.linear.gather [hbm4b:s12+s3], $0x80, $0x38;
	[tilespmem:$0x1E800] =	vst v63  }
0xf9: {  	s7 =	simm.s32 $0x200;
	s16 =	sadd.s32 $0x40, s16  }
0xfa: {  	[tilespmem:s7], [sflag:$0x5] =	stream.linear.gather [hbm4b:s16+s3], $0x80, $0x38;
	[tilespmem:$0x1E800] =	vst v63  }
0xfb: {  	s13 =	sadd.s32 $0x40, s17;
	s17 =	simm.s32 $0x600  }
0xfc: {  	[tilespmem:s17], [sflag:$0x5] =	stream.linear.gather [hbm4b:s13+s3], $0x80, $0x38;
	[tilespmem:$0x1E800] =	vst v63  }
0xfd: {  	_ =	swait.ge [sflag:s23], $0x80  }
0xfe: {  	[sflag:s23] =	ssyncset.done $0x0  }
0xff: {  	[sflag:s23] =	ssyncadd.s32 $0xFFFFFF80  }
0x100: {  	_ =	swait.ge [sflag:s23], $0x80  }
0x101: {  	[sflag:s23] =	ssyncset.done $0x0  }
0x102: {  	s2 =	simm.s32 $0x800;
	[sflag:s23] =	ssyncadd.s32 $0xFFFFFF80  }
0x103: {  	[tilespmem:s2], [sflag:$0x6] =	stream.indirect.gather [hbm4b:s4+s15], $0x80, s3, s15, $0xb8;
	[tilespmem:$0x1E800] =	vst v63  }
0x104: {  	_ =	swait.ge [sflag:s25], $0x80  }
0x105: {  	[sflag:s25] =	ssyncset.done $0x0  }
0x106: {  	[sflag:s25] =	ssyncadd.s32 $0xFFFFFF80  }
0x107: {  	_ =	swait.ge [sflag:s25], $0x80  }
0x108: {  	[sflag:s25] =	ssyncset.done $0x0  }
0x109: {  	s20 =	simm.s32 $0x4800;
	[sflag:s25] =	ssyncadd.s32 $0xFFFFFF80  }
0x10a: {  	[tilespmem:s20], [sflag:$0x7] =	stream.indirect.gather [hbm4b:s4+s15], $0x80, s15, s15, $0xb8;
	[tilespmem:$0x1E800] =	vst v63  }
0x10b: {  	_ =	swait.ge [sflag:s28], $0x80  }
0x10c: {  	[sflag:s28] =	ssyncset.done $0x0  }
0x10d: {  	[sflag:s28] =	ssyncadd.s32 $0xFFFFFF80  }
0x10e: {  	_ =	swait.ge [sflag:s28], $0x80  }
0x10f: {  	[sflag:s28] =	ssyncset.done $0x0  }
0x110: {  	s0 =	simm.s32 $0x8800;
	[sflag:s28] =	ssyncadd.s32 $0xFFFFFF80  }
0x111: {  	[tilespmem:s0], [sflag:$0x8] =	stream.indirect.gather [hbm4b:s4+s15], $0x80, s31, s15, $0xb8;
	[tilespmem:$0x1E800] =	vst v63  }
0x112: {  	_ =	swait.ge [sflag:s30], $0x80  }
0x113: {  	[sflag:s30] =	ssyncset.done $0x0  }
0x114: {  	[sflag:s30] =	ssyncadd.s32 $0xFFFFFF80  }
0x115: {  	_ =	swait.ge [sflag:s30], $0x80  }
0x116: {  	[sflag:s30] =	ssyncset.done $0x0  }
0x117: {  	s16 =	simm.s32 $0xC800;
	[sflag:s30] =	ssyncadd.s32 $0xFFFFFF80  }
0x118: {  	[tilespmem:s16], [sflag:$0x9] =	stream.indirect.gather [hbm4b:s4+s15], $0x80, s6, s15, $0xb8;
	[tilespmem:$0x1E800] =	vst v63  }
0x119: {  	_ =	swait.ge [sflag:s14], $0x80  }
0x11a: {  	[sflag:s14] =	ssyncset.done $0x0  }
0x11b: {  	[sflag:s14] =	ssyncadd.s32 $0xFFFFFF80  }
0x11c: {  	_ =	swait.ge [sflag:s14], $0x80  }
0x11d: {  	[sflag:s14] =	ssyncset.done $0x0  }
0x11e: {  	s31 =	simm.s32 $0x6;
	s6 =	simm.s32 $0x10800;
	[sflag:s14] =	ssyncadd.s32 $0xFFFFFF80  }
0x11f: {  	[tilespmem:s6], [sflag:$0xA] =	stream.indirect.gather [hbm4b:s4+s15], $0x80, s7, s15, $0xb8;
	[tilespmem:$0x1E800] =	vst v63  }
0x120: {  	_ =	swait.ge [sflag:s31], $0x4000  }
0x121: {  	[sflag:s31] =	ssyncset.done $0x0  }
0x122: {  	s10 =	simm.s32 $0x7;
	[sflag:s31] =	ssyncadd.s32 $0xFFFFC000  }
0x123: {  	[spmem:s1] =	stream.indirect.scatter.add.f32 [tilespmem:s2], [sflag:$0xB], $0x80, s29, s15, $0xb8;
	[tilespmem:$0x1E800] =	vst v63  }
0x124: {  	_ =	swait.ge [sflag:s10], $0x4000  }
0x125: {  	[sflag:s10] =	ssyncset.done $0x0  }
0x126: {  	s11 =	simm.s32 $0x8;
	[sflag:s10] =	ssyncadd.s32 $0xFFFFC000  }
0x127: {  	[spmem:s1] =	stream.indirect.scatter.add.f32 [tilespmem:s20], [sflag:$0xC], $0x80, s21, s15, $0xb8;
	[tilespmem:$0x1E800] =	vst v63  }
0x128: {  	_ =	swait.ge [sflag:s11], $0x4000  }
0x129: {  	[sflag:s11] =	ssyncset.done $0x0  }
0x12a: {  	s8 =	simm.s32 $0x9;
	[sflag:s11] =	ssyncadd.s32 $0xFFFFC000  }
0x12b: {  	[spmem:s1] =	stream.indirect.scatter.add.f32 [tilespmem:s0], [sflag:$0xD], $0x80, s22, s15, $0xb8;
	[tilespmem:$0x1E800] =	vst v63  }
0x12c: {  	_ =	swait.ge [sflag:s8], $0x4000  }
0x12d: {  	[sflag:s8] =	ssyncset.done $0x0  }
0x12e: {  	s12 =	simm.s32 $0xA;
	[sflag:s8] =	ssyncadd.s32 $0xFFFFC000  }
0x12f: {  	[spmem:s1] =	stream.indirect.scatter.add.f32 [tilespmem:s16], [sflag:$0xE], $0x80, s19, s15, $0xb8;
	[tilespmem:$0x1E800] =	vst v63  }
0x130: {  	_ =	swait.ge [sflag:s12], $0x4000  }
0x131: {  	[sflag:s12] =	ssyncset.done $0x0  }
0x132: {  	s13 =	simm.s32 $0xB;
	[sflag:s12] =	ssyncadd.s32 $0xFFFFC000  }
0x133: {  	[spmem:s1] =	stream.indirect.scatter.add.f32 [tilespmem:s6], [sflag:$0xF], $0x80, s17, s15, $0xb8;
	[tilespmem:$0x1E800] =	vst v63  }
0x134: {  	_ =	swait.ge [sflag:s13], $0x4000  }
0x135: {  	[sflag:s13] =	ssyncset.done $0x0  }
0x136: {  	s9 =	simm.s32 $0xC;
	[sflag:s13] =	ssyncadd.s32 $0xFFFFC000  }
0x137: {  	_ =	swait.ge [sflag:s9], $0x4000  }
0x138: {  	[sflag:s9] =	ssyncset.done $0x0  }
0x139: {  	s26 =	simm.s32 $0xD;
	[sflag:s9] =	ssyncadd.s32 $0xFFFFC000  }
0x13a: {  	_ =	swait.ge [sflag:s26], $0x4000  }
0x13b: {  	[sflag:s26] =	ssyncset.done $0x0  }
0x13c: {  	s24 =	simm.s32 $0xE;
	[sflag:s26] =	ssyncadd.s32 $0xFFFFC000  }
0x13d: {  	_ =	swait.ge [sflag:s24], $0x4000  }
0x13e: {  	[sflag:s24] =	ssyncset.done $0x0  }
0x13f: {  	s5 =	simm.s32 $0xF;
	[sflag:s24] =	ssyncadd.s32 $0xFFFFC000  }
0x140: {  	s16 =	simm.s32 $0x50;
	_ =	swait.ge [sflag:s5], $0x4000  }
0x141: {  	s17 =	simm.s32 $0xA0;
	s18 =	rddreg [dreg:$0x3];
	[sflag:s5] =	ssyncset.done $0x0  }
.LBB2_3:
0x142: {  	s5 =	simm.s32 $0xF  }
0x143: {  	s20 =	rddreg [dreg:$0x4];
	s18 =	sadd.s32 s16, s18;
	[sflag:s5] =	ssyncadd.s32 $0xFFFFC000  }
0x144: {  	[tilespmem:s3], [sflag:$0x1] =	stream.linear.gather [hbm4b:s18+s3], $0x80, $0x38;
	[tilespmem:$0x1E800] =	vst v63  }
0x145: {  	s21 =	simm.s32 $0x400;
	s20 =	sadd.s32 s16, s20  }
0x146: {  	[tilespmem:s21], [sflag:$0x1] =	stream.linear.gather [hbm4b:s20+s3], $0x80, $0x38;
	[tilespmem:$0x1E800] =	vst v63  }
0x147: {  	s7 =	sadd.s32 $0x10, s18  }
0x148: {  	[tilespmem:s15], [sflag:$0x2] =	stream.linear.gather [hbm4b:s7+s3], $0x80, $0x38;
	[tilespmem:$0x1E800] =	vst v63  }
0x149: {  	s24 =	sadd.s32 $0x10, s20;
	s21 =	simm.s32 $0x480  }
0x14a: {  	[tilespmem:s21], [sflag:$0x2] =	stream.linear.gather [hbm4b:s24+s3], $0x80, $0x38;
	[tilespmem:$0x1E800] =	vst v63  }
0x14b: {  	s22 =	simm.s32 $0x100;
	s26 =	sadd.s32 $0x20, s18  }
0x14c: {  	[tilespmem:s22], [sflag:$0x3] =	stream.linear.gather [hbm4b:s26+s3], $0x80, $0x38;
	[tilespmem:$0x1E800] =	vst v63  }
0x14d: {  	s29 =	sadd.s32 $0x20, s20;
	s22 =	simm.s32 $0x500  }
0x14e: {  	[tilespmem:s22], [sflag:$0x3] =	stream.linear.gather [hbm4b:s29+s3], $0x80, $0x38;
	[tilespmem:$0x1E800] =	vst v63  }
0x14f: {  	s6 =	simm.s32 $0x180;
	s31 =	sadd.s32 $0x30, s18  }
0x150: {  	[tilespmem:s6], [sflag:$0x4] =	stream.linear.gather [hbm4b:s31+s3], $0x80, $0x38;
	[tilespmem:$0x1E800] =	vst v63  }
0x151: {  	s0 =	sadd.s32 $0x30, s20;
	s31 =	simm.s32 $0x580  }
0x152: {  	[tilespmem:s31], [sflag:$0x4] =	stream.linear.gather [hbm4b:s0+s3], $0x80, $0x38;
	[tilespmem:$0x1E800] =	vst v63  }
0x153: {  	s18 =	sadd.s32 $0x40, s18;
	s7 =	simm.s32 $0x200  }
0x154: {  	[tilespmem:s7], [sflag:$0x5] =	stream.linear.gather [hbm4b:s18+s3], $0x80, $0x38;
	[tilespmem:$0x1E800] =	vst v63  }
0x155: {  	s2 =	sadd.s32 $0x40, s20;
	s26 =	simm.s32 $0x600  }
0x156: {  	[tilespmem:s26], [sflag:$0x5] =	stream.linear.gather [hbm4b:s2+s3], $0x80, $0x38;
	[tilespmem:$0x1E800] =	vst v63  }
0x157: {  	_ =	swait.ge [sflag:s23], $0x80  }
0x158: {  	[sflag:s23] =	ssyncset.done $0x0  }
0x159: {  	[sflag:s23] =	ssyncadd.s32 $0xFFFFFF80  }
0x15a: {  	_ =	swait.ge [sflag:s23], $0x80  }
0x15b: {  	[sflag:s23] =	ssyncset.done $0x0  }
0x15c: {  	s2 =	simm.s32 $0x800;
	[sflag:s23] =	ssyncadd.s32 $0xFFFFFF80  }
0x15d: {  	[tilespmem:s2], [sflag:$0x6] =	stream.indirect.gather [hbm4b:s4+s15], $0x80, s3, s15, $0xb8;
	[tilespmem:$0x1E800] =	vst v63  }
0x15e: {  	_ =	swait.ge [sflag:s25], $0x80  }
0x15f: {  	[sflag:s25] =	ssyncset.done $0x0  }
0x160: {  	[sflag:s25] =	ssyncadd.s32 $0xFFFFFF80  }
0x161: {  	_ =	swait.ge [sflag:s25], $0x80  }
0x162: {  	[sflag:s25] =	ssyncset.done $0x0  }
0x163: {  	s24 =	simm.s32 $0x4800;
	[sflag:s25] =	ssyncadd.s32 $0xFFFFFF80  }
0x164: {  	[tilespmem:s24], [sflag:$0x7] =	stream.indirect.gather [hbm4b:s4+s15], $0x80, s15, s15, $0xb8;
	[tilespmem:$0x1E800] =	vst v63  }
0x165: {  	_ =	swait.ge [sflag:s28], $0x80  }
0x166: {  	[sflag:s28] =	ssyncset.done $0x0  }
0x167: {  	[sflag:s28] =	ssyncadd.s32 $0xFFFFFF80  }
0x168: {  	_ =	swait.ge [sflag:s28], $0x80  }
0x169: {  	[sflag:s28] =	ssyncset.done $0x0  }
0x16a: {  	s20 =	simm.s32 $0x100;
	s29 =	simm.s32 $0x8800;
	[sflag:s28] =	ssyncadd.s32 $0xFFFFFF80  }
0x16b: {  	[tilespmem:s29], [sflag:$0x8] =	stream.indirect.gather [hbm4b:s4+s15], $0x80, s20, s15, $0xb8;
	[tilespmem:$0x1E800] =	vst v63  }
0x16c: {  	_ =	swait.ge [sflag:s30], $0x80  }
0x16d: {  	[sflag:s30] =	ssyncset.done $0x0  }
0x16e: {  	[sflag:s30] =	ssyncadd.s32 $0xFFFFFF80  }
0x16f: {  	_ =	swait.ge [sflag:s30], $0x80  }
0x170: {  	[sflag:s30] =	ssyncset.done $0x0  }
0x171: {  	s0 =	simm.s32 $0xC800;
	[sflag:s30] =	ssyncadd.s32 $0xFFFFFF80  }
0x172: {  	[tilespmem:s0], [sflag:$0x9] =	stream.indirect.gather [hbm4b:s4+s15], $0x80, s6, s15, $0xb8;
	[tilespmem:$0x1E800] =	vst v63  }
0x173: {  	_ =	swait.ge [sflag:s14], $0x80  }
0x174: {  	[sflag:s14] =	ssyncset.done $0x0  }
0x175: {  	[sflag:s14] =	ssyncadd.s32 $0xFFFFFF80  }
0x176: {  	_ =	swait.ge [sflag:s14], $0x80  }
0x177: {  	[sflag:s14] =	ssyncset.done $0x0  }
0x178: {  	s18 =	simm.s32 $0x10800;
	s6 =	simm.s32 $0x6;
	[sflag:s14] =	ssyncadd.s32 $0xFFFFFF80  }
0x179: {  	[tilespmem:s18], [sflag:$0xA] =	stream.indirect.gather [hbm4b:s4+s15], $0x80, s7, s15, $0xb8;
	[tilespmem:$0x1E800] =	vst v63  }
0x17a: {  	_ =	swait.ge [sflag:s6], $0x4000  }
0x17b: {  	s19 =	smov.u32 s17;
	[sflag:s6] =	ssyncset.done $0x0  }
0x17c: {  	s16 =	smov.u32 s19;
	s19 =	simm.s32 $0x400;
	[sflag:s6] =	ssyncadd.s32 $0xFFFFC000  }
0x17d: {  	[spmem:s1] =	stream.indirect.scatter.add.f32 [tilespmem:s2], [sflag:$0xB], $0x80, s19, s15, $0xb8;
	[tilespmem:$0x1E800] =	vst v63  }
0x17e: {  	_ =	swait.ge [sflag:s10], $0x4000  }
0x17f: {  	[sflag:s10] =	ssyncset.done $0x0  }
0x180: {  	[sflag:s10] =	ssyncadd.s32 $0xFFFFC000  }
0x181: {  	[spmem:s1] =	stream.indirect.scatter.add.f32 [tilespmem:s24], [sflag:$0xC], $0x80, s21, s15, $0xb8;
	[tilespmem:$0x1E800] =	vst v63  }
0x182: {  	_ =	swait.ge [sflag:s11], $0x4000  }
0x183: {  	[sflag:s11] =	ssyncset.done $0x0  }
0x184: {  	[sflag:s11] =	ssyncadd.s32 $0xFFFFC000  }
0x185: {  	[spmem:s1] =	stream.indirect.scatter.add.f32 [tilespmem:s29], [sflag:$0xD], $0x80, s22, s15, $0xb8;
	[tilespmem:$0x1E800] =	vst v63  }
0x186: {  	_ =	swait.ge [sflag:s8], $0x4000  }
0x187: {  	[sflag:s8] =	ssyncset.done $0x0  }
0x188: {  	[sflag:s8] =	ssyncadd.s32 $0xFFFFC000  }
0x189: {  	[spmem:s1] =	stream.indirect.scatter.add.f32 [tilespmem:s0], [sflag:$0xE], $0x80, s31, s15, $0xb8;
	[tilespmem:$0x1E800] =	vst v63  }
0x18a: {  	_ =	swait.ge [sflag:s12], $0x4000  }
0x18b: {  	[sflag:s12] =	ssyncset.done $0x0  }
0x18c: {  	[sflag:s12] =	ssyncadd.s32 $0xFFFFC000  }
0x18d: {  	[spmem:s1] =	stream.indirect.scatter.add.f32 [tilespmem:s18], [sflag:$0xF], $0x80, s26, s15, $0xb8;
	[tilespmem:$0x1E800] =	vst v63  }
0x18e: {  	_ =	swait.ge [sflag:s13], $0x4000  }
0x18f: {  	[sflag:s13] =	ssyncset.done $0x0  }
0x190: {  	[sflag:s13] =	ssyncadd.s32 $0xFFFFC000  }
0x191: {  	_ =	swait.ge [sflag:s9], $0x4000  }
0x192: {  	[sflag:s9] =	ssyncset.done $0x0  }
0x193: {  	s29 =	simm.s32 $0xD;
	[sflag:s9] =	ssyncadd.s32 $0xFFFFC000  }
0x194: {  	_ =	swait.ge [sflag:s29], $0x4000  }
0x195: {  	[sflag:s29] =	ssyncset.done $0x0  }
0x196: {  	p1 =	seq.s32 s17, $0x910;
	s31 =	simm.s32 $0xE;
	[sflag:s29] =	ssyncadd.s32 $0xFFFFC000  }
.Ltmp5:
0x197: {  	_ =	swait.ge [sflag:s31], $0x4000;
	(pc) =	sbr.rel @!p1 .LBB2_3-.Ltmp5, $4  }
0x198: {  	[sflag:s31] =	ssyncset.done $0x0  }
0x199: {  	[sflag:s31] =	ssyncadd.s32 $0xFFFFC000  }
0x19a: {  	_ =	swait.ge [sflag:s5], $0x4000  }
0x19b: {  	s17 =	sadd.s32 $0x50, s17;
	s18 =	rddreg [dreg:$0x3];
	[sflag:s5] =	ssyncset.done $0x0  }
.Ltmp6:
0x19c: {  	_ = 	snop;
	(pc) =	sbr.rel .LBB2_4-.Ltmp6, $1  }
0x19d: {  	_ =	sdelay $0x3  }
.LBB2_7:
0x19e: {  	_ =	sfence.sel $0x180000  }
0x19f: {  	[bflag:$0x0] =	sbarrier.arrive $0xFFFF  }
0x1a0: {  	_ =	strace $0x9000004A  }
0x1a1: {  	s0 =	stileid.u32;
	[bflag:$0x2] =	sbarrier.arrive $0xFFFF  }
0x1a2: {  	p0 =	sne.s32 s0, $0x0;
	s0 =	rddreg [dreg:$0x2]  }
0x1a3: {  	s0 =	sadd.s32 @!p0 $0x100000, s0  }
0x1a4: {  	[sflag:s0] =	ssyncadd.tile.s32 @!p0 $0x1;
	_ =	shalt  }
.Lfunc_end2:
_tile_overlayer_lowered:
.L_overlay_start_2:
0x1a5: {  	(tag) =	ssettag $0x2  }
0x1a6: {  	s0 =	rddreg [dreg:$0x0];
	s2 =	stileid.u32  }
0x1a7: {  	s1 =	rddreg [dreg:$0x1];
	p0 =	sne.s32 s2, $0x0  }
0x1a8: {  	s3 =	rddreg [dreg:$0x2];
	[bflag:$0x3] =	sbarrier.arrive $0xFFFF;
	s2 =	simm.s32 @!p0 $0x1C10  }
0x1a9: {  	[timem:s3], [sflag:s2] =	dma.local @!p0 [hbm:s0], s1  }
0x1aa: {  	s0 =	simm.s32 @!p0 $0x10  }
0x1ab: {  	_ =	swait.ge @!p0 [sflag:s0], s1  }
0x1ac: {  	s1 =	ssub.s32 @!p0 $0x0, s1;
	[sflag:s0] =	ssyncset.done @!p0 $0x0  }
0x1ad: {  	[sflag:s0] =	ssyncadd.s32 @!p0 s1  }
0x1ae: {  	[bflag:$0x3] =	sbarrier.arrive $0xFFFF  }
0x1af: {  	_ =	shalt  }

// kernel: kernel.15.cloned.1.call-start
scs
__scs_entry_jumppad:
0x0: {  	(pc) =	sbr.rel $0x88, $3  }
0x1: {  	(tag) =	ssettag $0x0;
	lr =	simm.s32 $0x1  }
0x2: {  	[smem:$0x3F9D] =	sst lr;
	_ =	strace $0xD0000000  }
0x3: {  	_ = 	snop  }
0x4: {  	_ = 	snop  }
0x5: {  	_ = 	snop  }
0x6: {  	_ = 	snop  }
0x7: {  	_ = 	snop  }
__scs_overlays_trampoline_lowered:
0x8: {  	[smem:$0x3FAC] =	sst s0  }
0x9: {  	[smem:$0x3FAD] =	sst s1  }
0xa: {  	[smem:$0x3FAE] =	sst s2  }
0xb: {  	[smem:$0x3FAF] =	sst s3  }
0xc: {  	[smem:$0x3FB0] =	sst s4  }
0xd: {  	[smem:$0x3FB1] =	sst s5  }
0xe: {  	[smem:$0x3FB2] =	sst s6  }
0xf: {  	[smem:$0x3FB3] =	sst s7  }
0x10: {  	[smem:$0x3FB4] =	sst s8  }
0x11: {  	[smem:$0x3FB5] =	sst s9;
	s0 =	simm.s32 @!p0 $0x0  }
0x12: {  	s1 =	sld [smem:$0x3F9B];
	s0 =	simm.s32 @p0 $0x1  }
0x13: {  	[smem:$0x3FB6] =	sst s0;
	s0 =	simm.s32 @!p1 $0x0  }
0x14: {  	s2 =	sld [smem:$0x3F9A];
	s0 =	simm.s32 @p1 $0x1  }
0x15: {  	[smem:$0x3FB7] =	sst s0;
	s0 =	simm.s32 @!p2 $0x0  }
0x16: {  	s3 =	sld [smem:$0x3FDB];
	s0 =	simm.s32 @p2 $0x1  }
0x17: {  	s4 =	simm.s32 $0x1BF5;
	[smem:$0x3FB9] =	sst s0  }
0x18: {  	s0 =	sld [smem:$0x3F9C];
	_ =	swait.ge [sflag:s4], $0x0  }
0x19: {  	s7 =	sld [smem:$0x3F9D]  }
0x1a: {  	s8 =	sadd.s32 $0xFFFFE003, lr  }
0x1b: {  	s9 =	sadd.s32 $0xFFFFFEF7, lr;
	s5 =	simm.s32 $0xFFFFFFFF;
	p2 =	slt.u32 s8, $0xFFFFF086  }
0x1c: {  	p1 =	slt.u32 s9, $0xF7A;
	s5 =	simm.s32 @!p2 $0x0  }
0x1d: {  	s5 =	simm.s32 @p1 $0x1;
	p0 =	seq.s32 s7, s2  }
0x1e: {  	s7 =	smul.u32 @!p0 $0xF7A, s2;
	p2 =	seq.s32 @!p0 s5, $0x0  }
0x1f: {  	s9 =	smul.u32 $0xF7A, s1;
	s8 =	simm.s32 @!p0 $0x1BF5;
	p2 =	por !p2, p0  }
0x20: {  	[sflag:s8] =	ssyncset.s32 @!p0 $0xFFFFF086;
	s6 =	sadd.s32 @!p0 s3, s7;
	s7 =	simm.s32 @!p0 $0x108  }
0x21: {  	s3 =	sadd.s32 s3, s9;
	s6 =	sadd.s32 @!p0 $0x88, s6;
	s7 =	simm.s32 @p2 $0x1082  }
0x22: {  	[simem:s7], [sflag:s8] =	dma.local @!p0 [hbm:s6], $0xF7A  }
0x23: {  	s9 =	sor.u32 $0xD0000000, s2;
	s6 =	simm.s32 $0x108;
	_ =	swait.ge @!p0 [sflag:s8], $0x0  }
0x24: {  	s3 =	sadd.s32 $0x88, s3;
	s6 =	simm.s32 @!p1 $0x1082;
	[sflag:s4] =	ssyncset.s32 $0xFFFFF086  }
0x25: {  	[simem:s6], [sflag:s4] =	dma.local [hbm:s3], $0xF7A  }
0x26: {  	[smem:$0x3F9D] =	sst s1;
	(tag) =	ssettag s2;
	_ =	strace s9  }
0x27: {  	s1 =	sld [smem:$0x3FAD]  }
0x28: {  	s2 =	sld [smem:$0x3FAE]  }
0x29: {  	s4 =	sld [smem:$0x3FB0]  }
0x2a: {  	p0 =	seq.s32 s5, $0x0;
	s5 =	sld [smem:$0x3FB1]  }
0x2b: {  	s6 =	sld [smem:$0x3FB2]  }
0x2c: {  	s7 =	sld [smem:$0x3FB3]  }
0x2d: {  	s3 =	simm.s32 $0x108;
	s8 =	sld [smem:$0x3FB4]  }
0x2e: {  	s3 =	simm.s32 @!p0 $0x1082;
	s9 =	sld [smem:$0x3FB5]  }
0x2f: {  	lr =	sadd.s32 s0, s3;
	s0 =	sld [smem:$0x3FAC]  }
0x30: {  	s3 =	sld [smem:$0x3FAF]  }
0x31: {  	[smem:$0x3FB8] =	sst s10  }
0x32: {  	s10 =	sld [smem:$0x3FB6];
	_ =	sdelay $0x3  }
0x33: {  	p0 =	seq.s32 s10, $0x1;
	s10 =	sld [smem:$0x3FB8];
	_ =	sdelay $0x3  }
0x34: {  	[smem:$0x3FB8] =	sst s10  }
0x35: {  	s10 =	sld [smem:$0x3FB7];
	_ =	sdelay $0x3  }
0x36: {  	p1 =	seq.s32 s10, $0x1;
	s10 =	sld [smem:$0x3FB8];
	_ =	sdelay $0x3  }
0x37: {  	[smem:$0x3FB8] =	sst s10  }
0x38: {  	s10 =	sld [smem:$0x3FB9]  }
0x39: {  	_ = 	snop;
	(pc) =	sbr.ind lr, $3  }
0x3a: {  	_ = 	snop  }
0x3b: {  	_ = 	snop  }
0x3c: {  	p2 =	seq.s32 s10, $0x1;
	s10 =	sld [smem:$0x3FB8]  }
0x3d: {  	_ =	shalt  }
0x3e: {  	_ =	shalt  }
0x3f: {  	_ =	shalt  }
0x40: {  	_ =	shalt  }
0x41: {  	_ =	shalt  }
0x42: {  	_ =	shalt  }
0x43: {  	_ =	shalt  }
0x44: {  	_ =	shalt  }
0x45: {  	_ =	shalt  }
0x46: {  	_ =	shalt  }
0x47: {  	_ =	shalt  }
0x48: {  	_ =	shalt  }
0x49: {  	_ =	shalt  }
0x4a: {  	_ =	shalt  }
0x4b: {  	_ =	shalt  }
0x4c: {  	_ =	shalt  }
0x4d: {  	_ =	shalt  }
0x4e: {  	_ =	shalt  }
0x4f: {  	_ =	shalt  }
0x50: {  	_ =	shalt  }
0x51: {  	_ =	shalt  }
0x52: {  	_ =	shalt  }
0x53: {  	_ =	shalt  }
0x54: {  	_ =	shalt  }
0x55: {  	_ =	shalt  }
0x56: {  	_ =	shalt  }
0x57: {  	_ =	shalt  }
0x58: {  	_ =	shalt  }
0x59: {  	_ =	shalt  }
0x5a: {  	_ =	shalt  }
0x5b: {  	_ =	shalt  }
0x5c: {  	_ =	shalt  }
0x5d: {  	_ =	shalt  }
0x5e: {  	_ =	shalt  }
0x5f: {  	_ =	shalt  }
0x60: {  	_ =	shalt  }
0x61: {  	_ =	shalt  }
0x62: {  	_ =	shalt  }
0x63: {  	_ =	shalt  }
0x64: {  	_ =	shalt  }
0x65: {  	_ =	shalt  }
0x66: {  	_ =	shalt  }
0x67: {  	_ =	shalt  }
0x68: {  	_ =	shalt  }
0x69: {  	_ =	shalt  }
0x6a: {  	_ =	shalt  }
0x6b: {  	_ =	shalt  }
0x6c: {  	_ =	shalt  }
0x6d: {  	_ =	shalt  }
0x6e: {  	_ =	shalt  }
0x6f: {  	_ =	shalt  }
0x70: {  	_ =	shalt  }
0x71: {  	_ =	shalt  }
0x72: {  	_ =	shalt  }
0x73: {  	_ =	shalt  }
0x74: {  	_ =	shalt  }
0x75: {  	_ =	shalt  }
0x76: {  	_ =	shalt  }
0x77: {  	_ =	shalt  }
0x78: {  	_ =	shalt  }
0x79: {  	_ =	shalt  }
0x7a: {  	_ =	shalt  }
0x7b: {  	_ =	shalt  }
0x7c: {  	_ =	shalt  }
0x7d: {  	_ =	shalt  }
0x7e: {  	_ =	shalt  }
0x7f: {  	_ =	shalt  }
0x80: {  	_ =	shalt  }
0x81: {  	_ =	shalt  }
0x82: {  	_ =	shalt  }
0x83: {  	_ =	shalt  }
0x84: {  	_ =	shalt  }
0x85: {  	_ =	shalt  }
0x86: {  	_ =	shalt  }
0x87: {  	_ =	shalt  }
.Lfunc_end0:
.L_simem_size_0:
called_computation.2_lowered:
.L_overlay_start_0:
0x88: {  	s2 =	sld [smem:$0x3FD9]  }
0x89: {  	s3 =	sld [smem:$0x3FFE];
	_ =	sdelay $0x1  }
0x8a: {  	s1 =	srdreg.scid  }
0x8b: {  	s0 =	sand.u32 $0x1, s1  }
0x8c: {  	s17 =	sshll.u32 s0, $0xA;
	s2 =	sadd.s32 s3, s2  }
0x8d: {  	s2 =	sadd.s32 s2, s17  }
0x8e: {  	[smem:$0x3FC4] =	sst s2  }
0x8f: {  	_ = 	snop  }
0x90: {  	s2 =	sld [smem:$0x3FD0];
	(tm) =	ssettm $0x1  }
0x91: {  	s18 =	sld [smem:$0x3FFB];
	_ =	sdelay $0x3  }
0x92: {  	_ =	strace s18  }
0x93: {  	s3 =	sld [smem:$0x3FFC];
	_ =	sdelay $0x3  }
0x94: {  	_ =	strace s3  }
0x95: {  	s3 =	sld [smem:$0x3FFD];
	_ =	sdelay $0x3  }
0x96: {  	_ =	strace s3  }
0x97: {  	_ =	strace $0x8FFFFFFF  }
0x98: {  	s19 =	sld [smem:$0x3FDB];
	_ =	sdelay $0x1  }
0x99: {  	s4 =	simm.s32 $_scs_section_size  }
0x9a: {  	s5 =	simm.s32 $_size__tile_overlayer_lowered;
	s6 =	simm.s32 $_tile_overlayer_lowered  }
0x9b: {  	s22 =	simm.s32 $0x1BFF;
	s21 =	sshll.u32 s6, $0x1;
	s3 =	sadd.s32 s4, s19  }
0x9c: {  	s7 =	simm.s32 $0x0;
	s20 =	sshll.u32 s5, $0x1;
	s5 =	sadd.s32 s21, s3  }
0x9d: {  	[timem:s7], [sflag:s22] =	dma.local [hbm:s5], s20  }
0x9e: {  	_ =	swait.ge [sflag:s22], s20  }
0x9f: {  	s4 =	ssub.s32 $0x0, s20;
	[sflag:s22] =	ssyncset.done $0x0  }
0xa0: {  	[sflag:s22] =	ssyncadd.s32 s4;
	_ =	sdelay $0x1  }
0xa1: {  	s23 =	simm.s32 $0x1B8B  }
0xa2: {  	_ =	swait.ge [sflag:s23], $0x1  }
0xa3: {  	[sflag:s23] =	ssyncset.done $0x0  }
0xa4: {  	s25 =	simm.s32 $0x1B8E;
	s24 =	sld [smem:$0x3FFE];
	[sflag:s23] =	ssyncadd.s32 $0xFFFFFFFF  }
0xa5: {  	s26 =	simm.s32 $execute0_lowered;
	[smem:$0x3FD2] =	sst s25  }
0xa6: {  	s5 =	sshll.u32 s26, $0x1;
	_ =	strace $0x8000004C;
	[dreg:$0x1] =	wrdreg $0xFFFFFFFF  }
0xa7: {  	s28 =	simm.s32 $_size_execute0_lowered;
	s3 =	sadd.s32 s3, s5;
	[dreg:$0x0] =	wrdreg $0x0  }
0xa8: {  	s5 =	sshll.u32 s28, $0x1;
	[dreg:$0x2] =	wrdreg s3  }
0xa9: {  	[dreg:$0x3] =	wrdreg s5  }
0xaa: {  	[dreg:$0x4] =	wrdreg $0xC0  }
0xab: {  	_ =	task [dreg:s7], $0x5FFFF  }
0xac: {  	[dreg:$0x1] =	wrdreg $0xFFFFFFFF  }
0xad: {  	[dreg:$0x0] =	wrdreg $0x60  }
0xae: {  	[dreg:$0x2] =	wrdreg s2  }
0xaf: {  	[dreg:$0x3] =	wrdreg s24  }
0xb0: {  	[dreg:$0x4] =	wrdreg $0x82000  }
0xb1: {  	[dreg:$0x5] =	wrdreg $0x9  }
0xb2: {  	_ =	task.clear_ibuf [dreg:s7], $0x6FFFF;
	_ =	strace $0x9000004C  }
0xb3: {  	s29 =	simm.s32 $0x9;
	_ =	strace $0x8000004E  }
0xb4: {  	_ =	swait.ge [sflag:s29], $0x1  }
0xb5: {  	[sflag:s29] =	ssyncadd.s32 $0xFFFFFFFF  }
0xb6: {  	_ =	strace $0x9000004E  }
0xb7: {  	_ =	sfence  }
0xb8: {  	s30 =	sld [smem:$0x0];
	_ =	sdelay $0x2  }
0xb9: {  	s31 =	sshll.u32 s1, $0xD;
	s1 =	sshrl.u32 s1, $0x2  }
0xba: {  	s3 =	sand.u32 $0x4000, s31;
	s1 =	sadd.s32 s1, s30  }
0xbb: {  	s0 =	sor.u32 s3, s0;
	s1 =	sshll.u32 s1, $0x11  }
0xbc: {  	s0 =	sor.u32 s1, s0  }
0xbd: {  	s0 =	sadd.s32 $0x8F2B, s0  }
0xbe: {  	[sflag:s0] =	ssyncadd.remote.s32 $0x1  }
0xbf: {  	_ =	sfence.sel $0xFFFF  }
0xc0: {  	[dreg:$0x0] =	wrdreg $0xFFFFFFFF;
	(pc) =	sbr.abs _section_cstart, $3  }
0xc1: {  	[dreg:$0x1] =	wrdreg $0xFFFFFFFF  }
0xc2: {  	_ =	task.clear_ibuf [dreg:s7], $0x2FFFF;
	_ =	strace $0x9FFFFFFF  }
0xc3: {  	(tm) =	ssettm $0x7FFFFFFF  }
tec
execute0_lowered:
.L_overlay_start_1:
0x0: {  	(tag) =	ssettag $0x1  }
0x1: {  	s1 =	rddreg [dreg:$0x0]  }
0x2: {  	s6 =	rddreg [dreg:$0x1]  }
0x3: {  	s2 =	rddreg [dreg:$0x2];
	s3 =	srdreg.scid  }
0x4: {  	s4 =	simm.s32 $0x0;
	s16 =	simm.s32 $0x80;
	s17 =	simm.s32 $0x180  }
0x5: {  	s18 =	simm.s32 $0x1;
	s19 =	simm.s32 $0x200;
	s20 =	simm.s32 $0x2  }
0x6: {  	s21 =	simm.s32 $0x4200;
	s22 =	simm.s32 $0x3;
	s23 =	simm.s32 $0x4  }
0x7: {  	s24 =	simm.s32 $0x5;
	s25 =	simm.s32 $0x6;
	s7 =	sand.u32 $0x1, s3  }
0x8: {  	s26 =	simm.s32 $0x0;
	s3 =	stileid.u32;
	s5 =	smul.u32 $0x140000, s7  }
0x9: {  	[smem:$0x7FF] =	sst s4;
	s11 =	sadd.s32 $0x2400, s6;
	s8 =	smul.u32 $0x14000, s3  }
0xa: {  	s12 =	sadd.s32 $0xC400, s6;
	_ =	strace $0x8000004D;
	s13 =	smul.u32 $0x50000, s3  }
0xb: {  	s28 =	ssub.s32 $0x2, s7;
	s30 =	sshll.u32 s3, $0x6;
	s31 =	smul.u32 $0x960, s3  }
0xc: {  	s15 =	smul.u32 $0xA0, s3;
	p0 =	seq.s32 s7, $0x1;
	s10 =	sshrl.u32 s28, $0x1  }
0xd: {  	s5 =	sadd.s32 s8, s5;
	s8 =	ssub.s32 s28, s10;
	s29 =	sshrl.u32 s13, $0x2  }
.Ltmp0:
0xe: {  	s10 =	sadd.s32 s31, s11;
	s11 =	sadd.s32 s15, s11;
	(pc) =	sbr.rel .LBB2_1-.Ltmp0, $4  }
0xf: {  	s9 =	sshrl.u32 s5, $0x3;
	s5 =	sadd.s32 $0x48A00, s6;
	s14 =	sadd.s32 s29, s2  }
0x10: {  	s8 =	smax.u32 s8, $0x1;
	s9 =	sadd.s32 s9, s6;
	s6 =	sor.u32 $0x1C07, s30  }
0x11: {  	s13 =	sshrl.u32 s14, $0x3;
	s14 =	simm.s32 $0x7;
	s7 =	sadd.s32 $0x4B200, s9  }
0x12: {  	s9 =	sadd.s32 s31, s12;
	s12 =	sadd.s32 s15, s12;
	s15 =	simm.s32 $0x100  }
.LBB2_7:
0x13: {  	s0 =	sadd.s32 $0x96A0, s30;
	s28 =	sadd.s32 s28, s12;
	[sflag:s25] =	ssyncadd.s32 $0xFFFFC000  }
0x14: {  	[tilespmem:s4], [sflag:$0x1] =	stream.linear.gather [hbm4b:s0+s4], $0x80, $0x38;
	[tilespmem:$0x1C200] =	vst v63  }
0x15: {  	s29 =	sadd.s32 $0x96A0, s28  }
0x16: {  	[tilespmem:s15], [sflag:$0x1] =	stream.linear.gather [hbm4b:s29+s4], $0x80, $0x38;
	[tilespmem:$0x1C200] =	vst v63  }
0x17: {  	s30 =	sadd.s32 $0x96B0, s30  }
0x18: {  	[tilespmem:s16], [sflag:$0x2] =	stream.linear.gather [hbm4b:s30+s4], $0x80, $0x38;
	[tilespmem:$0x1C200] =	vst v63  }
0x19: {  	s31 =	sadd.s32 $0x96B0, s28  }
0x1a: {  	[tilespmem:s17], [sflag:$0x2] =	stream.linear.gather [hbm4b:s31+s4], $0x80, $0x38;
	[tilespmem:$0x1C200] =	vst v63  }
0x1b: {  	_ =	swait.ge [sflag:s18], $0x80  }
0x1c: {  	[sflag:s18] =	ssyncset.done $0x0  }
0x1d: {  	[sflag:s18] =	ssyncadd.s32 $0xFFFFFF80  }
0x1e: {  	_ =	swait.ge [sflag:s18], $0x80  }
0x1f: {  	[sflag:s18] =	ssyncset.done $0x0  }
0x20: {  	[sflag:s18] =	ssyncadd.s32 $0xFFFFFF80  }
0x21: {  	[tilespmem:s19], [sflag:$0x3] =	stream.indirect.gather [hbm4b:s1+s16], $0x80, s4, s16, $0xb8;
	[tilespmem:$0x1C200] =	vst v63  }
0x22: {  	_ =	swait.ge [sflag:s20], $0x80  }
0x23: {  	[sflag:s20] =	ssyncset.done $0x0  }
0x24: {  	[sflag:s20] =	ssyncadd.s32 $0xFFFFFF80  }
0x25: {  	_ =	swait.ge [sflag:s20], $0x80  }
0x26: {  	[sflag:s20] =	ssyncset.done $0x0  }
0x27: {  	[sflag:s20] =	ssyncadd.s32 $0xFFFFFF80  }
0x28: {  	[tilespmem:s21], [sflag:$0x4] =	stream.indirect.gather [hbm4b:s1+s16], $0x80, s16, s16, $0xb8;
	[tilespmem:$0x1C200] =	vst v63  }
0x29: {  	_ =	swait.ge [sflag:s22], $0x4000  }
0x2a: {  	[sflag:s22] =	ssyncset.done $0x0  }
0x2b: {  	[sflag:s22] =	ssyncadd.s32 $0xFFFFC000  }
0x2c: {  	[spmem:s2] =	stream.indirect.scatter.add.f32 [tilespmem:s19], [sflag:$0x5], $0x80, s15, s16, $0xb8;
	[tilespmem:$0x1C200] =	vst v63  }
0x2d: {  	_ =	swait.ge [sflag:s23], $0x4000  }
0x2e: {  	[sflag:s23] =	ssyncset.done $0x0  }
0x2f: {  	[sflag:s23] =	ssyncadd.s32 $0xFFFFC000  }
0x30: {  	[spmem:s2] =	stream.indirect.scatter.add.f32 [tilespmem:s21], [sflag:$0x6], $0x80, s17, s16, $0xb8;
	[tilespmem:$0x1C200] =	vst v63  }
0x31: {  	_ =	swait.ge [sflag:s24], $0x4000  }
0x32: {  	[sflag:s24] =	ssyncset.done $0x0  }
0x33: {  	[sflag:s24] =	ssyncadd.s32 $0xFFFFC000  }
0x34: {  	_ =	swait.ge [sflag:s25], $0x4000  }
0x35: {  	[sflag:s25] =	ssyncset.done $0x0  }
0x36: {  	[sflag:s25] =	ssyncadd.s32 $0xFFFFC000  }
.LBB2_8:
0x37: {  	s26 =	sadd.s32 $0x1, s26  }
0x38: {  	p1 =	sne.s32 s26, s8  }
.Ltmp1:
0x39: {  	[bflag:$0x0] =	sbarrier.arrive $0xFFFF;
	(pc) =	sbr.rel @!p1 .LBB2_9-.Ltmp1, $4  }
0x3a: {  	[hbm:s7], [sflag:s6] =	dma.local [spmem:s13], $0x2800  }
0x3b: {  	_ =	swait.ge [sflag:s14], $0x2800  }
0x3c: {  	[sflag:s14] =	ssyncset.done $0x0  }
0x3d: {  	[sflag:s14] =	ssyncadd.s32 $0xFFFFD800  }
.LBB2_1:
0x3e: {  	[spmem:s13], [sflag:s6] =	dma.local [hbm:s5], $0x2800  }
.Ltmp2:
0x3f: {  	_ =	swait.ge [sflag:s14], $0x2800;
	(pc) =	sbr.rel @!p0 .LBB2_2-.Ltmp2, $3  }
0x40: {  	[sflag:s14] =	ssyncset.done $0x0  }
0x41: {  	[sflag:s14] =	ssyncadd.s32 $0xFFFFD800  }
0x42: {  	[bflag:$0x0] =	sbarrier.arrive $0xFFFF;
	_ =	sdelay $0x1  }
0x43: {  	s0 =	sadd.s32 $0xFFFFFF60, s11  }
0x44: {  	s29 =	sadd.s32 $0xFFFFFF60, s12;
	s28 =	sadd.s32 $0x96A0, s0  }
0x45: {  	[tilespmem:s4], [sflag:$0x1] =	stream.linear.gather [hbm4b:s28+s4], $0x80, $0x38;
	[tilespmem:$0x1C200] =	vst v63  }
0x46: {  	s28 =	sadd.s32 $0x96A0, s29  }
0x47: {  	[tilespmem:s15], [sflag:$0x1] =	stream.linear.gather [hbm4b:s28+s4], $0x80, $0x38;
	[tilespmem:$0x1C200] =	vst v63  }
0x48: {  	s0 =	sadd.s32 $0x96B0, s0  }
0x49: {  	[tilespmem:s16], [sflag:$0x2] =	stream.linear.gather [hbm4b:s0+s4], $0x80, $0x38;
	[tilespmem:$0x1C200] =	vst v63  }
0x4a: {  	s31 =	sadd.s32 $0x96B0, s29  }
0x4b: {  	[tilespmem:s17], [sflag:$0x2] =	stream.linear.gather [hbm4b:s31+s4], $0x80, $0x38;
	[tilespmem:$0x1C200] =	vst v63  }
0x4c: {  	_ =	swait.ge [sflag:s18], $0x80  }
0x4d: {  	[sflag:s18] =	ssyncset.done $0x0  }
0x4e: {  	[sflag:s18] =	ssyncadd.s32 $0xFFFFFF80  }
0x4f: {  	_ =	swait.ge [sflag:s18], $0x80  }
0x50: {  	[sflag:s18] =	ssyncset.done $0x0  }
0x51: {  	[sflag:s18] =	ssyncadd.s32 $0xFFFFFF80  }
0x52: {  	[tilespmem:s19], [sflag:$0x3] =	stream.indirect.gather [hbm4b:s1+s16], $0x80, s4, s16, $0xb8;
	[tilespmem:$0x1C200] =	vst v63  }
0x53: {  	_ =	swait.ge [sflag:s20], $0x80  }
0x54: {  	[sflag:s20] =	ssyncset.done $0x0  }
0x55: {  	[sflag:s20] =	ssyncadd.s32 $0xFFFFFF80  }
0x56: {  	_ =	swait.ge [sflag:s20], $0x80  }
0x57: {  	[sflag:s20] =	ssyncset.done $0x0  }
0x58: {  	[sflag:s20] =	ssyncadd.s32 $0xFFFFFF80  }
0x59: {  	[tilespmem:s21], [sflag:$0x4] =	stream.indirect.gather [hbm4b:s1+s16], $0x80, s16, s16, $0xb8;
	[tilespmem:$0x1C200] =	vst v63  }
0x5a: {  	_ =	swait.ge [sflag:s22], $0x4000  }
0x5b: {  	[sflag:s22] =	ssyncset.done $0x0  }
0x5c: {  	[sflag:s22] =	ssyncadd.s32 $0xFFFFC000  }
0x5d: {  	[spmem:s2] =	stream.indirect.scatter.add.f32 [tilespmem:s19], [sflag:$0x5], $0x80, s15, s16, $0xb8;
	[tilespmem:$0x1C200] =	vst v63  }
0x5e: {  	_ =	swait.ge [sflag:s23], $0x4000  }
0x5f: {  	[sflag:s23] =	ssyncset.done $0x0  }
0x60: {  	[sflag:s23] =	ssyncadd.s32 $0xFFFFC000  }
0x61: {  	[spmem:s2] =	stream.indirect.scatter.add.f32 [tilespmem:s21], [sflag:$0x6], $0x80, s17, s16, $0xb8;
	[tilespmem:$0x1C200] =	vst v63  }
0x62: {  	_ =	swait.ge [sflag:s24], $0x4000  }
0x63: {  	[sflag:s24] =	ssyncset.done $0x0  }
0x64: {  	[sflag:s24] =	ssyncadd.s32 $0xFFFFC000  }
0x65: {  	s30 =	sadd.s32 $0xFFFFFF80, s11;
	_ =	swait.ge [sflag:s25], $0x4000  }
0x66: {  	s29 =	simm.s32 $0xFFFFFFA0;
	s28 =	simm.s32 $0xFFFFFF80;
	[sflag:s25] =	ssyncset.done $0x0  }
.LBB2_6:
0x67: {  	s0 =	sadd.s32 $0x96A0, s30  }
0x68: {  	s31 =	sadd.s32 s28, s12;
	[sflag:s25] =	ssyncadd.s32 $0xFFFFC000;
	s28 =	smov.u32 s29  }
0x69: {  	[tilespmem:s4], [sflag:$0x1] =	stream.linear.gather [hbm4b:s0+s4], $0x80, $0x38;
	[tilespmem:$0x1C200] =	vst v63  }
0x6a: {  	p1 =	sne.s32 s29, $0xFFFFFFE0;
	s29 =	sadd.s32 $0x20, s29;
	s0 =	sadd.s32 $0x96A0, s31  }
0x6b: {  	[tilespmem:s15], [sflag:$0x1] =	stream.linear.gather [hbm4b:s0+s4], $0x80, $0x38;
	[tilespmem:$0x1C200] =	vst v63  }
0x6c: {  	s0 =	sadd.s32 $0x96B0, s30  }
0x6d: {  	[tilespmem:s16], [sflag:$0x2] =	stream.linear.gather [hbm4b:s0+s4], $0x80, $0x38;
	[tilespmem:$0x1C200] =	vst v63  }
0x6e: {  	s0 =	sadd.s32 $0x96B0, s31  }
0x6f: {  	[tilespmem:s17], [sflag:$0x2] =	stream.linear.gather [hbm4b:s0+s4], $0x80, $0x38;
	[tilespmem:$0x1C200] =	vst v63  }
0x70: {  	_ =	swait.ge [sflag:s18], $0x80  }
0x71: {  	[sflag:s18] =	ssyncset.done $0x0  }
0x72: {  	[sflag:s18] =	ssyncadd.s32 $0xFFFFFF80  }
0x73: {  	_ =	swait.ge [sflag:s18], $0x80  }
0x74: {  	[sflag:s18] =	ssyncset.done $0x0  }
0x75: {  	[sflag:s18] =	ssyncadd.s32 $0xFFFFFF80  }
0x76: {  	[tilespmem:s19], [sflag:$0x3] =	stream.indirect.gather [hbm4b:s1+s16], $0x80, s4, s16, $0xb8;
	[tilespmem:$0x1C200] =	vst v63  }
0x77: {  	_ =	swait.ge [sflag:s20], $0x80  }
0x78: {  	[sflag:s20] =	ssyncset.done $0x0  }
0x79: {  	[sflag:s20] =	ssyncadd.s32 $0xFFFFFF80  }
0x7a: {  	_ =	swait.ge [sflag:s20], $0x80  }
0x7b: {  	[sflag:s20] =	ssyncset.done $0x0  }
0x7c: {  	[sflag:s20] =	ssyncadd.s32 $0xFFFFFF80  }
0x7d: {  	[tilespmem:s21], [sflag:$0x4] =	stream.indirect.gather [hbm4b:s1+s16], $0x80, s16, s16, $0xb8;
	[tilespmem:$0x1C200] =	vst v63  }
0x7e: {  	_ =	swait.ge [sflag:s22], $0x4000  }
0x7f: {  	[sflag:s22] =	ssyncset.done $0x0  }
0x80: {  	[sflag:s22] =	ssyncadd.s32 $0xFFFFC000  }
0x81: {  	[spmem:s2] =	stream.indirect.scatter.add.f32 [tilespmem:s19], [sflag:$0x5], $0x80, s15, s16, $0xb8;
	[tilespmem:$0x1C200] =	vst v63  }
0x82: {  	_ =	swait.ge [sflag:s23], $0x4000  }
0x83: {  	[sflag:s23] =	ssyncset.done $0x0  }
0x84: {  	[sflag:s23] =	ssyncadd.s32 $0xFFFFC000  }
0x85: {  	[spmem:s2] =	stream.indirect.scatter.add.f32 [tilespmem:s21], [sflag:$0x6], $0x80, s17, s16, $0xb8;
	[tilespmem:$0x1C200] =	vst v63  }
.Ltmp3:
0x86: {  	_ =	swait.ge [sflag:s24], $0x4000;
	(pc) =	sbr.rel @p1 .LBB2_6-.Ltmp3, $4  }
0x87: {  	[sflag:s24] =	ssyncset.done $0x0  }
0x88: {  	[sflag:s24] =	ssyncadd.s32 $0xFFFFC000  }
0x89: {  	_ =	swait.ge [sflag:s25], $0x4000  }
0x8a: {  	s30 =	sadd.s32 s28, s11;
	[sflag:s25] =	ssyncset.done $0x0  }
.Ltmp4:
0x8b: {  	_ = 	snop;
	(pc) =	sbr.rel .LBB2_7-.Ltmp4, $1  }
0x8c: {  	_ =	sdelay $0x3  }
.LBB2_2:
0x8d: {  	s28 =	sadd.s32 $0x0, s10  }
0x8e: {  	[tilespmem:s4], [sflag:$0x1] =	stream.linear.gather [hbm4b:s28+s4], $0x80, $0x38;
	[tilespmem:$0x1C200] =	vst v63  }
0x8f: {  	s29 =	sadd.s32 $0x0, s9  }
0x90: {  	[tilespmem:s15], [sflag:$0x1] =	stream.linear.gather [hbm4b:s29+s4], $0x80, $0x38;
	[tilespmem:$0x1C200] =	vst v63  }
0x91: {  	s28 =	sadd.s32 $0x10, s28  }
0x92: {  	[tilespmem:s16], [sflag:$0x2] =	stream.linear.gather [hbm4b:s28+s4], $0x80, $0x38;
	[tilespmem:$0x1C200] =	vst v63  }
0x93: {  	s28 =	sadd.s32 $0x10, s29  }
0x94: {  	[tilespmem:s17], [sflag:$0x2] =	stream.linear.gather [hbm4b:s28+s4], $0x80, $0x38;
	[tilespmem:$0x1C200] =	vst v63  }
0x95: {  	_ =	swait.ge [sflag:s18], $0x80  }
0x96: {  	[sflag:s18] =	ssyncset.done $0x0  }
0x97: {  	[sflag:s18] =	ssyncadd.s32 $0xFFFFFF80  }
0x98: {  	_ =	swait.ge [sflag:s18], $0x80  }
0x99: {  	[sflag:s18] =	ssyncset.done $0x0  }
0x9a: {  	[sflag:s18] =	ssyncadd.s32 $0xFFFFFF80  }
0x9b: {  	[tilespmem:s19], [sflag:$0x3] =	stream.indirect.gather [hbm4b:s1+s16], $0x80, s4, s16, $0xb8;
	[tilespmem:$0x1C200] =	vst v63  }
0x9c: {  	_ =	swait.ge [sflag:s20], $0x80  }
0x9d: {  	[sflag:s20] =	ssyncset.done $0x0  }
0x9e: {  	[sflag:s20] =	ssyncadd.s32 $0xFFFFFF80  }
0x9f: {  	_ =	swait.ge [sflag:s20], $0x80  }
0xa0: {  	[sflag:s20] =	ssyncset.done $0x0  }
0xa1: {  	[sflag:s20] =	ssyncadd.s32 $0xFFFFFF80  }
0xa2: {  	[tilespmem:s21], [sflag:$0x4] =	stream.indirect.gather [hbm4b:s1+s16], $0x80, s16, s16, $0xb8;
	[tilespmem:$0x1C200] =	vst v63  }
0xa3: {  	_ =	swait.ge [sflag:s22], $0x4000  }
0xa4: {  	[sflag:s22] =	ssyncset.done $0x0  }
0xa5: {  	[sflag:s22] =	ssyncadd.s32 $0xFFFFC000  }
0xa6: {  	[spmem:s2] =	stream.indirect.scatter.add.f32 [tilespmem:s19], [sflag:$0x5], $0x80, s15, s16, $0xb8;
	[tilespmem:$0x1C200] =	vst v63  }
0xa7: {  	_ =	swait.ge [sflag:s23], $0x4000  }
0xa8: {  	[sflag:s23] =	ssyncset.done $0x0  }
0xa9: {  	[sflag:s23] =	ssyncadd.s32 $0xFFFFC000  }
0xaa: {  	[spmem:s2] =	stream.indirect.scatter.add.f32 [tilespmem:s21], [sflag:$0x6], $0x80, s17, s16, $0xb8;
	[tilespmem:$0x1C200] =	vst v63  }
0xab: {  	_ =	swait.ge [sflag:s24], $0x4000  }
0xac: {  	[sflag:s24] =	ssyncset.done $0x0  }
0xad: {  	[sflag:s24] =	ssyncadd.s32 $0xFFFFC000  }
0xae: {  	_ =	swait.ge [sflag:s25], $0x4000  }
0xaf: {  	s30 =	simm.s32 $0x40;
	s28 =	simm.s32 $0x20;
	[sflag:s25] =	ssyncset.done $0x0  }
.LBB2_3:
0xb0: {  	s31 =	sadd.s32 s28, s10  }
0xb1: {  	[sflag:s25] =	ssyncadd.s32 $0xFFFFC000;
	s0 =	smov.u32 s30;
	s29 =	sadd.s32 $0x20, s30  }
0xb2: {  	[tilespmem:s4], [sflag:$0x1] =	stream.linear.gather [hbm4b:s31+s4], $0x80, $0x38;
	[tilespmem:$0x1C200] =	vst v63  }
0xb3: {  	p1 =	seq.s32 s30, $0x940;
	s30 =	sadd.s32 s28, s9;
	s28 =	smov.u32 s0  }
0xb4: {  	[tilespmem:s15], [sflag:$0x1] =	stream.linear.gather [hbm4b:s30+s4], $0x80, $0x38;
	[tilespmem:$0x1C200] =	vst v63  }
0xb5: {  	s0 =	sadd.s32 $0x10, s31  }
0xb6: {  	[tilespmem:s16], [sflag:$0x2] =	stream.linear.gather [hbm4b:s0+s4], $0x80, $0x38;
	[tilespmem:$0x1C200] =	vst v63  }
0xb7: {  	s0 =	sadd.s32 $0x10, s30  }
0xb8: {  	[tilespmem:s17], [sflag:$0x2] =	stream.linear.gather [hbm4b:s0+s4], $0x80, $0x38;
	[tilespmem:$0x1C200] =	vst v63  }
0xb9: {  	_ =	swait.ge [sflag:s18], $0x80  }
0xba: {  	[sflag:s18] =	ssyncset.done $0x0  }
0xbb: {  	[sflag:s18] =	ssyncadd.s32 $0xFFFFFF80  }
0xbc: {  	_ =	swait.ge [sflag:s18], $0x80  }
0xbd: {  	[sflag:s18] =	ssyncset.done $0x0  }
0xbe: {  	[sflag:s18] =	ssyncadd.s32 $0xFFFFFF80  }
0xbf: {  	[tilespmem:s19], [sflag:$0x3] =	stream.indirect.gather [hbm4b:s1+s16], $0x80, s4, s16, $0xb8;
	[tilespmem:$0x1C200] =	vst v63  }
0xc0: {  	_ =	swait.ge [sflag:s20], $0x80  }
0xc1: {  	[sflag:s20] =	ssyncset.done $0x0  }
0xc2: {  	[sflag:s20] =	ssyncadd.s32 $0xFFFFFF80  }
0xc3: {  	_ =	swait.ge [sflag:s20], $0x80  }
0xc4: {  	[sflag:s20] =	ssyncset.done $0x0  }
0xc5: {  	[sflag:s20] =	ssyncadd.s32 $0xFFFFFF80  }
0xc6: {  	[tilespmem:s21], [sflag:$0x4] =	stream.indirect.gather [hbm4b:s1+s16], $0x80, s16, s16, $0xb8;
	[tilespmem:$0x1C200] =	vst v63  }
0xc7: {  	_ =	swait.ge [sflag:s22], $0x4000  }
0xc8: {  	[sflag:s22] =	ssyncset.done $0x0  }
0xc9: {  	[sflag:s22] =	ssyncadd.s32 $0xFFFFC000  }
0xca: {  	[spmem:s2] =	stream.indirect.scatter.add.f32 [tilespmem:s19], [sflag:$0x5], $0x80, s15, s16, $0xb8;
	[tilespmem:$0x1C200] =	vst v63  }
0xcb: {  	_ =	swait.ge [sflag:s23], $0x4000  }
0xcc: {  	[sflag:s23] =	ssyncset.done $0x0  }
0xcd: {  	[sflag:s23] =	ssyncadd.s32 $0xFFFFC000  }
0xce: {  	[spmem:s2] =	stream.indirect.scatter.add.f32 [tilespmem:s21], [sflag:$0x6], $0x80, s17, s16, $0xb8;
	[tilespmem:$0x1C200] =	vst v63  }
.Ltmp5:
0xcf: {  	_ =	swait.ge [sflag:s24], $0x4000;
	(pc) =	sbr.rel @!p1 .LBB2_3-.Ltmp5, $4  }
0xd0: {  	[sflag:s24] =	ssyncset.done $0x0  }
0xd1: {  	[sflag:s24] =	ssyncadd.s32 $0xFFFFC000  }
0xd2: {  	_ =	swait.ge [sflag:s25], $0x4000  }
0xd3: {  	s30 =	smov.u32 s29;
	[sflag:s25] =	ssyncset.done $0x0  }
0xd4: {  	s0 =	sadd.s32 s28, s10;
	[sflag:s25] =	ssyncadd.s32 $0xFFFFC000  }
0xd5: {  	[tilespmem:s4], [sflag:$0x1] =	stream.linear.gather [hbm4b:s0+s4], $0x80, $0x38;
	[tilespmem:$0x1C200] =	vst v63  }
0xd6: {  	s30 =	sadd.s32 s28, s9  }
0xd7: {  	[tilespmem:s15], [sflag:$0x1] =	stream.linear.gather [hbm4b:s30+s4], $0x80, $0x38;
	[tilespmem:$0x1C200] =	vst v63  }
0xd8: {  	s0 =	sadd.s32 $0x10, s0  }
0xd9: {  	[tilespmem:s16], [sflag:$0x2] =	stream.linear.gather [hbm4b:s0+s4], $0x80, $0x38;
	[tilespmem:$0x1C200] =	vst v63  }
0xda: {  	s31 =	sadd.s32 $0x10, s30  }
0xdb: {  	[tilespmem:s17], [sflag:$0x2] =	stream.linear.gather [hbm4b:s31+s4], $0x80, $0x38;
	[tilespmem:$0x1C200] =	vst v63  }
0xdc: {  	_ =	swait.ge [sflag:s18], $0x80  }
0xdd: {  	[sflag:s18] =	ssyncset.done $0x0  }
0xde: {  	[sflag:s18] =	ssyncadd.s32 $0xFFFFFF80  }
0xdf: {  	_ =	swait.ge [sflag:s18], $0x80  }
0xe0: {  	[sflag:s18] =	ssyncset.done $0x0  }
0xe1: {  	[sflag:s18] =	ssyncadd.s32 $0xFFFFFF80  }
0xe2: {  	[tilespmem:s19], [sflag:$0x3] =	stream.indirect.gather [hbm4b:s1+s16], $0x80, s4, s16, $0xb8;
	[tilespmem:$0x1C200] =	vst v63  }
0xe3: {  	_ =	swait.ge [sflag:s20], $0x80  }
0xe4: {  	[sflag:s20] =	ssyncset.done $0x0  }
0xe5: {  	[sflag:s20] =	ssyncadd.s32 $0xFFFFFF80  }
0xe6: {  	_ =	swait.ge [sflag:s20], $0x80  }
0xe7: {  	[sflag:s20] =	ssyncset.done $0x0  }
0xe8: {  	[sflag:s20] =	ssyncadd.s32 $0xFFFFFF80  }
0xe9: {  	[tilespmem:s21], [sflag:$0x4] =	stream.indirect.gather [hbm4b:s1+s16], $0x80, s16, s16, $0xb8;
	[tilespmem:$0x1C200] =	vst v63  }
0xea: {  	_ =	swait.ge [sflag:s22], $0x4000  }
0xeb: {  	[sflag:s22] =	ssyncset.done $0x0  }
0xec: {  	[sflag:s22] =	ssyncadd.s32 $0xFFFFC000  }
0xed: {  	[spmem:s2] =	stream.indirect.scatter.add.f32 [tilespmem:s19], [sflag:$0x5], $0x80, s15, s16, $0xb8;
	[tilespmem:$0x1C200] =	vst v63  }
0xee: {  	_ =	swait.ge [sflag:s23], $0x4000  }
0xef: {  	[sflag:s23] =	ssyncset.done $0x0  }
0xf0: {  	[sflag:s23] =	ssyncadd.s32 $0xFFFFC000  }
0xf1: {  	[spmem:s2] =	stream.indirect.scatter.add.f32 [tilespmem:s21], [sflag:$0x6], $0x80, s17, s16, $0xb8;
	[tilespmem:$0x1C200] =	vst v63  }
0xf2: {  	_ =	swait.ge [sflag:s24], $0x4000  }
.Ltmp6:
0xf3: {  	[sflag:s24] =	ssyncset.done $0x0;
	(pc) =	sbr.rel .LBB2_8-.Ltmp6, $4  }
0xf4: {  	[sflag:s24] =	ssyncadd.s32 $0xFFFFC000  }
0xf5: {  	_ =	swait.ge [sflag:s25], $0x4000  }
0xf6: {  	[sflag:s25] =	ssyncset.done $0x0  }
0xf7: {  	[sflag:s25] =	ssyncadd.s32 $0xFFFFC000  }
.LBB2_9:
0xf8: {  	_ =	sfence.sel $0x180000  }
0xf9: {  	[bflag:$0x0] =	sbarrier.arrive $0xFFFF  }
0xfa: {  	_ =	strace $0x9000004D  }
0xfb: {  	[bflag:$0x2] =	sbarrier.arrive $0xFFFF  }
0xfc: {  	p0 =	sne.s32 s3, $0x0;
	s0 =	rddreg [dreg:$0x3]  }
0xfd: {  	s0 =	sadd.s32 @!p0 $0x100000, s0  }
0xfe: {  	[sflag:s0] =	ssyncadd.tile.s32 @!p0 $0x1;
	_ =	shalt  }
.Lfunc_end2:
_tile_overlayer_lowered:
.L_overlay_start_2:
0xff: {  	(tag) =	ssettag $0x2  }
0x100: {  	s0 =	rddreg [dreg:$0x0];
	s2 =	stileid.u32  }
0x101: {  	s1 =	rddreg [dreg:$0x1];
	p0 =	sne.s32 s2, $0x0  }
0x102: {  	s3 =	rddreg [dreg:$0x2];
	[bflag:$0x3] =	sbarrier.arrive $0xFFFF;
	s2 =	simm.s32 @!p0 $0x1C07  }
0x103: {  	[timem:s3], [sflag:s2] =	dma.local @!p0 [hbm:s0], s1  }
0x104: {  	s0 =	simm.s32 @!p0 $0x7  }
0x105: {  	_ =	swait.ge @!p0 [sflag:s0], s1  }
0x106: {  	s1 =	ssub.s32 @!p0 $0x0, s1;
	[sflag:s0] =	ssyncset.done @!p0 $0x0  }
0x107: {  	[sflag:s0] =	ssyncadd.s32 @!p0 s1  }
0x108: {  	[bflag:$0x3] =	sbarrier.arrive $0xFFFF  }
0x109: {  	_ =	shalt  }

// kernel: kernel.9.cloned.1.call-start
scs
__scs_entry_jumppad:
0x0: {  	(pc) =	sbr.rel $0x88, $3  }
0x1: {  	(tag) =	ssettag $0x0;
	lr =	simm.s32 $0x1  }
0x2: {  	[smem:$0x3F9D] =	sst lr;
	_ =	strace $0xD0000000  }
0x3: {  	_ = 	snop  }
0x4: {  	_ = 	snop  }
0x5: {  	_ = 	snop  }
0x6: {  	_ = 	snop  }
0x7: {  	_ = 	snop  }
__scs_overlays_trampoline_lowered:
0x8: {  	[smem:$0x3FAC] =	sst s0  }
0x9: {  	[smem:$0x3FAD] =	sst s1  }
0xa: {  	[smem:$0x3FAE] =	sst s2  }
0xb: {  	[smem:$0x3FAF] =	sst s3  }
0xc: {  	[smem:$0x3FB0] =	sst s4  }
0xd: {  	[smem:$0x3FB1] =	sst s5  }
0xe: {  	[smem:$0x3FB2] =	sst s6  }
0xf: {  	[smem:$0x3FB3] =	sst s7  }
0x10: {  	[smem:$0x3FB4] =	sst s8  }
0x11: {  	[smem:$0x3FB5] =	sst s9;
	s0 =	simm.s32 @!p0 $0x0  }
0x12: {  	s1 =	sld [smem:$0x3F9B];
	s0 =	simm.s32 @p0 $0x1  }
0x13: {  	[smem:$0x3FB6] =	sst s0;
	s0 =	simm.s32 @!p1 $0x0  }
0x14: {  	s2 =	sld [smem:$0x3F9A];
	s0 =	simm.s32 @p1 $0x1  }
0x15: {  	[smem:$0x3FB7] =	sst s0;
	s0 =	simm.s32 @!p2 $0x0  }
0x16: {  	s3 =	sld [smem:$0x3FDB];
	s0 =	simm.s32 @p2 $0x1  }
0x17: {  	s4 =	simm.s32 $0x1BF5;
	[smem:$0x3FB9] =	sst s0  }
0x18: {  	s0 =	sld [smem:$0x3F9C];
	_ =	swait.ge [sflag:s4], $0x0  }
0x19: {  	s7 =	sld [smem:$0x3F9D]  }
0x1a: {  	s8 =	sadd.s32 $0xFFFFE003, lr  }
0x1b: {  	s9 =	sadd.s32 $0xFFFFFEF7, lr;
	s5 =	simm.s32 $0xFFFFFFFF;
	p2 =	slt.u32 s8, $0xFFFFF086  }
0x1c: {  	p1 =	slt.u32 s9, $0xF7A;
	s5 =	simm.s32 @!p2 $0x0  }
0x1d: {  	s5 =	simm.s32 @p1 $0x1;
	p0 =	seq.s32 s7, s2  }
0x1e: {  	s7 =	smul.u32 @!p0 $0xF7A, s2;
	p2 =	seq.s32 @!p0 s5, $0x0  }
0x1f: {  	s9 =	smul.u32 $0xF7A, s1;
	s8 =	simm.s32 @!p0 $0x1BF5;
	p2 =	por !p2, p0  }
0x20: {  	[sflag:s8] =	ssyncset.s32 @!p0 $0xFFFFF086;
	s6 =	sadd.s32 @!p0 s3, s7;
	s7 =	simm.s32 @!p0 $0x108  }
0x21: {  	s3 =	sadd.s32 s3, s9;
	s6 =	sadd.s32 @!p0 $0x88, s6;
	s7 =	simm.s32 @p2 $0x1082  }
0x22: {  	[simem:s7], [sflag:s8] =	dma.local @!p0 [hbm:s6], $0xF7A  }
0x23: {  	s9 =	sor.u32 $0xD0000000, s2;
	s6 =	simm.s32 $0x108;
	_ =	swait.ge @!p0 [sflag:s8], $0x0  }
0x24: {  	s3 =	sadd.s32 $0x88, s3;
	s6 =	simm.s32 @!p1 $0x1082;
	[sflag:s4] =	ssyncset.s32 $0xFFFFF086  }
0x25: {  	[simem:s6], [sflag:s4] =	dma.local [hbm:s3], $0xF7A  }
0x26: {  	[smem:$0x3F9D] =	sst s1;
	(tag) =	ssettag s2;
	_ =	strace s9  }
0x27: {  	s1 =	sld [smem:$0x3FAD]  }
0x28: {  	s2 =	sld [smem:$0x3FAE]  }
0x29: {  	s4 =	sld [smem:$0x3FB0]  }
0x2a: {  	p0 =	seq.s32 s5, $0x0;
	s5 =	sld [smem:$0x3FB1]  }
0x2b: {  	s6 =	sld [smem:$0x3FB2]  }
0x2c: {  	s7 =	sld [smem:$0x3FB3]  }
0x2d: {  	s3 =	simm.s32 $0x108;
	s8 =	sld [smem:$0x3FB4]  }
0x2e: {  	s3 =	simm.s32 @!p0 $0x1082;
	s9 =	sld [smem:$0x3FB5]  }
0x2f: {  	lr =	sadd.s32 s0, s3;
	s0 =	sld [smem:$0x3FAC]  }
0x30: {  	s3 =	sld [smem:$0x3FAF]  }
0x31: {  	[smem:$0x3FB8] =	sst s10  }
0x32: {  	s10 =	sld [smem:$0x3FB6];
	_ =	sdelay $0x3  }
0x33: {  	p0 =	seq.s32 s10, $0x1;
	s10 =	sld [smem:$0x3FB8];
	_ =	sdelay $0x3  }
0x34: {  	[smem:$0x3FB8] =	sst s10  }
0x35: {  	s10 =	sld [smem:$0x3FB7];
	_ =	sdelay $0x3  }
0x36: {  	p1 =	seq.s32 s10, $0x1;
	s10 =	sld [smem:$0x3FB8];
	_ =	sdelay $0x3  }
0x37: {  	[smem:$0x3FB8] =	sst s10  }
0x38: {  	s10 =	sld [smem:$0x3FB9]  }
0x39: {  	_ = 	snop;
	(pc) =	sbr.ind lr, $3  }
0x3a: {  	_ = 	snop  }
0x3b: {  	_ = 	snop  }
0x3c: {  	p2 =	seq.s32 s10, $0x1;
	s10 =	sld [smem:$0x3FB8]  }
0x3d: {  	_ =	shalt  }
0x3e: {  	_ =	shalt  }
0x3f: {  	_ =	shalt  }
0x40: {  	_ =	shalt  }
0x41: {  	_ =	shalt  }
0x42: {  	_ =	shalt  }
0x43: {  	_ =	shalt  }
0x44: {  	_ =	shalt  }
0x45: {  	_ =	shalt  }
0x46: {  	_ =	shalt  }
0x47: {  	_ =	shalt  }
0x48: {  	_ =	shalt  }
0x49: {  	_ =	shalt  }
0x4a: {  	_ =	shalt  }
0x4b: {  	_ =	shalt  }
0x4c: {  	_ =	shalt  }
0x4d: {  	_ =	shalt  }
0x4e: {  	_ =	shalt  }
0x4f: {  	_ =	shalt  }
0x50: {  	_ =	shalt  }
0x51: {  	_ =	shalt  }
0x52: {  	_ =	shalt  }
0x53: {  	_ =	shalt  }
0x54: {  	_ =	shalt  }
0x55: {  	_ =	shalt  }
0x56: {  	_ =	shalt  }
0x57: {  	_ =	shalt  }
0x58: {  	_ =	shalt  }
0x59: {  	_ =	shalt  }
0x5a: {  	_ =	shalt  }
0x5b: {  	_ =	shalt  }
0x5c: {  	_ =	shalt  }
0x5d: {  	_ =	shalt  }
0x5e: {  	_ =	shalt  }
0x5f: {  	_ =	shalt  }
0x60: {  	_ =	shalt  }
0x61: {  	_ =	shalt  }
0x62: {  	_ =	shalt  }
0x63: {  	_ =	shalt  }
0x64: {  	_ =	shalt  }
0x65: {  	_ =	shalt  }
0x66: {  	_ =	shalt  }
0x67: {  	_ =	shalt  }
0x68: {  	_ =	shalt  }
0x69: {  	_ =	shalt  }
0x6a: {  	_ =	shalt  }
0x6b: {  	_ =	shalt  }
0x6c: {  	_ =	shalt  }
0x6d: {  	_ =	shalt  }
0x6e: {  	_ =	shalt  }
0x6f: {  	_ =	shalt  }
0x70: {  	_ =	shalt  }
0x71: {  	_ =	shalt  }
0x72: {  	_ =	shalt  }
0x73: {  	_ =	shalt  }
0x74: {  	_ =	shalt  }
0x75: {  	_ =	shalt  }
0x76: {  	_ =	shalt  }
0x77: {  	_ =	shalt  }
0x78: {  	_ =	shalt  }
0x79: {  	_ =	shalt  }
0x7a: {  	_ =	shalt  }
0x7b: {  	_ =	shalt  }
0x7c: {  	_ =	shalt  }
0x7d: {  	_ =	shalt  }
0x7e: {  	_ =	shalt  }
0x7f: {  	_ =	shalt  }
0x80: {  	_ =	shalt  }
0x81: {  	_ =	shalt  }
0x82: {  	_ =	shalt  }
0x83: {  	_ =	shalt  }
0x84: {  	_ =	shalt  }
0x85: {  	_ =	shalt  }
0x86: {  	_ =	shalt  }
0x87: {  	_ =	shalt  }
.Lfunc_end0:
.L_simem_size_0:
called_computation_lowered:
.L_overlay_start_0:
0x88: {  	s2 =	sld [smem:$0x3FD9]  }
0x89: {  	s3 =	sld [smem:$0x3FFE];
	_ =	sdelay $0x1  }
0x8a: {  	s1 =	srdreg.scid  }
0x8b: {  	s0 =	sand.u32 $0x1, s1  }
0x8c: {  	s17 =	sshll.u32 s0, $0xA;
	s2 =	sadd.s32 s3, s2  }
0x8d: {  	s2 =	sadd.s32 s2, s17  }
0x8e: {  	[smem:$0x3FC4] =	sst s2  }
0x8f: {  	_ = 	snop  }
0x90: {  	s2 =	sld [smem:$0x3FD0];
	(tm) =	ssettm $0x1  }
0x91: {  	s18 =	sld [smem:$0x3FFB];
	_ =	sdelay $0x3  }
0x92: {  	_ =	strace s18  }
0x93: {  	s3 =	sld [smem:$0x3FFC];
	_ =	sdelay $0x3  }
0x94: {  	_ =	strace s3  }
0x95: {  	s3 =	sld [smem:$0x3FFD];
	_ =	sdelay $0x3  }
0x96: {  	_ =	strace s3  }
0x97: {  	_ =	strace $0x8FFFFFFF  }
0x98: {  	s19 =	sld [smem:$0x3FDB];
	_ =	sdelay $0x1  }
0x99: {  	s4 =	simm.s32 $_scs_section_size  }
0x9a: {  	s5 =	simm.s32 $_size__tile_overlayer_lowered;
	s6 =	simm.s32 $_tile_overlayer_lowered  }
0x9b: {  	s22 =	simm.s32 $0x1BFF;
	s21 =	sshll.u32 s6, $0x1;
	s3 =	sadd.s32 s4, s19  }
0x9c: {  	s7 =	simm.s32 $0x0;
	s20 =	sshll.u32 s5, $0x1;
	s5 =	sadd.s32 s21, s3  }
0x9d: {  	[timem:s7], [sflag:s22] =	dma.local [hbm:s5], s20  }
0x9e: {  	_ =	swait.ge [sflag:s22], s20  }
0x9f: {  	s4 =	ssub.s32 $0x0, s20;
	[sflag:s22] =	ssyncset.done $0x0  }
0xa0: {  	[sflag:s22] =	ssyncadd.s32 s4;
	_ =	sdelay $0x1  }
0xa1: {  	s23 =	simm.s32 $0x1B8B  }
0xa2: {  	_ =	swait.ge [sflag:s23], $0x1  }
0xa3: {  	[sflag:s23] =	ssyncset.done $0x0  }
0xa4: {  	s25 =	simm.s32 $0x1B8E;
	s24 =	sld [smem:$0x3FFE];
	[sflag:s23] =	ssyncadd.s32 $0xFFFFFFFF  }
0xa5: {  	s26 =	simm.s32 $execute0_lowered;
	[smem:$0x3FD2] =	sst s25  }
0xa6: {  	s5 =	sshll.u32 s26, $0x1;
	_ =	strace $0x80000046;
	[dreg:$0x1] =	wrdreg $0xFFFFFFFF  }
0xa7: {  	s28 =	simm.s32 $_size_execute0_lowered;
	s3 =	sadd.s32 s3, s5;
	[dreg:$0x0] =	wrdreg $0x0  }
0xa8: {  	s5 =	sshll.u32 s28, $0x1;
	[dreg:$0x2] =	wrdreg s3  }
0xa9: {  	[dreg:$0x3] =	wrdreg s5  }
0xaa: {  	[dreg:$0x4] =	wrdreg $0xC0  }
0xab: {  	_ =	task [dreg:s7], $0x5FFFF  }
0xac: {  	[dreg:$0x1] =	wrdreg $0xFFFFFFFF  }
0xad: {  	[dreg:$0x0] =	wrdreg $0x60  }
0xae: {  	[dreg:$0x2] =	wrdreg s24  }
0xaf: {  	[dreg:$0x3] =	wrdreg s2  }
0xb0: {  	[dreg:$0x4] =	wrdreg $0x9  }
0xb1: {  	_ =	task.clear_ibuf [dreg:s7], $0x5FFFF;
	_ =	strace $0x90000046  }
0xb2: {  	s29 =	simm.s32 $0x9;
	_ =	strace $0x80000048  }
0xb3: {  	_ =	swait.ge [sflag:s29], $0x1  }
0xb4: {  	[sflag:s29] =	ssyncadd.s32 $0xFFFFFFFF  }
0xb5: {  	_ =	strace $0x90000048  }
0xb6: {  	_ =	sfence  }
0xb7: {  	s30 =	sld [smem:$0x0];
	_ =	sdelay $0x2  }
0xb8: {  	s31 =	sshll.u32 s1, $0xD;
	s1 =	sshrl.u32 s1, $0x2  }
0xb9: {  	s3 =	sand.u32 $0x4000, s31;
	s1 =	sadd.s32 s1, s30  }
0xba: {  	s0 =	sor.u32 s3, s0;
	s1 =	sshll.u32 s1, $0x11  }
0xbb: {  	s0 =	sor.u32 s1, s0  }
0xbc: {  	s0 =	sadd.s32 $0x8F2B, s0  }
0xbd: {  	[sflag:s0] =	ssyncadd.remote.s32 $0x1  }
0xbe: {  	_ =	sfence.sel $0xFFFF  }
0xbf: {  	[dreg:$0x0] =	wrdreg $0xFFFFFFFF;
	(pc) =	sbr.abs _section_cstart, $3  }
0xc0: {  	[dreg:$0x1] =	wrdreg $0xFFFFFFFF  }
0xc1: {  	_ =	task.clear_ibuf [dreg:s7], $0x2FFFF;
	_ =	strace $0x9FFFFFFF  }
0xc2: {  	(tm) =	ssettm $0x7FFFFFFF  }
0xc3: {  	_ =	shalt  }
tec
execute0_lowered:
.L_overlay_start_1:
0x0: {  	(tag) =	ssettag $0x1  }
0x1: {  	s1 =	srdreg.scid  }
0x2: {  	s0 =	stileid.u32;
	s4 =	rddreg [dreg:$0x0]  }
0x3: {  	s7 =	rddreg [dreg:$0x1];
	s2 =	simm.s32 $0x0;
	s11 =	simm.s32 $0x5000  }
0x4: {  	s12 =	simm.s32 $0x7800;
	s13 =	simm.s32 $0x80;
	s14 =	simm.s32 $0x400  }
0x5: {  	s15 =	simm.s32 $0x0;
	s3 =	sand.u32 $0x1, s1;
	s1 =	rddreg [dreg:$0x2]  }
0x6: {  	s30 =	sshll.u32 s0, $0x1;
	s8 =	sshrl.u32 s0, $0x2;
	[smem:$0x7FF] =	sst s2  }
0x7: {  	s5 =	sor.u32 s3, s30;
	s9 =	smul.u32 $0x14000, s8;
	_ =	strace $0x80000047  }
0x8: {  	s10 =	ssub.s32 $0x2, s3;
	s6 =	smul.u32 $0x500, s5;
	s5 =	sshll.u32 s5, $0x7  }
0x9: {  	s8 =	smul.u32 $0xA000, s8;
	s31 =	sshrl.u32 s10, $0x1;
	s5 =	sand.u32 $0x380, s5  }
0xa: {  	s3 =	sadd.s32 $0x16400, s4;
	s10 =	ssub.s32 s10, s31;
	s9 =	sor.u32 s9, s5  }
0xb: {  	s6 =	sadd.s32 s6, s4;
	s8 =	sor.u32 s8, s5;
	s9 =	sshrl.u32 s9, $0x3  }
0xc: {  	s5 =	sadd.s32 $0x2400, s6;
	s8 =	sshrl.u32 s8, $0x3;
	s9 =	sadd.s32 s9, s4  }
0xd: {  	s4 =	sadd.s32 $0xC400, s6;
	s7 =	sadd.s32 s7, s8;
	s8 =	smax.u32 s10, $0x1  }
0xe: {  	v0 =	vimm.f32 $1.000000000e+00;
	s10 =	simm.s32 $0x2800;
	s6 =	sadd.s32 $0x16A00, s9;
	s9 =	simm.s32 $0x1  }
.LBB2_1:
0xf: {  	[tilespmem:s2], [sflag:$0x1] =	stream.linear.gather [hbm4b:s4+s2], $0x2800, $0x38;
	[tilespmem:$0x8C00] =	vst v63  }
0x10: {  	_ =	swait.ge [sflag:s9], $0x2800  }
0x11: {  	[sflag:s9] =	ssyncset.done $0x0  }
0x12: {  	[sflag:s9] =	ssyncadd.s32 $0xFFFFD800  }
0x13: {  	[tilespmem:s10], [sflag:$0x1] =	stream.linear.gather [hbm4b:s5+s2], $0x2800, $0x38;
	[tilespmem:$0x8C00] =	vst v63  }
0x14: {  	_ =	swait.ge [sflag:s9], $0x2800  }
0x15: {  	[sflag:s9] =	ssyncset.done $0x0  }
0x16: {  	[sflag:s9] =	ssyncadd.s32 $0xFFFFD800  }
0x17: {  	[tilespmem:s11], [sflag:$0x1] =	stream.linear.gather [hbm4b:s3+s2], $0x2800, $0x38;
	[tilespmem:$0x8C00] =	vst v63  }
0x18: {  	_ =	swait.ge [sflag:s9], $0x2800  }
0x19: {  	[sflag:s9] =	ssyncset.done $0x0  }
0x1a: {  	[sflag:s9] =	ssyncadd.s32 $0xFFFFD800  }
0x1b: {  	[tilespmem:s12], [sflag:$0x1] =	stream.linear.gather [hbm4b:s3+s2], $0x1400, $0x38;
	[tilespmem:$0x8C00] =	vst v63  }
0x1c: {  	_ =	swait.ge [sflag:s9], $0x1400  }
0x1d: {  	[sflag:s9] =	ssyncset.done $0x0  }
0x1e: {  	s16 =	simm.s32 $0x0;
	[sflag:s9] =	ssyncadd.s32 $0xFFFFEC00  }
.LBB2_2:
0x1f: {  	s17 =	sshra.s32 s16, $0x2  }
0x20: {  	v1 =	vld [tilespmem:s17+$0x0];
	_ =	sdelay $0x7  }
0x21: {  	[tilespmem:v1+s11+$0x0] =	vst.idx.add.f32.msk $0xffff, v0  }
0x22: {  	v1 =	vld [tilespmem:s17+$0x2800];
	_ =	sdelay $0x7  }
0x23: {  	[tilespmem:v1+s12+$0x0] =	vst.idx.add.f32.msk $0xffff, v0  }
0x24: {  	v1 =	vld [tilespmem:s17+$0x10];
	_ =	sdelay $0x7  }
0x25: {  	[tilespmem:v1+s11+$0x0] =	vst.idx.add.f32.msk $0xffff, v0  }
0x26: {  	v1 =	vld [tilespmem:s17+$0x2810];
	_ =	sdelay $0x7  }
0x27: {  	[tilespmem:v1+s12+$0x0] =	vst.idx.add.f32.msk $0xffff, v0  }
0x28: {  	v1 =	vld [tilespmem:s17+$0x20];
	_ =	sdelay $0x7  }
0x29: {  	[tilespmem:v1+s11+$0x0] =	vst.idx.add.f32.msk $0xffff, v0  }
0x2a: {  	v1 =	vld [tilespmem:s17+$0x2820];
	_ =	sdelay $0x7  }
0x2b: {  	[tilespmem:v1+s12+$0x0] =	vst.idx.add.f32.msk $0xffff, v0  }
0x2c: {  	v1 =	vld [tilespmem:s17+$0x30];
	_ =	sdelay $0x7  }
0x2d: {  	[tilespmem:v1+s11+$0x0] =	vst.idx.add.f32.msk $0xffff, v0  }
0x2e: {  	v1 =	vld [tilespmem:s17+$0x2830];
	_ =	sdelay $0x7  }
0x2f: {  	[tilespmem:v1+s12+$0x0] =	vst.idx.add.f32.msk $0xffff, v0  }
0x30: {  	v1 =	vld [tilespmem:s17+$0x40];
	_ =	sdelay $0x7  }
0x31: {  	[tilespmem:v1+s11+$0x0] =	vst.idx.add.f32.msk $0xffff, v0  }
0x32: {  	v1 =	vld [tilespmem:s17+$0x2840];
	_ =	sdelay $0x7  }
0x33: {  	[tilespmem:v1+s12+$0x0] =	vst.idx.add.f32.msk $0xffff, v0  }
0x34: {  	v1 =	vld [tilespmem:s17+$0x50];
	_ =	sdelay $0x7  }
0x35: {  	[tilespmem:v1+s11+$0x0] =	vst.idx.add.f32.msk $0xffff, v0  }
0x36: {  	v1 =	vld [tilespmem:s17+$0x2850];
	_ =	sdelay $0x7  }
0x37: {  	[tilespmem:v1+s12+$0x0] =	vst.idx.add.f32.msk $0xffff, v0  }
0x38: {  	v1 =	vld [tilespmem:s17+$0x60];
	_ =	sdelay $0x7  }
0x39: {  	[tilespmem:v1+s11+$0x0] =	vst.idx.add.f32.msk $0xffff, v0  }
0x3a: {  	v1 =	vld [tilespmem:s17+$0x2860];
	_ =	sdelay $0x7  }
0x3b: {  	[tilespmem:v1+s12+$0x0] =	vst.idx.add.f32.msk $0xffff, v0  }
0x3c: {  	v1 =	vld [tilespmem:s17+$0x70];
	_ =	sdelay $0x7  }
0x3d: {  	[tilespmem:v1+s11+$0x0] =	vst.idx.add.f32.msk $0xffff, v0  }
0x3e: {  	v1 =	vld [tilespmem:s17+$0x2870];
	_ =	sdelay $0x2  }
0x3f: {  	p0 =	sne.s32 s16, $0x9E00  }
.Ltmp0:
0x40: {  	_ = 	snop;
	(pc) =	sbr.rel @p0 .LBB2_2-.Ltmp0, $2  }
0x41: {  	_ =	sdelay $0x2  }
0x42: {  	s16 =	sadd.s32 $0x200, s16;
	[tilespmem:v1+s12+$0x0] =	vst.idx.add.f32.msk $0xffff, v0  }
0x43: {  	[hbm4b:s6+s13] =	stream.strided.scatter [tilespmem:s11], [sflag:$0x1], $0x2800, s14, s13, $0x38;
	[tilespmem:$0x8C00] =	vst v63  }
0x44: {  	s15 =	sadd.s32 $0x1, s15;
	_ =	swait.ge [sflag:s9], $0x2800  }
0x45: {  	p0 =	sne.s32 s15, s8;
	[sflag:s9] =	ssyncset.done $0x0  }
.Ltmp1:
0x46: {  	[sflag:s9] =	ssyncadd.s32 $0xFFFFD800;
	(pc) =	sbr.rel @p0 .LBB2_1-.Ltmp1, $4  }
0x47: {  	[hbm4b:s7+s13] =	stream.strided.scatter [tilespmem:s12], [sflag:$0x1], $0x1400, s14, s13, $0x38;
	[tilespmem:$0x8C00] =	vst v63  }
0x48: {  	_ =	swait.ge [sflag:s9], $0x1400  }
0x49: {  	[sflag:s9] =	ssyncset.done $0x0  }
0x4a: {  	[sflag:s9] =	ssyncadd.s32 $0xFFFFEC00  }
0x4b: {  	_ =	sfence.sel $0x180000  }
0x4c: {  	[bflag:$0x0] =	sbarrier.arrive $0xFFFF  }
0x4d: {  	p0 =	sne.s32 s0, $0x0;
	_ =	strace $0x90000047  }
0x4e: {  	s0 =	sadd.s32 @!p0 $0x100000, s1;
	[bflag:$0x2] =	sbarrier.arrive $0xFFFF  }
0x4f: {  	[sflag:s0] =	ssyncadd.tile.s32 @!p0 $0x1;
	_ =	shalt  }
.Lfunc_end2:
_tile_overlayer_lowered:
.L_overlay_start_2:
0x50: {  	(tag) =	ssettag $0x2  }
0x51: {  	s0 =	rddreg [dreg:$0x0];
	s2 =	stileid.u32  }
0x52: {  	s1 =	rddreg [dreg:$0x1];
	p0 =	sne.s32 s2, $0x0  }
0x53: {  	s3 =	rddreg [dreg:$0x2];
	[bflag:$0x3] =	sbarrier.arrive $0xFFFF;
	s2 =	simm.s32 @!p0 $0x1C01  }
0x54: {  	[timem:s3], [sflag:s2] =	dma.local @!p0 [hbm:s0], s1  }
0x55: {  	s0 =	simm.s32 @!p0 $0x1  }
0x56: {  	_ =	swait.ge @!p0 [sflag:s0], s1  }
0x57: {  	s1 =	ssub.s32 @!p0 $0x0, s1;
	[sflag:s0] =	ssyncset.done @!p0 $0x0  }
0x58: {  	[sflag:s0] =	ssyncadd.s32 @!p0 s1  }
0x59: {  	[bflag:$0x3] =	sbarrier.arrive $0xFFFF  }
0x5a: {  	_ =	shalt  }

</sc_bundles>
